<compile_context>
chip_gen: v7x
topology: tpu7x:2x2x1
jax: 0.10.2.dev20260603
libtpu: 0.0.44.dev20260713+nightly
codegen_flags: <defaults>
</compile_context>

<pallas_src>
import functools

import jax
import jax.numpy as jnp
from jax import lax
from jax.experimental import pallas as pl
from jax.experimental.pallas import tpu as pltpu
from jax.experimental.pallas import tpu_sc as plsc

NF = 26
V = 100000
D = 16
B = 16384
C = 13
OUTW = C + NF * D

NC, NS, L = 2, 16, 16
NW = NC * NS
CPW = NF * D // NW
HALF = B // 2
QTR = B // 4
GL = QTR // L


def _embed_body(contT_hbm, catT_hbm, tblT_hbm, outT_hbm,
                lut_v, idx_v, out_a, out_b, s_lut, s_idx, s_w0, s_w1):
    wid = lax.axis_index("s") * NC + lax.axis_index("c")

    @pl.when(wid < C)
    def _():
        for q in range(4):
            pltpu.sync_copy(contT_hbm.at[wid, pl.ds(q * QTR, QTR)], out_a)
            pltpu.sync_copy(out_a, outT_hbm.at[wid, pl.ds(q * QTR, QTR)])

    bufs = (out_a, out_b)
    wsems = (s_w0, s_w1)
    npend = [0, 0]
    for j in range(CPW):
        r = wid * CPW + j
        f = lax.div(r, D)
        d = lax.rem(r, D)
        lut_cp = pltpu.make_async_copy(tblT_hbm.at[f, d], lut_v, s_lut)
        lut_cp.start()
        idx_cp = pltpu.make_async_copy(catT_hbm.at[f], idx_v, s_idx)
        if j == 0:
            idx_cp.start()
            idx_cp.wait()
        else:
            @pl.when(d == 0)
            def _():
                idx_cp.start()
                idx_cp.wait()
        lut_cp.wait()
        for q in range(4):
            p = q % 2
            buf = bufs[p]
            if npend[p]:
                pltpu.make_async_copy(
                    buf, outT_hbm.at[C + r, pl.ds(q * QTR, QTR)],
                    wsems[p]).wait()
                npend[p] -= 1

            def gather(i):
                s = pl.ds(i * L, L)
                iv = idx_v[pl.ds(q * QTR + i * L, L)]
                buf[s] = plsc.load_gather(lut_v, [iv])
            plsc.parallel_loop(0, GL, unroll=8)(gather)
            pltpu.make_async_copy(
                buf, outT_hbm.at[C + r, pl.ds(q * QTR, QTR)],
                wsems[p]).start()
            npend[p] += 1
    r_last = wid * CPW + CPW - 1
    for p in range(2):
        while npend[p]:
            pltpu.make_async_copy(
                bufs[p], outT_hbm.at[C + r_last, pl.ds(p * QTR, QTR)],
                wsems[p]).wait()
            npend[p] -= 1


@jax.jit
def _embed(contT, catT, tblT):
    mesh = plsc.VectorSubcoreMesh(core_axis_name="c", subcore_axis_name="s")
    return pl.kernel(
        _embed_body,
        out_type=jax.ShapeDtypeStruct((OUTW, B), jnp.float32),
        mesh=mesh,
        compiler_params=pltpu.CompilerParams(
            use_tc_tiling_on_sc=True, needs_layout_passes=False),
        scratch_types=[
            pltpu.VMEM((V,), jnp.float32),
            pltpu.VMEM((B,), jnp.int32),
            pltpu.VMEM((QTR,), jnp.float32),
            pltpu.VMEM((QTR,), jnp.float32),
            pltpu.SemaphoreType.DMA,
            pltpu.SemaphoreType.DMA,
            pltpu.SemaphoreType.DMA,
            pltpu.SemaphoreType.DMA,
        ],
    )(contT, catT, tblT)


def kernel(continuous, categorical, tables):
    contT = continuous.T
    catT = categorical.T
    tblT = jnp.transpose(tables, (0, 2, 1))
    outT = _embed(contT, catT, tblT)
    return outT.T

# --- scband reference (transcript-rebuilt; emitter-appended) ---
"""Pipeline reference for scband-embedding1d-layer-13374528160236 (READ-ONLY COPY).

The authoritative reference and input builder live on the scoring server;
editing this copy changes nothing except your own understanding.
"""

import jax, jax.numpy as jnp
import numpy as np

N_FIELDS = 26
VOCAB = 100000
EMB_DIM = 16
BATCH = 16384
CONT_DIM = 13


def setup_inputs(seed: int = 0) -> dict:
    key = jax.random.key(seed)
    k1, k2, k3 = jax.random.split(key, 3)
    continuous = jax.random.normal(k1, (BATCH, CONT_DIM), dtype=jnp.float32)
    categorical = jax.random.randint(k2, (BATCH, N_FIELDS), 0, VOCAB, dtype=jnp.int32)
    # one embedding table per categorical field, stacked: [N_FIELDS, VOCAB, EMB_DIM]
    tables = jax.random.normal(k3, (N_FIELDS, VOCAB, EMB_DIM), dtype=jnp.float32)
    return {"continuous": continuous, "categorical": categorical, "tables": tables}


def reference(continuous, categorical, tables):
    # embedding_dropout=0.0 and batch_norm_continuous_input=False, so forward is:
    # embed = cat([continuous] + [emb_i(categorical[:, i]) for i in fields], dim=1)
    cat_embeds = [jnp.take(tables[i], categorical[:, i], axis=0) for i in range(N_FIELDS)]
    categorical_embed = jnp.concatenate(cat_embeds, axis=1)
    embed = jnp.concatenate([continuous, categorical_embed], axis=1)
    return embed

if __name__ == "__main__":
    import jax
    _d = setup_inputs()
    print(jax.jit(kernel)(*tuple(_d.values())))

</pallas_src>

<mosaic_0001>
#map = affine_map<(d0, d1) -> (0, 0)>
#map1 = affine_map<(d0, d1) -> (0, 0, 0)>
module attributes {stable_mosaic.version = 14 : i64} {
  func.func @_embed_body(%arg0: i32, %arg1: i32, %arg2: memref<13x16384xf32, #tpu.memory_space<hbm>>, %arg3: memref<26x16384xi32, #tpu.memory_space<hbm>>, %arg4: memref<26x16x100000xf32, #tpu.memory_space<hbm>>, %arg5: memref<429x16384xf32, #tpu.memory_space<hbm>>, %arg6: memref<100000xf32, #tpu.memory_space<vmem>>, %arg7: memref<16384xi32, #tpu.memory_space<vmem>>, %arg8: memref<4096xf32, #tpu.memory_space<vmem>>, %arg9: memref<4096xf32, #tpu.memory_space<vmem>>, %arg10: memref<!tpu.dma_semaphore, #tpu.memory_space<semaphore_mem>>, %arg11: memref<!tpu.dma_semaphore, #tpu.memory_space<semaphore_mem>>, %arg12: memref<!tpu.dma_semaphore, #tpu.memory_space<semaphore_mem>>, %arg13: memref<!tpu.dma_semaphore, #tpu.memory_space<semaphore_mem>>) attributes {dimension_semantics = [#tpu.dimension_semantics<core_parallel>, #tpu.dimension_semantics<subcore_parallel>], iteration_bounds = array<i64: 2, 16>, scalar_prefetch = 0 : i64, scratch_operands = 8 : i64, tpu.core_type = #tpu.core_type<sc_vector_subcore>, window_params = [{transform_indices = #map}, {transform_indices = #map}, {transform_indices = #map1}, {transform_indices = #map}]} {
    %mul3A = arith.constant 2 : i32
    %mul3A_0 = arith.muli %arg1, %mul3A : i32
    %add3A = arith.addi %mul3A_0, %arg0 : i32
    %lt3A = arith.constant 13 : i32
    %lt3A_1 = arith.cmpi slt, %add3A, %lt3A : i32
    %convert_element_type3A = arith.extui %lt3A_1 : i1 to i32
    %cond3A = arith.constant 0 : i32
    %cond3A_2 = arith.cmpi ne, %convert_element_type3A, %cond3A : i32
    scf.if %cond3A_2 {
      "tpu.region"() ({
        %run_scoped3A = tpu.sem_alloc : memref<!tpu.dma_semaphore, #tpu.memory_space<semaphore_mem>>
        %dma_start3A_1322 = arith.constant 0 : i32
        %dma_start3A_1323 = tpu.memref_slice %arg2[%add3A, %dma_start3A_1322] : memref<13x16384xf32, #tpu.memory_space<hbm>> -> memref<1x4096xf32, #tpu.memory_space<hbm>>
        %dma_start3A_1324 = tpu.memref_squeeze %dma_start3A_1323 : memref<1x4096xf32, #tpu.memory_space<hbm>> -> memref<4096xf32, #tpu.memory_space<hbm>>
        %dma_start3A_1325 = arith.constant 0 : i32
        %dma_start3A_1326 = tpu.memref_slice %arg2[%add3A, %dma_start3A_1325] : memref<13x16384xf32, #tpu.memory_space<hbm>> -> memref<1x4096xf32, #tpu.memory_space<hbm>>
        %dma_start3A_1327 = tpu.memref_squeeze %dma_start3A_1326 : memref<1x4096xf32, #tpu.memory_space<hbm>> -> memref<4096xf32, #tpu.memory_space<hbm>>
        tpu.enqueue_dma source(%dma_start3A_1327 : memref<4096xf32, #tpu.memory_space<hbm>>) target(%arg8 : memref<4096xf32, #tpu.memory_space<vmem>>) target_semaphore(%run_scoped3A : memref<!tpu.dma_semaphore, #tpu.memory_space<semaphore_mem>>)
        %dma_wait3A_1328 = arith.constant 0 : i32
        %dma_wait3A_1329 = tpu.memref_slice %arg2[%add3A, %dma_wait3A_1328] : memref<13x16384xf32, #tpu.memory_space<hbm>> -> memref<1x4096xf32, #tpu.memory_space<hbm>>
        %dma_wait3A_1330 = tpu.memref_squeeze %dma_wait3A_1329 : memref<1x4096xf32, #tpu.memory_space<hbm>> -> memref<4096xf32, #tpu.memory_space<hbm>>
        %dma_wait3A_1331 = arith.constant 0 : i32
        %dma_wait3A_1332 = tpu.memref_slice %arg2[%add3A, %dma_wait3A_1331] : memref<13x16384xf32, #tpu.memory_space<hbm>> -> memref<1x4096xf32, #tpu.memory_space<hbm>>
        %dma_wait3A_1333 = tpu.memref_squeeze %dma_wait3A_1332 : memref<1x4096xf32, #tpu.memory_space<hbm>> -> memref<4096xf32, #tpu.memory_space<hbm>>
        tpu.wait_dma2 semaphore(%run_scoped3A : memref<!tpu.dma_semaphore, #tpu.memory_space<semaphore_mem>>) src(%dma_wait3A_1333 : memref<4096xf32, #tpu.memory_space<hbm>>) dst(%arg8 : memref<4096xf32, #tpu.memory_space<vmem>>)
        tpu.yield
      }) : () -> ()
      "tpu.region"() ({
        %run_scoped3A = tpu.sem_alloc : memref<!tpu.dma_semaphore, #tpu.memory_space<semaphore_mem>>
        %dma_start3A_1322 = arith.constant 0 : i32
        %dma_start3A_1323 = tpu.memref_slice %arg5[%add3A, %dma_start3A_1322] : memref<429x16384xf32, #tpu.memory_space<hbm>> -> memref<1x4096xf32, #tpu.memory_space<hbm>>
        %dma_start3A_1324 = tpu.memref_squeeze %dma_start3A_1323 : memref<1x4096xf32, #tpu.memory_space<hbm>> -> memref<4096xf32, #tpu.memory_space<hbm>>
        %dma_start3A_1325 = arith.constant 0 : i32
        %dma_start3A_1326 = tpu.memref_slice %arg5[%add3A, %dma_start3A_1325] : memref<429x16384xf32, #tpu.memory_space<hbm>> -> memref<1x4096xf32, #tpu.memory_space<hbm>>
        %dma_start3A_1327 = tpu.memref_squeeze %dma_start3A_1326 : memref<1x4096xf32, #tpu.memory_space<hbm>> -> memref<4096xf32, #tpu.memory_space<hbm>>
        tpu.enqueue_dma source(%arg8 : memref<4096xf32, #tpu.memory_space<vmem>>) target(%dma_start3A_1327 : memref<4096xf32, #tpu.memory_space<hbm>>) target_semaphore(%run_scoped3A : memref<!tpu.dma_semaphore, #tpu.memory_space<semaphore_mem>>)
        %dma_wait3A_1328 = arith.constant 0 : i32
        %dma_wait3A_1329 = tpu.memref_slice %arg5[%add3A, %dma_wait3A_1328] : memref<429x16384xf32, #tpu.memory_space<hbm>> -> memref<1x4096xf32, #tpu.memory_space<hbm>>
        %dma_wait3A_1330 = tpu.memref_squeeze %dma_wait3A_1329 : memref<1x4096xf32, #tpu.memory_space<hbm>> -> memref<4096xf32, #tpu.memory_space<hbm>>
        %dma_wait3A_1331 = arith.constant 0 : i32
        %dma_wait3A_1332 = tpu.memref_slice %arg5[%add3A, %dma_wait3A_1331] : memref<429x16384xf32, #tpu.memory_space<hbm>> -> memref<1x4096xf32, #tpu.memory_space<hbm>>
        %dma_wait3A_1333 = tpu.memref_squeeze %dma_wait3A_1332 : memref<1x4096xf32, #tpu.memory_space<hbm>> -> memref<4096xf32, #tpu.memory_space<hbm>>
        tpu.wait_dma2 semaphore(%run_scoped3A : memref<!tpu.dma_semaphore, #tpu.memory_space<semaphore_mem>>) src(%arg8 : memref<4096xf32, #tpu.memory_space<vmem>>) dst(%dma_wait3A_1333 : memref<4096xf32, #tpu.memory_space<hbm>>)
        tpu.yield
      }) : () -> ()
      "tpu.region"() ({
        %run_scoped3A = tpu.sem_alloc : memref<!tpu.dma_semaphore, #tpu.memory_space<semaphore_mem>>
        %dma_start3A_1322 = arith.constant 4096 : i32
        %dma_start3A_1323 = tpu.memref_slice %arg2[%add3A, %dma_start3A_1322] : memref<13x16384xf32, #tpu.memory_space<hbm>> -> memref<1x4096xf32, #tpu.memory_space<hbm>>
        %dma_start3A_1324 = tpu.memref_squeeze %dma_start3A_1323 : memref<1x4096xf32, #tpu.memory_space<hbm>> -> memref<4096xf32, #tpu.memory_space<hbm>>
        %dma_start3A_1325 = arith.constant 4096 : i32
        %dma_start3A_1326 = tpu.memref_slice %arg2[%add3A, %dma_start3A_1325] : memref<13x16384xf32, #tpu.memory_space<hbm>> -> memref<1x4096xf32, #tpu.memory_space<hbm>>
        %dma_start3A_1327 = tpu.memref_squeeze %dma_start3A_1326 : memref<1x4096xf32, #tpu.memory_space<hbm>> -> memref<4096xf32, #tpu.memory_space<hbm>>
        tpu.enqueue_dma source(%dma_start3A_1327 : memref<4096xf32, #tpu.memory_space<hbm>>) target(%arg8 : memref<4096xf32, #tpu.memory_space<vmem>>) target_semaphore(%run_scoped3A : memref<!tpu.dma_semaphore, #tpu.memory_space<semaphore_mem>>)
        %dma_wait3A_1328 = arith.constant 4096 : i32
        %dma_wait3A_1329 = tpu.memref_slice %arg2[%add3A, %dma_wait3A_1328] : memref<13x16384xf32, #tpu.memory_space<hbm>> -> memref<1x4096xf32, #tpu.memory_space<hbm>>
        %dma_wait3A_1330 = tpu.memref_squeeze %dma_wait3A_1329 : memref<1x4096xf32, #tpu.memory_space<hbm>> -> memref<4096xf32, #tpu.memory_space<hbm>>
        %dma_wait3A_1331 = arith.constant 4096 : i32
        %dma_wait3A_1332 = tpu.memref_slice %arg2[%add3A, %dma_wait3A_1331] : memref<13x16384xf32, #tpu.memory_space<hbm>> -> memref<1x4096xf32, #tpu.memory_space<hbm>>
        %dma_wait3A_1333 = tpu.memref_squeeze %dma_wait3A_1332 : memref<1x4096xf32, #tpu.memory_space<hbm>> -> memref<4096xf32, #tpu.memory_space<hbm>>
        tpu.wait_dma2 semaphore(%run_scoped3A : memref<!tpu.dma_semaphore, #tpu.memory_space<semaphore_mem>>) src(%dma_wait3A_1333 : memref<4096xf32, #tpu.memory_space<hbm>>) dst(%arg8 : memref<4096xf32, #tpu.memory_space<vmem>>)
        tpu.yield
      }) : () -> ()
      "tpu.region"() ({
        %run_scoped3A = tpu.sem_alloc : memref<!tpu.dma_semaphore, #tpu.memory_space<semaphore_mem>>
        %dma_start3A_1322 = arith.constant 4096 : i32
        %dma_start3A_1323 = tpu.memref_slice %arg5[%add3A, %dma_start3A_1322] : memref<429x16384xf32, #tpu.memory_space<hbm>> -> memref<1x4096xf32, #tpu.memory_space<hbm>>
        %dma_start3A_1324 = tpu.memref_squeeze %dma_start3A_1323 : memref<1x4096xf32, #tpu.memory_space<hbm>> -> memref<4096xf32, #tpu.memory_space<hbm>>
        %dma_start3A_1325 = arith.constant 4096 : i32
        %dma_start3A_1326 = tpu.memref_slice %arg5[%add3A, %dma_start3A_1325] : memref<429x16384xf32, #tpu.memory_space<hbm>> -> memref<1x4096xf32, #tpu.memory_space<hbm>>
        %dma_start3A_1327 = tpu.memref_squeeze %dma_start3A_1326 : memref<1x4096xf32, #tpu.memory_space<hbm>> -> memref<4096xf32, #tpu.memory_space<hbm>>
        tpu.enqueue_dma source(%arg8 : memref<4096xf32, #tpu.memory_space<vmem>>) target(%dma_start3A_1327 : memref<4096xf32, #tpu.memory_space<hbm>>) target_semaphore(%run_scoped3A : memref<!tpu.dma_semaphore, #tpu.memory_space<semaphore_mem>>)
        %dma_wait3A_1328 = arith.constant 4096 : i32
        %dma_wait3A_1329 = tpu.memref_slice %arg5[%add3A, %dma_wait3A_1328] : memref<429x16384xf32, #tpu.memory_space<hbm>> -> memref<1x4096xf32, #tpu.memory_space<hbm>>
        %dma_wait3A_1330 = tpu.memref_squeeze %dma_wait3A_1329 : memref<1x4096xf32, #tpu.memory_space<hbm>> -> memref<4096xf32, #tpu.memory_space<hbm>>
        %dma_wait3A_1331 = arith.constant 4096 : i32
        %dma_wait3A_1332 = tpu.memref_slice %arg5[%add3A, %dma_wait3A_1331] : memref<429x16384xf32, #tpu.memory_space<hbm>> -> memref<1x4096xf32, #tpu.memory_space<hbm>>
        %dma_wait3A_1333 = tpu.memref_squeeze %dma_wait3A_1332 : memref<1x4096xf32, #tpu.memory_space<hbm>> -> memref<4096xf32, #tpu.memory_space<hbm>>
        tpu.wait_dma2 semaphore(%run_scoped3A : memref<!tpu.dma_semaphore, #tpu.memory_space<semaphore_mem>>) src(%arg8 : memref<4096xf32, #tpu.memory_space<vmem>>) dst(%dma_wait3A_1333 : memref<4096xf32, #tpu.memory_space<hbm>>)
        tpu.yield
      }) : () -> ()
      "tpu.region"() ({
        %run_scoped3A = tpu.sem_alloc : memref<!tpu.dma_semaphore, #tpu.memory_space<semaphore_mem>>
        %dma_start3A_1322 = arith.constant 8192 : i32
        %dma_start3A_1323 = tpu.memref_slice %arg2[%add3A, %dma_start3A_1322] : memref<13x16384xf32, #tpu.memory_space<hbm>> -> memref<1x4096xf32, #tpu.memory_space<hbm>>
        %dma_start3A_1324 = tpu.memref_squeeze %dma_start3A_1323 : memref<1x4096xf32, #tpu.memory_space<hbm>> -> memref<4096xf32, #tpu.memory_space<hbm>>
        %dma_start3A_1325 = arith.constant 8192 : i32
        %dma_start3A_1326 = tpu.memref_slice %arg2[%add3A, %dma_start3A_1325] : memref<13x16384xf32, #tpu.memory_space<hbm>> -> memref<1x4096xf32, #tpu.memory_space<hbm>>
        %dma_start3A_1327 = tpu.memref_squeeze %dma_start3A_1326 : memref<1x4096xf32, #tpu.memory_space<hbm>> -> memref<4096xf32, #tpu.memory_space<hbm>>
        tpu.enqueue_dma source(%dma_start3A_1327 : memref<4096xf32, #tpu.memory_space<hbm>>) target(%arg8 : memref<4096xf32, #tpu.memory_space<vmem>>) target_semaphore(%run_scoped3A : memref<!tpu.dma_semaphore, #tpu.memory_space<semaphore_mem>>)
        %dma_wait3A_1328 = arith.constant 8192 : i32
        %dma_wait3A_1329 = tpu.memref_slice %arg2[%add3A, %dma_wait3A_1328] : memref<13x16384xf32, #tpu.memory_space<hbm>> -> memref<1x4096xf32, #tpu.memory_space<hbm>>
        %dma_wait3A_1330 = tpu.memref_squeeze %dma_wait3A_1329 : memref<1x4096xf32, #tpu.memory_space<hbm>> -> memref<4096xf32, #tpu.memory_space<hbm>>
        %dma_wait3A_1331 = arith.constant 8192 : i32
        %dma_wait3A_1332 = tpu.memref_slice %arg2[%add3A, %dma_wait3A_1331] : memref<13x16384xf32, #tpu.memory_space<hbm>> -> memref<1x4096xf32, #tpu.memory_space<hbm>>
        %dma_wait3A_1333 = tpu.memref_squeeze %dma_wait3A_1332 : memref<1x4096xf32, #tpu.memory_space<hbm>> -> memref<4096xf32, #tpu.memory_space<hbm>>
        tpu.wait_dma2 semaphore(%run_scoped3A : memref<!tpu.dma_semaphore, #tpu.memory_space<semaphore_mem>>) src(%dma_wait3A_1333 : memref<4096xf32, #tpu.memory_space<hbm>>) dst(%arg8 : memref<4096xf32, #tpu.memory_space<vmem>>)
        tpu.yield
      }) : () -> ()
      "tpu.region"() ({
        %run_scoped3A = tpu.sem_alloc : memref<!tpu.dma_semaphore, #tpu.memory_space<semaphore_mem>>
        %dma_start3A_1322 = arith.constant 8192 : i32
        %dma_start3A_1323 = tpu.memref_slice %arg5[%add3A, %dma_start3A_1322] : memref<429x16384xf32, #tpu.memory_space<hbm>> -> memref<1x4096xf32, #tpu.memory_space<hbm>>
        %dma_start3A_1324 = tpu.memref_squeeze %dma_start3A_1323 : memref<1x4096xf32, #tpu.memory_space<hbm>> -> memref<4096xf32, #tpu.memory_space<hbm>>
        %dma_start3A_1325 = arith.constant 8192 : i32
        %dma_start3A_1326 = tpu.memref_slice %arg5[%add3A, %dma_start3A_1325] : memref<429x16384xf32, #tpu.memory_space<hbm>> -> memref<1x4096xf32, #tpu.memory_space<hbm>>
        %dma_start3A_1327 = tpu.memref_squeeze %dma_start3A_1326 : memref<1x4096xf32, #tpu.memory_space<hbm>> -> memref<4096xf32, #tpu.memory_space<hbm>>
        tpu.enqueue_dma source(%arg8 : memref<4096xf32, #tpu.memory_space<vmem>>) target(%dma_start3A_1327 : memref<4096xf32, #tpu.memory_space<hbm>>) target_semaphore(%run_scoped3A : memref<!tpu.dma_semaphore, #tpu.memory_space<semaphore_mem>>)
        %dma_wait3A_1328 = arith.constant 8192 : i32
        %dma_wait3A_1329 = tpu.memref_slice %arg5[%add3A, %dma_wait3A_1328] : memref<429x16384xf32, #tpu.memory_space<hbm>> -> memref<1x4096xf32, #tpu.memory_space<hbm>>
        %dma_wait3A_1330 = tpu.memref_squeeze %dma_wait3A_1329 : memref<1x4096xf32, #tpu.memory_space<hbm>> -> memref<4096xf32, #tpu.memory_space<hbm>>
        %dma_wait3A_1331 = arith.constant 8192 : i32
        %dma_wait3A_1332 = tpu.memref_slice %arg5[%add3A, %dma_wait3A_1331] : memref<429x16384xf32, #tpu.memory_space<hbm>> -> memref<1x4096xf32, #tpu.memory_space<hbm>>
        %dma_wait3A_1333 = tpu.memref_squeeze %dma_wait3A_1332 : memref<1x4096xf32, #tpu.memory_space<hbm>> -> memref<4096xf32, #tpu.memory_space<hbm>>
        tpu.wait_dma2 semaphore(%run_scoped3A : memref<!tpu.dma_semaphore, #tpu.memory_space<semaphore_mem>>) src(%arg8 : memref<4096xf32, #tpu.memory_space<vmem>>) dst(%dma_wait3A_1333 : memref<4096xf32, #tpu.memory_space<hbm>>)
        tpu.yield
      }) : () -> ()
      "tpu.region"() ({
        %run_scoped3A = tpu.sem_alloc : memref<!tpu.dma_semaphore, #tpu.memory_space<semaphore_mem>>
        %dma_start3A_1322 = arith.constant 12288 : i32
        %dma_start3A_1323 = tpu.memref_slice %arg2[%add3A, %dma_start3A_1322] : memref<13x16384xf32, #tpu.memory_space<hbm>> -> memref<1x4096xf32, #tpu.memory_space<hbm>>
        %dma_start3A_1324 = tpu.memref_squeeze %dma_start3A_1323 : memref<1x4096xf32, #tpu.memory_space<hbm>> -> memref<4096xf32, #tpu.memory_space<hbm>>
        %dma_start3A_1325 = arith.constant 12288 : i32
        %dma_start3A_1326 = tpu.memref_slice %arg2[%add3A, %dma_start3A_1325] : memref<13x16384xf32, #tpu.memory_space<hbm>> -> memref<1x4096xf32, #tpu.memory_space<hbm>>
        %dma_start3A_1327 = tpu.memref_squeeze %dma_start3A_1326 : memref<1x4096xf32, #tpu.memory_space<hbm>> -> memref<4096xf32, #tpu.memory_space<hbm>>
        tpu.enqueue_dma source(%dma_start3A_1327 : memref<4096xf32, #tpu.memory_space<hbm>>) target(%arg8 : memref<4096xf32, #tpu.memory_space<vmem>>) target_semaphore(%run_scoped3A : memref<!tpu.dma_semaphore, #tpu.memory_space<semaphore_mem>>)
        %dma_wait3A_1328 = arith.constant 12288 : i32
        %dma_wait3A_1329 = tpu.memref_slice %arg2[%add3A, %dma_wait3A_1328] : memref<13x16384xf32, #tpu.memory_space<hbm>> -> memref<1x4096xf32, #tpu.memory_space<hbm>>
        %dma_wait3A_1330 = tpu.memref_squeeze %dma_wait3A_1329 : memref<1x4096xf32, #tpu.memory_space<hbm>> -> memref<4096xf32, #tpu.memory_space<hbm>>
        %dma_wait3A_1331 = arith.constant 12288 : i32
        %dma_wait3A_1332 = tpu.memref_slice %arg2[%add3A, %dma_wait3A_1331] : memref<13x16384xf32, #tpu.memory_space<hbm>> -> memref<1x4096xf32, #tpu.memory_space<hbm>>
        %dma_wait3A_1333 = tpu.memref_squeeze %dma_wait3A_1332 : memref<1x4096xf32, #tpu.memory_space<hbm>> -> memref<4096xf32, #tpu.memory_space<hbm>>
        tpu.wait_dma2 semaphore(%run_scoped3A : memref<!tpu.dma_semaphore, #tpu.memory_space<semaphore_mem>>) src(%dma_wait3A_1333 : memref<4096xf32, #tpu.memory_space<hbm>>) dst(%arg8 : memref<4096xf32, #tpu.memory_space<vmem>>)
        tpu.yield
      }) : () -> ()
      "tpu.region"() ({
        %run_scoped3A = tpu.sem_alloc : memref<!tpu.dma_semaphore, #tpu.memory_space<semaphore_mem>>
        %dma_start3A_1322 = arith.constant 12288 : i32
        %dma_start3A_1323 = tpu.memref_slice %arg5[%add3A, %dma_start3A_1322] : memref<429x16384xf32, #tpu.memory_space<hbm>> -> memref<1x4096xf32, #tpu.memory_space<hbm>>
        %dma_start3A_1324 = tpu.memref_squeeze %dma_start3A_1323 : memref<1x4096xf32, #tpu.memory_space<hbm>> -> memref<4096xf32, #tpu.memory_space<hbm>>
        %dma_start3A_1325 = arith.constant 12288 : i32
        %dma_start3A_1326 = tpu.memref_slice %arg5[%add3A, %dma_start3A_1325] : memref<429x16384xf32, #tpu.memory_space<hbm>> -> memref<1x4096xf32, #tpu.memory_space<hbm>>
        %dma_start3A_1327 = tpu.memref_squeeze %dma_start3A_1326 : memref<1x4096xf32, #tpu.memory_space<hbm>> -> memref<4096xf32, #tpu.memory_space<hbm>>
        tpu.enqueue_dma source(%arg8 : memref<4096xf32, #tpu.memory_space<vmem>>) target(%dma_start3A_1327 : memref<4096xf32, #tpu.memory_space<hbm>>) target_semaphore(%run_scoped3A : memref<!tpu.dma_semaphore, #tpu.memory_space<semaphore_mem>>)
        %dma_wait3A_1328 = arith.constant 12288 : i32
        %dma_wait3A_1329 = tpu.memref_slice %arg5[%add3A, %dma_wait3A_1328] : memref<429x16384xf32, #tpu.memory_space<hbm>> -> memref<1x4096xf32, #tpu.memory_space<hbm>>
        %dma_wait3A_1330 = tpu.memref_squeeze %dma_wait3A_1329 : memref<1x4096xf32, #tpu.memory_space<hbm>> -> memref<4096xf32, #tpu.memory_space<hbm>>
        %dma_wait3A_1331 = arith.constant 12288 : i32
        %dma_wait3A_1332 = tpu.memref_slice %arg5[%add3A, %dma_wait3A_1331] : memref<429x16384xf32, #tpu.memory_space<hbm>> -> memref<1x4096xf32, #tpu.memory_space<hbm>>
        %dma_wait3A_1333 = tpu.memref_squeeze %dma_wait3A_1332 : memref<1x4096xf32, #tpu.memory_space<hbm>> -> memref<4096xf32, #tpu.memory_space<hbm>>
        tpu.wait_dma2 semaphore(%run_scoped3A : memref<!tpu.dma_semaphore, #tpu.memory_space<semaphore_mem>>) src(%arg8 : memref<4096xf32, #tpu.memory_space<vmem>>) dst(%dma_wait3A_1333 : memref<4096xf32, #tpu.memory_space<hbm>>)
        tpu.yield
      }) : () -> ()
    } else {
    }
    %mul3A_3 = arith.constant 13 : i32
    %mul3A_4 = arith.muli %add3A, %mul3A_3 : i32
    %add3A_5 = arith.constant 0 : i32
    %add3A_6 = arith.addi %mul3A_4, %add3A_5 : i32
    %div3A = arith.constant 16 : i32
    %div3A_7 = arith.divsi %add3A_6, %div3A : i32
    %rem3A = arith.constant 16 : i32
    %rem3A_8 = arith.remsi %add3A_6, %rem3A : i32
    %dma_start3A = arith.constant 0 : i32
    %dma_start3A_9 = tpu.memref_slice %arg4[%div3A_7, %rem3A_8, %dma_start3A] : memref<26x16x100000xf32, #tpu.memory_space<hbm>> -> memref<1x1x100000xf32, #tpu.memory_space<hbm>>
    %dma_start3A_10 = tpu.memref_squeeze %dma_start3A_9 : memref<1x1x100000xf32, #tpu.memory_space<hbm>> -> memref<100000xf32, #tpu.memory_space<hbm>>
    %dma_start3A_11 = arith.constant 0 : i32
    %dma_start3A_12 = tpu.memref_slice %arg4[%div3A_7, %rem3A_8, %dma_start3A_11] : memref<26x16x100000xf32, #tpu.memory_space<hbm>> -> memref<1x1x100000xf32, #tpu.memory_space<hbm>>
    %dma_start3A_13 = tpu.memref_squeeze %dma_start3A_12 : memref<1x1x100000xf32, #tpu.memory_space<hbm>> -> memref<100000xf32, #tpu.memory_space<hbm>>
    tpu.enqueue_dma source(%dma_start3A_13 : memref<100000xf32, #tpu.memory_space<hbm>>) target(%arg6 : memref<100000xf32, #tpu.memory_space<vmem>>) target_semaphore(%arg10 : memref<!tpu.dma_semaphore, #tpu.memory_space<semaphore_mem>>)
    %dma_start3A_14 = arith.constant 0 : i32
    %dma_start3A_15 = tpu.memref_slice %arg3[%div3A_7, %dma_start3A_14] : memref<26x16384xi32, #tpu.memory_space<hbm>> -> memref<1x16384xi32, #tpu.memory_space<hbm>>
    %dma_start3A_16 = tpu.memref_squeeze %dma_start3A_15 : memref<1x16384xi32, #tpu.memory_space<hbm>> -> memref<16384xi32, #tpu.memory_space<hbm>>
    %dma_start3A_17 = arith.constant 0 : i32
    %dma_start3A_18 = tpu.memref_slice %arg3[%div3A_7, %dma_start3A_17] : memref<26x16384xi32, #tpu.memory_space<hbm>> -> memref<1x16384xi32, #tpu.memory_space<hbm>>
    %dma_start3A_19 = tpu.memref_squeeze %dma_start3A_18 : memref<1x16384xi32, #tpu.memory_space<hbm>> -> memref<16384xi32, #tpu.memory_space<hbm>>
    tpu.enqueue_dma source(%dma_start3A_19 : memref<16384xi32, #tpu.memory_space<hbm>>) target(%arg7 : memref<16384xi32, #tpu.memory_space<vmem>>) target_semaphore(%arg11 : memref<!tpu.dma_semaphore, #tpu.memory_space<semaphore_mem>>)
    %dma_wait3A = arith.constant 0 : i32
    %dma_wait3A_20 = tpu.memref_slice %arg3[%div3A_7, %dma_wait3A] : memref<26x16384xi32, #tpu.memory_space<hbm>> -> memref<1x16384xi32, #tpu.memory_space<hbm>>
    %dma_wait3A_21 = tpu.memref_squeeze %dma_wait3A_20 : memref<1x16384xi32, #tpu.memory_space<hbm>> -> memref<16384xi32, #tpu.memory_space<hbm>>
    %dma_wait3A_22 = arith.constant 0 : i32
    %dma_wait3A_23 = tpu.memref_slice %arg3[%div3A_7, %dma_wait3A_22] : memref<26x16384xi32, #tpu.memory_space<hbm>> -> memref<1x16384xi32, #tpu.memory_space<hbm>>
    %dma_wait3A_24 = tpu.memref_squeeze %dma_wait3A_23 : memref<1x16384xi32, #tpu.memory_space<hbm>> -> memref<16384xi32, #tpu.memory_space<hbm>>
    tpu.wait_dma2 semaphore(%arg11 : memref<!tpu.dma_semaphore, #tpu.memory_space<semaphore_mem>>) src(%dma_wait3A_24 : memref<16384xi32, #tpu.memory_space<hbm>>) dst(%arg7 : memref<16384xi32, #tpu.memory_space<vmem>>)
    %dma_wait3A_25 = arith.constant 0 : i32
    %dma_wait3A_26 = tpu.memref_slice %arg4[%div3A_7, %rem3A_8, %dma_wait3A_25] : memref<26x16x100000xf32, #tpu.memory_space<hbm>> -> memref<1x1x100000xf32, #tpu.memory_space<hbm>>
    %dma_wait3A_27 = tpu.memref_squeeze %dma_wait3A_26 : memref<1x1x100000xf32, #tpu.memory_space<hbm>> -> memref<100000xf32, #tpu.memory_space<hbm>>
    %dma_wait3A_28 = arith.constant 0 : i32
    %dma_wait3A_29 = tpu.memref_slice %arg4[%div3A_7, %rem3A_8, %dma_wait3A_28] : memref<26x16x100000xf32, #tpu.memory_space<hbm>> -> memref<1x1x100000xf32, #tpu.memory_space<hbm>>
    %dma_wait3A_30 = tpu.memref_squeeze %dma_wait3A_29 : memref<1x1x100000xf32, #tpu.memory_space<hbm>> -> memref<100000xf32, #tpu.memory_space<hbm>>
    tpu.wait_dma2 semaphore(%arg10 : memref<!tpu.dma_semaphore, #tpu.memory_space<semaphore_mem>>) src(%dma_wait3A_30 : memref<100000xf32, #tpu.memory_space<hbm>>) dst(%arg6 : memref<100000xf32, #tpu.memory_space<vmem>>)
    %parallel_loop3A = arith.constant 0 : i32
    %parallel_loop3A_31 = arith.constant 256 : i32
    %parallel_loop3A_32 = arith.constant 1 : i32
    scf.for %parallel_loop3A_1322 = %parallel_loop3A to %parallel_loop3A_31 step %parallel_loop3A_32  : i32 {
      %parallel_loop3A_1323 = arith.constant 16 : i32
      %parallel_loop3A_1324 = arith.muli %parallel_loop3A_1322, %parallel_loop3A_1323 : i32
      %parallel_loop3A_1325 = arith.constant 16 : i32
      %parallel_loop3A_1326 = arith.muli %parallel_loop3A_1322, %parallel_loop3A_1325 : i32
      %parallel_loop3A_1327 = arith.constant 0 : i32
      %parallel_loop3A_1328 = arith.addi %parallel_loop3A_1327, %parallel_loop3A_1326 : i32
      %parallel_loop3A_1329 = arith.index_cast %parallel_loop3A_1328 : i32 to index
      %parallel_loop3A_1330 = tpu.vector_load %arg7[%parallel_loop3A_1329] {strides = array<i32>} : memref<16384xi32, #tpu.memory_space<vmem>>, vector<16xi32>,
      %parallel_loop3A_1331 = tpu.vector_load_idx %arg6[%parallel_loop3A_1330] : memref<100000xf32, #tpu.memory_space<vmem>>[vector<16xi32>], vector<16xf32>,
      %parallel_loop3A_1332 = arith.index_cast %parallel_loop3A_1324 : i32 to index
      %parallel_loop3A_1333 = tpu.vector_load %arg8[%parallel_loop3A_1332] {strides = array<i32>} : memref<4096xf32, #tpu.memory_space<vmem>>, vector<16xf32>,
      tpu.vector_store %arg8[%parallel_loop3A_1332], %parallel_loop3A_1331 {strides = array<i32>} : memref<4096xf32, #tpu.memory_space<vmem>>, vector<16xf32>,
    } {sc.loop_unroll_factor = 8 : i64, sc.parallel_access}
    %add3A_33 = arith.constant 13 : i32
    %add3A_34 = arith.addi %add3A_33, %add3A_6 : i32
    %dma_start3A_35 = arith.constant 0 : i32
    %dma_start3A_36 = tpu.memref_slice %arg5[%add3A_34, %dma_start3A_35] : memref<429x16384xf32, #tpu.memory_space<hbm>> -> memref<1x4096xf32, #tpu.memory_space<hbm>>
    %dma_start3A_37 = tpu.memref_squeeze %dma_start3A_36 : memref<1x4096xf32, #tpu.memory_space<hbm>> -> memref<4096xf32, #tpu.memory_space<hbm>>
    %dma_start3A_38 = arith.constant 0 : i32
    %dma_start3A_39 = tpu.memref_slice %arg5[%add3A_34, %dma_start3A_38] : memref<429x16384xf32, #tpu.memory_space<hbm>> -> memref<1x4096xf32, #tpu.memory_space<hbm>>
    %dma_start3A_40 = tpu.memref_squeeze %dma_start3A_39 : memref<1x4096xf32, #tpu.memory_space<hbm>> -> memref<4096xf32, #tpu.memory_space<hbm>>
    tpu.enqueue_dma source(%arg8 : memref<4096xf32, #tpu.memory_space<vmem>>) target(%dma_start3A_40 : memref<4096xf32, #tpu.memory_space<hbm>>) target_semaphore(%arg12 : memref<!tpu.dma_semaphore, #tpu.memory_space<semaphore_mem>>)
    %parallel_loop3A_41 = arith.constant 0 : i32
    %parallel_loop3A_42 = arith.constant 256 : i32
    %parallel_loop3A_43 = arith.constant 1 : i32
    scf.for %parallel_loop3A_1322 = %parallel_loop3A_41 to %parallel_loop3A_42 step %parallel_loop3A_43  : i32 {
      %parallel_loop3A_1323 = arith.constant 16 : i32
      %parallel_loop3A_1324 = arith.muli %parallel_loop3A_1322, %parallel_loop3A_1323 : i32
      %parallel_loop3A_1325 = arith.constant 16 : i32
      %parallel_loop3A_1326 = arith.muli %parallel_loop3A_1322, %parallel_loop3A_1325 : i32
      %parallel_loop3A_1327 = arith.constant 4096 : i32
      %parallel_loop3A_1328 = arith.addi %parallel_loop3A_1327, %parallel_loop3A_1326 : i32
      %parallel_loop3A_1329 = arith.index_cast %parallel_loop3A_1328 : i32 to index
      %parallel_loop3A_1330 = tpu.vector_load %arg7[%parallel_loop3A_1329] {strides = array<i32>} : memref<16384xi32, #tpu.memory_space<vmem>>, vector<16xi32>,
      %parallel_loop3A_1331 = tpu.vector_load_idx %arg6[%parallel_loop3A_1330] : memref<100000xf32, #tpu.memory_space<vmem>>[vector<16xi32>], vector<16xf32>,
      %parallel_loop3A_1332 = arith.index_cast %parallel_loop3A_1324 : i32 to index
      %parallel_loop3A_1333 = tpu.vector_load %arg9[%parallel_loop3A_1332] {strides = array<i32>} : memref<4096xf32, #tpu.memory_space<vmem>>, vector<16xf32>,
      tpu.vector_store %arg9[%parallel_loop3A_1332], %parallel_loop3A_1331 {strides = array<i32>} : memref<4096xf32, #tpu.memory_space<vmem>>, vector<16xf32>,
    } {sc.loop_unroll_factor = 8 : i64, sc.parallel_access}
    %add3A_44 = arith.constant 13 : i32
    %add3A_45 = arith.addi %add3A_44, %add3A_6 : i32
    %dma_start3A_46 = arith.constant 4096 : i32
    %dma_start3A_47 = tpu.memref_slice %arg5[%add3A_45, %dma_start3A_46] : memref<429x16384xf32, #tpu.memory_space<hbm>> -> memref<1x4096xf32, #tpu.memory_space<hbm>>
    %dma_start3A_48 = tpu.memref_squeeze %dma_start3A_47 : memref<1x4096xf32, #tpu.memory_space<hbm>> -> memref<4096xf32, #tpu.memory_space<hbm>>
    %dma_start3A_49 = arith.constant 4096 : i32
    %dma_start3A_50 = tpu.memref_slice %arg5[%add3A_45, %dma_start3A_49] : memref<429x16384xf32, #tpu.memory_space<hbm>> -> memref<1x4096xf32, #tpu.memory_space<hbm>>
    %dma_start3A_51 = tpu.memref_squeeze %dma_start3A_50 : memref<1x4096xf32, #tpu.memory_space<hbm>> -> memref<4096xf32, #tpu.memory_space<hbm>>
    tpu.enqueue_dma source(%arg9 : memref<4096xf32, #tpu.memory_space<vmem>>) target(%dma_start3A_51 : memref<4096xf32, #tpu.memory_space<hbm>>) target_semaphore(%arg13 : memref<!tpu.dma_semaphore, #tpu.memory_space<semaphore_mem>>)
    %add3A_52 = arith.constant 13 : i32
    %add3A_53 = arith.addi %add3A_52, %add3A_6 : i32
    %dma_wait3A_54 = arith.constant 8192 : i32
    %dma_wait3A_55 = tpu.memref_slice %arg5[%add3A_53, %dma_wait3A_54] : memref<429x16384xf32, #tpu.memory_space<hbm>> -> memref<1x4096xf32, #tpu.memory_space<hbm>>
    %dma_wait3A_56 = tpu.memref_squeeze %dma_wait3A_55 : memref<1x4096xf32, #tpu.memory_space<hbm>> -> memref<4096xf32, #tpu.memory_space<hbm>>
    %dma_wait3A_57 = arith.constant 8192 : i32
    %dma_wait3A_58 = tpu.memref_slice %arg5[%add3A_53, %dma_wait3A_57] : memref<429x16384xf32, #tpu.memory_space<hbm>> -> memref<1x4096xf32, #tpu.memory_space<hbm>>
    %dma_wait3A_59 = tpu.memref_squeeze %dma_wait3A_58 : memref<1x4096xf32, #tpu.memory_space<hbm>> -> memref<4096xf32, #tpu.memory_space<hbm>>
    tpu.wait_dma2 semaphore(%arg12 : memref<!tpu.dma_semaphore, #tpu.memory_space<semaphore_mem>>) src(%arg8 : memref<4096xf32, #tpu.memory_space<vmem>>) dst(%dma_wait3A_59 : memref<4096xf32, #tpu.memory_space<hbm>>)
    %parallel_loop3A_60 = arith.constant 0 : i32
    %parallel_loop3A_61 = arith.constant 256 : i32
    %parallel_loop3A_62 = arith.constant 1 : i32
    scf.for %parallel_loop3A_1322 = %parallel_loop3A_60 to %parallel_loop3A_61 step %parallel_loop3A_62  : i32 {
      %parallel_loop3A_1323 = arith.constant 16 : i32
      %parallel_loop3A_1324 = arith.muli %parallel_loop3A_1322, %parallel_loop3A_1323 : i32
      %parallel_loop3A_1325 = arith.constant 16 : i32
      %parallel_loop3A_1326 = arith.muli %parallel_loop3A_1322, %parallel_loop3A_1325 : i32
      %parallel_loop3A_1327 = arith.constant 8192 : i32
      %parallel_loop3A_1328 = arith.addi %parallel_loop3A_1327, %parallel_loop3A_1326 : i32
      %parallel_loop3A_1329 = arith.index_cast %parallel_loop3A_1328 : i32 to index
      %parallel_loop3A_1330 = tpu.vector_load %arg7[%parallel_loop3A_1329] {strides = array<i32>} : memref<16384xi32, #tpu.memory_space<vmem>>, vector<16xi32>,
      %parallel_loop3A_1331 = tpu.vector_load_idx %arg6[%parallel_loop3A_1330] : memref<100000xf32, #tpu.memory_space<vmem>>[vector<16xi32>], vector<16xf32>,
      %parallel_loop3A_1332 = arith.index_cast %parallel_loop3A_1324 : i32 to index
      %parallel_loop3A_1333 = tpu.vector_load %arg8[%parallel_loop3A_1332] {strides = array<i32>} : memref<4096xf32, #tpu.memory_space<vmem>>, vector<16xf32>,
      tpu.vector_store %arg8[%parallel_loop3A_1332], %parallel_loop3A_1331 {strides = array<i32>} : memref<4096xf32, #tpu.memory_space<vmem>>, vector<16xf32>,
    } {sc.loop_unroll_factor = 8 : i64, sc.parallel_access}
    %add3A_63 = arith.constant 13 : i32
    %add3A_64 = arith.addi %add3A_63, %add3A_6 : i32
    %dma_start3A_65 = arith.constant 8192 : i32
    %dma_start3A_66 = tpu.memref_slice %arg5[%add3A_64, %dma_start3A_65] : memref<429x16384xf32, #tpu.memory_space<hbm>> -> memref<1x4096xf32, #tpu.memory_space<hbm>>
    %dma_start3A_67 = tpu.memref_squeeze %dma_start3A_66 : memref<1x4096xf32, #tpu.memory_space<hbm>> -> memref<4096xf32, #tpu.memory_space<hbm>>
    %dma_start3A_68 = arith.constant 8192 : i32
    %dma_start3A_69 = tpu.memref_slice %arg5[%add3A_64, %dma_start3A_68] : memref<429x16384xf32, #tpu.memory_space<hbm>> -> memref<1x4096xf32, #tpu.memory_space<hbm>>
    %dma_start3A_70 = tpu.memref_squeeze %dma_start3A_69 : memref<1x4096xf32, #tpu.memory_space<hbm>> -> memref<4096xf32, #tpu.memory_space<hbm>>
    tpu.enqueue_dma source(%arg8 : memref<4096xf32, #tpu.memory_space<vmem>>) target(%dma_start3A_70 : memref<4096xf32, #tpu.memory_space<hbm>>) target_semaphore(%arg12 : memref<!tpu.dma_semaphore, #tpu.memory_space<semaphore_mem>>)
    %add3A_71 = arith.constant 13 : i32
    %add3A_72 = arith.addi %add3A_71, %add3A_6 : i32
    %dma_wait3A_73 = arith.constant 12288 : i32
    %dma_wait3A_74 = tpu.memref_slice %arg5[%add3A_72, %dma_wait3A_73] : memref<429x16384xf32, #tpu.memory_space<hbm>> -> memref<1x4096xf32, #tpu.memory_space<hbm>>
    %dma_wait3A_75 = tpu.memref_squeeze %dma_wait3A_74 : memref<1x4096xf32, #tpu.memory_space<hbm>> -> memref<4096xf32, #tpu.memory_space<hbm>>
    %dma_wait3A_76 = arith.constant 12288 : i32
    %dma_wait3A_77 = tpu.memref_slice %arg5[%add3A_72, %dma_wait3A_76] : memref<429x16384xf32, #tpu.memory_space<hbm>> -> memref<1x4096xf32, #tpu.memory_space<hbm>>
    %dma_wait3A_78 = tpu.memref_squeeze %dma_wait3A_77 : memref<1x4096xf32, #tpu.memory_space<hbm>> -> memref<4096xf32, #tpu.memory_space<hbm>>
    tpu.wait_dma2 semaphore(%arg13 : memref<!tpu.dma_semaphore, #tpu.memory_space<semaphore_mem>>) src(%arg9 : memref<4096xf32, #tpu.memory_space<vmem>>) dst(%dma_wait3A_78 : memref<4096xf32, #tpu.memory_space<hbm>>)
    %parallel_loop3A_79 = arith.constant 0 : i32
    %parallel_loop3A_80 = arith.constant 256 : i32
    %parallel_loop3A_81 = arith.constant 1 : i32
    scf.for %parallel_loop3A_1322 = %parallel_loop3A_79 to %parallel_loop3A_80 step %parallel_loop3A_81  : i32 {
      %parallel_loop3A_1323 = arith.constant 16 : i32
      %parallel_loop3A_1324 = arith.muli %parallel_loop3A_1322, %parallel_loop3A_1323 : i32
      %parallel_loop3A_1325 = arith.constant 16 : i32
      %parallel_loop3A_1326 = arith.muli %parallel_loop3A_1322, %parallel_loop3A_1325 : i32
      %parallel_loop3A_1327 = arith.constant 12288 : i32
      %parallel_loop3A_1328 = arith.addi %parallel_loop3A_1327, %parallel_loop3A_1326 : i32
      %parallel_loop3A_1329 = arith.index_cast %parallel_loop3A_1328 : i32 to index
      %parallel_loop3A_1330 = tpu.vector_load %arg7[%parallel_loop3A_1329] {strides = array<i32>} : memref<16384xi32, #tpu.memory_space<vmem>>, vector<16xi32>,
      %parallel_loop3A_1331 = tpu.vector_load_idx %arg6[%parallel_loop3A_1330] : memref<100000xf32, #tpu.memory_space<vmem>>[vector<16xi32>], vector<16xf32>,
      %parallel_loop3A_1332 = arith.index_cast %parallel_loop3A_1324 : i32 to index
      %parallel_loop3A_1333 = tpu.vector_load %arg9[%parallel_loop3A_1332] {strides = array<i32>} : memref<4096xf32, #tpu.memory_space<vmem>>, vector<16xf32>,
      tpu.vector_store %arg9[%parallel_loop3A_1332], %parallel_loop3A_1331 {strides = array<i32>} : memref<4096xf32, #tpu.memory_space<vmem>>, vector<16xf32>,
    } {sc.loop_unroll_factor = 8 : i64, sc.parallel_access}
    %add3A_82 = arith.constant 13 : i32
    %add3A_83 = arith.addi %add3A_82, %add3A_6 : i32
    %dma_start3A_84 = arith.constant 12288 : i32
    %dma_start3A_85 = tpu.memref_slice %arg5[%add3A_83, %dma_start3A_84] : memref<429x16384xf32, #tpu.memory_space<hbm>> -> memref<1x4096xf32, #tpu.memory_space<hbm>>
    %dma_start3A_86 = tpu.memref_squeeze %dma_start3A_85 : memref<1x4096xf32, #tpu.memory_space<hbm>> -> memref<4096xf32, #tpu.memory_space<hbm>>
    %dma_start3A_87 = arith.constant 12288 : i32
    %dma_start3A_88 = tpu.memref_slice %arg5[%add3A_83, %dma_start3A_87] : memref<429x16384xf32, #tpu.memory_space<hbm>> -> memref<1x4096xf32, #tpu.memory_space<hbm>>
    %dma_start3A_89 = tpu.memref_squeeze %dma_start3A_88 : memref<1x4096xf32, #tpu.memory_space<hbm>> -> memref<4096xf32, #tpu.memory_space<hbm>>
    tpu.enqueue_dma source(%arg9 : memref<4096xf32, #tpu.memory_space<vmem>>) target(%dma_start3A_89 : memref<4096xf32, #tpu.memory_space<hbm>>) target_semaphore(%arg13 : memref<!tpu.dma_semaphore, #tpu.memory_space<semaphore_mem>>)
    %mul3A_90 = arith.constant 13 : i32
    %mul3A_91 = arith.muli %add3A, %mul3A_90 : i32
    %add3A_92 = arith.constant 1 : i32
    %add3A_93 = arith.addi %mul3A_91, %add3A_92 : i32
    %div3A_94 = arith.constant 16 : i32
    %div3A_95 = arith.divsi %add3A_93, %div3A_94 : i32
    %rem3A_96 = arith.constant 16 : i32
    %rem3A_97 = arith.remsi %add3A_93, %rem3A_96 : i32
    %dma_start3A_98 = arith.constant 0 : i32
    %dma_start3A_99 = tpu.memref_slice %arg4[%div3A_95, %rem3A_97, %dma_start3A_98] : memref<26x16x100000xf32, #tpu.memory_space<hbm>> -> memref<1x1x100000xf32, #tpu.memory_space<hbm>>
    %dma_start3A_100 = tpu.memref_squeeze %dma_start3A_99 : memref<1x1x100000xf32, #tpu.memory_space<hbm>> -> memref<100000xf32, #tpu.memory_space<hbm>>
    %dma_start3A_101 = arith.constant 0 : i32
    %dma_start3A_102 = tpu.memref_slice %arg4[%div3A_95, %rem3A_97, %dma_start3A_101] : memref<26x16x100000xf32, #tpu.memory_space<hbm>> -> memref<1x1x100000xf32, #tpu.memory_space<hbm>>
    %dma_start3A_103 = tpu.memref_squeeze %dma_start3A_102 : memref<1x1x100000xf32, #tpu.memory_space<hbm>> -> memref<100000xf32, #tpu.memory_space<hbm>>
    tpu.enqueue_dma source(%dma_start3A_103 : memref<100000xf32, #tpu.memory_space<hbm>>) target(%arg6 : memref<100000xf32, #tpu.memory_space<vmem>>) target_semaphore(%arg10 : memref<!tpu.dma_semaphore, #tpu.memory_space<semaphore_mem>>)
    %eq3A = arith.constant 0 : i32
    %eq3A_104 = arith.cmpi eq, %rem3A_97, %eq3A : i32
    %convert_element_type3A_105 = arith.extui %eq3A_104 : i1 to i32
    %cond3A_106 = arith.constant 0 : i32
    %cond3A_107 = arith.cmpi ne, %convert_element_type3A_105, %cond3A_106 : i32
    scf.if %cond3A_107 {
      %dma_start3A_1322 = arith.constant 0 : i32
      %dma_start3A_1323 = tpu.memref_slice %arg3[%div3A_95, %dma_start3A_1322] : memref<26x16384xi32, #tpu.memory_space<hbm>> -> memref<1x16384xi32, #tpu.memory_space<hbm>>
      %dma_start3A_1324 = tpu.memref_squeeze %dma_start3A_1323 : memref<1x16384xi32, #tpu.memory_space<hbm>> -> memref<16384xi32, #tpu.memory_space<hbm>>
      %dma_start3A_1325 = arith.constant 0 : i32
      %dma_start3A_1326 = tpu.memref_slice %arg3[%div3A_95, %dma_start3A_1325] : memref<26x16384xi32, #tpu.memory_space<hbm>> -> memref<1x16384xi32, #tpu.memory_space<hbm>>
      %dma_start3A_1327 = tpu.memref_squeeze %dma_start3A_1326 : memref<1x16384xi32, #tpu.memory_space<hbm>> -> memref<16384xi32, #tpu.memory_space<hbm>>
      tpu.enqueue_dma source(%dma_start3A_1327 : memref<16384xi32, #tpu.memory_space<hbm>>) target(%arg7 : memref<16384xi32, #tpu.memory_space<vmem>>) target_semaphore(%arg11 : memref<!tpu.dma_semaphore, #tpu.memory_space<semaphore_mem>>)
      %dma_wait3A_1328 = arith.constant 0 : i32
      %dma_wait3A_1329 = tpu.memref_slice %arg3[%div3A_95, %dma_wait3A_1328] : memref<26x16384xi32, #tpu.memory_space<hbm>> -> memref<1x16384xi32, #tpu.memory_space<hbm>>
      %dma_wait3A_1330 = tpu.memref_squeeze %dma_wait3A_1329 : memref<1x16384xi32, #tpu.memory_space<hbm>> -> memref<16384xi32, #tpu.memory_space<hbm>>
      %dma_wait3A_1331 = arith.constant 0 : i32
      %dma_wait3A_1332 = tpu.memref_slice %arg3[%div3A_95, %dma_wait3A_1331] : memref<26x16384xi32, #tpu.memory_space<hbm>> -> memref<1x16384xi32, #tpu.memory_space<hbm>>
      %dma_wait3A_1333 = tpu.memref_squeeze %dma_wait3A_1332 : memref<1x16384xi32, #tpu.memory_space<hbm>> -> memref<16384xi32, #tpu.memory_space<hbm>>
      tpu.wait_dma2 semaphore(%arg11 : memref<!tpu.dma_semaphore, #tpu.memory_space<semaphore_mem>>) src(%dma_wait3A_1333 : memref<16384xi32, #tpu.memory_space<hbm>>) dst(%arg7 : memref<16384xi32, #tpu.memory_space<vmem>>)
    } else {
    }
    %dma_wait3A_108 = arith.constant 0 : i32
    %dma_wait3A_109 = tpu.memref_slice %arg4[%div3A_95, %rem3A_97, %dma_wait3A_108] : memref<26x16x100000xf32, #tpu.memory_space<hbm>> -> memref<1x1x100000xf32, #tpu.memory_space<hbm>>
    %dma_wait3A_110 = tpu.memref_squeeze %dma_wait3A_109 : memref<1x1x100000xf32, #tpu.memory_space<hbm>> -> memref<100000xf32, #tpu.memory_space<hbm>>
    %dma_wait3A_111 = arith.constant 0 : i32
    %dma_wait3A_112 = tpu.memref_slice %arg4[%div3A_95, %rem3A_97, %dma_wait3A_111] : memref<26x16x100000xf32, #tpu.memory_space<hbm>> -> memref<1x1x100000xf32, #tpu.memory_space<hbm>>
    %dma_wait3A_113 = tpu.memref_squeeze %dma_wait3A_112 : memref<1x1x100000xf32, #tpu.memory_space<hbm>> -> memref<100000xf32, #tpu.memory_space<hbm>>
    tpu.wait_dma2 semaphore(%arg10 : memref<!tpu.dma_semaphore, #tpu.memory_space<semaphore_mem>>) src(%dma_wait3A_113 : memref<100000xf32, #tpu.memory_space<hbm>>) dst(%arg6 : memref<100000xf32, #tpu.memory_space<vmem>>)
    %add3A_114 = arith.constant 13 : i32
    %add3A_115 = arith.addi %add3A_114, %add3A_93 : i32
    %dma_wait3A_116 = arith.constant 0 : i32
    %dma_wait3A_117 = tpu.memref_slice %arg5[%add3A_115, %dma_wait3A_116] : memref<429x16384xf32, #tpu.memory_space<hbm>> -> memref<1x4096xf32, #tpu.memory_space<hbm>>
    %dma_wait3A_118 = tpu.memref_squeeze %dma_wait3A_117 : memref<1x4096xf32, #tpu.memory_space<hbm>> -> memref<4096xf32, #tpu.memory_space<hbm>>
    %dma_wait3A_119 = arith.constant 0 : i32
    %dma_wait3A_120 = tpu.memref_slice %arg5[%add3A_115, %dma_wait3A_119] : memref<429x16384xf32, #tpu.memory_space<hbm>> -> memref<1x4096xf32, #tpu.memory_space<hbm>>
    %dma_wait3A_121 = tpu.memref_squeeze %dma_wait3A_120 : memref<1x4096xf32, #tpu.memory_space<hbm>> -> memref<4096xf32, #tpu.memory_space<hbm>>
    tpu.wait_dma2 semaphore(%arg12 : memref<!tpu.dma_semaphore, #tpu.memory_space<semaphore_mem>>) src(%arg8 : memref<4096xf32, #tpu.memory_space<vmem>>) dst(%dma_wait3A_121 : memref<4096xf32, #tpu.memory_space<hbm>>)
    %parallel_loop3A_122 = arith.constant 0 : i32
    %parallel_loop3A_123 = arith.constant 256 : i32
    %parallel_loop3A_124 = arith.constant 1 : i32
    scf.for %parallel_loop3A_1322 = %parallel_loop3A_122 to %parallel_loop3A_123 step %parallel_loop3A_124  : i32 {
      %parallel_loop3A_1323 = arith.constant 16 : i32
      %parallel_loop3A_1324 = arith.muli %parallel_loop3A_1322, %parallel_loop3A_1323 : i32
      %parallel_loop3A_1325 = arith.constant 16 : i32
      %parallel_loop3A_1326 = arith.muli %parallel_loop3A_1322, %parallel_loop3A_1325 : i32
      %parallel_loop3A_1327 = arith.constant 0 : i32
      %parallel_loop3A_1328 = arith.addi %parallel_loop3A_1327, %parallel_loop3A_1326 : i32
      %parallel_loop3A_1329 = arith.index_cast %parallel_loop3A_1328 : i32 to index
      %parallel_loop3A_1330 = tpu.vector_load %arg7[%parallel_loop3A_1329] {strides = array<i32>} : memref<16384xi32, #tpu.memory_space<vmem>>, vector<16xi32>,
      %parallel_loop3A_1331 = tpu.vector_load_idx %arg6[%parallel_loop3A_1330] : memref<100000xf32, #tpu.memory_space<vmem>>[vector<16xi32>], vector<16xf32>,
      %parallel_loop3A_1332 = arith.index_cast %parallel_loop3A_1324 : i32 to index
      %parallel_loop3A_1333 = tpu.vector_load %arg8[%parallel_loop3A_1332] {strides = array<i32>} : memref<4096xf32, #tpu.memory_space<vmem>>, vector<16xf32>,
      tpu.vector_store %arg8[%parallel_loop3A_1332], %parallel_loop3A_1331 {strides = array<i32>} : memref<4096xf32, #tpu.memory_space<vmem>>, vector<16xf32>,
    } {sc.loop_unroll_factor = 8 : i64, sc.parallel_access}
    %add3A_125 = arith.constant 13 : i32
    %add3A_126 = arith.addi %add3A_125, %add3A_93 : i32
    %dma_start3A_127 = arith.constant 0 : i32
    %dma_start3A_128 = tpu.memref_slice %arg5[%add3A_126, %dma_start3A_127] : memref<429x16384xf32, #tpu.memory_space<hbm>> -> memref<1x4096xf32, #tpu.memory_space<hbm>>
    %dma_start3A_129 = tpu.memref_squeeze %dma_start3A_128 : memref<1x4096xf32, #tpu.memory_space<hbm>> -> memref<4096xf32, #tpu.memory_space<hbm>>
    %dma_start3A_130 = arith.constant 0 : i32
    %dma_start3A_131 = tpu.memref_slice %arg5[%add3A_126, %dma_start3A_130] : memref<429x16384xf32, #tpu.memory_space<hbm>> -> memref<1x4096xf32, #tpu.memory_space<hbm>>
    %dma_start3A_132 = tpu.memref_squeeze %dma_start3A_131 : memref<1x4096xf32, #tpu.memory_space<hbm>> -> memref<4096xf32, #tpu.memory_space<hbm>>
    tpu.enqueue_dma source(%arg8 : memref<4096xf32, #tpu.memory_space<vmem>>) target(%dma_start3A_132 : memref<4096xf32, #tpu.memory_space<hbm>>) target_semaphore(%arg12 : memref<!tpu.dma_semaphore, #tpu.memory_space<semaphore_mem>>)
    %add3A_133 = arith.constant 13 : i32
    %add3A_134 = arith.addi %add3A_133, %add3A_93 : i32
    %dma_wait3A_135 = arith.constant 4096 : i32
    %dma_wait3A_136 = tpu.memref_slice %arg5[%add3A_134, %dma_wait3A_135] : memref<429x16384xf32, #tpu.memory_space<hbm>> -> memref<1x4096xf32, #tpu.memory_space<hbm>>
    %dma_wait3A_137 = tpu.memref_squeeze %dma_wait3A_136 : memref<1x4096xf32, #tpu.memory_space<hbm>> -> memref<4096xf32, #tpu.memory_space<hbm>>
    %dma_wait3A_138 = arith.constant 4096 : i32
    %dma_wait3A_139 = tpu.memref_slice %arg5[%add3A_134, %dma_wait3A_138] : memref<429x16384xf32, #tpu.memory_space<hbm>> -> memref<1x4096xf32, #tpu.memory_space<hbm>>
    %dma_wait3A_140 = tpu.memref_squeeze %dma_wait3A_139 : memref<1x4096xf32, #tpu.memory_space<hbm>> -> memref<4096xf32, #tpu.memory_space<hbm>>
    tpu.wait_dma2 semaphore(%arg13 : memref<!tpu.dma_semaphore, #tpu.memory_space<semaphore_mem>>) src(%arg9 : memref<4096xf32, #tpu.memory_space<vmem>>) dst(%dma_wait3A_140 : memref<4096xf32, #tpu.memory_space<hbm>>)
    %parallel_loop3A_141 = arith.constant 0 : i32
    %parallel_loop3A_142 = arith.constant 256 : i32
    %parallel_loop3A_143 = arith.constant 1 : i32
    scf.for %parallel_loop3A_1322 = %parallel_loop3A_141 to %parallel_loop3A_142 step %parallel_loop3A_143  : i32 {
      %parallel_loop3A_1323 = arith.constant 16 : i32
      %parallel_loop3A_1324 = arith.muli %parallel_loop3A_1322, %parallel_loop3A_1323 : i32
      %parallel_loop3A_1325 = arith.constant 16 : i32
      %parallel_loop3A_1326 = arith.muli %parallel_loop3A_1322, %parallel_loop3A_1325 : i32
      %parallel_loop3A_1327 = arith.constant 4096 : i32
      %parallel_loop3A_1328 = arith.addi %parallel_loop3A_1327, %parallel_loop3A_1326 : i32
      %parallel_loop3A_1329 = arith.index_cast %parallel_loop3A_1328 : i32 to index
      %parallel_loop3A_1330 = tpu.vector_load %arg7[%parallel_loop3A_1329] {strides = array<i32>} : memref<16384xi32, #tpu.memory_space<vmem>>, vector<16xi32>,
      %parallel_loop3A_1331 = tpu.vector_load_idx %arg6[%parallel_loop3A_1330] : memref<100000xf32, #tpu.memory_space<vmem>>[vector<16xi32>], vector<16xf32>,
      %parallel_loop3A_1332 = arith.index_cast %parallel_loop3A_1324 : i32 to index
      %parallel_loop3A_1333 = tpu.vector_load %arg9[%parallel_loop3A_1332] {strides = array<i32>} : memref<4096xf32, #tpu.memory_space<vmem>>, vector<16xf32>,
      tpu.vector_store %arg9[%parallel_loop3A_1332], %parallel_loop3A_1331 {strides = array<i32>} : memref<4096xf32, #tpu.memory_space<vmem>>, vector<16xf32>,
    } {sc.loop_unroll_factor = 8 : i64, sc.parallel_access}
    %add3A_144 = arith.constant 13 : i32
    %add3A_145 = arith.addi %add3A_144, %add3A_93 : i32
    %dma_start3A_146 = arith.constant 4096 : i32
    %dma_start3A_147 = tpu.memref_slice %arg5[%add3A_145, %dma_start3A_146] : memref<429x16384xf32, #tpu.memory_space<hbm>> -> memref<1x4096xf32, #tpu.memory_space<hbm>>
    %dma_start3A_148 = tpu.memref_squeeze %dma_start3A_147 : memref<1x4096xf32, #tpu.memory_space<hbm>> -> memref<4096xf32, #tpu.memory_space<hbm>>
    %dma_start3A_149 = arith.constant 4096 : i32
    %dma_start3A_150 = tpu.memref_slice %arg5[%add3A_145, %dma_start3A_149] : memref<429x16384xf32, #tpu.memory_space<hbm>> -> memref<1x4096xf32, #tpu.memory_space<hbm>>
    %dma_start3A_151 = tpu.memref_squeeze %dma_start3A_150 : memref<1x4096xf32, #tpu.memory_space<hbm>> -> memref<4096xf32, #tpu.memory_space<hbm>>
    tpu.enqueue_dma source(%arg9 : memref<4096xf32, #tpu.memory_space<vmem>>) target(%dma_start3A_151 : memref<4096xf32, #tpu.memory_space<hbm>>) target_semaphore(%arg13 : memref<!tpu.dma_semaphore, #tpu.memory_space<semaphore_mem>>)
    %add3A_152 = arith.constant 13 : i32
    %add3A_153 = arith.addi %add3A_152, %add3A_93 : i32
    %dma_wait3A_154 = arith.constant 8192 : i32
    %dma_wait3A_155 = tpu.memref_slice %arg5[%add3A_153, %dma_wait3A_154] : memref<429x16384xf32, #tpu.memory_space<hbm>> -> memref<1x4096xf32, #tpu.memory_space<hbm>>
    %dma_wait3A_156 = tpu.memref_squeeze %dma_wait3A_155 : memref<1x4096xf32, #tpu.memory_space<hbm>> -> memref<4096xf32, #tpu.memory_space<hbm>>
    %dma_wait3A_157 = arith.constant 8192 : i32
    %dma_wait3A_158 = tpu.memref_slice %arg5[%add3A_153, %dma_wait3A_157] : memref<429x16384xf32, #tpu.memory_space<hbm>> -> memref<1x4096xf32, #tpu.memory_space<hbm>>
    %dma_wait3A_159 = tpu.memref_squeeze %dma_wait3A_158 : memref<1x4096xf32, #tpu.memory_space<hbm>> -> memref<4096xf32, #tpu.memory_space<hbm>>
    tpu.wait_dma2 semaphore(%arg12 : memref<!tpu.dma_semaphore, #tpu.memory_space<semaphore_mem>>) src(%arg8 : memref<4096xf32, #tpu.memory_space<vmem>>) dst(%dma_wait3A_159 : memref<4096xf32, #tpu.memory_space<hbm>>)
    %parallel_loop3A_160 = arith.constant 0 : i32
    %parallel_loop3A_161 = arith.constant 256 : i32
    %parallel_loop3A_162 = arith.constant 1 : i32
    scf.for %parallel_loop3A_1322 = %parallel_loop3A_160 to %parallel_loop3A_161 step %parallel_loop3A_162  : i32 {
      %parallel_loop3A_1323 = arith.constant 16 : i32
      %parallel_loop3A_1324 = arith.muli %parallel_loop3A_1322, %parallel_loop3A_1323 : i32
      %parallel_loop3A_1325 = arith.constant 16 : i32
      %parallel_loop3A_1326 = arith.muli %parallel_loop3A_1322, %parallel_loop3A_1325 : i32
      %parallel_loop3A_1327 = arith.constant 8192 : i32
      %parallel_loop3A_1328 = arith.addi %parallel_loop3A_1327, %parallel_loop3A_1326 : i32
      %parallel_loop3A_1329 = arith.index_cast %parallel_loop3A_1328 : i32 to index
      %parallel_loop3A_1330 = tpu.vector_load %arg7[%parallel_loop3A_1329] {strides = array<i32>} : memref<16384xi32, #tpu.memory_space<vmem>>, vector<16xi32>,
      %parallel_loop3A_1331 = tpu.vector_load_idx %arg6[%parallel_loop3A_1330] : memref<100000xf32, #tpu.memory_space<vmem>>[vector<16xi32>], vector<16xf32>,
      %parallel_loop3A_1332 = arith.index_cast %parallel_loop3A_1324 : i32 to index
      %parallel_loop3A_1333 = tpu.vector_load %arg8[%parallel_loop3A_1332] {strides = array<i32>} : memref<4096xf32, #tpu.memory_space<vmem>>, vector<16xf32>,
      tpu.vector_store %arg8[%parallel_loop3A_1332], %parallel_loop3A_1331 {strides = array<i32>} : memref<4096xf32, #tpu.memory_space<vmem>>, vector<16xf32>,
    } {sc.loop_unroll_factor = 8 : i64, sc.parallel_access}
    %add3A_163 = arith.constant 13 : i32
    %add3A_164 = arith.addi %add3A_163, %add3A_93 : i32
    %dma_start3A_165 = arith.constant 8192 : i32
    %dma_start3A_166 = tpu.memref_slice %arg5[%add3A_164, %dma_start3A_165] : memref<429x16384xf32, #tpu.memory_space<hbm>> -> memref<1x4096xf32, #tpu.memory_space<hbm>>
    %dma_start3A_167 = tpu.memref_squeeze %dma_start3A_166 : memref<1x4096xf32, #tpu.memory_space<hbm>> -> memref<4096xf32, #tpu.memory_space<hbm>>
    %dma_start3A_168 = arith.constant 8192 : i32
    %dma_start3A_169 = tpu.memref_slice %arg5[%add3A_164, %dma_start3A_168] : memref<429x16384xf32, #tpu.memory_space<hbm>> -> memref<1x4096xf32, #tpu.memory_space<hbm>>
    %dma_start3A_170 = tpu.memref_squeeze %dma_start3A_169 : memref<1x4096xf32, #tpu.memory_space<hbm>> -> memref<4096xf32, #tpu.memory_space<hbm>>
    tpu.enqueue_dma source(%arg8 : memref<4096xf32, #tpu.memory_space<vmem>>) target(%dma_start3A_170 : memref<4096xf32, #tpu.memory_space<hbm>>) target_semaphore(%arg12 : memref<!tpu.dma_semaphore, #tpu.memory_space<semaphore_mem>>)
    %add3A_171 = arith.constant 13 : i32
    %add3A_172 = arith.addi %add3A_171, %add3A_93 : i32
    %dma_wait3A_173 = arith.constant 12288 : i32
    %dma_wait3A_174 = tpu.memref_slice %arg5[%add3A_172, %dma_wait3A_173] : memref<429x16384xf32, #tpu.memory_space<hbm>> -> memref<1x4096xf32, #tpu.memory_space<hbm>>
    %dma_wait3A_175 = tpu.memref_squeeze %dma_wait3A_174 : memref<1x4096xf32, #tpu.memory_space<hbm>> -> memref<4096xf32, #tpu.memory_space<hbm>>
    %dma_wait3A_176 = arith.constant 12288 : i32
    %dma_wait3A_177 = tpu.memref_slice %arg5[%add3A_172, %dma_wait3A_176] : memref<429x16384xf32, #tpu.memory_space<hbm>> -> memref<1x4096xf32, #tpu.memory_space<hbm>>
    %dma_wait3A_178 = tpu.memref_squeeze %dma_wait3A_177 : memref<1x4096xf32, #tpu.memory_space<hbm>> -> memref<4096xf32, #tpu.memory_space<hbm>>
    tpu.wait_dma2 semaphore(%arg13 : memref<!tpu.dma_semaphore, #tpu.memory_space<semaphore_mem>>) src(%arg9 : memref<4096xf32, #tpu.memory_space<vmem>>) dst(%dma_wait3A_178 : memref<4096xf32, #tpu.memory_space<hbm>>)
    %parallel_loop3A_179 = arith.constant 0 : i32
    %parallel_loop3A_180 = arith.constant 256 : i32
    %parallel_loop3A_181 = arith.constant 1 : i32
    scf.for %parallel_loop3A_1322 = %parallel_loop3A_179 to %parallel_loop3A_180 step %parallel_loop3A_181  : i32 {
      %parallel_loop3A_1323 = arith.constant 16 : i32
      %parallel_loop3A_1324 = arith.muli %parallel_loop3A_1322, %parallel_loop3A_1323 : i32
      %parallel_loop3A_1325 = arith.constant 16 : i32
      %parallel_loop3A_1326 = arith.muli %parallel_loop3A_1322, %parallel_loop3A_1325 : i32
      %parallel_loop3A_1327 = arith.constant 12288 : i32
      %parallel_loop3A_1328 = arith.addi %parallel_loop3A_1327, %parallel_loop3A_1326 : i32
      %parallel_loop3A_1329 = arith.index_cast %parallel_loop3A_1328 : i32 to index
      %parallel_loop3A_1330 = tpu.vector_load %arg7[%parallel_loop3A_1329] {strides = array<i32>} : memref<16384xi32, #tpu.memory_space<vmem>>, vector<16xi32>,
      %parallel_loop3A_1331 = tpu.vector_load_idx %arg6[%parallel_loop3A_1330] : memref<100000xf32, #tpu.memory_space<vmem>>[vector<16xi32>], vector<16xf32>,
      %parallel_loop3A_1332 = arith.index_cast %parallel_loop3A_1324 : i32 to index
      %parallel_loop3A_1333 = tpu.vector_load %arg9[%parallel_loop3A_1332] {strides = array<i32>} : memref<4096xf32, #tpu.memory_space<vmem>>, vector<16xf32>,
      tpu.vector_store %arg9[%parallel_loop3A_1332], %parallel_loop3A_1331 {strides = array<i32>} : memref<4096xf32, #tpu.memory_space<vmem>>, vector<16xf32>,
    } {sc.loop_unroll_factor = 8 : i64, sc.parallel_access}
    %add3A_182 = arith.constant 13 : i32
    %add3A_183 = arith.addi %add3A_182, %add3A_93 : i32
    %dma_start3A_184 = arith.constant 12288 : i32
    %dma_start3A_185 = tpu.memref_slice %arg5[%add3A_183, %dma_start3A_184] : memref<429x16384xf32, #tpu.memory_space<hbm>> -> memref<1x4096xf32, #tpu.memory_space<hbm>>
    %dma_start3A_186 = tpu.memref_squeeze %dma_start3A_185 : memref<1x4096xf32, #tpu.memory_space<hbm>> -> memref<4096xf32, #tpu.memory_space<hbm>>
    %dma_start3A_187 = arith.constant 12288 : i32
    %dma_start3A_188 = tpu.memref_slice %arg5[%add3A_183, %dma_start3A_187] : memref<429x16384xf32, #tpu.memory_space<hbm>> -> memref<1x4096xf32, #tpu.memory_space<hbm>>
    %dma_start3A_189 = tpu.memref_squeeze %dma_start3A_188 : memref<1x4096xf32, #tpu.memory_space<hbm>> -> memref<4096xf32, #tpu.memory_space<hbm>>
    tpu.enqueue_dma source(%arg9 : memref<4096xf32, #tpu.memory_space<vmem>>) target(%dma_start3A_189 : memref<4096xf32, #tpu.memory_space<hbm>>) target_semaphore(%arg13 : memref<!tpu.dma_semaphore, #tpu.memory_space<semaphore_mem>>)
    %mul3A_190 = arith.constant 13 : i32
    %mul3A_191 = arith.muli %add3A, %mul3A_190 : i32
    %add3A_192 = arith.constant 2 : i32
    %add3A_193 = arith.addi %mul3A_191, %add3A_192 : i32
    %div3A_194 = arith.constant 16 : i32
    %div3A_195 = arith.divsi %add3A_193, %div3A_194 : i32
    %rem3A_196 = arith.constant 16 : i32
    %rem3A_197 = arith.remsi %add3A_193, %rem3A_196 : i32
    %dma_start3A_198 = arith.constant 0 : i32
    %dma_start3A_199 = tpu.memref_slice %arg4[%div3A_195, %rem3A_197, %dma_start3A_198] : memref<26x16x100000xf32, #tpu.memory_space<hbm>> -> memref<1x1x100000xf32, #tpu.memory_space<hbm>>
    %dma_start3A_200 = tpu.memref_squeeze %dma_start3A_199 : memref<1x1x100000xf32, #tpu.memory_space<hbm>> -> memref<100000xf32, #tpu.memory_space<hbm>>
    %dma_start3A_201 = arith.constant 0 : i32
    %dma_start3A_202 = tpu.memref_slice %arg4[%div3A_195, %rem3A_197, %dma_start3A_201] : memref<26x16x100000xf32, #tpu.memory_space<hbm>> -> memref<1x1x100000xf32, #tpu.memory_space<hbm>>
    %dma_start3A_203 = tpu.memref_squeeze %dma_start3A_202 : memref<1x1x100000xf32, #tpu.memory_space<hbm>> -> memref<100000xf32, #tpu.memory_space<hbm>>
    tpu.enqueue_dma source(%dma_start3A_203 : memref<100000xf32, #tpu.memory_space<hbm>>) target(%arg6 : memref<100000xf32, #tpu.memory_space<vmem>>) target_semaphore(%arg10 : memref<!tpu.dma_semaphore, #tpu.memory_space<semaphore_mem>>)
    %eq3A_204 = arith.constant 0 : i32
    %eq3A_205 = arith.cmpi eq, %rem3A_197, %eq3A_204 : i32
    %convert_element_type3A_206 = arith.extui %eq3A_205 : i1 to i32
    %cond3A_207 = arith.constant 0 : i32
    %cond3A_208 = arith.cmpi ne, %convert_element_type3A_206, %cond3A_207 : i32
    scf.if %cond3A_208 {
      %dma_start3A_1322 = arith.constant 0 : i32
      %dma_start3A_1323 = tpu.memref_slice %arg3[%div3A_195, %dma_start3A_1322] : memref<26x16384xi32, #tpu.memory_space<hbm>> -> memref<1x16384xi32, #tpu.memory_space<hbm>>
      %dma_start3A_1324 = tpu.memref_squeeze %dma_start3A_1323 : memref<1x16384xi32, #tpu.memory_space<hbm>> -> memref<16384xi32, #tpu.memory_space<hbm>>
      %dma_start3A_1325 = arith.constant 0 : i32
      %dma_start3A_1326 = tpu.memref_slice %arg3[%div3A_195, %dma_start3A_1325] : memref<26x16384xi32, #tpu.memory_space<hbm>> -> memref<1x16384xi32, #tpu.memory_space<hbm>>
      %dma_start3A_1327 = tpu.memref_squeeze %dma_start3A_1326 : memref<1x16384xi32, #tpu.memory_space<hbm>> -> memref<16384xi32, #tpu.memory_space<hbm>>
      tpu.enqueue_dma source(%dma_start3A_1327 : memref<16384xi32, #tpu.memory_space<hbm>>) target(%arg7 : memref<16384xi32, #tpu.memory_space<vmem>>) target_semaphore(%arg11 : memref<!tpu.dma_semaphore, #tpu.memory_space<semaphore_mem>>)
      %dma_wait3A_1328 = arith.constant 0 : i32
      %dma_wait3A_1329 = tpu.memref_slice %arg3[%div3A_195, %dma_wait3A_1328] : memref<26x16384xi32, #tpu.memory_space<hbm>> -> memref<1x16384xi32, #tpu.memory_space<hbm>>
      %dma_wait3A_1330 = tpu.memref_squeeze %dma_wait3A_1329 : memref<1x16384xi32, #tpu.memory_space<hbm>> -> memref<16384xi32, #tpu.memory_space<hbm>>
      %dma_wait3A_1331 = arith.constant 0 : i32
      %dma_wait3A_1332 = tpu.memref_slice %arg3[%div3A_195, %dma_wait3A_1331] : memref<26x16384xi32, #tpu.memory_space<hbm>> -> memref<1x16384xi32, #tpu.memory_space<hbm>>
      %dma_wait3A_1333 = tpu.memref_squeeze %dma_wait3A_1332 : memref<1x16384xi32, #tpu.memory_space<hbm>> -> memref<16384xi32, #tpu.memory_space<hbm>>
      tpu.wait_dma2 semaphore(%arg11 : memref<!tpu.dma_semaphore, #tpu.memory_space<semaphore_mem>>) src(%dma_wait3A_1333 : memref<16384xi32, #tpu.memory_space<hbm>>) dst(%arg7 : memref<16384xi32, #tpu.memory_space<vmem>>)
    } else {
    }
    %dma_wait3A_209 = arith.constant 0 : i32
    %dma_wait3A_210 = tpu.memref_slice %arg4[%div3A_195, %rem3A_197, %dma_wait3A_209] : memref<26x16x100000xf32, #tpu.memory_space<hbm>> -> memref<1x1x100000xf32, #tpu.memory_space<hbm>>
    %dma_wait3A_211 = tpu.memref_squeeze %dma_wait3A_210 : memref<1x1x100000xf32, #tpu.memory_space<hbm>> -> memref<100000xf32, #tpu.memory_space<hbm>>
    %dma_wait3A_212 = arith.constant 0 : i32
    %dma_wait3A_213 = tpu.memref_slice %arg4[%div3A_195, %rem3A_197, %dma_wait3A_212] : memref<26x16x100000xf32, #tpu.memory_space<hbm>> -> memref<1x1x100000xf32, #tpu.memory_space<hbm>>
    %dma_wait3A_214 = tpu.memref_squeeze %dma_wait3A_213 : memref<1x1x100000xf32, #tpu.memory_space<hbm>> -> memref<100000xf32, #tpu.memory_space<hbm>>
    tpu.wait_dma2 semaphore(%arg10 : memref<!tpu.dma_semaphore, #tpu.memory_space<semaphore_mem>>) src(%dma_wait3A_214 : memref<100000xf32, #tpu.memory_space<hbm>>) dst(%arg6 : memref<100000xf32, #tpu.memory_space<vmem>>)
    %add3A_215 = arith.constant 13 : i32
    %add3A_216 = arith.addi %add3A_215, %add3A_193 : i32
    %dma_wait3A_217 = arith.constant 0 : i32
    %dma_wait3A_218 = tpu.memref_slice %arg5[%add3A_216, %dma_wait3A_217] : memref<429x16384xf32, #tpu.memory_space<hbm>> -> memref<1x4096xf32, #tpu.memory_space<hbm>>
    %dma_wait3A_219 = tpu.memref_squeeze %dma_wait3A_218 : memref<1x4096xf32, #tpu.memory_space<hbm>> -> memref<4096xf32, #tpu.memory_space<hbm>>
    %dma_wait3A_220 = arith.constant 0 : i32
    %dma_wait3A_221 = tpu.memref_slice %arg5[%add3A_216, %dma_wait3A_220] : memref<429x16384xf32, #tpu.memory_space<hbm>> -> memref<1x4096xf32, #tpu.memory_space<hbm>>
    %dma_wait3A_222 = tpu.memref_squeeze %dma_wait3A_221 : memref<1x4096xf32, #tpu.memory_space<hbm>> -> memref<4096xf32, #tpu.memory_space<hbm>>
    tpu.wait_dma2 semaphore(%arg12 : memref<!tpu.dma_semaphore, #tpu.memory_space<semaphore_mem>>) src(%arg8 : memref<4096xf32, #tpu.memory_space<vmem>>) dst(%dma_wait3A_222 : memref<4096xf32, #tpu.memory_space<hbm>>)
    %parallel_loop3A_223 = arith.constant 0 : i32
    %parallel_loop3A_224 = arith.constant 256 : i32
    %parallel_loop3A_225 = arith.constant 1 : i32
    scf.for %parallel_loop3A_1322 = %parallel_loop3A_223 to %parallel_loop3A_224 step %parallel_loop3A_225  : i32 {
      %parallel_loop3A_1323 = arith.constant 16 : i32
      %parallel_loop3A_1324 = arith.muli %parallel_loop3A_1322, %parallel_loop3A_1323 : i32
      %parallel_loop3A_1325 = arith.constant 16 : i32
      %parallel_loop3A_1326 = arith.muli %parallel_loop3A_1322, %parallel_loop3A_1325 : i32
      %parallel_loop3A_1327 = arith.constant 0 : i32
      %parallel_loop3A_1328 = arith.addi %parallel_loop3A_1327, %parallel_loop3A_1326 : i32
      %parallel_loop3A_1329 = arith.index_cast %parallel_loop3A_1328 : i32 to index
      %parallel_loop3A_1330 = tpu.vector_load %arg7[%parallel_loop3A_1329] {strides = array<i32>} : memref<16384xi32, #tpu.memory_space<vmem>>, vector<16xi32>,
      %parallel_loop3A_1331 = tpu.vector_load_idx %arg6[%parallel_loop3A_1330] : memref<100000xf32, #tpu.memory_space<vmem>>[vector<16xi32>], vector<16xf32>,
      %parallel_loop3A_1332 = arith.index_cast %parallel_loop3A_1324 : i32 to index
      %parallel_loop3A_1333 = tpu.vector_load %arg8[%parallel_loop3A_1332] {strides = array<i32>} : memref<4096xf32, #tpu.memory_space<vmem>>, vector<16xf32>,
      tpu.vector_store %arg8[%parallel_loop3A_1332], %parallel_loop3A_1331 {strides = array<i32>} : memref<4096xf32, #tpu.memory_space<vmem>>, vector<16xf32>,
    } {sc.loop_unroll_factor = 8 : i64, sc.parallel_access}
    %add3A_226 = arith.constant 13 : i32
    %add3A_227 = arith.addi %add3A_226, %add3A_193 : i32
    %dma_start3A_228 = arith.constant 0 : i32
    %dma_start3A_229 = tpu.memref_slice %arg5[%add3A_227, %dma_start3A_228] : memref<429x16384xf32, #tpu.memory_space<hbm>> -> memref<1x4096xf32, #tpu.memory_space<hbm>>
    %dma_start3A_230 = tpu.memref_squeeze %dma_start3A_229 : memref<1x4096xf32, #tpu.memory_space<hbm>> -> memref<4096xf32, #tpu.memory_space<hbm>>
    %dma_start3A_231 = arith.constant 0 : i32
    %dma_start3A_232 = tpu.memref_slice %arg5[%add3A_227, %dma_start3A_231] : memref<429x16384xf32, #tpu.memory_space<hbm>> -> memref<1x4096xf32, #tpu.memory_space<hbm>>
    %dma_start3A_233 = tpu.memref_squeeze %dma_start3A_232 : memref<1x4096xf32, #tpu.memory_space<hbm>> -> memref<4096xf32, #tpu.memory_space<hbm>>
    tpu.enqueue_dma source(%arg8 : memref<4096xf32, #tpu.memory_space<vmem>>) target(%dma_start3A_233 : memref<4096xf32, #tpu.memory_space<hbm>>) target_semaphore(%arg12 : memref<!tpu.dma_semaphore, #tpu.memory_space<semaphore_mem>>)
    %add3A_234 = arith.constant 13 : i32
    %add3A_235 = arith.addi %add3A_234, %add3A_193 : i32
    %dma_wait3A_236 = arith.constant 4096 : i32
    %dma_wait3A_237 = tpu.memref_slice %arg5[%add3A_235, %dma_wait3A_236] : memref<429x16384xf32, #tpu.memory_space<hbm>> -> memref<1x4096xf32, #tpu.memory_space<hbm>>
    %dma_wait3A_238 = tpu.memref_squeeze %dma_wait3A_237 : memref<1x4096xf32, #tpu.memory_space<hbm>> -> memref<4096xf32, #tpu.memory_space<hbm>>
    %dma_wait3A_239 = arith.constant 4096 : i32
    %dma_wait3A_240 = tpu.memref_slice %arg5[%add3A_235, %dma_wait3A_239] : memref<429x16384xf32, #tpu.memory_space<hbm>> -> memref<1x4096xf32, #tpu.memory_space<hbm>>
    %dma_wait3A_241 = tpu.memref_squeeze %dma_wait3A_240 : memref<1x4096xf32, #tpu.memory_space<hbm>> -> memref<4096xf32, #tpu.memory_space<hbm>>
    tpu.wait_dma2 semaphore(%arg13 : memref<!tpu.dma_semaphore, #tpu.memory_space<semaphore_mem>>) src(%arg9 : memref<4096xf32, #tpu.memory_space<vmem>>) dst(%dma_wait3A_241 : memref<4096xf32, #tpu.memory_space<hbm>>)
    %parallel_loop3A_242 = arith.constant 0 : i32
    %parallel_loop3A_243 = arith.constant 256 : i32
    %parallel_loop3A_244 = arith.constant 1 : i32
    scf.for %parallel_loop3A_1322 = %parallel_loop3A_242 to %parallel_loop3A_243 step %parallel_loop3A_244  : i32 {
      %parallel_loop3A_1323 = arith.constant 16 : i32
      %parallel_loop3A_1324 = arith.muli %parallel_loop3A_1322, %parallel_loop3A_1323 : i32
      %parallel_loop3A_1325 = arith.constant 16 : i32
      %parallel_loop3A_1326 = arith.muli %parallel_loop3A_1322, %parallel_loop3A_1325 : i32
      %parallel_loop3A_1327 = arith.constant 4096 : i32
      %parallel_loop3A_1328 = arith.addi %parallel_loop3A_1327, %parallel_loop3A_1326 : i32
      %parallel_loop3A_1329 = arith.index_cast %parallel_loop3A_1328 : i32 to index
      %parallel_loop3A_1330 = tpu.vector_load %arg7[%parallel_loop3A_1329] {strides = array<i32>} : memref<16384xi32, #tpu.memory_space<vmem>>, vector<16xi32>,
      %parallel_loop3A_1331 = tpu.vector_load_idx %arg6[%parallel_loop3A_1330] : memref<100000xf32, #tpu.memory_space<vmem>>[vector<16xi32>], vector<16xf32>,
      %parallel_loop3A_1332 = arith.index_cast %parallel_loop3A_1324 : i32 to index
      %parallel_loop3A_1333 = tpu.vector_load %arg9[%parallel_loop3A_1332] {strides = array<i32>} : memref<4096xf32, #tpu.memory_space<vmem>>, vector<16xf32>,
      tpu.vector_store %arg9[%parallel_loop3A_1332], %parallel_loop3A_1331 {strides = array<i32>} : memref<4096xf32, #tpu.memory_space<vmem>>, vector<16xf32>,
    } {sc.loop_unroll_factor = 8 : i64, sc.parallel_access}
    %add3A_245 = arith.constant 13 : i32
    %add3A_246 = arith.addi %add3A_245, %add3A_193 : i32
    %dma_start3A_247 = arith.constant 4096 : i32
    %dma_start3A_248 = tpu.memref_slice %arg5[%add3A_246, %dma_start3A_247] : memref<429x16384xf32, #tpu.memory_space<hbm>> -> memref<1x4096xf32, #tpu.memory_space<hbm>>
    %dma_start3A_249 = tpu.memref_squeeze %dma_start3A_248 : memref<1x4096xf32, #tpu.memory_space<hbm>> -> memref<4096xf32, #tpu.memory_space<hbm>>
    %dma_start3A_250 = arith.constant 4096 : i32
    %dma_start3A_251 = tpu.memref_slice %arg5[%add3A_246, %dma_start3A_250] : memref<429x16384xf32, #tpu.memory_space<hbm>> -> memref<1x4096xf32, #tpu.memory_space<hbm>>
    %dma_start3A_252 = tpu.memref_squeeze %dma_start3A_251 : memref<1x4096xf32, #tpu.memory_space<hbm>> -> memref<4096xf32, #tpu.memory_space<hbm>>
    tpu.enqueue_dma source(%arg9 : memref<4096xf32, #tpu.memory_space<vmem>>) target(%dma_start3A_252 : memref<4096xf32, #tpu.memory_space<hbm>>) target_semaphore(%arg13 : memref<!tpu.dma_semaphore, #tpu.memory_space<semaphore_mem>>)
    %add3A_253 = arith.constant 13 : i32
    %add3A_254 = arith.addi %add3A_253, %add3A_193 : i32
    %dma_wait3A_255 = arith.constant 8192 : i32
    %dma_wait3A_256 = tpu.memref_slice %arg5[%add3A_254, %dma_wait3A_255] : memref<429x16384xf32, #tpu.memory_space<hbm>> -> memref<1x4096xf32, #tpu.memory_space<hbm>>
    %dma_wait3A_257 = tpu.memref_squeeze %dma_wait3A_256 : memref<1x4096xf32, #tpu.memory_space<hbm>> -> memref<4096xf32, #tpu.memory_space<hbm>>
    %dma_wait3A_258 = arith.constant 8192 : i32
    %dma_wait3A_259 = tpu.memref_slice %arg5[%add3A_254, %dma_wait3A_258] : memref<429x16384xf32, #tpu.memory_space<hbm>> -> memref<1x4096xf32, #tpu.memory_space<hbm>>
    %dma_wait3A_260 = tpu.memref_squeeze %dma_wait3A_259 : memref<1x4096xf32, #tpu.memory_space<hbm>> -> memref<4096xf32, #tpu.memory_space<hbm>>
    tpu.wait_dma2 semaphore(%arg12 : memref<!tpu.dma_semaphore, #tpu.memory_space<semaphore_mem>>) src(%arg8 : memref<4096xf32, #tpu.memory_space<vmem>>) dst(%dma_wait3A_260 : memref<4096xf32, #tpu.memory_space<hbm>>)
    %parallel_loop3A_261 = arith.constant 0 : i32
    %parallel_loop3A_262 = arith.constant 256 : i32
    %parallel_loop3A_263 = arith.constant 1 : i32
    scf.for %parallel_loop3A_1322 = %parallel_loop3A_261 to %parallel_loop3A_262 step %parallel_loop3A_263  : i32 {
      %parallel_loop3A_1323 = arith.constant 16 : i32
      %parallel_loop3A_1324 = arith.muli %parallel_loop3A_1322, %parallel_loop3A_1323 : i32
      %parallel_loop3A_1325 = arith.constant 16 : i32
      %parallel_loop3A_1326 = arith.muli %parallel_loop3A_1322, %parallel_loop3A_1325 : i32
      %parallel_loop3A_1327 = arith.constant 8192 : i32
      %parallel_loop3A_1328 = arith.addi %parallel_loop3A_1327, %parallel_loop3A_1326 : i32
      %parallel_loop3A_1329 = arith.index_cast %parallel_loop3A_1328 : i32 to index
      %parallel_loop3A_1330 = tpu.vector_load %arg7[%parallel_loop3A_1329] {strides = array<i32>} : memref<16384xi32, #tpu.memory_space<vmem>>, vector<16xi32>,
      %parallel_loop3A_1331 = tpu.vector_load_idx %arg6[%parallel_loop3A_1330] : memref<100000xf32, #tpu.memory_space<vmem>>[vector<16xi32>], vector<16xf32>,
      %parallel_loop3A_1332 = arith.index_cast %parallel_loop3A_1324 : i32 to index
      %parallel_loop3A_1333 = tpu.vector_load %arg8[%parallel_loop3A_1332] {strides = array<i32>} : memref<4096xf32, #tpu.memory_space<vmem>>, vector<16xf32>,
      tpu.vector_store %arg8[%parallel_loop3A_1332], %parallel_loop3A_1331 {strides = array<i32>} : memref<4096xf32, #tpu.memory_space<vmem>>, vector<16xf32>,
    } {sc.loop_unroll_factor = 8 : i64, sc.parallel_access}
    %add3A_264 = arith.constant 13 : i32
    %add3A_265 = arith.addi %add3A_264, %add3A_193 : i32
    %dma_start3A_266 = arith.constant 8192 : i32
    %dma_start3A_267 = tpu.memref_slice %arg5[%add3A_265, %dma_start3A_266] : memref<429x16384xf32, #tpu.memory_space<hbm>> -> memref<1x4096xf32, #tpu.memory_space<hbm>>
    %dma_start3A_268 = tpu.memref_squeeze %dma_start3A_267 : memref<1x4096xf32, #tpu.memory_space<hbm>> -> memref<4096xf32, #tpu.memory_space<hbm>>
    %dma_start3A_269 = arith.constant 8192 : i32
    %dma_start3A_270 = tpu.memref_slice %arg5[%add3A_265, %dma_start3A_269] : memref<429x16384xf32, #tpu.memory_space<hbm>> -> memref<1x4096xf32, #tpu.memory_space<hbm>>
    %dma_start3A_271 = tpu.memref_squeeze %dma_start3A_270 : memref<1x4096xf32, #tpu.memory_space<hbm>> -> memref<4096xf32, #tpu.memory_space<hbm>>
    tpu.enqueue_dma source(%arg8 : memref<4096xf32, #tpu.memory_space<vmem>>) target(%dma_start3A_271 : memref<4096xf32, #tpu.memory_space<hbm>>) target_semaphore(%arg12 : memref<!tpu.dma_semaphore, #tpu.memory_space<semaphore_mem>>)
    %add3A_272 = arith.constant 13 : i32
    %add3A_273 = arith.addi %add3A_272, %add3A_193 : i32
    %dma_wait3A_274 = arith.constant 12288 : i32
    %dma_wait3A_275 = tpu.memref_slice %arg5[%add3A_273, %dma_wait3A_274] : memref<429x16384xf32, #tpu.memory_space<hbm>> -> memref<1x4096xf32, #tpu.memory_space<hbm>>
    %dma_wait3A_276 = tpu.memref_squeeze %dma_wait3A_275 : memref<1x4096xf32, #tpu.memory_space<hbm>> -> memref<4096xf32, #tpu.memory_space<hbm>>
    %dma_wait3A_277 = arith.constant 12288 : i32
    %dma_wait3A_278 = tpu.memref_slice %arg5[%add3A_273, %dma_wait3A_277] : memref<429x16384xf32, #tpu.memory_space<hbm>> -> memref<1x4096xf32, #tpu.memory_space<hbm>>
    %dma_wait3A_279 = tpu.memref_squeeze %dma_wait3A_278 : memref<1x4096xf32, #tpu.memory_space<hbm>> -> memref<4096xf32, #tpu.memory_space<hbm>>
    tpu.wait_dma2 semaphore(%arg13 : memref<!tpu.dma_semaphore, #tpu.memory_space<semaphore_mem>>) src(%arg9 : memref<4096xf32, #tpu.memory_space<vmem>>) dst(%dma_wait3A_279 : memref<4096xf32, #tpu.memory_space<hbm>>)
    %parallel_loop3A_280 = arith.constant 0 : i32
    %parallel_loop3A_281 = arith.constant 256 : i32
    %parallel_loop3A_282 = arith.constant 1 : i32
    scf.for %parallel_loop3A_1322 = %parallel_loop3A_280 to %parallel_loop3A_281 step %parallel_loop3A_282  : i32 {
      %parallel_loop3A_1323 = arith.constant 16 : i32
      %parallel_loop3A_1324 = arith.muli %parallel_loop3A_1322, %parallel_loop3A_1323 : i32
      %parallel_loop3A_1325 = arith.constant 16 : i32
      %parallel_loop3A_1326 = arith.muli %parallel_loop3A_1322, %parallel_loop3A_1325 : i32
      %parallel_loop3A_1327 = arith.constant 12288 : i32
      %parallel_loop3A_1328 = arith.addi %parallel_loop3A_1327, %parallel_loop3A_1326 : i32
      %parallel_loop3A_1329 = arith.index_cast %parallel_loop3A_1328 : i32 to index
      %parallel_loop3A_1330 = tpu.vector_load %arg7[%parallel_loop3A_1329] {strides = array<i32>} : memref<16384xi32, #tpu.memory_space<vmem>>, vector<16xi32>,
      %parallel_loop3A_1331 = tpu.vector_load_idx %arg6[%parallel_loop3A_1330] : memref<100000xf32, #tpu.memory_space<vmem>>[vector<16xi32>], vector<16xf32>,
      %parallel_loop3A_1332 = arith.index_cast %parallel_loop3A_1324 : i32 to index
      %parallel_loop3A_1333 = tpu.vector_load %arg9[%parallel_loop3A_1332] {strides = array<i32>} : memref<4096xf32, #tpu.memory_space<vmem>>, vector<16xf32>,
      tpu.vector_store %arg9[%parallel_loop3A_1332], %parallel_loop3A_1331 {strides = array<i32>} : memref<4096xf32, #tpu.memory_space<vmem>>, vector<16xf32>,
    } {sc.loop_unroll_factor = 8 : i64, sc.parallel_access}
    %add3A_283 = arith.constant 13 : i32
    %add3A_284 = arith.addi %add3A_283, %add3A_193 : i32
    %dma_start3A_285 = arith.constant 12288 : i32
    %dma_start3A_286 = tpu.memref_slice %arg5[%add3A_284, %dma_start3A_285] : memref<429x16384xf32, #tpu.memory_space<hbm>> -> memref<1x4096xf32, #tpu.memory_space<hbm>>
    %dma_start3A_287 = tpu.memref_squeeze %dma_start3A_286 : memref<1x4096xf32, #tpu.memory_space<hbm>> -> memref<4096xf32, #tpu.memory_space<hbm>>
    %dma_start3A_288 = arith.constant 12288 : i32
    %dma_start3A_289 = tpu.memref_slice %arg5[%add3A_284, %dma_start3A_288] : memref<429x16384xf32, #tpu.memory_space<hbm>> -> memref<1x4096xf32, #tpu.memory_space<hbm>>
    %dma_start3A_290 = tpu.memref_squeeze %dma_start3A_289 : memref<1x4096xf32, #tpu.memory_space<hbm>> -> memref<4096xf32, #tpu.memory_space<hbm>>
    tpu.enqueue_dma source(%arg9 : memref<4096xf32, #tpu.memory_space<vmem>>) target(%dma_start3A_290 : memref<4096xf32, #tpu.memory_space<hbm>>) target_semaphore(%arg13 : memref<!tpu.dma_semaphore, #tpu.memory_space<semaphore_mem>>)
    %mul3A_291 = arith.constant 13 : i32
    %mul3A_292 = arith.muli %add3A, %mul3A_291 : i32
    %add3A_293 = arith.constant 3 : i32
    %add3A_294 = arith.addi %mul3A_292, %add3A_293 : i32
    %div3A_295 = arith.constant 16 : i32
    %div3A_296 = arith.divsi %add3A_294, %div3A_295 : i32
    %rem3A_297 = arith.constant 16 : i32
    %rem3A_298 = arith.remsi %add3A_294, %rem3A_297 : i32
    %dma_start3A_299 = arith.constant 0 : i32
    %dma_start3A_300 = tpu.memref_slice %arg4[%div3A_296, %rem3A_298, %dma_start3A_299] : memref<26x16x100000xf32, #tpu.memory_space<hbm>> -> memref<1x1x100000xf32, #tpu.memory_space<hbm>>
    %dma_start3A_301 = tpu.memref_squeeze %dma_start3A_300 : memref<1x1x100000xf32, #tpu.memory_space<hbm>> -> memref<100000xf32, #tpu.memory_space<hbm>>
    %dma_start3A_302 = arith.constant 0 : i32
    %dma_start3A_303 = tpu.memref_slice %arg4[%div3A_296, %rem3A_298, %dma_start3A_302] : memref<26x16x100000xf32, #tpu.memory_space<hbm>> -> memref<1x1x100000xf32, #tpu.memory_space<hbm>>
    %dma_start3A_304 = tpu.memref_squeeze %dma_start3A_303 : memref<1x1x100000xf32, #tpu.memory_space<hbm>> -> memref<100000xf32, #tpu.memory_space<hbm>>
    tpu.enqueue_dma source(%dma_start3A_304 : memref<100000xf32, #tpu.memory_space<hbm>>) target(%arg6 : memref<100000xf32, #tpu.memory_space<vmem>>) target_semaphore(%arg10 : memref<!tpu.dma_semaphore, #tpu.memory_space<semaphore_mem>>)
    %eq3A_305 = arith.constant 0 : i32
    %eq3A_306 = arith.cmpi eq, %rem3A_298, %eq3A_305 : i32
    %convert_element_type3A_307 = arith.extui %eq3A_306 : i1 to i32
    %cond3A_308 = arith.constant 0 : i32
    %cond3A_309 = arith.cmpi ne, %convert_element_type3A_307, %cond3A_308 : i32
    scf.if %cond3A_309 {
      %dma_start3A_1322 = arith.constant 0 : i32
      %dma_start3A_1323 = tpu.memref_slice %arg3[%div3A_296, %dma_start3A_1322] : memref<26x16384xi32, #tpu.memory_space<hbm>> -> memref<1x16384xi32, #tpu.memory_space<hbm>>
      %dma_start3A_1324 = tpu.memref_squeeze %dma_start3A_1323 : memref<1x16384xi32, #tpu.memory_space<hbm>> -> memref<16384xi32, #tpu.memory_space<hbm>>
      %dma_start3A_1325 = arith.constant 0 : i32
      %dma_start3A_1326 = tpu.memref_slice %arg3[%div3A_296, %dma_start3A_1325] : memref<26x16384xi32, #tpu.memory_space<hbm>> -> memref<1x16384xi32, #tpu.memory_space<hbm>>
      %dma_start3A_1327 = tpu.memref_squeeze %dma_start3A_1326 : memref<1x16384xi32, #tpu.memory_space<hbm>> -> memref<16384xi32, #tpu.memory_space<hbm>>
      tpu.enqueue_dma source(%dma_start3A_1327 : memref<16384xi32, #tpu.memory_space<hbm>>) target(%arg7 : memref<16384xi32, #tpu.memory_space<vmem>>) target_semaphore(%arg11 : memref<!tpu.dma_semaphore, #tpu.memory_space<semaphore_mem>>)
      %dma_wait3A_1328 = arith.constant 0 : i32
      %dma_wait3A_1329 = tpu.memref_slice %arg3[%div3A_296, %dma_wait3A_1328] : memref<26x16384xi32, #tpu.memory_space<hbm>> -> memref<1x16384xi32, #tpu.memory_space<hbm>>
      %dma_wait3A_1330 = tpu.memref_squeeze %dma_wait3A_1329 : memref<1x16384xi32, #tpu.memory_space<hbm>> -> memref<16384xi32, #tpu.memory_space<hbm>>
      %dma_wait3A_1331 = arith.constant 0 : i32
      %dma_wait3A_1332 = tpu.memref_slice %arg3[%div3A_296, %dma_wait3A_1331] : memref<26x16384xi32, #tpu.memory_space<hbm>> -> memref<1x16384xi32, #tpu.memory_space<hbm>>
      %dma_wait3A_1333 = tpu.memref_squeeze %dma_wait3A_1332 : memref<1x16384xi32, #tpu.memory_space<hbm>> -> memref<16384xi32, #tpu.memory_space<hbm>>
      tpu.wait_dma2 semaphore(%arg11 : memref<!tpu.dma_semaphore, #tpu.memory_space<semaphore_mem>>) src(%dma_wait3A_1333 : memref<16384xi32, #tpu.memory_space<hbm>>) dst(%arg7 : memref<16384xi32, #tpu.memory_space<vmem>>)
    } else {
    }
    %dma_wait3A_310 = arith.constant 0 : i32
    %dma_wait3A_311 = tpu.memref_slice %arg4[%div3A_296, %rem3A_298, %dma_wait3A_310] : memref<26x16x100000xf32, #tpu.memory_space<hbm>> -> memref<1x1x100000xf32, #tpu.memory_space<hbm>>
    %dma_wait3A_312 = tpu.memref_squeeze %dma_wait3A_311 : memref<1x1x100000xf32, #tpu.memory_space<hbm>> -> memref<100000xf32, #tpu.memory_space<hbm>>
    %dma_wait3A_313 = arith.constant 0 : i32
    %dma_wait3A_314 = tpu.memref_slice %arg4[%div3A_296, %rem3A_298, %dma_wait3A_313] : memref<26x16x100000xf32, #tpu.memory_space<hbm>> -> memref<1x1x100000xf32, #tpu.memory_space<hbm>>
    %dma_wait3A_315 = tpu.memref_squeeze %dma_wait3A_314 : memref<1x1x100000xf32, #tpu.memory_space<hbm>> -> memref<100000xf32, #tpu.memory_space<hbm>>
    tpu.wait_dma2 semaphore(%arg10 : memref<!tpu.dma_semaphore, #tpu.memory_space<semaphore_mem>>) src(%dma_wait3A_315 : memref<100000xf32, #tpu.memory_space<hbm>>) dst(%arg6 : memref<100000xf32, #tpu.memory_space<vmem>>)
    %add3A_316 = arith.constant 13 : i32
    %add3A_317 = arith.addi %add3A_316, %add3A_294 : i32
    %dma_wait3A_318 = arith.constant 0 : i32
    %dma_wait3A_319 = tpu.memref_slice %arg5[%add3A_317, %dma_wait3A_318] : memref<429x16384xf32, #tpu.memory_space<hbm>> -> memref<1x4096xf32, #tpu.memory_space<hbm>>
    %dma_wait3A_320 = tpu.memref_squeeze %dma_wait3A_319 : memref<1x4096xf32, #tpu.memory_space<hbm>> -> memref<4096xf32, #tpu.memory_space<hbm>>
    %dma_wait3A_321 = arith.constant 0 : i32
    %dma_wait3A_322 = tpu.memref_slice %arg5[%add3A_317, %dma_wait3A_321] : memref<429x16384xf32, #tpu.memory_space<hbm>> -> memref<1x4096xf32, #tpu.memory_space<hbm>>
    %dma_wait3A_323 = tpu.memref_squeeze %dma_wait3A_322 : memref<1x4096xf32, #tpu.memory_space<hbm>> -> memref<4096xf32, #tpu.memory_space<hbm>>
    tpu.wait_dma2 semaphore(%arg12 : memref<!tpu.dma_semaphore, #tpu.memory_space<semaphore_mem>>) src(%arg8 : memref<4096xf32, #tpu.memory_space<vmem>>) dst(%dma_wait3A_323 : memref<4096xf32, #tpu.memory_space<hbm>>)
    %parallel_loop3A_324 = arith.constant 0 : i32
    %parallel_loop3A_325 = arith.constant 256 : i32
    %parallel_loop3A_326 = arith.constant 1 : i32
    scf.for %parallel_loop3A_1322 = %parallel_loop3A_324 to %parallel_loop3A_325 step %parallel_loop3A_326  : i32 {
      %parallel_loop3A_1323 = arith.constant 16 : i32
      %parallel_loop3A_1324 = arith.muli %parallel_loop3A_1322, %parallel_loop3A_1323 : i32
      %parallel_loop3A_1325 = arith.constant 16 : i32
      %parallel_loop3A_1326 = arith.muli %parallel_loop3A_1322, %parallel_loop3A_1325 : i32
      %parallel_loop3A_1327 = arith.constant 0 : i32
      %parallel_loop3A_1328 = arith.addi %parallel_loop3A_1327, %parallel_loop3A_1326 : i32
      %parallel_loop3A_1329 = arith.index_cast %parallel_loop3A_1328 : i32 to index
      %parallel_loop3A_1330 = tpu.vector_load %arg7[%parallel_loop3A_1329] {strides = array<i32>} : memref<16384xi32, #tpu.memory_space<vmem>>, vector<16xi32>,
      %parallel_loop3A_1331 = tpu.vector_load_idx %arg6[%parallel_loop3A_1330] : memref<100000xf32, #tpu.memory_space<vmem>>[vector<16xi32>], vector<16xf32>,
      %parallel_loop3A_1332 = arith.index_cast %parallel_loop3A_1324 : i32 to index
      %parallel_loop3A_1333 = tpu.vector_load %arg8[%parallel_loop3A_1332] {strides = array<i32>} : memref<4096xf32, #tpu.memory_space<vmem>>, vector<16xf32>,
      tpu.vector_store %arg8[%parallel_loop3A_1332], %parallel_loop3A_1331 {strides = array<i32>} : memref<4096xf32, #tpu.memory_space<vmem>>, vector<16xf32>,
    } {sc.loop_unroll_factor = 8 : i64, sc.parallel_access}
    %add3A_327 = arith.constant 13 : i32
    %add3A_328 = arith.addi %add3A_327, %add3A_294 : i32
    %dma_start3A_329 = arith.constant 0 : i32
    %dma_start3A_330 = tpu.memref_slice %arg5[%add3A_328, %dma_start3A_329] : memref<429x16384xf32, #tpu.memory_space<hbm>> -> memref<1x4096xf32, #tpu.memory_space<hbm>>
    %dma_start3A_331 = tpu.memref_squeeze %dma_start3A_330 : memref<1x4096xf32, #tpu.memory_space<hbm>> -> memref<4096xf32, #tpu.memory_space<hbm>>
    %dma_start3A_332 = arith.constant 0 : i32
    %dma_start3A_333 = tpu.memref_slice %arg5[%add3A_328, %dma_start3A_332] : memref<429x16384xf32, #tpu.memory_space<hbm>> -> memref<1x4096xf32, #tpu.memory_space<hbm>>
    %dma_start3A_334 = tpu.memref_squeeze %dma_start3A_333 : memref<1x4096xf32, #tpu.memory_space<hbm>> -> memref<4096xf32, #tpu.memory_space<hbm>>
    tpu.enqueue_dma source(%arg8 : memref<4096xf32, #tpu.memory_space<vmem>>) target(%dma_start3A_334 : memref<4096xf32, #tpu.memory_space<hbm>>) target_semaphore(%arg12 : memref<!tpu.dma_semaphore, #tpu.memory_space<semaphore_mem>>)
    %add3A_335 = arith.constant 13 : i32
    %add3A_336 = arith.addi %add3A_335, %add3A_294 : i32
    %dma_wait3A_337 = arith.constant 4096 : i32
    %dma_wait3A_338 = tpu.memref_slice %arg5[%add3A_336, %dma_wait3A_337] : memref<429x16384xf32, #tpu.memory_space<hbm>> -> memref<1x4096xf32, #tpu.memory_space<hbm>>
    %dma_wait3A_339 = tpu.memref_squeeze %dma_wait3A_338 : memref<1x4096xf32, #tpu.memory_space<hbm>> -> memref<4096xf32, #tpu.memory_space<hbm>>
    %dma_wait3A_340 = arith.constant 4096 : i32
    %dma_wait3A_341 = tpu.memref_slice %arg5[%add3A_336, %dma_wait3A_340] : memref<429x16384xf32, #tpu.memory_space<hbm>> -> memref<1x4096xf32, #tpu.memory_space<hbm>>
    %dma_wait3A_342 = tpu.memref_squeeze %dma_wait3A_341 : memref<1x4096xf32, #tpu.memory_space<hbm>> -> memref<4096xf32, #tpu.memory_space<hbm>>
    tpu.wait_dma2 semaphore(%arg13 : memref<!tpu.dma_semaphore, #tpu.memory_space<semaphore_mem>>) src(%arg9 : memref<4096xf32, #tpu.memory_space<vmem>>) dst(%dma_wait3A_342 : memref<4096xf32, #tpu.memory_space<hbm>>)
    %parallel_loop3A_343 = arith.constant 0 : i32
    %parallel_loop3A_344 = arith.constant 256 : i32
    %parallel_loop3A_345 = arith.constant 1 : i32
    scf.for %parallel_loop3A_1322 = %parallel_loop3A_343 to %parallel_loop3A_344 step %parallel_loop3A_345  : i32 {
      %parallel_loop3A_1323 = arith.constant 16 : i32
      %parallel_loop3A_1324 = arith.muli %parallel_loop3A_1322, %parallel_loop3A_1323 : i32
      %parallel_loop3A_1325 = arith.constant 16 : i32
      %parallel_loop3A_1326 = arith.muli %parallel_loop3A_1322, %parallel_loop3A_1325 : i32
      %parallel_loop3A_1327 = arith.constant 4096 : i32
      %parallel_loop3A_1328 = arith.addi %parallel_loop3A_1327, %parallel_loop3A_1326 : i32
      %parallel_loop3A_1329 = arith.index_cast %parallel_loop3A_1328 : i32 to index
      %parallel_loop3A_1330 = tpu.vector_load %arg7[%parallel_loop3A_1329] {strides = array<i32>} : memref<16384xi32, #tpu.memory_space<vmem>>, vector<16xi32>,
      %parallel_loop3A_1331 = tpu.vector_load_idx %arg6[%parallel_loop3A_1330] : memref<100000xf32, #tpu.memory_space<vmem>>[vector<16xi32>], vector<16xf32>,
      %parallel_loop3A_1332 = arith.index_cast %parallel_loop3A_1324 : i32 to index
      %parallel_loop3A_1333 = tpu.vector_load %arg9[%parallel_loop3A_1332] {strides = array<i32>} : memref<4096xf32, #tpu.memory_space<vmem>>, vector<16xf32>,
      tpu.vector_store %arg9[%parallel_loop3A_1332], %parallel_loop3A_1331 {strides = array<i32>} : memref<4096xf32, #tpu.memory_space<vmem>>, vector<16xf32>,
    } {sc.loop_unroll_factor = 8 : i64, sc.parallel_access}
    %add3A_346 = arith.constant 13 : i32
    %add3A_347 = arith.addi %add3A_346, %add3A_294 : i32
    %dma_start3A_348 = arith.constant 4096 : i32
    %dma_start3A_349 = tpu.memref_slice %arg5[%add3A_347, %dma_start3A_348] : memref<429x16384xf32, #tpu.memory_space<hbm>> -> memref<1x4096xf32, #tpu.memory_space<hbm>>
    %dma_start3A_350 = tpu.memref_squeeze %dma_start3A_349 : memref<1x4096xf32, #tpu.memory_space<hbm>> -> memref<4096xf32, #tpu.memory_space<hbm>>
    %dma_start3A_351 = arith.constant 4096 : i32
    %dma_start3A_352 = tpu.memref_slice %arg5[%add3A_347, %dma_start3A_351] : memref<429x16384xf32, #tpu.memory_space<hbm>> -> memref<1x4096xf32, #tpu.memory_space<hbm>>
    %dma_start3A_353 = tpu.memref_squeeze %dma_start3A_352 : memref<1x4096xf32, #tpu.memory_space<hbm>> -> memref<4096xf32, #tpu.memory_space<hbm>>
    tpu.enqueue_dma source(%arg9 : memref<4096xf32, #tpu.memory_space<vmem>>) target(%dma_start3A_353 : memref<4096xf32, #tpu.memory_space<hbm>>) target_semaphore(%arg13 : memref<!tpu.dma_semaphore, #tpu.memory_space<semaphore_mem>>)
    %add3A_354 = arith.constant 13 : i32
    %add3A_355 = arith.addi %add3A_354, %add3A_294 : i32
    %dma_wait3A_356 = arith.constant 8192 : i32
    %dma_wait3A_357 = tpu.memref_slice %arg5[%add3A_355, %dma_wait3A_356] : memref<429x16384xf32, #tpu.memory_space<hbm>> -> memref<1x4096xf32, #tpu.memory_space<hbm>>
    %dma_wait3A_358 = tpu.memref_squeeze %dma_wait3A_357 : memref<1x4096xf32, #tpu.memory_space<hbm>> -> memref<4096xf32, #tpu.memory_space<hbm>>
    %dma_wait3A_359 = arith.constant 8192 : i32
    %dma_wait3A_360 = tpu.memref_slice %arg5[%add3A_355, %dma_wait3A_359] : memref<429x16384xf32, #tpu.memory_space<hbm>> -> memref<1x4096xf32, #tpu.memory_space<hbm>>
    %dma_wait3A_361 = tpu.memref_squeeze %dma_wait3A_360 : memref<1x4096xf32, #tpu.memory_space<hbm>> -> memref<4096xf32, #tpu.memory_space<hbm>>
    tpu.wait_dma2 semaphore(%arg12 : memref<!tpu.dma_semaphore, #tpu.memory_space<semaphore_mem>>) src(%arg8 : memref<4096xf32, #tpu.memory_space<vmem>>) dst(%dma_wait3A_361 : memref<4096xf32, #tpu.memory_space<hbm>>)
    %parallel_loop3A_362 = arith.constant 0 : i32
    %parallel_loop3A_363 = arith.constant 256 : i32
    %parallel_loop3A_364 = arith.constant 1 : i32
    scf.for %parallel_loop3A_1322 = %parallel_loop3A_362 to %parallel_loop3A_363 step %parallel_loop3A_364  : i32 {
      %parallel_loop3A_1323 = arith.constant 16 : i32
      %parallel_loop3A_1324 = arith.muli %parallel_loop3A_1322, %parallel_loop3A_1323 : i32
      %parallel_loop3A_1325 = arith.constant 16 : i32
      %parallel_loop3A_1326 = arith.muli %parallel_loop3A_1322, %parallel_loop3A_1325 : i32
      %parallel_loop3A_1327 = arith.constant 8192 : i32
      %parallel_loop3A_1328 = arith.addi %parallel_loop3A_1327, %parallel_loop3A_1326 : i32
      %parallel_loop3A_1329 = arith.index_cast %parallel_loop3A_1328 : i32 to index
      %parallel_loop3A_1330 = tpu.vector_load %arg7[%parallel_loop3A_1329] {strides = array<i32>} : memref<16384xi32, #tpu.memory_space<vmem>>, vector<16xi32>,
      %parallel_loop3A_1331 = tpu.vector_load_idx %arg6[%parallel_loop3A_1330] : memref<100000xf32, #tpu.memory_space<vmem>>[vector<16xi32>], vector<16xf32>,
      %parallel_loop3A_1332 = arith.index_cast %parallel_loop3A_1324 : i32 to index
      %parallel_loop3A_1333 = tpu.vector_load %arg8[%parallel_loop3A_1332] {strides = array<i32>} : memref<4096xf32, #tpu.memory_space<vmem>>, vector<16xf32>,
      tpu.vector_store %arg8[%parallel_loop3A_1332], %parallel_loop3A_1331 {strides = array<i32>} : memref<4096xf32, #tpu.memory_space<vmem>>, vector<16xf32>,
    } {sc.loop_unroll_factor = 8 : i64, sc.parallel_access}
    %add3A_365 = arith.constant 13 : i32
    %add3A_366 = arith.addi %add3A_365, %add3A_294 : i32
    %dma_start3A_367 = arith.constant 8192 : i32
    %dma_start3A_368 = tpu.memref_slice %arg5[%add3A_366, %dma_start3A_367] : memref<429x16384xf32, #tpu.memory_space<hbm>> -> memref<1x4096xf32, #tpu.memory_space<hbm>>
    %dma_start3A_369 = tpu.memref_squeeze %dma_start3A_368 : memref<1x4096xf32, #tpu.memory_space<hbm>> -> memref<4096xf32, #tpu.memory_space<hbm>>
    %dma_start3A_370 = arith.constant 8192 : i32
    %dma_start3A_371 = tpu.memref_slice %arg5[%add3A_366, %dma_start3A_370] : memref<429x16384xf32, #tpu.memory_space<hbm>> -> memref<1x4096xf32, #tpu.memory_space<hbm>>
    %dma_start3A_372 = tpu.memref_squeeze %dma_start3A_371 : memref<1x4096xf32, #tpu.memory_space<hbm>> -> memref<4096xf32, #tpu.memory_space<hbm>>
    tpu.enqueue_dma source(%arg8 : memref<4096xf32, #tpu.memory_space<vmem>>) target(%dma_start3A_372 : memref<4096xf32, #tpu.memory_space<hbm>>) target_semaphore(%arg12 : memref<!tpu.dma_semaphore, #tpu.memory_space<semaphore_mem>>)
    %add3A_373 = arith.constant 13 : i32
    %add3A_374 = arith.addi %add3A_373, %add3A_294 : i32
    %dma_wait3A_375 = arith.constant 12288 : i32
    %dma_wait3A_376 = tpu.memref_slice %arg5[%add3A_374, %dma_wait3A_375] : memref<429x16384xf32, #tpu.memory_space<hbm>> -> memref<1x4096xf32, #tpu.memory_space<hbm>>
    %dma_wait3A_377 = tpu.memref_squeeze %dma_wait3A_376 : memref<1x4096xf32, #tpu.memory_space<hbm>> -> memref<4096xf32, #tpu.memory_space<hbm>>
    %dma_wait3A_378 = arith.constant 12288 : i32
    %dma_wait3A_379 = tpu.memref_slice %arg5[%add3A_374, %dma_wait3A_378] : memref<429x16384xf32, #tpu.memory_space<hbm>> -> memref<1x4096xf32, #tpu.memory_space<hbm>>
    %dma_wait3A_380 = tpu.memref_squeeze %dma_wait3A_379 : memref<1x4096xf32, #tpu.memory_space<hbm>> -> memref<4096xf32, #tpu.memory_space<hbm>>
    tpu.wait_dma2 semaphore(%arg13 : memref<!tpu.dma_semaphore, #tpu.memory_space<semaphore_mem>>) src(%arg9 : memref<4096xf32, #tpu.memory_space<vmem>>) dst(%dma_wait3A_380 : memref<4096xf32, #tpu.memory_space<hbm>>)
    %parallel_loop3A_381 = arith.constant 0 : i32
    %parallel_loop3A_382 = arith.constant 256 : i32
    %parallel_loop3A_383 = arith.constant 1 : i32
    scf.for %parallel_loop3A_1322 = %parallel_loop3A_381 to %parallel_loop3A_382 step %parallel_loop3A_383  : i32 {
      %parallel_loop3A_1323 = arith.constant 16 : i32
      %parallel_loop3A_1324 = arith.muli %parallel_loop3A_1322, %parallel_loop3A_1323 : i32
      %parallel_loop3A_1325 = arith.constant 16 : i32
      %parallel_loop3A_1326 = arith.muli %parallel_loop3A_1322, %parallel_loop3A_1325 : i32
      %parallel_loop3A_1327 = arith.constant 12288 : i32
      %parallel_loop3A_1328 = arith.addi %parallel_loop3A_1327, %parallel_loop3A_1326 : i32
      %parallel_loop3A_1329 = arith.index_cast %parallel_loop3A_1328 : i32 to index
      %parallel_loop3A_1330 = tpu.vector_load %arg7[%parallel_loop3A_1329] {strides = array<i32>} : memref<16384xi32, #tpu.memory_space<vmem>>, vector<16xi32>,
      %parallel_loop3A_1331 = tpu.vector_load_idx %arg6[%parallel_loop3A_1330] : memref<100000xf32, #tpu.memory_space<vmem>>[vector<16xi32>], vector<16xf32>,
      %parallel_loop3A_1332 = arith.index_cast %parallel_loop3A_1324 : i32 to index
      %parallel_loop3A_1333 = tpu.vector_load %arg9[%parallel_loop3A_1332] {strides = array<i32>} : memref<4096xf32, #tpu.memory_space<vmem>>, vector<16xf32>,
      tpu.vector_store %arg9[%parallel_loop3A_1332], %parallel_loop3A_1331 {strides = array<i32>} : memref<4096xf32, #tpu.memory_space<vmem>>, vector<16xf32>,
    } {sc.loop_unroll_factor = 8 : i64, sc.parallel_access}
    %add3A_384 = arith.constant 13 : i32
    %add3A_385 = arith.addi %add3A_384, %add3A_294 : i32
    %dma_start3A_386 = arith.constant 12288 : i32
    %dma_start3A_387 = tpu.memref_slice %arg5[%add3A_385, %dma_start3A_386] : memref<429x16384xf32, #tpu.memory_space<hbm>> -> memref<1x4096xf32, #tpu.memory_space<hbm>>
    %dma_start3A_388 = tpu.memref_squeeze %dma_start3A_387 : memref<1x4096xf32, #tpu.memory_space<hbm>> -> memref<4096xf32, #tpu.memory_space<hbm>>
    %dma_start3A_389 = arith.constant 12288 : i32
    %dma_start3A_390 = tpu.memref_slice %arg5[%add3A_385, %dma_start3A_389] : memref<429x16384xf32, #tpu.memory_space<hbm>> -> memref<1x4096xf32, #tpu.memory_space<hbm>>
    %dma_start3A_391 = tpu.memref_squeeze %dma_start3A_390 : memref<1x4096xf32, #tpu.memory_space<hbm>> -> memref<4096xf32, #tpu.memory_space<hbm>>
    tpu.enqueue_dma source(%arg9 : memref<4096xf32, #tpu.memory_space<vmem>>) target(%dma_start3A_391 : memref<4096xf32, #tpu.memory_space<hbm>>) target_semaphore(%arg13 : memref<!tpu.dma_semaphore, #tpu.memory_space<semaphore_mem>>)
    %mul3A_392 = arith.constant 13 : i32
    %mul3A_393 = arith.muli %add3A, %mul3A_392 : i32
    %add3A_394 = arith.constant 4 : i32
    %add3A_395 = arith.addi %mul3A_393, %add3A_394 : i32
    %div3A_396 = arith.constant 16 : i32
    %div3A_397 = arith.divsi %add3A_395, %div3A_396 : i32
    %rem3A_398 = arith.constant 16 : i32
    %rem3A_399 = arith.remsi %add3A_395, %rem3A_398 : i32
    %dma_start3A_400 = arith.constant 0 : i32
    %dma_start3A_401 = tpu.memref_slice %arg4[%div3A_397, %rem3A_399, %dma_start3A_400] : memref<26x16x100000xf32, #tpu.memory_space<hbm>> -> memref<1x1x100000xf32, #tpu.memory_space<hbm>>
    %dma_start3A_402 = tpu.memref_squeeze %dma_start3A_401 : memref<1x1x100000xf32, #tpu.memory_space<hbm>> -> memref<100000xf32, #tpu.memory_space<hbm>>
    %dma_start3A_403 = arith.constant 0 : i32
    %dma_start3A_404 = tpu.memref_slice %arg4[%div3A_397, %rem3A_399, %dma_start3A_403] : memref<26x16x100000xf32, #tpu.memory_space<hbm>> -> memref<1x1x100000xf32, #tpu.memory_space<hbm>>
    %dma_start3A_405 = tpu.memref_squeeze %dma_start3A_404 : memref<1x1x100000xf32, #tpu.memory_space<hbm>> -> memref<100000xf32, #tpu.memory_space<hbm>>
    tpu.enqueue_dma source(%dma_start3A_405 : memref<100000xf32, #tpu.memory_space<hbm>>) target(%arg6 : memref<100000xf32, #tpu.memory_space<vmem>>) target_semaphore(%arg10 : memref<!tpu.dma_semaphore, #tpu.memory_space<semaphore_mem>>)
    %eq3A_406 = arith.constant 0 : i32
    %eq3A_407 = arith.cmpi eq, %rem3A_399, %eq3A_406 : i32
    %convert_element_type3A_408 = arith.extui %eq3A_407 : i1 to i32
    %cond3A_409 = arith.constant 0 : i32
    %cond3A_410 = arith.cmpi ne, %convert_element_type3A_408, %cond3A_409 : i32
    scf.if %cond3A_410 {
      %dma_start3A_1322 = arith.constant 0 : i32
      %dma_start3A_1323 = tpu.memref_slice %arg3[%div3A_397, %dma_start3A_1322] : memref<26x16384xi32, #tpu.memory_space<hbm>> -> memref<1x16384xi32, #tpu.memory_space<hbm>>
      %dma_start3A_1324 = tpu.memref_squeeze %dma_start3A_1323 : memref<1x16384xi32, #tpu.memory_space<hbm>> -> memref<16384xi32, #tpu.memory_space<hbm>>
      %dma_start3A_1325 = arith.constant 0 : i32
      %dma_start3A_1326 = tpu.memref_slice %arg3[%div3A_397, %dma_start3A_1325] : memref<26x16384xi32, #tpu.memory_space<hbm>> -> memref<1x16384xi32, #tpu.memory_space<hbm>>
      %dma_start3A_1327 = tpu.memref_squeeze %dma_start3A_1326 : memref<1x16384xi32, #tpu.memory_space<hbm>> -> memref<16384xi32, #tpu.memory_space<hbm>>
      tpu.enqueue_dma source(%dma_start3A_1327 : memref<16384xi32, #tpu.memory_space<hbm>>) target(%arg7 : memref<16384xi32, #tpu.memory_space<vmem>>) target_semaphore(%arg11 : memref<!tpu.dma_semaphore, #tpu.memory_space<semaphore_mem>>)
      %dma_wait3A_1328 = arith.constant 0 : i32
      %dma_wait3A_1329 = tpu.memref_slice %arg3[%div3A_397, %dma_wait3A_1328] : memref<26x16384xi32, #tpu.memory_space<hbm>> -> memref<1x16384xi32, #tpu.memory_space<hbm>>
      %dma_wait3A_1330 = tpu.memref_squeeze %dma_wait3A_1329 : memref<1x16384xi32, #tpu.memory_space<hbm>> -> memref<16384xi32, #tpu.memory_space<hbm>>
      %dma_wait3A_1331 = arith.constant 0 : i32
      %dma_wait3A_1332 = tpu.memref_slice %arg3[%div3A_397, %dma_wait3A_1331] : memref<26x16384xi32, #tpu.memory_space<hbm>> -> memref<1x16384xi32, #tpu.memory_space<hbm>>
      %dma_wait3A_1333 = tpu.memref_squeeze %dma_wait3A_1332 : memref<1x16384xi32, #tpu.memory_space<hbm>> -> memref<16384xi32, #tpu.memory_space<hbm>>
      tpu.wait_dma2 semaphore(%arg11 : memref<!tpu.dma_semaphore, #tpu.memory_space<semaphore_mem>>) src(%dma_wait3A_1333 : memref<16384xi32, #tpu.memory_space<hbm>>) dst(%arg7 : memref<16384xi32, #tpu.memory_space<vmem>>)
    } else {
    }
    %dma_wait3A_411 = arith.constant 0 : i32
    %dma_wait3A_412 = tpu.memref_slice %arg4[%div3A_397, %rem3A_399, %dma_wait3A_411] : memref<26x16x100000xf32, #tpu.memory_space<hbm>> -> memref<1x1x100000xf32, #tpu.memory_space<hbm>>
    %dma_wait3A_413 = tpu.memref_squeeze %dma_wait3A_412 : memref<1x1x100000xf32, #tpu.memory_space<hbm>> -> memref<100000xf32, #tpu.memory_space<hbm>>
    %dma_wait3A_414 = arith.constant 0 : i32
    %dma_wait3A_415 = tpu.memref_slice %arg4[%div3A_397, %rem3A_399, %dma_wait3A_414] : memref<26x16x100000xf32, #tpu.memory_space<hbm>> -> memref<1x1x100000xf32, #tpu.memory_space<hbm>>
    %dma_wait3A_416 = tpu.memref_squeeze %dma_wait3A_415 : memref<1x1x100000xf32, #tpu.memory_space<hbm>> -> memref<100000xf32, #tpu.memory_space<hbm>>
    tpu.wait_dma2 semaphore(%arg10 : memref<!tpu.dma_semaphore, #tpu.memory_space<semaphore_mem>>) src(%dma_wait3A_416 : memref<100000xf32, #tpu.memory_space<hbm>>) dst(%arg6 : memref<100000xf32, #tpu.memory_space<vmem>>)
    %add3A_417 = arith.constant 13 : i32
    %add3A_418 = arith.addi %add3A_417, %add3A_395 : i32
    %dma_wait3A_419 = arith.constant 0 : i32
    %dma_wait3A_420 = tpu.memref_slice %arg5[%add3A_418, %dma_wait3A_419] : memref<429x16384xf32, #tpu.memory_space<hbm>> -> memref<1x4096xf32, #tpu.memory_space<hbm>>
    %dma_wait3A_421 = tpu.memref_squeeze %dma_wait3A_420 : memref<1x4096xf32, #tpu.memory_space<hbm>> -> memref<4096xf32, #tpu.memory_space<hbm>>
    %dma_wait3A_422 = arith.constant 0 : i32
    %dma_wait3A_423 = tpu.memref_slice %arg5[%add3A_418, %dma_wait3A_422] : memref<429x16384xf32, #tpu.memory_space<hbm>> -> memref<1x4096xf32, #tpu.memory_space<hbm>>
    %dma_wait3A_424 = tpu.memref_squeeze %dma_wait3A_423 : memref<1x4096xf32, #tpu.memory_space<hbm>> -> memref<4096xf32, #tpu.memory_space<hbm>>
    tpu.wait_dma2 semaphore(%arg12 : memref<!tpu.dma_semaphore, #tpu.memory_space<semaphore_mem>>) src(%arg8 : memref<4096xf32, #tpu.memory_space<vmem>>) dst(%dma_wait3A_424 : memref<4096xf32, #tpu.memory_space<hbm>>)
    %parallel_loop3A_425 = arith.constant 0 : i32
    %parallel_loop3A_426 = arith.constant 256 : i32
    %parallel_loop3A_427 = arith.constant 1 : i32
    scf.for %parallel_loop3A_1322 = %parallel_loop3A_425 to %parallel_loop3A_426 step %parallel_loop3A_427  : i32 {
      %parallel_loop3A_1323 = arith.constant 16 : i32
      %parallel_loop3A_1324 = arith.muli %parallel_loop3A_1322, %parallel_loop3A_1323 : i32
      %parallel_loop3A_1325 = arith.constant 16 : i32
      %parallel_loop3A_1326 = arith.muli %parallel_loop3A_1322, %parallel_loop3A_1325 : i32
      %parallel_loop3A_1327 = arith.constant 0 : i32
      %parallel_loop3A_1328 = arith.addi %parallel_loop3A_1327, %parallel_loop3A_1326 : i32
      %parallel_loop3A_1329 = arith.index_cast %parallel_loop3A_1328 : i32 to index
      %parallel_loop3A_1330 = tpu.vector_load %arg7[%parallel_loop3A_1329] {strides = array<i32>} : memref<16384xi32, #tpu.memory_space<vmem>>, vector<16xi32>,
      %parallel_loop3A_1331 = tpu.vector_load_idx %arg6[%parallel_loop3A_1330] : memref<100000xf32, #tpu.memory_space<vmem>>[vector<16xi32>], vector<16xf32>,
      %parallel_loop3A_1332 = arith.index_cast %parallel_loop3A_1324 : i32 to index
      %parallel_loop3A_1333 = tpu.vector_load %arg8[%parallel_loop3A_1332] {strides = array<i32>} : memref<4096xf32, #tpu.memory_space<vmem>>, vector<16xf32>,
      tpu.vector_store %arg8[%parallel_loop3A_1332], %parallel_loop3A_1331 {strides = array<i32>} : memref<4096xf32, #tpu.memory_space<vmem>>, vector<16xf32>,
    } {sc.loop_unroll_factor = 8 : i64, sc.parallel_access}
    %add3A_428 = arith.constant 13 : i32
    %add3A_429 = arith.addi %add3A_428, %add3A_395 : i32
    %dma_start3A_430 = arith.constant 0 : i32
    %dma_start3A_431 = tpu.memref_slice %arg5[%add3A_429, %dma_start3A_430] : memref<429x16384xf32, #tpu.memory_space<hbm>> -> memref<1x4096xf32, #tpu.memory_space<hbm>>
    %dma_start3A_432 = tpu.memref_squeeze %dma_start3A_431 : memref<1x4096xf32, #tpu.memory_space<hbm>> -> memref<4096xf32, #tpu.memory_space<hbm>>
    %dma_start3A_433 = arith.constant 0 : i32
    %dma_start3A_434 = tpu.memref_slice %arg5[%add3A_429, %dma_start3A_433] : memref<429x16384xf32, #tpu.memory_space<hbm>> -> memref<1x4096xf32, #tpu.memory_space<hbm>>
    %dma_start3A_435 = tpu.memref_squeeze %dma_start3A_434 : memref<1x4096xf32, #tpu.memory_space<hbm>> -> memref<4096xf32, #tpu.memory_space<hbm>>
    tpu.enqueue_dma source(%arg8 : memref<4096xf32, #tpu.memory_space<vmem>>) target(%dma_start3A_435 : memref<4096xf32, #tpu.memory_space<hbm>>) target_semaphore(%arg12 : memref<!tpu.dma_semaphore, #tpu.memory_space<semaphore_mem>>)
    %add3A_436 = arith.constant 13 : i32
    %add3A_437 = arith.addi %add3A_436, %add3A_395 : i32
    %dma_wait3A_438 = arith.constant 4096 : i32
    %dma_wait3A_439 = tpu.memref_slice %arg5[%add3A_437, %dma_wait3A_438] : memref<429x16384xf32, #tpu.memory_space<hbm>> -> memref<1x4096xf32, #tpu.memory_space<hbm>>
    %dma_wait3A_440 = tpu.memref_squeeze %dma_wait3A_439 : memref<1x4096xf32, #tpu.memory_space<hbm>> -> memref<4096xf32, #tpu.memory_space<hbm>>
    %dma_wait3A_441 = arith.constant 4096 : i32
    %dma_wait3A_442 = tpu.memref_slice %arg5[%add3A_437, %dma_wait3A_441] : memref<429x16384xf32, #tpu.memory_space<hbm>> -> memref<1x4096xf32, #tpu.memory_space<hbm>>
    %dma_wait3A_443 = tpu.memref_squeeze %dma_wait3A_442 : memref<1x4096xf32, #tpu.memory_space<hbm>> -> memref<4096xf32, #tpu.memory_space<hbm>>
    tpu.wait_dma2 semaphore(%arg13 : memref<!tpu.dma_semaphore, #tpu.memory_space<semaphore_mem>>) src(%arg9 : memref<4096xf32, #tpu.memory_space<vmem>>) dst(%dma_wait3A_443 : memref<4096xf32, #tpu.memory_space<hbm>>)
    %parallel_loop3A_444 = arith.constant 0 : i32
    %parallel_loop3A_445 = arith.constant 256 : i32
    %parallel_loop3A_446 = arith.constant 1 : i32
    scf.for %parallel_loop3A_1322 = %parallel_loop3A_444 to %parallel_loop3A_445 step %parallel_loop3A_446  : i32 {
      %parallel_loop3A_1323 = arith.constant 16 : i32
      %parallel_loop3A_1324 = arith.muli %parallel_loop3A_1322, %parallel_loop3A_1323 : i32
      %parallel_loop3A_1325 = arith.constant 16 : i32
      %parallel_loop3A_1326 = arith.muli %parallel_loop3A_1322, %parallel_loop3A_1325 : i32
      %parallel_loop3A_1327 = arith.constant 4096 : i32
      %parallel_loop3A_1328 = arith.addi %parallel_loop3A_1327, %parallel_loop3A_1326 : i32
      %parallel_loop3A_1329 = arith.index_cast %parallel_loop3A_1328 : i32 to index
      %parallel_loop3A_1330 = tpu.vector_load %arg7[%parallel_loop3A_1329] {strides = array<i32>} : memref<16384xi32, #tpu.memory_space<vmem>>, vector<16xi32>,
      %parallel_loop3A_1331 = tpu.vector_load_idx %arg6[%parallel_loop3A_1330] : memref<100000xf32, #tpu.memory_space<vmem>>[vector<16xi32>], vector<16xf32>,
      %parallel_loop3A_1332 = arith.index_cast %parallel_loop3A_1324 : i32 to index
      %parallel_loop3A_1333 = tpu.vector_load %arg9[%parallel_loop3A_1332] {strides = array<i32>} : memref<4096xf32, #tpu.memory_space<vmem>>, vector<16xf32>,
      tpu.vector_store %arg9[%parallel_loop3A_1332], %parallel_loop3A_1331 {strides = array<i32>} : memref<4096xf32, #tpu.memory_space<vmem>>, vector<16xf32>,
    } {sc.loop_unroll_factor = 8 : i64, sc.parallel_access}
    %add3A_447 = arith.constant 13 : i32
    %add3A_448 = arith.addi %add3A_447, %add3A_395 : i32
    %dma_start3A_449 = arith.constant 4096 : i32
    %dma_start3A_450 = tpu.memref_slice %arg5[%add3A_448, %dma_start3A_449] : memref<429x16384xf32, #tpu.memory_space<hbm>> -> memref<1x4096xf32, #tpu.memory_space<hbm>>
    %dma_start3A_451 = tpu.memref_squeeze %dma_start3A_450 : memref<1x4096xf32, #tpu.memory_space<hbm>> -> memref<4096xf32, #tpu.memory_space<hbm>>
    %dma_start3A_452 = arith.constant 4096 : i32
    %dma_start3A_453 = tpu.memref_slice %arg5[%add3A_448, %dma_start3A_452] : memref<429x16384xf32, #tpu.memory_space<hbm>> -> memref<1x4096xf32, #tpu.memory_space<hbm>>
    %dma_start3A_454 = tpu.memref_squeeze %dma_start3A_453 : memref<1x4096xf32, #tpu.memory_space<hbm>> -> memref<4096xf32, #tpu.memory_space<hbm>>
    tpu.enqueue_dma source(%arg9 : memref<4096xf32, #tpu.memory_space<vmem>>) target(%dma_start3A_454 : memref<4096xf32, #tpu.memory_space<hbm>>) target_semaphore(%arg13 : memref<!tpu.dma_semaphore, #tpu.memory_space<semaphore_mem>>)
    %add3A_455 = arith.constant 13 : i32
    %add3A_456 = arith.addi %add3A_455, %add3A_395 : i32
    %dma_wait3A_457 = arith.constant 8192 : i32
    %dma_wait3A_458 = tpu.memref_slice %arg5[%add3A_456, %dma_wait3A_457] : memref<429x16384xf32, #tpu.memory_space<hbm>> -> memref<1x4096xf32, #tpu.memory_space<hbm>>
    %dma_wait3A_459 = tpu.memref_squeeze %dma_wait3A_458 : memref<1x4096xf32, #tpu.memory_space<hbm>> -> memref<4096xf32, #tpu.memory_space<hbm>>
    %dma_wait3A_460 = arith.constant 8192 : i32
    %dma_wait3A_461 = tpu.memref_slice %arg5[%add3A_456, %dma_wait3A_460] : memref<429x16384xf32, #tpu.memory_space<hbm>> -> memref<1x4096xf32, #tpu.memory_space<hbm>>
    %dma_wait3A_462 = tpu.memref_squeeze %dma_wait3A_461 : memref<1x4096xf32, #tpu.memory_space<hbm>> -> memref<4096xf32, #tpu.memory_space<hbm>>
    tpu.wait_dma2 semaphore(%arg12 : memref<!tpu.dma_semaphore, #tpu.memory_space<semaphore_mem>>) src(%arg8 : memref<4096xf32, #tpu.memory_space<vmem>>) dst(%dma_wait3A_462 : memref<4096xf32, #tpu.memory_space<hbm>>)
    %parallel_loop3A_463 = arith.constant 0 : i32
    %parallel_loop3A_464 = arith.constant 256 : i32
    %parallel_loop3A_465 = arith.constant 1 : i32
    scf.for %parallel_loop3A_1322 = %parallel_loop3A_463 to %parallel_loop3A_464 step %parallel_loop3A_465  : i32 {
      %parallel_loop3A_1323 = arith.constant 16 : i32
      %parallel_loop3A_1324 = arith.muli %parallel_loop3A_1322, %parallel_loop3A_1323 : i32
      %parallel_loop3A_1325 = arith.constant 16 : i32
      %parallel_loop3A_1326 = arith.muli %parallel_loop3A_1322, %parallel_loop3A_1325 : i32
      %parallel_loop3A_1327 = arith.constant 8192 : i32
      %parallel_loop3A_1328 = arith.addi %parallel_loop3A_1327, %parallel_loop3A_1326 : i32
      %parallel_loop3A_1329 = arith.index_cast %parallel_loop3A_1328 : i32 to index
      %parallel_loop3A_1330 = tpu.vector_load %arg7[%parallel_loop3A_1329] {strides = array<i32>} : memref<16384xi32, #tpu.memory_space<vmem>>, vector<16xi32>,
      %parallel_loop3A_1331 = tpu.vector_load_idx %arg6[%parallel_loop3A_1330] : memref<100000xf32, #tpu.memory_space<vmem>>[vector<16xi32>], vector<16xf32>,
      %parallel_loop3A_1332 = arith.index_cast %parallel_loop3A_1324 : i32 to index
      %parallel_loop3A_1333 = tpu.vector_load %arg8[%parallel_loop3A_1332] {strides = array<i32>} : memref<4096xf32, #tpu.memory_space<vmem>>, vector<16xf32>,
      tpu.vector_store %arg8[%parallel_loop3A_1332], %parallel_loop3A_1331 {strides = array<i32>} : memref<4096xf32, #tpu.memory_space<vmem>>, vector<16xf32>,
    } {sc.loop_unroll_factor = 8 : i64, sc.parallel_access}
    %add3A_466 = arith.constant 13 : i32
    %add3A_467 = arith.addi %add3A_466, %add3A_395 : i32
    %dma_start3A_468 = arith.constant 8192 : i32
    %dma_start3A_469 = tpu.memref_slice %arg5[%add3A_467, %dma_start3A_468] : memref<429x16384xf32, #tpu.memory_space<hbm>> -> memref<1x4096xf32, #tpu.memory_space<hbm>>
    %dma_start3A_470 = tpu.memref_squeeze %dma_start3A_469 : memref<1x4096xf32, #tpu.memory_space<hbm>> -> memref<4096xf32, #tpu.memory_space<hbm>>
    %dma_start3A_471 = arith.constant 8192 : i32
    %dma_start3A_472 = tpu.memref_slice %arg5[%add3A_467, %dma_start3A_471] : memref<429x16384xf32, #tpu.memory_space<hbm>> -> memref<1x4096xf32, #tpu.memory_space<hbm>>
    %dma_start3A_473 = tpu.memref_squeeze %dma_start3A_472 : memref<1x4096xf32, #tpu.memory_space<hbm>> -> memref<4096xf32, #tpu.memory_space<hbm>>
    tpu.enqueue_dma source(%arg8 : memref<4096xf32, #tpu.memory_space<vmem>>) target(%dma_start3A_473 : memref<4096xf32, #tpu.memory_space<hbm>>) target_semaphore(%arg12 : memref<!tpu.dma_semaphore, #tpu.memory_space<semaphore_mem>>)
    %add3A_474 = arith.constant 13 : i32
    %add3A_475 = arith.addi %add3A_474, %add3A_395 : i32
    %dma_wait3A_476 = arith.constant 12288 : i32
    %dma_wait3A_477 = tpu.memref_slice %arg5[%add3A_475, %dma_wait3A_476] : memref<429x16384xf32, #tpu.memory_space<hbm>> -> memref<1x4096xf32, #tpu.memory_space<hbm>>
    %dma_wait3A_478 = tpu.memref_squeeze %dma_wait3A_477 : memref<1x4096xf32, #tpu.memory_space<hbm>> -> memref<4096xf32, #tpu.memory_space<hbm>>
    %dma_wait3A_479 = arith.constant 12288 : i32
    %dma_wait3A_480 = tpu.memref_slice %arg5[%add3A_475, %dma_wait3A_479] : memref<429x16384xf32, #tpu.memory_space<hbm>> -> memref<1x4096xf32, #tpu.memory_space<hbm>>
    %dma_wait3A_481 = tpu.memref_squeeze %dma_wait3A_480 : memref<1x4096xf32, #tpu.memory_space<hbm>> -> memref<4096xf32, #tpu.memory_space<hbm>>
    tpu.wait_dma2 semaphore(%arg13 : memref<!tpu.dma_semaphore, #tpu.memory_space<semaphore_mem>>) src(%arg9 : memref<4096xf32, #tpu.memory_space<vmem>>) dst(%dma_wait3A_481 : memref<4096xf32, #tpu.memory_space<hbm>>)
    %parallel_loop3A_482 = arith.constant 0 : i32
    %parallel_loop3A_483 = arith.constant 256 : i32
    %parallel_loop3A_484 = arith.constant 1 : i32
    scf.for %parallel_loop3A_1322 = %parallel_loop3A_482 to %parallel_loop3A_483 step %parallel_loop3A_484  : i32 {
      %parallel_loop3A_1323 = arith.constant 16 : i32
      %parallel_loop3A_1324 = arith.muli %parallel_loop3A_1322, %parallel_loop3A_1323 : i32
      %parallel_loop3A_1325 = arith.constant 16 : i32
      %parallel_loop3A_1326 = arith.muli %parallel_loop3A_1322, %parallel_loop3A_1325 : i32
      %parallel_loop3A_1327 = arith.constant 12288 : i32
      %parallel_loop3A_1328 = arith.addi %parallel_loop3A_1327, %parallel_loop3A_1326 : i32
      %parallel_loop3A_1329 = arith.index_cast %parallel_loop3A_1328 : i32 to index
      %parallel_loop3A_1330 = tpu.vector_load %arg7[%parallel_loop3A_1329] {strides = array<i32>} : memref<16384xi32, #tpu.memory_space<vmem>>, vector<16xi32>,
      %parallel_loop3A_1331 = tpu.vector_load_idx %arg6[%parallel_loop3A_1330] : memref<100000xf32, #tpu.memory_space<vmem>>[vector<16xi32>], vector<16xf32>,
      %parallel_loop3A_1332 = arith.index_cast %parallel_loop3A_1324 : i32 to index
      %parallel_loop3A_1333 = tpu.vector_load %arg9[%parallel_loop3A_1332] {strides = array<i32>} : memref<4096xf32, #tpu.memory_space<vmem>>, vector<16xf32>,
      tpu.vector_store %arg9[%parallel_loop3A_1332], %parallel_loop3A_1331 {strides = array<i32>} : memref<4096xf32, #tpu.memory_space<vmem>>, vector<16xf32>,
    } {sc.loop_unroll_factor = 8 : i64, sc.parallel_access}
    %add3A_485 = arith.constant 13 : i32
    %add3A_486 = arith.addi %add3A_485, %add3A_395 : i32
    %dma_start3A_487 = arith.constant 12288 : i32
    %dma_start3A_488 = tpu.memref_slice %arg5[%add3A_486, %dma_start3A_487] : memref<429x16384xf32, #tpu.memory_space<hbm>> -> memref<1x4096xf32, #tpu.memory_space<hbm>>
    %dma_start3A_489 = tpu.memref_squeeze %dma_start3A_488 : memref<1x4096xf32, #tpu.memory_space<hbm>> -> memref<4096xf32, #tpu.memory_space<hbm>>
    %dma_start3A_490 = arith.constant 12288 : i32
    %dma_start3A_491 = tpu.memref_slice %arg5[%add3A_486, %dma_start3A_490] : memref<429x16384xf32, #tpu.memory_space<hbm>> -> memref<1x4096xf32, #tpu.memory_space<hbm>>
    %dma_start3A_492 = tpu.memref_squeeze %dma_start3A_491 : memref<1x4096xf32, #tpu.memory_space<hbm>> -> memref<4096xf32, #tpu.memory_space<hbm>>
    tpu.enqueue_dma source(%arg9 : memref<4096xf32, #tpu.memory_space<vmem>>) target(%dma_start3A_492 : memref<4096xf32, #tpu.memory_space<hbm>>) target_semaphore(%arg13 : memref<!tpu.dma_semaphore, #tpu.memory_space<semaphore_mem>>)
    %mul3A_493 = arith.constant 13 : i32
    %mul3A_494 = arith.muli %add3A, %mul3A_493 : i32
    %add3A_495 = arith.constant 5 : i32
    %add3A_496 = arith.addi %mul3A_494, %add3A_495 : i32
    %div3A_497 = arith.constant 16 : i32
    %div3A_498 = arith.divsi %add3A_496, %div3A_497 : i32
    %rem3A_499 = arith.constant 16 : i32
    %rem3A_500 = arith.remsi %add3A_496, %rem3A_499 : i32
    %dma_start3A_501 = arith.constant 0 : i32
    %dma_start3A_502 = tpu.memref_slice %arg4[%div3A_498, %rem3A_500, %dma_start3A_501] : memref<26x16x100000xf32, #tpu.memory_space<hbm>> -> memref<1x1x100000xf32, #tpu.memory_space<hbm>>
    %dma_start3A_503 = tpu.memref_squeeze %dma_start3A_502 : memref<1x1x100000xf32, #tpu.memory_space<hbm>> -> memref<100000xf32, #tpu.memory_space<hbm>>
    %dma_start3A_504 = arith.constant 0 : i32
    %dma_start3A_505 = tpu.memref_slice %arg4[%div3A_498, %rem3A_500, %dma_start3A_504] : memref<26x16x100000xf32, #tpu.memory_space<hbm>> -> memref<1x1x100000xf32, #tpu.memory_space<hbm>>
    %dma_start3A_506 = tpu.memref_squeeze %dma_start3A_505 : memref<1x1x100000xf32, #tpu.memory_space<hbm>> -> memref<100000xf32, #tpu.memory_space<hbm>>
    tpu.enqueue_dma source(%dma_start3A_506 : memref<100000xf32, #tpu.memory_space<hbm>>) target(%arg6 : memref<100000xf32, #tpu.memory_space<vmem>>) target_semaphore(%arg10 : memref<!tpu.dma_semaphore, #tpu.memory_space<semaphore_mem>>)
    %eq3A_507 = arith.constant 0 : i32
    %eq3A_508 = arith.cmpi eq, %rem3A_500, %eq3A_507 : i32
    %convert_element_type3A_509 = arith.extui %eq3A_508 : i1 to i32
    %cond3A_510 = arith.constant 0 : i32
    %cond3A_511 = arith.cmpi ne, %convert_element_type3A_509, %cond3A_510 : i32
    scf.if %cond3A_511 {
      %dma_start3A_1322 = arith.constant 0 : i32
      %dma_start3A_1323 = tpu.memref_slice %arg3[%div3A_498, %dma_start3A_1322] : memref<26x16384xi32, #tpu.memory_space<hbm>> -> memref<1x16384xi32, #tpu.memory_space<hbm>>
      %dma_start3A_1324 = tpu.memref_squeeze %dma_start3A_1323 : memref<1x16384xi32, #tpu.memory_space<hbm>> -> memref<16384xi32, #tpu.memory_space<hbm>>
      %dma_start3A_1325 = arith.constant 0 : i32
      %dma_start3A_1326 = tpu.memref_slice %arg3[%div3A_498, %dma_start3A_1325] : memref<26x16384xi32, #tpu.memory_space<hbm>> -> memref<1x16384xi32, #tpu.memory_space<hbm>>
      %dma_start3A_1327 = tpu.memref_squeeze %dma_start3A_1326 : memref<1x16384xi32, #tpu.memory_space<hbm>> -> memref<16384xi32, #tpu.memory_space<hbm>>
      tpu.enqueue_dma source(%dma_start3A_1327 : memref<16384xi32, #tpu.memory_space<hbm>>) target(%arg7 : memref<16384xi32, #tpu.memory_space<vmem>>) target_semaphore(%arg11 : memref<!tpu.dma_semaphore, #tpu.memory_space<semaphore_mem>>)
      %dma_wait3A_1328 = arith.constant 0 : i32
      %dma_wait3A_1329 = tpu.memref_slice %arg3[%div3A_498, %dma_wait3A_1328] : memref<26x16384xi32, #tpu.memory_space<hbm>> -> memref<1x16384xi32, #tpu.memory_space<hbm>>
      %dma_wait3A_1330 = tpu.memref_squeeze %dma_wait3A_1329 : memref<1x16384xi32, #tpu.memory_space<hbm>> -> memref<16384xi32, #tpu.memory_space<hbm>>
      %dma_wait3A_1331 = arith.constant 0 : i32
      %dma_wait3A_1332 = tpu.memref_slice %arg3[%div3A_498, %dma_wait3A_1331] : memref<26x16384xi32, #tpu.memory_space<hbm>> -> memref<1x16384xi32, #tpu.memory_space<hbm>>
      %dma_wait3A_1333 = tpu.memref_squeeze %dma_wait3A_1332 : memref<1x16384xi32, #tpu.memory_space<hbm>> -> memref<16384xi32, #tpu.memory_space<hbm>>
      tpu.wait_dma2 semaphore(%arg11 : memref<!tpu.dma_semaphore, #tpu.memory_space<semaphore_mem>>) src(%dma_wait3A_1333 : memref<16384xi32, #tpu.memory_space<hbm>>) dst(%arg7 : memref<16384xi32, #tpu.memory_space<vmem>>)
    } else {
    }
    %dma_wait3A_512 = arith.constant 0 : i32
    %dma_wait3A_513 = tpu.memref_slice %arg4[%div3A_498, %rem3A_500, %dma_wait3A_512] : memref<26x16x100000xf32, #tpu.memory_space<hbm>> -> memref<1x1x100000xf32, #tpu.memory_space<hbm>>
    %dma_wait3A_514 = tpu.memref_squeeze %dma_wait3A_513 : memref<1x1x100000xf32, #tpu.memory_space<hbm>> -> memref<100000xf32, #tpu.memory_space<hbm>>
    %dma_wait3A_515 = arith.constant 0 : i32
    %dma_wait3A_516 = tpu.memref_slice %arg4[%div3A_498, %rem3A_500, %dma_wait3A_515] : memref<26x16x100000xf32, #tpu.memory_space<hbm>> -> memref<1x1x100000xf32, #tpu.memory_space<hbm>>
    %dma_wait3A_517 = tpu.memref_squeeze %dma_wait3A_516 : memref<1x1x100000xf32, #tpu.memory_space<hbm>> -> memref<100000xf32, #tpu.memory_space<hbm>>
    tpu.wait_dma2 semaphore(%arg10 : memref<!tpu.dma_semaphore, #tpu.memory_space<semaphore_mem>>) src(%dma_wait3A_517 : memref<100000xf32, #tpu.memory_space<hbm>>) dst(%arg6 : memref<100000xf32, #tpu.memory_space<vmem>>)
    %add3A_518 = arith.constant 13 : i32
    %add3A_519 = arith.addi %add3A_518, %add3A_496 : i32
    %dma_wait3A_520 = arith.constant 0 : i32
    %dma_wait3A_521 = tpu.memref_slice %arg5[%add3A_519, %dma_wait3A_520] : memref<429x16384xf32, #tpu.memory_space<hbm>> -> memref<1x4096xf32, #tpu.memory_space<hbm>>
    %dma_wait3A_522 = tpu.memref_squeeze %dma_wait3A_521 : memref<1x4096xf32, #tpu.memory_space<hbm>> -> memref<4096xf32, #tpu.memory_space<hbm>>
    %dma_wait3A_523 = arith.constant 0 : i32
    %dma_wait3A_524 = tpu.memref_slice %arg5[%add3A_519, %dma_wait3A_523] : memref<429x16384xf32, #tpu.memory_space<hbm>> -> memref<1x4096xf32, #tpu.memory_space<hbm>>
    %dma_wait3A_525 = tpu.memref_squeeze %dma_wait3A_524 : memref<1x4096xf32, #tpu.memory_space<hbm>> -> memref<4096xf32, #tpu.memory_space<hbm>>
    tpu.wait_dma2 semaphore(%arg12 : memref<!tpu.dma_semaphore, #tpu.memory_space<semaphore_mem>>) src(%arg8 : memref<4096xf32, #tpu.memory_space<vmem>>) dst(%dma_wait3A_525 : memref<4096xf32, #tpu.memory_space<hbm>>)
    %parallel_loop3A_526 = arith.constant 0 : i32
    %parallel_loop3A_527 = arith.constant 256 : i32
    %parallel_loop3A_528 = arith.constant 1 : i32
    scf.for %parallel_loop3A_1322 = %parallel_loop3A_526 to %parallel_loop3A_527 step %parallel_loop3A_528  : i32 {
      %parallel_loop3A_1323 = arith.constant 16 : i32
      %parallel_loop3A_1324 = arith.muli %parallel_loop3A_1322, %parallel_loop3A_1323 : i32
      %parallel_loop3A_1325 = arith.constant 16 : i32
      %parallel_loop3A_1326 = arith.muli %parallel_loop3A_1322, %parallel_loop3A_1325 : i32
      %parallel_loop3A_1327 = arith.constant 0 : i32
      %parallel_loop3A_1328 = arith.addi %parallel_loop3A_1327, %parallel_loop3A_1326 : i32
      %parallel_loop3A_1329 = arith.index_cast %parallel_loop3A_1328 : i32 to index
      %parallel_loop3A_1330 = tpu.vector_load %arg7[%parallel_loop3A_1329] {strides = array<i32>} : memref<16384xi32, #tpu.memory_space<vmem>>, vector<16xi32>,
      %parallel_loop3A_1331 = tpu.vector_load_idx %arg6[%parallel_loop3A_1330] : memref<100000xf32, #tpu.memory_space<vmem>>[vector<16xi32>], vector<16xf32>,
      %parallel_loop3A_1332 = arith.index_cast %parallel_loop3A_1324 : i32 to index
      %parallel_loop3A_1333 = tpu.vector_load %arg8[%parallel_loop3A_1332] {strides = array<i32>} : memref<4096xf32, #tpu.memory_space<vmem>>, vector<16xf32>,
      tpu.vector_store %arg8[%parallel_loop3A_1332], %parallel_loop3A_1331 {strides = array<i32>} : memref<4096xf32, #tpu.memory_space<vmem>>, vector<16xf32>,
    } {sc.loop_unroll_factor = 8 : i64, sc.parallel_access}
    %add3A_529 = arith.constant 13 : i32
    %add3A_530 = arith.addi %add3A_529, %add3A_496 : i32
    %dma_start3A_531 = arith.constant 0 : i32
    %dma_start3A_532 = tpu.memref_slice %arg5[%add3A_530, %dma_start3A_531] : memref<429x16384xf32, #tpu.memory_space<hbm>> -> memref<1x4096xf32, #tpu.memory_space<hbm>>
    %dma_start3A_533 = tpu.memref_squeeze %dma_start3A_532 : memref<1x4096xf32, #tpu.memory_space<hbm>> -> memref<4096xf32, #tpu.memory_space<hbm>>
    %dma_start3A_534 = arith.constant 0 : i32
    %dma_start3A_535 = tpu.memref_slice %arg5[%add3A_530, %dma_start3A_534] : memref<429x16384xf32, #tpu.memory_space<hbm>> -> memref<1x4096xf32, #tpu.memory_space<hbm>>
    %dma_start3A_536 = tpu.memref_squeeze %dma_start3A_535 : memref<1x4096xf32, #tpu.memory_space<hbm>> -> memref<4096xf32, #tpu.memory_space<hbm>>
    tpu.enqueue_dma source(%arg8 : memref<4096xf32, #tpu.memory_space<vmem>>) target(%dma_start3A_536 : memref<4096xf32, #tpu.memory_space<hbm>>) target_semaphore(%arg12 : memref<!tpu.dma_semaphore, #tpu.memory_space<semaphore_mem>>)
    %add3A_537 = arith.constant 13 : i32
    %add3A_538 = arith.addi %add3A_537, %add3A_496 : i32
    %dma_wait3A_539 = arith.constant 4096 : i32
    %dma_wait3A_540 = tpu.memref_slice %arg5[%add3A_538, %dma_wait3A_539] : memref<429x16384xf32, #tpu.memory_space<hbm>> -> memref<1x4096xf32, #tpu.memory_space<hbm>>
    %dma_wait3A_541 = tpu.memref_squeeze %dma_wait3A_540 : memref<1x4096xf32, #tpu.memory_space<hbm>> -> memref<4096xf32, #tpu.memory_space<hbm>>
    %dma_wait3A_542 = arith.constant 4096 : i32
    %dma_wait3A_543 = tpu.memref_slice %arg5[%add3A_538, %dma_wait3A_542] : memref<429x16384xf32, #tpu.memory_space<hbm>> -> memref<1x4096xf32, #tpu.memory_space<hbm>>
    %dma_wait3A_544 = tpu.memref_squeeze %dma_wait3A_543 : memref<1x4096xf32, #tpu.memory_space<hbm>> -> memref<4096xf32, #tpu.memory_space<hbm>>
    tpu.wait_dma2 semaphore(%arg13 : memref<!tpu.dma_semaphore, #tpu.memory_space<semaphore_mem>>) src(%arg9 : memref<4096xf32, #tpu.memory_space<vmem>>) dst(%dma_wait3A_544 : memref<4096xf32, #tpu.memory_space<hbm>>)
    %parallel_loop3A_545 = arith.constant 0 : i32
    %parallel_loop3A_546 = arith.constant 256 : i32
    %parallel_loop3A_547 = arith.constant 1 : i32
    scf.for %parallel_loop3A_1322 = %parallel_loop3A_545 to %parallel_loop3A_546 step %parallel_loop3A_547  : i32 {
      %parallel_loop3A_1323 = arith.constant 16 : i32
      %parallel_loop3A_1324 = arith.muli %parallel_loop3A_1322, %parallel_loop3A_1323 : i32
      %parallel_loop3A_1325 = arith.constant 16 : i32
      %parallel_loop3A_1326 = arith.muli %parallel_loop3A_1322, %parallel_loop3A_1325 : i32
      %parallel_loop3A_1327 = arith.constant 4096 : i32
      %parallel_loop3A_1328 = arith.addi %parallel_loop3A_1327, %parallel_loop3A_1326 : i32
      %parallel_loop3A_1329 = arith.index_cast %parallel_loop3A_1328 : i32 to index
      %parallel_loop3A_1330 = tpu.vector_load %arg7[%parallel_loop3A_1329] {strides = array<i32>} : memref<16384xi32, #tpu.memory_space<vmem>>, vector<16xi32>,
      %parallel_loop3A_1331 = tpu.vector_load_idx %arg6[%parallel_loop3A_1330] : memref<100000xf32, #tpu.memory_space<vmem>>[vector<16xi32>], vector<16xf32>,
      %parallel_loop3A_1332 = arith.index_cast %parallel_loop3A_1324 : i32 to index
      %parallel_loop3A_1333 = tpu.vector_load %arg9[%parallel_loop3A_1332] {strides = array<i32>} : memref<4096xf32, #tpu.memory_space<vmem>>, vector<16xf32>,
      tpu.vector_store %arg9[%parallel_loop3A_1332], %parallel_loop3A_1331 {strides = array<i32>} : memref<4096xf32, #tpu.memory_space<vmem>>, vector<16xf32>,
    } {sc.loop_unroll_factor = 8 : i64, sc.parallel_access}
    %add3A_548 = arith.constant 13 : i32
    %add3A_549 = arith.addi %add3A_548, %add3A_496 : i32
    %dma_start3A_550 = arith.constant 4096 : i32
    %dma_start3A_551 = tpu.memref_slice %arg5[%add3A_549, %dma_start3A_550] : memref<429x16384xf32, #tpu.memory_space<hbm>> -> memref<1x4096xf32, #tpu.memory_space<hbm>>
    %dma_start3A_552 = tpu.memref_squeeze %dma_start3A_551 : memref<1x4096xf32, #tpu.memory_space<hbm>> -> memref<4096xf32, #tpu.memory_space<hbm>>
    %dma_start3A_553 = arith.constant 4096 : i32
    %dma_start3A_554 = tpu.memref_slice %arg5[%add3A_549, %dma_start3A_553] : memref<429x16384xf32, #tpu.memory_space<hbm>> -> memref<1x4096xf32, #tpu.memory_space<hbm>>
    %dma_start3A_555 = tpu.memref_squeeze %dma_start3A_554 : memref<1x4096xf32, #tpu.memory_space<hbm>> -> memref<4096xf32, #tpu.memory_space<hbm>>
    tpu.enqueue_dma source(%arg9 : memref<4096xf32, #tpu.memory_space<vmem>>) target(%dma_start3A_555 : memref<4096xf32, #tpu.memory_space<hbm>>) target_semaphore(%arg13 : memref<!tpu.dma_semaphore, #tpu.memory_space<semaphore_mem>>)
    %add3A_556 = arith.constant 13 : i32
    %add3A_557 = arith.addi %add3A_556, %add3A_496 : i32
    %dma_wait3A_558 = arith.constant 8192 : i32
    %dma_wait3A_559 = tpu.memref_slice %arg5[%add3A_557, %dma_wait3A_558] : memref<429x16384xf32, #tpu.memory_space<hbm>> -> memref<1x4096xf32, #tpu.memory_space<hbm>>
    %dma_wait3A_560 = tpu.memref_squeeze %dma_wait3A_559 : memref<1x4096xf32, #tpu.memory_space<hbm>> -> memref<4096xf32, #tpu.memory_space<hbm>>
    %dma_wait3A_561 = arith.constant 8192 : i32
    %dma_wait3A_562 = tpu.memref_slice %arg5[%add3A_557, %dma_wait3A_561] : memref<429x16384xf32, #tpu.memory_space<hbm>> -> memref<1x4096xf32, #tpu.memory_space<hbm>>
    %dma_wait3A_563 = tpu.memref_squeeze %dma_wait3A_562 : memref<1x4096xf32, #tpu.memory_space<hbm>> -> memref<4096xf32, #tpu.memory_space<hbm>>
    tpu.wait_dma2 semaphore(%arg12 : memref<!tpu.dma_semaphore, #tpu.memory_space<semaphore_mem>>) src(%arg8 : memref<4096xf32, #tpu.memory_space<vmem>>) dst(%dma_wait3A_563 : memref<4096xf32, #tpu.memory_space<hbm>>)
    %parallel_loop3A_564 = arith.constant 0 : i32
    %parallel_loop3A_565 = arith.constant 256 : i32
    %parallel_loop3A_566 = arith.constant 1 : i32
    scf.for %parallel_loop3A_1322 = %parallel_loop3A_564 to %parallel_loop3A_565 step %parallel_loop3A_566  : i32 {
      %parallel_loop3A_1323 = arith.constant 16 : i32
      %parallel_loop3A_1324 = arith.muli %parallel_loop3A_1322, %parallel_loop3A_1323 : i32
      %parallel_loop3A_1325 = arith.constant 16 : i32
      %parallel_loop3A_1326 = arith.muli %parallel_loop3A_1322, %parallel_loop3A_1325 : i32
      %parallel_loop3A_1327 = arith.constant 8192 : i32
      %parallel_loop3A_1328 = arith.addi %parallel_loop3A_1327, %parallel_loop3A_1326 : i32
      %parallel_loop3A_1329 = arith.index_cast %parallel_loop3A_1328 : i32 to index
      %parallel_loop3A_1330 = tpu.vector_load %arg7[%parallel_loop3A_1329] {strides = array<i32>} : memref<16384xi32, #tpu.memory_space<vmem>>, vector<16xi32>,
      %parallel_loop3A_1331 = tpu.vector_load_idx %arg6[%parallel_loop3A_1330] : memref<100000xf32, #tpu.memory_space<vmem>>[vector<16xi32>], vector<16xf32>,
      %parallel_loop3A_1332 = arith.index_cast %parallel_loop3A_1324 : i32 to index
      %parallel_loop3A_1333 = tpu.vector_load %arg8[%parallel_loop3A_1332] {strides = array<i32>} : memref<4096xf32, #tpu.memory_space<vmem>>, vector<16xf32>,
      tpu.vector_store %arg8[%parallel_loop3A_1332], %parallel_loop3A_1331 {strides = array<i32>} : memref<4096xf32, #tpu.memory_space<vmem>>, vector<16xf32>,
    } {sc.loop_unroll_factor = 8 : i64, sc.parallel_access}
    %add3A_567 = arith.constant 13 : i32
    %add3A_568 = arith.addi %add3A_567, %add3A_496 : i32
    %dma_start3A_569 = arith.constant 8192 : i32
    %dma_start3A_570 = tpu.memref_slice %arg5[%add3A_568, %dma_start3A_569] : memref<429x16384xf32, #tpu.memory_space<hbm>> -> memref<1x4096xf32, #tpu.memory_space<hbm>>
    %dma_start3A_571 = tpu.memref_squeeze %dma_start3A_570 : memref<1x4096xf32, #tpu.memory_space<hbm>> -> memref<4096xf32, #tpu.memory_space<hbm>>
    %dma_start3A_572 = arith.constant 8192 : i32
    %dma_start3A_573 = tpu.memref_slice %arg5[%add3A_568, %dma_start3A_572] : memref<429x16384xf32, #tpu.memory_space<hbm>> -> memref<1x4096xf32, #tpu.memory_space<hbm>>
    %dma_start3A_574 = tpu.memref_squeeze %dma_start3A_573 : memref<1x4096xf32, #tpu.memory_space<hbm>> -> memref<4096xf32, #tpu.memory_space<hbm>>
    tpu.enqueue_dma source(%arg8 : memref<4096xf32, #tpu.memory_space<vmem>>) target(%dma_start3A_574 : memref<4096xf32, #tpu.memory_space<hbm>>) target_semaphore(%arg12 : memref<!tpu.dma_semaphore, #tpu.memory_space<semaphore_mem>>)
    %add3A_575 = arith.constant 13 : i32
    %add3A_576 = arith.addi %add3A_575, %add3A_496 : i32
    %dma_wait3A_577 = arith.constant 12288 : i32
    %dma_wait3A_578 = tpu.memref_slice %arg5[%add3A_576, %dma_wait3A_577] : memref<429x16384xf32, #tpu.memory_space<hbm>> -> memref<1x4096xf32, #tpu.memory_space<hbm>>
    %dma_wait3A_579 = tpu.memref_squeeze %dma_wait3A_578 : memref<1x4096xf32, #tpu.memory_space<hbm>> -> memref<4096xf32, #tpu.memory_space<hbm>>
    %dma_wait3A_580 = arith.constant 12288 : i32
    %dma_wait3A_581 = tpu.memref_slice %arg5[%add3A_576, %dma_wait3A_580] : memref<429x16384xf32, #tpu.memory_space<hbm>> -> memref<1x4096xf32, #tpu.memory_space<hbm>>
    %dma_wait3A_582 = tpu.memref_squeeze %dma_wait3A_581 : memref<1x4096xf32, #tpu.memory_space<hbm>> -> memref<4096xf32, #tpu.memory_space<hbm>>
    tpu.wait_dma2 semaphore(%arg13 : memref<!tpu.dma_semaphore, #tpu.memory_space<semaphore_mem>>) src(%arg9 : memref<4096xf32, #tpu.memory_space<vmem>>) dst(%dma_wait3A_582 : memref<4096xf32, #tpu.memory_space<hbm>>)
    %parallel_loop3A_583 = arith.constant 0 : i32
    %parallel_loop3A_584 = arith.constant 256 : i32
    %parallel_loop3A_585 = arith.constant 1 : i32
    scf.for %parallel_loop3A_1322 = %parallel_loop3A_583 to %parallel_loop3A_584 step %parallel_loop3A_585  : i32 {
      %parallel_loop3A_1323 = arith.constant 16 : i32
      %parallel_loop3A_1324 = arith.muli %parallel_loop3A_1322, %parallel_loop3A_1323 : i32
      %parallel_loop3A_1325 = arith.constant 16 : i32
      %parallel_loop3A_1326 = arith.muli %parallel_loop3A_1322, %parallel_loop3A_1325 : i32
      %parallel_loop3A_1327 = arith.constant 12288 : i32
      %parallel_loop3A_1328 = arith.addi %parallel_loop3A_1327, %parallel_loop3A_1326 : i32
      %parallel_loop3A_1329 = arith.index_cast %parallel_loop3A_1328 : i32 to index
      %parallel_loop3A_1330 = tpu.vector_load %arg7[%parallel_loop3A_1329] {strides = array<i32>} : memref<16384xi32, #tpu.memory_space<vmem>>, vector<16xi32>,
      %parallel_loop3A_1331 = tpu.vector_load_idx %arg6[%parallel_loop3A_1330] : memref<100000xf32, #tpu.memory_space<vmem>>[vector<16xi32>], vector<16xf32>,
      %parallel_loop3A_1332 = arith.index_cast %parallel_loop3A_1324 : i32 to index
      %parallel_loop3A_1333 = tpu.vector_load %arg9[%parallel_loop3A_1332] {strides = array<i32>} : memref<4096xf32, #tpu.memory_space<vmem>>, vector<16xf32>,
      tpu.vector_store %arg9[%parallel_loop3A_1332], %parallel_loop3A_1331 {strides = array<i32>} : memref<4096xf32, #tpu.memory_space<vmem>>, vector<16xf32>,
    } {sc.loop_unroll_factor = 8 : i64, sc.parallel_access}
    %add3A_586 = arith.constant 13 : i32
    %add3A_587 = arith.addi %add3A_586, %add3A_496 : i32
    %dma_start3A_588 = arith.constant 12288 : i32
    %dma_start3A_589 = tpu.memref_slice %arg5[%add3A_587, %dma_start3A_588] : memref<429x16384xf32, #tpu.memory_space<hbm>> -> memref<1x4096xf32, #tpu.memory_space<hbm>>
    %dma_start3A_590 = tpu.memref_squeeze %dma_start3A_589 : memref<1x4096xf32, #tpu.memory_space<hbm>> -> memref<4096xf32, #tpu.memory_space<hbm>>
    %dma_start3A_591 = arith.constant 12288 : i32
    %dma_start3A_592 = tpu.memref_slice %arg5[%add3A_587, %dma_start3A_591] : memref<429x16384xf32, #tpu.memory_space<hbm>> -> memref<1x4096xf32, #tpu.memory_space<hbm>>
    %dma_start3A_593 = tpu.memref_squeeze %dma_start3A_592 : memref<1x4096xf32, #tpu.memory_space<hbm>> -> memref<4096xf32, #tpu.memory_space<hbm>>
    tpu.enqueue_dma source(%arg9 : memref<4096xf32, #tpu.memory_space<vmem>>) target(%dma_start3A_593 : memref<4096xf32, #tpu.memory_space<hbm>>) target_semaphore(%arg13 : memref<!tpu.dma_semaphore, #tpu.memory_space<semaphore_mem>>)
    %mul3A_594 = arith.constant 13 : i32
    %mul3A_595 = arith.muli %add3A, %mul3A_594 : i32
    %add3A_596 = arith.constant 6 : i32
    %add3A_597 = arith.addi %mul3A_595, %add3A_596 : i32
    %div3A_598 = arith.constant 16 : i32
    %div3A_599 = arith.divsi %add3A_597, %div3A_598 : i32
    %rem3A_600 = arith.constant 16 : i32
    %rem3A_601 = arith.remsi %add3A_597, %rem3A_600 : i32
    %dma_start3A_602 = arith.constant 0 : i32
    %dma_start3A_603 = tpu.memref_slice %arg4[%div3A_599, %rem3A_601, %dma_start3A_602] : memref<26x16x100000xf32, #tpu.memory_space<hbm>> -> memref<1x1x100000xf32, #tpu.memory_space<hbm>>
    %dma_start3A_604 = tpu.memref_squeeze %dma_start3A_603 : memref<1x1x100000xf32, #tpu.memory_space<hbm>> -> memref<100000xf32, #tpu.memory_space<hbm>>
    %dma_start3A_605 = arith.constant 0 : i32
    %dma_start3A_606 = tpu.memref_slice %arg4[%div3A_599, %rem3A_601, %dma_start3A_605] : memref<26x16x100000xf32, #tpu.memory_space<hbm>> -> memref<1x1x100000xf32, #tpu.memory_space<hbm>>
    %dma_start3A_607 = tpu.memref_squeeze %dma_start3A_606 : memref<1x1x100000xf32, #tpu.memory_space<hbm>> -> memref<100000xf32, #tpu.memory_space<hbm>>
    tpu.enqueue_dma source(%dma_start3A_607 : memref<100000xf32, #tpu.memory_space<hbm>>) target(%arg6 : memref<100000xf32, #tpu.memory_space<vmem>>) target_semaphore(%arg10 : memref<!tpu.dma_semaphore, #tpu.memory_space<semaphore_mem>>)
    %eq3A_608 = arith.constant 0 : i32
    %eq3A_609 = arith.cmpi eq, %rem3A_601, %eq3A_608 : i32
    %convert_element_type3A_610 = arith.extui %eq3A_609 : i1 to i32
    %cond3A_611 = arith.constant 0 : i32
    %cond3A_612 = arith.cmpi ne, %convert_element_type3A_610, %cond3A_611 : i32
    scf.if %cond3A_612 {
      %dma_start3A_1322 = arith.constant 0 : i32
      %dma_start3A_1323 = tpu.memref_slice %arg3[%div3A_599, %dma_start3A_1322] : memref<26x16384xi32, #tpu.memory_space<hbm>> -> memref<1x16384xi32, #tpu.memory_space<hbm>>
      %dma_start3A_1324 = tpu.memref_squeeze %dma_start3A_1323 : memref<1x16384xi32, #tpu.memory_space<hbm>> -> memref<16384xi32, #tpu.memory_space<hbm>>
      %dma_start3A_1325 = arith.constant 0 : i32
      %dma_start3A_1326 = tpu.memref_slice %arg3[%div3A_599, %dma_start3A_1325] : memref<26x16384xi32, #tpu.memory_space<hbm>> -> memref<1x16384xi32, #tpu.memory_space<hbm>>
      %dma_start3A_1327 = tpu.memref_squeeze %dma_start3A_1326 : memref<1x16384xi32, #tpu.memory_space<hbm>> -> memref<16384xi32, #tpu.memory_space<hbm>>
      tpu.enqueue_dma source(%dma_start3A_1327 : memref<16384xi32, #tpu.memory_space<hbm>>) target(%arg7 : memref<16384xi32, #tpu.memory_space<vmem>>) target_semaphore(%arg11 : memref<!tpu.dma_semaphore, #tpu.memory_space<semaphore_mem>>)
      %dma_wait3A_1328 = arith.constant 0 : i32
      %dma_wait3A_1329 = tpu.memref_slice %arg3[%div3A_599, %dma_wait3A_1328] : memref<26x16384xi32, #tpu.memory_space<hbm>> -> memref<1x16384xi32, #tpu.memory_space<hbm>>
      %dma_wait3A_1330 = tpu.memref_squeeze %dma_wait3A_1329 : memref<1x16384xi32, #tpu.memory_space<hbm>> -> memref<16384xi32, #tpu.memory_space<hbm>>
      %dma_wait3A_1331 = arith.constant 0 : i32
      %dma_wait3A_1332 = tpu.memref_slice %arg3[%div3A_599, %dma_wait3A_1331] : memref<26x16384xi32, #tpu.memory_space<hbm>> -> memref<1x16384xi32, #tpu.memory_space<hbm>>
      %dma_wait3A_1333 = tpu.memref_squeeze %dma_wait3A_1332 : memref<1x16384xi32, #tpu.memory_space<hbm>> -> memref<16384xi32, #tpu.memory_space<hbm>>
      tpu.wait_dma2 semaphore(%arg11 : memref<!tpu.dma_semaphore, #tpu.memory_space<semaphore_mem>>) src(%dma_wait3A_1333 : memref<16384xi32, #tpu.memory_space<hbm>>) dst(%arg7 : memref<16384xi32, #tpu.memory_space<vmem>>)
    } else {
    }
    %dma_wait3A_613 = arith.constant 0 : i32
    %dma_wait3A_614 = tpu.memref_slice %arg4[%div3A_599, %rem3A_601, %dma_wait3A_613] : memref<26x16x100000xf32, #tpu.memory_space<hbm>> -> memref<1x1x100000xf32, #tpu.memory_space<hbm>>
    %dma_wait3A_615 = tpu.memref_squeeze %dma_wait3A_614 : memref<1x1x100000xf32, #tpu.memory_space<hbm>> -> memref<100000xf32, #tpu.memory_space<hbm>>
    %dma_wait3A_616 = arith.constant 0 : i32
    %dma_wait3A_617 = tpu.memref_slice %arg4[%div3A_599, %rem3A_601, %dma_wait3A_616] : memref<26x16x100000xf32, #tpu.memory_space<hbm>> -> memref<1x1x100000xf32, #tpu.memory_space<hbm>>
    %dma_wait3A_618 = tpu.memref_squeeze %dma_wait3A_617 : memref<1x1x100000xf32, #tpu.memory_space<hbm>> -> memref<100000xf32, #tpu.memory_space<hbm>>
    tpu.wait_dma2 semaphore(%arg10 : memref<!tpu.dma_semaphore, #tpu.memory_space<semaphore_mem>>) src(%dma_wait3A_618 : memref<100000xf32, #tpu.memory_space<hbm>>) dst(%arg6 : memref<100000xf32, #tpu.memory_space<vmem>>)
    %add3A_619 = arith.constant 13 : i32
    %add3A_620 = arith.addi %add3A_619, %add3A_597 : i32
    %dma_wait3A_621 = arith.constant 0 : i32
    %dma_wait3A_622 = tpu.memref_slice %arg5[%add3A_620, %dma_wait3A_621] : memref<429x16384xf32, #tpu.memory_space<hbm>> -> memref<1x4096xf32, #tpu.memory_space<hbm>>
    %dma_wait3A_623 = tpu.memref_squeeze %dma_wait3A_622 : memref<1x4096xf32, #tpu.memory_space<hbm>> -> memref<4096xf32, #tpu.memory_space<hbm>>
    %dma_wait3A_624 = arith.constant 0 : i32
    %dma_wait3A_625 = tpu.memref_slice %arg5[%add3A_620, %dma_wait3A_624] : memref<429x16384xf32, #tpu.memory_space<hbm>> -> memref<1x4096xf32, #tpu.memory_space<hbm>>
    %dma_wait3A_626 = tpu.memref_squeeze %dma_wait3A_625 : memref<1x4096xf32, #tpu.memory_space<hbm>> -> memref<4096xf32, #tpu.memory_space<hbm>>
    tpu.wait_dma2 semaphore(%arg12 : memref<!tpu.dma_semaphore, #tpu.memory_space<semaphore_mem>>) src(%arg8 : memref<4096xf32, #tpu.memory_space<vmem>>) dst(%dma_wait3A_626 : memref<4096xf32, #tpu.memory_space<hbm>>)
    %parallel_loop3A_627 = arith.constant 0 : i32
    %parallel_loop3A_628 = arith.constant 256 : i32
    %parallel_loop3A_629 = arith.constant 1 : i32
    scf.for %parallel_loop3A_1322 = %parallel_loop3A_627 to %parallel_loop3A_628 step %parallel_loop3A_629  : i32 {
      %parallel_loop3A_1323 = arith.constant 16 : i32
      %parallel_loop3A_1324 = arith.muli %parallel_loop3A_1322, %parallel_loop3A_1323 : i32
      %parallel_loop3A_1325 = arith.constant 16 : i32
      %parallel_loop3A_1326 = arith.muli %parallel_loop3A_1322, %parallel_loop3A_1325 : i32
      %parallel_loop3A_1327 = arith.constant 0 : i32
      %parallel_loop3A_1328 = arith.addi %parallel_loop3A_1327, %parallel_loop3A_1326 : i32
      %parallel_loop3A_1329 = arith.index_cast %parallel_loop3A_1328 : i32 to index
      %parallel_loop3A_1330 = tpu.vector_load %arg7[%parallel_loop3A_1329] {strides = array<i32>} : memref<16384xi32, #tpu.memory_space<vmem>>, vector<16xi32>,
      %parallel_loop3A_1331 = tpu.vector_load_idx %arg6[%parallel_loop3A_1330] : memref<100000xf32, #tpu.memory_space<vmem>>[vector<16xi32>], vector<16xf32>,
      %parallel_loop3A_1332 = arith.index_cast %parallel_loop3A_1324 : i32 to index
      %parallel_loop3A_1333 = tpu.vector_load %arg8[%parallel_loop3A_1332] {strides = array<i32>} : memref<4096xf32, #tpu.memory_space<vmem>>, vector<16xf32>,
      tpu.vector_store %arg8[%parallel_loop3A_1332], %parallel_loop3A_1331 {strides = array<i32>} : memref<4096xf32, #tpu.memory_space<vmem>>, vector<16xf32>,
    } {sc.loop_unroll_factor = 8 : i64, sc.parallel_access}
    %add3A_630 = arith.constant 13 : i32
    %add3A_631 = arith.addi %add3A_630, %add3A_597 : i32
    %dma_start3A_632 = arith.constant 0 : i32
    %dma_start3A_633 = tpu.memref_slice %arg5[%add3A_631, %dma_start3A_632] : memref<429x16384xf32, #tpu.memory_space<hbm>> -> memref<1x4096xf32, #tpu.memory_space<hbm>>
    %dma_start3A_634 = tpu.memref_squeeze %dma_start3A_633 : memref<1x4096xf32, #tpu.memory_space<hbm>> -> memref<4096xf32, #tpu.memory_space<hbm>>
    %dma_start3A_635 = arith.constant 0 : i32
    %dma_start3A_636 = tpu.memref_slice %arg5[%add3A_631, %dma_start3A_635] : memref<429x16384xf32, #tpu.memory_space<hbm>> -> memref<1x4096xf32, #tpu.memory_space<hbm>>
    %dma_start3A_637 = tpu.memref_squeeze %dma_start3A_636 : memref<1x4096xf32, #tpu.memory_space<hbm>> -> memref<4096xf32, #tpu.memory_space<hbm>>
    tpu.enqueue_dma source(%arg8 : memref<4096xf32, #tpu.memory_space<vmem>>) target(%dma_start3A_637 : memref<4096xf32, #tpu.memory_space<hbm>>) target_semaphore(%arg12 : memref<!tpu.dma_semaphore, #tpu.memory_space<semaphore_mem>>)
    %add3A_638 = arith.constant 13 : i32
    %add3A_639 = arith.addi %add3A_638, %add3A_597 : i32
    %dma_wait3A_640 = arith.constant 4096 : i32
    %dma_wait3A_641 = tpu.memref_slice %arg5[%add3A_639, %dma_wait3A_640] : memref<429x16384xf32, #tpu.memory_space<hbm>> -> memref<1x4096xf32, #tpu.memory_space<hbm>>
    %dma_wait3A_642 = tpu.memref_squeeze %dma_wait3A_641 : memref<1x4096xf32, #tpu.memory_space<hbm>> -> memref<4096xf32, #tpu.memory_space<hbm>>
    %dma_wait3A_643 = arith.constant 4096 : i32
    %dma_wait3A_644 = tpu.memref_slice %arg5[%add3A_639, %dma_wait3A_643] : memref<429x16384xf32, #tpu.memory_space<hbm>> -> memref<1x4096xf32, #tpu.memory_space<hbm>>
    %dma_wait3A_645 = tpu.memref_squeeze %dma_wait3A_644 : memref<1x4096xf32, #tpu.memory_space<hbm>> -> memref<4096xf32, #tpu.memory_space<hbm>>
    tpu.wait_dma2 semaphore(%arg13 : memref<!tpu.dma_semaphore, #tpu.memory_space<semaphore_mem>>) src(%arg9 : memref<4096xf32, #tpu.memory_space<vmem>>) dst(%dma_wait3A_645 : memref<4096xf32, #tpu.memory_space<hbm>>)
    %parallel_loop3A_646 = arith.constant 0 : i32
    %parallel_loop3A_647 = arith.constant 256 : i32
    %parallel_loop3A_648 = arith.constant 1 : i32
    scf.for %parallel_loop3A_1322 = %parallel_loop3A_646 to %parallel_loop3A_647 step %parallel_loop3A_648  : i32 {
      %parallel_loop3A_1323 = arith.constant 16 : i32
      %parallel_loop3A_1324 = arith.muli %parallel_loop3A_1322, %parallel_loop3A_1323 : i32
      %parallel_loop3A_1325 = arith.constant 16 : i32
      %parallel_loop3A_1326 = arith.muli %parallel_loop3A_1322, %parallel_loop3A_1325 : i32
      %parallel_loop3A_1327 = arith.constant 4096 : i32
      %parallel_loop3A_1328 = arith.addi %parallel_loop3A_1327, %parallel_loop3A_1326 : i32
      %parallel_loop3A_1329 = arith.index_cast %parallel_loop3A_1328 : i32 to index
      %parallel_loop3A_1330 = tpu.vector_load %arg7[%parallel_loop3A_1329] {strides = array<i32>} : memref<16384xi32, #tpu.memory_space<vmem>>, vector<16xi32>,
      %parallel_loop3A_1331 = tpu.vector_load_idx %arg6[%parallel_loop3A_1330] : memref<100000xf32, #tpu.memory_space<vmem>>[vector<16xi32>], vector<16xf32>,
      %parallel_loop3A_1332 = arith.index_cast %parallel_loop3A_1324 : i32 to index
      %parallel_loop3A_1333 = tpu.vector_load %arg9[%parallel_loop3A_1332] {strides = array<i32>} : memref<4096xf32, #tpu.memory_space<vmem>>, vector<16xf32>,
      tpu.vector_store %arg9[%parallel_loop3A_1332], %parallel_loop3A_1331 {strides = array<i32>} : memref<4096xf32, #tpu.memory_space<vmem>>, vector<16xf32>,
    } {sc.loop_unroll_factor = 8 : i64, sc.parallel_access}
    %add3A_649 = arith.constant 13 : i32
    %add3A_650 = arith.addi %add3A_649, %add3A_597 : i32
    %dma_start3A_651 = arith.constant 4096 : i32
    %dma_start3A_652 = tpu.memref_slice %arg5[%add3A_650, %dma_start3A_651] : memref<429x16384xf32, #tpu.memory_space<hbm>> -> memref<1x4096xf32, #tpu.memory_space<hbm>>
    %dma_start3A_653 = tpu.memref_squeeze %dma_start3A_652 : memref<1x4096xf32, #tpu.memory_space<hbm>> -> memref<4096xf32, #tpu.memory_space<hbm>>
    %dma_start3A_654 = arith.constant 4096 : i32
    %dma_start3A_655 = tpu.memref_slice %arg5[%add3A_650, %dma_start3A_654] : memref<429x16384xf32, #tpu.memory_space<hbm>> -> memref<1x4096xf32, #tpu.memory_space<hbm>>
    %dma_start3A_656 = tpu.memref_squeeze %dma_start3A_655 : memref<1x4096xf32, #tpu.memory_space<hbm>> -> memref<4096xf32, #tpu.memory_space<hbm>>
    tpu.enqueue_dma source(%arg9 : memref<4096xf32, #tpu.memory_space<vmem>>) target(%dma_start3A_656 : memref<4096xf32, #tpu.memory_space<hbm>>) target_semaphore(%arg13 : memref<!tpu.dma_semaphore, #tpu.memory_space<semaphore_mem>>)
    %add3A_657 = arith.constant 13 : i32
    %add3A_658 = arith.addi %add3A_657, %add3A_597 : i32
    %dma_wait3A_659 = arith.constant 8192 : i32
    %dma_wait3A_660 = tpu.memref_slice %arg5[%add3A_658, %dma_wait3A_659] : memref<429x16384xf32, #tpu.memory_space<hbm>> -> memref<1x4096xf32, #tpu.memory_space<hbm>>
    %dma_wait3A_661 = tpu.memref_squeeze %dma_wait3A_660 : memref<1x4096xf32, #tpu.memory_space<hbm>> -> memref<4096xf32, #tpu.memory_space<hbm>>
    %dma_wait3A_662 = arith.constant 8192 : i32
    %dma_wait3A_663 = tpu.memref_slice %arg5[%add3A_658, %dma_wait3A_662] : memref<429x16384xf32, #tpu.memory_space<hbm>> -> memref<1x4096xf32, #tpu.memory_space<hbm>>
    %dma_wait3A_664 = tpu.memref_squeeze %dma_wait3A_663 : memref<1x4096xf32, #tpu.memory_space<hbm>> -> memref<4096xf32, #tpu.memory_space<hbm>>
    tpu.wait_dma2 semaphore(%arg12 : memref<!tpu.dma_semaphore, #tpu.memory_space<semaphore_mem>>) src(%arg8 : memref<4096xf32, #tpu.memory_space<vmem>>) dst(%dma_wait3A_664 : memref<4096xf32, #tpu.memory_space<hbm>>)
    %parallel_loop3A_665 = arith.constant 0 : i32
    %parallel_loop3A_666 = arith.constant 256 : i32
    %parallel_loop3A_667 = arith.constant 1 : i32
    scf.for %parallel_loop3A_1322 = %parallel_loop3A_665 to %parallel_loop3A_666 step %parallel_loop3A_667  : i32 {
      %parallel_loop3A_1323 = arith.constant 16 : i32
      %parallel_loop3A_1324 = arith.muli %parallel_loop3A_1322, %parallel_loop3A_1323 : i32
      %parallel_loop3A_1325 = arith.constant 16 : i32
      %parallel_loop3A_1326 = arith.muli %parallel_loop3A_1322, %parallel_loop3A_1325 : i32
      %parallel_loop3A_1327 = arith.constant 8192 : i32
      %parallel_loop3A_1328 = arith.addi %parallel_loop3A_1327, %parallel_loop3A_1326 : i32
      %parallel_loop3A_1329 = arith.index_cast %parallel_loop3A_1328 : i32 to index
      %parallel_loop3A_1330 = tpu.vector_load %arg7[%parallel_loop3A_1329] {strides = array<i32>} : memref<16384xi32, #tpu.memory_space<vmem>>, vector<16xi32>,
      %parallel_loop3A_1331 = tpu.vector_load_idx %arg6[%parallel_loop3A_1330] : memref<100000xf32, #tpu.memory_space<vmem>>[vector<16xi32>], vector<16xf32>,
      %parallel_loop3A_1332 = arith.index_cast %parallel_loop3A_1324 : i32 to index
      %parallel_loop3A_1333 = tpu.vector_load %arg8[%parallel_loop3A_1332] {strides = array<i32>} : memref<4096xf32, #tpu.memory_space<vmem>>, vector<16xf32>,
      tpu.vector_store %arg8[%parallel_loop3A_1332], %parallel_loop3A_1331 {strides = array<i32>} : memref<4096xf32, #tpu.memory_space<vmem>>, vector<16xf32>,
    } {sc.loop_unroll_factor = 8 : i64, sc.parallel_access}
    %add3A_668 = arith.constant 13 : i32
    %add3A_669 = arith.addi %add3A_668, %add3A_597 : i32
    %dma_start3A_670 = arith.constant 8192 : i32
    %dma_start3A_671 = tpu.memref_slice %arg5[%add3A_669, %dma_start3A_670] : memref<429x16384xf32, #tpu.memory_space<hbm>> -> memref<1x4096xf32, #tpu.memory_space<hbm>>
    %dma_start3A_672 = tpu.memref_squeeze %dma_start3A_671 : memref<1x4096xf32, #tpu.memory_space<hbm>> -> memref<4096xf32, #tpu.memory_space<hbm>>
    %dma_start3A_673 = arith.constant 8192 : i32
    %dma_start3A_674 = tpu.memref_slice %arg5[%add3A_669, %dma_start3A_673] : memref<429x16384xf32, #tpu.memory_space<hbm>> -> memref<1x4096xf32, #tpu.memory_space<hbm>>
    %dma_start3A_675 = tpu.memref_squeeze %dma_start3A_674 : memref<1x4096xf32, #tpu.memory_space<hbm>> -> memref<4096xf32, #tpu.memory_space<hbm>>
    tpu.enqueue_dma source(%arg8 : memref<4096xf32, #tpu.memory_space<vmem>>) target(%dma_start3A_675 : memref<4096xf32, #tpu.memory_space<hbm>>) target_semaphore(%arg12 : memref<!tpu.dma_semaphore, #tpu.memory_space<semaphore_mem>>)
    %add3A_676 = arith.constant 13 : i32
    %add3A_677 = arith.addi %add3A_676, %add3A_597 : i32
    %dma_wait3A_678 = arith.constant 12288 : i32
    %dma_wait3A_679 = tpu.memref_slice %arg5[%add3A_677, %dma_wait3A_678] : memref<429x16384xf32, #tpu.memory_space<hbm>> -> memref<1x4096xf32, #tpu.memory_space<hbm>>
    %dma_wait3A_680 = tpu.memref_squeeze %dma_wait3A_679 : memref<1x4096xf32, #tpu.memory_space<hbm>> -> memref<4096xf32, #tpu.memory_space<hbm>>
    %dma_wait3A_681 = arith.constant 12288 : i32
    %dma_wait3A_682 = tpu.memref_slice %arg5[%add3A_677, %dma_wait3A_681] : memref<429x16384xf32, #tpu.memory_space<hbm>> -> memref<1x4096xf32, #tpu.memory_space<hbm>>
    %dma_wait3A_683 = tpu.memref_squeeze %dma_wait3A_682 : memref<1x4096xf32, #tpu.memory_space<hbm>> -> memref<4096xf32, #tpu.memory_space<hbm>>
    tpu.wait_dma2 semaphore(%arg13 : memref<!tpu.dma_semaphore, #tpu.memory_space<semaphore_mem>>) src(%arg9 : memref<4096xf32, #tpu.memory_space<vmem>>) dst(%dma_wait3A_683 : memref<4096xf32, #tpu.memory_space<hbm>>)
    %parallel_loop3A_684 = arith.constant 0 : i32
    %parallel_loop3A_685 = arith.constant 256 : i32
    %parallel_loop3A_686 = arith.constant 1 : i32
    scf.for %parallel_loop3A_1322 = %parallel_loop3A_684 to %parallel_loop3A_685 step %parallel_loop3A_686  : i32 {
      %parallel_loop3A_1323 = arith.constant 16 : i32
      %parallel_loop3A_1324 = arith.muli %parallel_loop3A_1322, %parallel_loop3A_1323 : i32
      %parallel_loop3A_1325 = arith.constant 16 : i32
      %parallel_loop3A_1326 = arith.muli %parallel_loop3A_1322, %parallel_loop3A_1325 : i32
      %parallel_loop3A_1327 = arith.constant 12288 : i32
      %parallel_loop3A_1328 = arith.addi %parallel_loop3A_1327, %parallel_loop3A_1326 : i32
      %parallel_loop3A_1329 = arith.index_cast %parallel_loop3A_1328 : i32 to index
      %parallel_loop3A_1330 = tpu.vector_load %arg7[%parallel_loop3A_1329] {strides = array<i32>} : memref<16384xi32, #tpu.memory_space<vmem>>, vector<16xi32>,
      %parallel_loop3A_1331 = tpu.vector_load_idx %arg6[%parallel_loop3A_1330] : memref<100000xf32, #tpu.memory_space<vmem>>[vector<16xi32>], vector<16xf32>,
      %parallel_loop3A_1332 = arith.index_cast %parallel_loop3A_1324 : i32 to index
      %parallel_loop3A_1333 = tpu.vector_load %arg9[%parallel_loop3A_1332] {strides = array<i32>} : memref<4096xf32, #tpu.memory_space<vmem>>, vector<16xf32>,
      tpu.vector_store %arg9[%parallel_loop3A_1332], %parallel_loop3A_1331 {strides = array<i32>} : memref<4096xf32, #tpu.memory_space<vmem>>, vector<16xf32>,
    } {sc.loop_unroll_factor = 8 : i64, sc.parallel_access}
    %add3A_687 = arith.constant 13 : i32
    %add3A_688 = arith.addi %add3A_687, %add3A_597 : i32
    %dma_start3A_689 = arith.constant 12288 : i32
    %dma_start3A_690 = tpu.memref_slice %arg5[%add3A_688, %dma_start3A_689] : memref<429x16384xf32, #tpu.memory_space<hbm>> -> memref<1x4096xf32, #tpu.memory_space<hbm>>
    %dma_start3A_691 = tpu.memref_squeeze %dma_start3A_690 : memref<1x4096xf32, #tpu.memory_space<hbm>> -> memref<4096xf32, #tpu.memory_space<hbm>>
    %dma_start3A_692 = arith.constant 12288 : i32
    %dma_start3A_693 = tpu.memref_slice %arg5[%add3A_688, %dma_start3A_692] : memref<429x16384xf32, #tpu.memory_space<hbm>> -> memref<1x4096xf32, #tpu.memory_space<hbm>>
    %dma_start3A_694 = tpu.memref_squeeze %dma_start3A_693 : memref<1x4096xf32, #tpu.memory_space<hbm>> -> memref<4096xf32, #tpu.memory_space<hbm>>
    tpu.enqueue_dma source(%arg9 : memref<4096xf32, #tpu.memory_space<vmem>>) target(%dma_start3A_694 : memref<4096xf32, #tpu.memory_space<hbm>>) target_semaphore(%arg13 : memref<!tpu.dma_semaphore, #tpu.memory_space<semaphore_mem>>)
    %mul3A_695 = arith.constant 13 : i32
    %mul3A_696 = arith.muli %add3A, %mul3A_695 : i32
    %add3A_697 = arith.constant 7 : i32
    %add3A_698 = arith.addi %mul3A_696, %add3A_697 : i32
    %div3A_699 = arith.constant 16 : i32
    %div3A_700 = arith.divsi %add3A_698, %div3A_699 : i32
    %rem3A_701 = arith.constant 16 : i32
    %rem3A_702 = arith.remsi %add3A_698, %rem3A_701 : i32
    %dma_start3A_703 = arith.constant 0 : i32
    %dma_start3A_704 = tpu.memref_slice %arg4[%div3A_700, %rem3A_702, %dma_start3A_703] : memref<26x16x100000xf32, #tpu.memory_space<hbm>> -> memref<1x1x100000xf32, #tpu.memory_space<hbm>>
    %dma_start3A_705 = tpu.memref_squeeze %dma_start3A_704 : memref<1x1x100000xf32, #tpu.memory_space<hbm>> -> memref<100000xf32, #tpu.memory_space<hbm>>
    %dma_start3A_706 = arith.constant 0 : i32
    %dma_start3A_707 = tpu.memref_slice %arg4[%div3A_700, %rem3A_702, %dma_start3A_706] : memref<26x16x100000xf32, #tpu.memory_space<hbm>> -> memref<1x1x100000xf32, #tpu.memory_space<hbm>>
    %dma_start3A_708 = tpu.memref_squeeze %dma_start3A_707 : memref<1x1x100000xf32, #tpu.memory_space<hbm>> -> memref<100000xf32, #tpu.memory_space<hbm>>
    tpu.enqueue_dma source(%dma_start3A_708 : memref<100000xf32, #tpu.memory_space<hbm>>) target(%arg6 : memref<100000xf32, #tpu.memory_space<vmem>>) target_semaphore(%arg10 : memref<!tpu.dma_semaphore, #tpu.memory_space<semaphore_mem>>)
    %eq3A_709 = arith.constant 0 : i32
    %eq3A_710 = arith.cmpi eq, %rem3A_702, %eq3A_709 : i32
    %convert_element_type3A_711 = arith.extui %eq3A_710 : i1 to i32
    %cond3A_712 = arith.constant 0 : i32
    %cond3A_713 = arith.cmpi ne, %convert_element_type3A_711, %cond3A_712 : i32
    scf.if %cond3A_713 {
      %dma_start3A_1322 = arith.constant 0 : i32
      %dma_start3A_1323 = tpu.memref_slice %arg3[%div3A_700, %dma_start3A_1322] : memref<26x16384xi32, #tpu.memory_space<hbm>> -> memref<1x16384xi32, #tpu.memory_space<hbm>>
      %dma_start3A_1324 = tpu.memref_squeeze %dma_start3A_1323 : memref<1x16384xi32, #tpu.memory_space<hbm>> -> memref<16384xi32, #tpu.memory_space<hbm>>
      %dma_start3A_1325 = arith.constant 0 : i32
      %dma_start3A_1326 = tpu.memref_slice %arg3[%div3A_700, %dma_start3A_1325] : memref<26x16384xi32, #tpu.memory_space<hbm>> -> memref<1x16384xi32, #tpu.memory_space<hbm>>
      %dma_start3A_1327 = tpu.memref_squeeze %dma_start3A_1326 : memref<1x16384xi32, #tpu.memory_space<hbm>> -> memref<16384xi32, #tpu.memory_space<hbm>>
      tpu.enqueue_dma source(%dma_start3A_1327 : memref<16384xi32, #tpu.memory_space<hbm>>) target(%arg7 : memref<16384xi32, #tpu.memory_space<vmem>>) target_semaphore(%arg11 : memref<!tpu.dma_semaphore, #tpu.memory_space<semaphore_mem>>)
      %dma_wait3A_1328 = arith.constant 0 : i32
      %dma_wait3A_1329 = tpu.memref_slice %arg3[%div3A_700, %dma_wait3A_1328] : memref<26x16384xi32, #tpu.memory_space<hbm>> -> memref<1x16384xi32, #tpu.memory_space<hbm>>
      %dma_wait3A_1330 = tpu.memref_squeeze %dma_wait3A_1329 : memref<1x16384xi32, #tpu.memory_space<hbm>> -> memref<16384xi32, #tpu.memory_space<hbm>>
      %dma_wait3A_1331 = arith.constant 0 : i32
      %dma_wait3A_1332 = tpu.memref_slice %arg3[%div3A_700, %dma_wait3A_1331] : memref<26x16384xi32, #tpu.memory_space<hbm>> -> memref<1x16384xi32, #tpu.memory_space<hbm>>
      %dma_wait3A_1333 = tpu.memref_squeeze %dma_wait3A_1332 : memref<1x16384xi32, #tpu.memory_space<hbm>> -> memref<16384xi32, #tpu.memory_space<hbm>>
      tpu.wait_dma2 semaphore(%arg11 : memref<!tpu.dma_semaphore, #tpu.memory_space<semaphore_mem>>) src(%dma_wait3A_1333 : memref<16384xi32, #tpu.memory_space<hbm>>) dst(%arg7 : memref<16384xi32, #tpu.memory_space<vmem>>)
    } else {
    }
    %dma_wait3A_714 = arith.constant 0 : i32
    %dma_wait3A_715 = tpu.memref_slice %arg4[%div3A_700, %rem3A_702, %dma_wait3A_714] : memref<26x16x100000xf32, #tpu.memory_space<hbm>> -> memref<1x1x100000xf32, #tpu.memory_space<hbm>>
    %dma_wait3A_716 = tpu.memref_squeeze %dma_wait3A_715 : memref<1x1x100000xf32, #tpu.memory_space<hbm>> -> memref<100000xf32, #tpu.memory_space<hbm>>
    %dma_wait3A_717 = arith.constant 0 : i32
    %dma_wait3A_718 = tpu.memref_slice %arg4[%div3A_700, %rem3A_702, %dma_wait3A_717] : memref<26x16x100000xf32, #tpu.memory_space<hbm>> -> memref<1x1x100000xf32, #tpu.memory_space<hbm>>
    %dma_wait3A_719 = tpu.memref_squeeze %dma_wait3A_718 : memref<1x1x100000xf32, #tpu.memory_space<hbm>> -> memref<100000xf32, #tpu.memory_space<hbm>>
    tpu.wait_dma2 semaphore(%arg10 : memref<!tpu.dma_semaphore, #tpu.memory_space<semaphore_mem>>) src(%dma_wait3A_719 : memref<100000xf32, #tpu.memory_space<hbm>>) dst(%arg6 : memref<100000xf32, #tpu.memory_space<vmem>>)
    %add3A_720 = arith.constant 13 : i32
    %add3A_721 = arith.addi %add3A_720, %add3A_698 : i32
    %dma_wait3A_722 = arith.constant 0 : i32
    %dma_wait3A_723 = tpu.memref_slice %arg5[%add3A_721, %dma_wait3A_722] : memref<429x16384xf32, #tpu.memory_space<hbm>> -> memref<1x4096xf32, #tpu.memory_space<hbm>>
    %dma_wait3A_724 = tpu.memref_squeeze %dma_wait3A_723 : memref<1x4096xf32, #tpu.memory_space<hbm>> -> memref<4096xf32, #tpu.memory_space<hbm>>
    %dma_wait3A_725 = arith.constant 0 : i32
    %dma_wait3A_726 = tpu.memref_slice %arg5[%add3A_721, %dma_wait3A_725] : memref<429x16384xf32, #tpu.memory_space<hbm>> -> memref<1x4096xf32, #tpu.memory_space<hbm>>
    %dma_wait3A_727 = tpu.memref_squeeze %dma_wait3A_726 : memref<1x4096xf32, #tpu.memory_space<hbm>> -> memref<4096xf32, #tpu.memory_space<hbm>>
    tpu.wait_dma2 semaphore(%arg12 : memref<!tpu.dma_semaphore, #tpu.memory_space<semaphore_mem>>) src(%arg8 : memref<4096xf32, #tpu.memory_space<vmem>>) dst(%dma_wait3A_727 : memref<4096xf32, #tpu.memory_space<hbm>>)
    %parallel_loop3A_728 = arith.constant 0 : i32
    %parallel_loop3A_729 = arith.constant 256 : i32
    %parallel_loop3A_730 = arith.constant 1 : i32
    scf.for %parallel_loop3A_1322 = %parallel_loop3A_728 to %parallel_loop3A_729 step %parallel_loop3A_730  : i32 {
      %parallel_loop3A_1323 = arith.constant 16 : i32
      %parallel_loop3A_1324 = arith.muli %parallel_loop3A_1322, %parallel_loop3A_1323 : i32
      %parallel_loop3A_1325 = arith.constant 16 : i32
      %parallel_loop3A_1326 = arith.muli %parallel_loop3A_1322, %parallel_loop3A_1325 : i32
      %parallel_loop3A_1327 = arith.constant 0 : i32
      %parallel_loop3A_1328 = arith.addi %parallel_loop3A_1327, %parallel_loop3A_1326 : i32
      %parallel_loop3A_1329 = arith.index_cast %parallel_loop3A_1328 : i32 to index
      %parallel_loop3A_1330 = tpu.vector_load %arg7[%parallel_loop3A_1329] {strides = array<i32>} : memref<16384xi32, #tpu.memory_space<vmem>>, vector<16xi32>,
      %parallel_loop3A_1331 = tpu.vector_load_idx %arg6[%parallel_loop3A_1330] : memref<100000xf32, #tpu.memory_space<vmem>>[vector<16xi32>], vector<16xf32>,
      %parallel_loop3A_1332 = arith.index_cast %parallel_loop3A_1324 : i32 to index
      %parallel_loop3A_1333 = tpu.vector_load %arg8[%parallel_loop3A_1332] {strides = array<i32>} : memref<4096xf32, #tpu.memory_space<vmem>>, vector<16xf32>,
      tpu.vector_store %arg8[%parallel_loop3A_1332], %parallel_loop3A_1331 {strides = array<i32>} : memref<4096xf32, #tpu.memory_space<vmem>>, vector<16xf32>,
    } {sc.loop_unroll_factor = 8 : i64, sc.parallel_access}
    %add3A_731 = arith.constant 13 : i32
    %add3A_732 = arith.addi %add3A_731, %add3A_698 : i32
    %dma_start3A_733 = arith.constant 0 : i32
    %dma_start3A_734 = tpu.memref_slice %arg5[%add3A_732, %dma_start3A_733] : memref<429x16384xf32, #tpu.memory_space<hbm>> -> memref<1x4096xf32, #tpu.memory_space<hbm>>
    %dma_start3A_735 = tpu.memref_squeeze %dma_start3A_734 : memref<1x4096xf32, #tpu.memory_space<hbm>> -> memref<4096xf32, #tpu.memory_space<hbm>>
    %dma_start3A_736 = arith.constant 0 : i32
    %dma_start3A_737 = tpu.memref_slice %arg5[%add3A_732, %dma_start3A_736] : memref<429x16384xf32, #tpu.memory_space<hbm>> -> memref<1x4096xf32, #tpu.memory_space<hbm>>
    %dma_start3A_738 = tpu.memref_squeeze %dma_start3A_737 : memref<1x4096xf32, #tpu.memory_space<hbm>> -> memref<4096xf32, #tpu.memory_space<hbm>>
    tpu.enqueue_dma source(%arg8 : memref<4096xf32, #tpu.memory_space<vmem>>) target(%dma_start3A_738 : memref<4096xf32, #tpu.memory_space<hbm>>) target_semaphore(%arg12 : memref<!tpu.dma_semaphore, #tpu.memory_space<semaphore_mem>>)
    %add3A_739 = arith.constant 13 : i32
    %add3A_740 = arith.addi %add3A_739, %add3A_698 : i32
    %dma_wait3A_741 = arith.constant 4096 : i32
    %dma_wait3A_742 = tpu.memref_slice %arg5[%add3A_740, %dma_wait3A_741] : memref<429x16384xf32, #tpu.memory_space<hbm>> -> memref<1x4096xf32, #tpu.memory_space<hbm>>
    %dma_wait3A_743 = tpu.memref_squeeze %dma_wait3A_742 : memref<1x4096xf32, #tpu.memory_space<hbm>> -> memref<4096xf32, #tpu.memory_space<hbm>>
    %dma_wait3A_744 = arith.constant 4096 : i32
    %dma_wait3A_745 = tpu.memref_slice %arg5[%add3A_740, %dma_wait3A_744] : memref<429x16384xf32, #tpu.memory_space<hbm>> -> memref<1x4096xf32, #tpu.memory_space<hbm>>
    %dma_wait3A_746 = tpu.memref_squeeze %dma_wait3A_745 : memref<1x4096xf32, #tpu.memory_space<hbm>> -> memref<4096xf32, #tpu.memory_space<hbm>>
    tpu.wait_dma2 semaphore(%arg13 : memref<!tpu.dma_semaphore, #tpu.memory_space<semaphore_mem>>) src(%arg9 : memref<4096xf32, #tpu.memory_space<vmem>>) dst(%dma_wait3A_746 : memref<4096xf32, #tpu.memory_space<hbm>>)
    %parallel_loop3A_747 = arith.constant 0 : i32
    %parallel_loop3A_748 = arith.constant 256 : i32
    %parallel_loop3A_749 = arith.constant 1 : i32
    scf.for %parallel_loop3A_1322 = %parallel_loop3A_747 to %parallel_loop3A_748 step %parallel_loop3A_749  : i32 {
      %parallel_loop3A_1323 = arith.constant 16 : i32
      %parallel_loop3A_1324 = arith.muli %parallel_loop3A_1322, %parallel_loop3A_1323 : i32
      %parallel_loop3A_1325 = arith.constant 16 : i32
      %parallel_loop3A_1326 = arith.muli %parallel_loop3A_1322, %parallel_loop3A_1325 : i32
      %parallel_loop3A_1327 = arith.constant 4096 : i32
      %parallel_loop3A_1328 = arith.addi %parallel_loop3A_1327, %parallel_loop3A_1326 : i32
      %parallel_loop3A_1329 = arith.index_cast %parallel_loop3A_1328 : i32 to index
      %parallel_loop3A_1330 = tpu.vector_load %arg7[%parallel_loop3A_1329] {strides = array<i32>} : memref<16384xi32, #tpu.memory_space<vmem>>, vector<16xi32>,
      %parallel_loop3A_1331 = tpu.vector_load_idx %arg6[%parallel_loop3A_1330] : memref<100000xf32, #tpu.memory_space<vmem>>[vector<16xi32>], vector<16xf32>,
      %parallel_loop3A_1332 = arith.index_cast %parallel_loop3A_1324 : i32 to index
      %parallel_loop3A_1333 = tpu.vector_load %arg9[%parallel_loop3A_1332] {strides = array<i32>} : memref<4096xf32, #tpu.memory_space<vmem>>, vector<16xf32>,
      tpu.vector_store %arg9[%parallel_loop3A_1332], %parallel_loop3A_1331 {strides = array<i32>} : memref<4096xf32, #tpu.memory_space<vmem>>, vector<16xf32>,
    } {sc.loop_unroll_factor = 8 : i64, sc.parallel_access}
    %add3A_750 = arith.constant 13 : i32
    %add3A_751 = arith.addi %add3A_750, %add3A_698 : i32
    %dma_start3A_752 = arith.constant 4096 : i32
    %dma_start3A_753 = tpu.memref_slice %arg5[%add3A_751, %dma_start3A_752] : memref<429x16384xf32, #tpu.memory_space<hbm>> -> memref<1x4096xf32, #tpu.memory_space<hbm>>
    %dma_start3A_754 = tpu.memref_squeeze %dma_start3A_753 : memref<1x4096xf32, #tpu.memory_space<hbm>> -> memref<4096xf32, #tpu.memory_space<hbm>>
    %dma_start3A_755 = arith.constant 4096 : i32
    %dma_start3A_756 = tpu.memref_slice %arg5[%add3A_751, %dma_start3A_755] : memref<429x16384xf32, #tpu.memory_space<hbm>> -> memref<1x4096xf32, #tpu.memory_space<hbm>>
    %dma_start3A_757 = tpu.memref_squeeze %dma_start3A_756 : memref<1x4096xf32, #tpu.memory_space<hbm>> -> memref<4096xf32, #tpu.memory_space<hbm>>
    tpu.enqueue_dma source(%arg9 : memref<4096xf32, #tpu.memory_space<vmem>>) target(%dma_start3A_757 : memref<4096xf32, #tpu.memory_space<hbm>>) target_semaphore(%arg13 : memref<!tpu.dma_semaphore, #tpu.memory_space<semaphore_mem>>)
    %add3A_758 = arith.constant 13 : i32
    %add3A_759 = arith.addi %add3A_758, %add3A_698 : i32
    %dma_wait3A_760 = arith.constant 8192 : i32
    %dma_wait3A_761 = tpu.memref_slice %arg5[%add3A_759, %dma_wait3A_760] : memref<429x16384xf32, #tpu.memory_space<hbm>> -> memref<1x4096xf32, #tpu.memory_space<hbm>>
    %dma_wait3A_762 = tpu.memref_squeeze %dma_wait3A_761 : memref<1x4096xf32, #tpu.memory_space<hbm>> -> memref<4096xf32, #tpu.memory_space<hbm>>
    %dma_wait3A_763 = arith.constant 8192 : i32
    %dma_wait3A_764 = tpu.memref_slice %arg5[%add3A_759, %dma_wait3A_763] : memref<429x16384xf32, #tpu.memory_space<hbm>> -> memref<1x4096xf32, #tpu.memory_space<hbm>>
    %dma_wait3A_765 = tpu.memref_squeeze %dma_wait3A_764 : memref<1x4096xf32, #tpu.memory_space<hbm>> -> memref<4096xf32, #tpu.memory_space<hbm>>
    tpu.wait_dma2 semaphore(%arg12 : memref<!tpu.dma_semaphore, #tpu.memory_space<semaphore_mem>>) src(%arg8 : memref<4096xf32, #tpu.memory_space<vmem>>) dst(%dma_wait3A_765 : memref<4096xf32, #tpu.memory_space<hbm>>)
    %parallel_loop3A_766 = arith.constant 0 : i32
    %parallel_loop3A_767 = arith.constant 256 : i32
    %parallel_loop3A_768 = arith.constant 1 : i32
    scf.for %parallel_loop3A_1322 = %parallel_loop3A_766 to %parallel_loop3A_767 step %parallel_loop3A_768  : i32 {
      %parallel_loop3A_1323 = arith.constant 16 : i32
      %parallel_loop3A_1324 = arith.muli %parallel_loop3A_1322, %parallel_loop3A_1323 : i32
      %parallel_loop3A_1325 = arith.constant 16 : i32
      %parallel_loop3A_1326 = arith.muli %parallel_loop3A_1322, %parallel_loop3A_1325 : i32
      %parallel_loop3A_1327 = arith.constant 8192 : i32
      %parallel_loop3A_1328 = arith.addi %parallel_loop3A_1327, %parallel_loop3A_1326 : i32
      %parallel_loop3A_1329 = arith.index_cast %parallel_loop3A_1328 : i32 to index
      %parallel_loop3A_1330 = tpu.vector_load %arg7[%parallel_loop3A_1329] {strides = array<i32>} : memref<16384xi32, #tpu.memory_space<vmem>>, vector<16xi32>,
      %parallel_loop3A_1331 = tpu.vector_load_idx %arg6[%parallel_loop3A_1330] : memref<100000xf32, #tpu.memory_space<vmem>>[vector<16xi32>], vector<16xf32>,
      %parallel_loop3A_1332 = arith.index_cast %parallel_loop3A_1324 : i32 to index
      %parallel_loop3A_1333 = tpu.vector_load %arg8[%parallel_loop3A_1332] {strides = array<i32>} : memref<4096xf32, #tpu.memory_space<vmem>>, vector<16xf32>,
      tpu.vector_store %arg8[%parallel_loop3A_1332], %parallel_loop3A_1331 {strides = array<i32>} : memref<4096xf32, #tpu.memory_space<vmem>>, vector<16xf32>,
    } {sc.loop_unroll_factor = 8 : i64, sc.parallel_access}
    %add3A_769 = arith.constant 13 : i32
    %add3A_770 = arith.addi %add3A_769, %add3A_698 : i32
    %dma_start3A_771 = arith.constant 8192 : i32
    %dma_start3A_772 = tpu.memref_slice %arg5[%add3A_770, %dma_start3A_771] : memref<429x16384xf32, #tpu.memory_space<hbm>> -> memref<1x4096xf32, #tpu.memory_space<hbm>>
    %dma_start3A_773 = tpu.memref_squeeze %dma_start3A_772 : memref<1x4096xf32, #tpu.memory_space<hbm>> -> memref<4096xf32, #tpu.memory_space<hbm>>
    %dma_start3A_774 = arith.constant 8192 : i32
    %dma_start3A_775 = tpu.memref_slice %arg5[%add3A_770, %dma_start3A_774] : memref<429x16384xf32, #tpu.memory_space<hbm>> -> memref<1x4096xf32, #tpu.memory_space<hbm>>
    %dma_start3A_776 = tpu.memref_squeeze %dma_start3A_775 : memref<1x4096xf32, #tpu.memory_space<hbm>> -> memref<4096xf32, #tpu.memory_space<hbm>>
    tpu.enqueue_dma source(%arg8 : memref<4096xf32, #tpu.memory_space<vmem>>) target(%dma_start3A_776 : memref<4096xf32, #tpu.memory_space<hbm>>) target_semaphore(%arg12 : memref<!tpu.dma_semaphore, #tpu.memory_space<semaphore_mem>>)
    %add3A_777 = arith.constant 13 : i32
    %add3A_778 = arith.addi %add3A_777, %add3A_698 : i32
    %dma_wait3A_779 = arith.constant 12288 : i32
    %dma_wait3A_780 = tpu.memref_slice %arg5[%add3A_778, %dma_wait3A_779] : memref<429x16384xf32, #tpu.memory_space<hbm>> -> memref<1x4096xf32, #tpu.memory_space<hbm>>
    %dma_wait3A_781 = tpu.memref_squeeze %dma_wait3A_780 : memref<1x4096xf32, #tpu.memory_space<hbm>> -> memref<4096xf32, #tpu.memory_space<hbm>>
    %dma_wait3A_782 = arith.constant 12288 : i32
    %dma_wait3A_783 = tpu.memref_slice %arg5[%add3A_778, %dma_wait3A_782] : memref<429x16384xf32, #tpu.memory_space<hbm>> -> memref<1x4096xf32, #tpu.memory_space<hbm>>
    %dma_wait3A_784 = tpu.memref_squeeze %dma_wait3A_783 : memref<1x4096xf32, #tpu.memory_space<hbm>> -> memref<4096xf32, #tpu.memory_space<hbm>>
    tpu.wait_dma2 semaphore(%arg13 : memref<!tpu.dma_semaphore, #tpu.memory_space<semaphore_mem>>) src(%arg9 : memref<4096xf32, #tpu.memory_space<vmem>>) dst(%dma_wait3A_784 : memref<4096xf32, #tpu.memory_space<hbm>>)
    %parallel_loop3A_785 = arith.constant 0 : i32
    %parallel_loop3A_786 = arith.constant 256 : i32
    %parallel_loop3A_787 = arith.constant 1 : i32
    scf.for %parallel_loop3A_1322 = %parallel_loop3A_785 to %parallel_loop3A_786 step %parallel_loop3A_787  : i32 {
      %parallel_loop3A_1323 = arith.constant 16 : i32
      %parallel_loop3A_1324 = arith.muli %parallel_loop3A_1322, %parallel_loop3A_1323 : i32
      %parallel_loop3A_1325 = arith.constant 16 : i32
      %parallel_loop3A_1326 = arith.muli %parallel_loop3A_1322, %parallel_loop3A_1325 : i32
      %parallel_loop3A_1327 = arith.constant 12288 : i32
      %parallel_loop3A_1328 = arith.addi %parallel_loop3A_1327, %parallel_loop3A_1326 : i32
      %parallel_loop3A_1329 = arith.index_cast %parallel_loop3A_1328 : i32 to index
      %parallel_loop3A_1330 = tpu.vector_load %arg7[%parallel_loop3A_1329] {strides = array<i32>} : memref<16384xi32, #tpu.memory_space<vmem>>, vector<16xi32>,
      %parallel_loop3A_1331 = tpu.vector_load_idx %arg6[%parallel_loop3A_1330] : memref<100000xf32, #tpu.memory_space<vmem>>[vector<16xi32>], vector<16xf32>,
      %parallel_loop3A_1332 = arith.index_cast %parallel_loop3A_1324 : i32 to index
      %parallel_loop3A_1333 = tpu.vector_load %arg9[%parallel_loop3A_1332] {strides = array<i32>} : memref<4096xf32, #tpu.memory_space<vmem>>, vector<16xf32>,
      tpu.vector_store %arg9[%parallel_loop3A_1332], %parallel_loop3A_1331 {strides = array<i32>} : memref<4096xf32, #tpu.memory_space<vmem>>, vector<16xf32>,
    } {sc.loop_unroll_factor = 8 : i64, sc.parallel_access}
    %add3A_788 = arith.constant 13 : i32
    %add3A_789 = arith.addi %add3A_788, %add3A_698 : i32
    %dma_start3A_790 = arith.constant 12288 : i32
    %dma_start3A_791 = tpu.memref_slice %arg5[%add3A_789, %dma_start3A_790] : memref<429x16384xf32, #tpu.memory_space<hbm>> -> memref<1x4096xf32, #tpu.memory_space<hbm>>
    %dma_start3A_792 = tpu.memref_squeeze %dma_start3A_791 : memref<1x4096xf32, #tpu.memory_space<hbm>> -> memref<4096xf32, #tpu.memory_space<hbm>>
    %dma_start3A_793 = arith.constant 12288 : i32
    %dma_start3A_794 = tpu.memref_slice %arg5[%add3A_789, %dma_start3A_793] : memref<429x16384xf32, #tpu.memory_space<hbm>> -> memref<1x4096xf32, #tpu.memory_space<hbm>>
    %dma_start3A_795 = tpu.memref_squeeze %dma_start3A_794 : memref<1x4096xf32, #tpu.memory_space<hbm>> -> memref<4096xf32, #tpu.memory_space<hbm>>
    tpu.enqueue_dma source(%arg9 : memref<4096xf32, #tpu.memory_space<vmem>>) target(%dma_start3A_795 : memref<4096xf32, #tpu.memory_space<hbm>>) target_semaphore(%arg13 : memref<!tpu.dma_semaphore, #tpu.memory_space<semaphore_mem>>)
    %mul3A_796 = arith.constant 13 : i32
    %mul3A_797 = arith.muli %add3A, %mul3A_796 : i32
    %add3A_798 = arith.constant 8 : i32
    %add3A_799 = arith.addi %mul3A_797, %add3A_798 : i32
    %div3A_800 = arith.constant 16 : i32
    %div3A_801 = arith.divsi %add3A_799, %div3A_800 : i32
    %rem3A_802 = arith.constant 16 : i32
    %rem3A_803 = arith.remsi %add3A_799, %rem3A_802 : i32
    %dma_start3A_804 = arith.constant 0 : i32
    %dma_start3A_805 = tpu.memref_slice %arg4[%div3A_801, %rem3A_803, %dma_start3A_804] : memref<26x16x100000xf32, #tpu.memory_space<hbm>> -> memref<1x1x100000xf32, #tpu.memory_space<hbm>>
    %dma_start3A_806 = tpu.memref_squeeze %dma_start3A_805 : memref<1x1x100000xf32, #tpu.memory_space<hbm>> -> memref<100000xf32, #tpu.memory_space<hbm>>
    %dma_start3A_807 = arith.constant 0 : i32
    %dma_start3A_808 = tpu.memref_slice %arg4[%div3A_801, %rem3A_803, %dma_start3A_807] : memref<26x16x100000xf32, #tpu.memory_space<hbm>> -> memref<1x1x100000xf32, #tpu.memory_space<hbm>>
    %dma_start3A_809 = tpu.memref_squeeze %dma_start3A_808 : memref<1x1x100000xf32, #tpu.memory_space<hbm>> -> memref<100000xf32, #tpu.memory_space<hbm>>
    tpu.enqueue_dma source(%dma_start3A_809 : memref<100000xf32, #tpu.memory_space<hbm>>) target(%arg6 : memref<100000xf32, #tpu.memory_space<vmem>>) target_semaphore(%arg10 : memref<!tpu.dma_semaphore, #tpu.memory_space<semaphore_mem>>)
    %eq3A_810 = arith.constant 0 : i32
    %eq3A_811 = arith.cmpi eq, %rem3A_803, %eq3A_810 : i32
    %convert_element_type3A_812 = arith.extui %eq3A_811 : i1 to i32
    %cond3A_813 = arith.constant 0 : i32
    %cond3A_814 = arith.cmpi ne, %convert_element_type3A_812, %cond3A_813 : i32
    scf.if %cond3A_814 {
      %dma_start3A_1322 = arith.constant 0 : i32
      %dma_start3A_1323 = tpu.memref_slice %arg3[%div3A_801, %dma_start3A_1322] : memref<26x16384xi32, #tpu.memory_space<hbm>> -> memref<1x16384xi32, #tpu.memory_space<hbm>>
      %dma_start3A_1324 = tpu.memref_squeeze %dma_start3A_1323 : memref<1x16384xi32, #tpu.memory_space<hbm>> -> memref<16384xi32, #tpu.memory_space<hbm>>
      %dma_start3A_1325 = arith.constant 0 : i32
      %dma_start3A_1326 = tpu.memref_slice %arg3[%div3A_801, %dma_start3A_1325] : memref<26x16384xi32, #tpu.memory_space<hbm>> -> memref<1x16384xi32, #tpu.memory_space<hbm>>
      %dma_start3A_1327 = tpu.memref_squeeze %dma_start3A_1326 : memref<1x16384xi32, #tpu.memory_space<hbm>> -> memref<16384xi32, #tpu.memory_space<hbm>>
      tpu.enqueue_dma source(%dma_start3A_1327 : memref<16384xi32, #tpu.memory_space<hbm>>) target(%arg7 : memref<16384xi32, #tpu.memory_space<vmem>>) target_semaphore(%arg11 : memref<!tpu.dma_semaphore, #tpu.memory_space<semaphore_mem>>)
      %dma_wait3A_1328 = arith.constant 0 : i32
      %dma_wait3A_1329 = tpu.memref_slice %arg3[%div3A_801, %dma_wait3A_1328] : memref<26x16384xi32, #tpu.memory_space<hbm>> -> memref<1x16384xi32, #tpu.memory_space<hbm>>
      %dma_wait3A_1330 = tpu.memref_squeeze %dma_wait3A_1329 : memref<1x16384xi32, #tpu.memory_space<hbm>> -> memref<16384xi32, #tpu.memory_space<hbm>>
      %dma_wait3A_1331 = arith.constant 0 : i32
      %dma_wait3A_1332 = tpu.memref_slice %arg3[%div3A_801, %dma_wait3A_1331] : memref<26x16384xi32, #tpu.memory_space<hbm>> -> memref<1x16384xi32, #tpu.memory_space<hbm>>
      %dma_wait3A_1333 = tpu.memref_squeeze %dma_wait3A_1332 : memref<1x16384xi32, #tpu.memory_space<hbm>> -> memref<16384xi32, #tpu.memory_space<hbm>>
      tpu.wait_dma2 semaphore(%arg11 : memref<!tpu.dma_semaphore, #tpu.memory_space<semaphore_mem>>) src(%dma_wait3A_1333 : memref<16384xi32, #tpu.memory_space<hbm>>) dst(%arg7 : memref<16384xi32, #tpu.memory_space<vmem>>)
    } else {
    }
    %dma_wait3A_815 = arith.constant 0 : i32
    %dma_wait3A_816 = tpu.memref_slice %arg4[%div3A_801, %rem3A_803, %dma_wait3A_815] : memref<26x16x100000xf32, #tpu.memory_space<hbm>> -> memref<1x1x100000xf32, #tpu.memory_space<hbm>>
    %dma_wait3A_817 = tpu.memref_squeeze %dma_wait3A_816 : memref<1x1x100000xf32, #tpu.memory_space<hbm>> -> memref<100000xf32, #tpu.memory_space<hbm>>
    %dma_wait3A_818 = arith.constant 0 : i32
    %dma_wait3A_819 = tpu.memref_slice %arg4[%div3A_801, %rem3A_803, %dma_wait3A_818] : memref<26x16x100000xf32, #tpu.memory_space<hbm>> -> memref<1x1x100000xf32, #tpu.memory_space<hbm>>
    %dma_wait3A_820 = tpu.memref_squeeze %dma_wait3A_819 : memref<1x1x100000xf32, #tpu.memory_space<hbm>> -> memref<100000xf32, #tpu.memory_space<hbm>>
    tpu.wait_dma2 semaphore(%arg10 : memref<!tpu.dma_semaphore, #tpu.memory_space<semaphore_mem>>) src(%dma_wait3A_820 : memref<100000xf32, #tpu.memory_space<hbm>>) dst(%arg6 : memref<100000xf32, #tpu.memory_space<vmem>>)
    %add3A_821 = arith.constant 13 : i32
    %add3A_822 = arith.addi %add3A_821, %add3A_799 : i32
    %dma_wait3A_823 = arith.constant 0 : i32
    %dma_wait3A_824 = tpu.memref_slice %arg5[%add3A_822, %dma_wait3A_823] : memref<429x16384xf32, #tpu.memory_space<hbm>> -> memref<1x4096xf32, #tpu.memory_space<hbm>>
    %dma_wait3A_825 = tpu.memref_squeeze %dma_wait3A_824 : memref<1x4096xf32, #tpu.memory_space<hbm>> -> memref<4096xf32, #tpu.memory_space<hbm>>
    %dma_wait3A_826 = arith.constant 0 : i32
    %dma_wait3A_827 = tpu.memref_slice %arg5[%add3A_822, %dma_wait3A_826] : memref<429x16384xf32, #tpu.memory_space<hbm>> -> memref<1x4096xf32, #tpu.memory_space<hbm>>
    %dma_wait3A_828 = tpu.memref_squeeze %dma_wait3A_827 : memref<1x4096xf32, #tpu.memory_space<hbm>> -> memref<4096xf32, #tpu.memory_space<hbm>>
    tpu.wait_dma2 semaphore(%arg12 : memref<!tpu.dma_semaphore, #tpu.memory_space<semaphore_mem>>) src(%arg8 : memref<4096xf32, #tpu.memory_space<vmem>>) dst(%dma_wait3A_828 : memref<4096xf32, #tpu.memory_space<hbm>>)
    %parallel_loop3A_829 = arith.constant 0 : i32
    %parallel_loop3A_830 = arith.constant 256 : i32
    %parallel_loop3A_831 = arith.constant 1 : i32
    scf.for %parallel_loop3A_1322 = %parallel_loop3A_829 to %parallel_loop3A_830 step %parallel_loop3A_831  : i32 {
      %parallel_loop3A_1323 = arith.constant 16 : i32
      %parallel_loop3A_1324 = arith.muli %parallel_loop3A_1322, %parallel_loop3A_1323 : i32
      %parallel_loop3A_1325 = arith.constant 16 : i32
      %parallel_loop3A_1326 = arith.muli %parallel_loop3A_1322, %parallel_loop3A_1325 : i32
      %parallel_loop3A_1327 = arith.constant 0 : i32
      %parallel_loop3A_1328 = arith.addi %parallel_loop3A_1327, %parallel_loop3A_1326 : i32
      %parallel_loop3A_1329 = arith.index_cast %parallel_loop3A_1328 : i32 to index
      %parallel_loop3A_1330 = tpu.vector_load %arg7[%parallel_loop3A_1329] {strides = array<i32>} : memref<16384xi32, #tpu.memory_space<vmem>>, vector<16xi32>,
      %parallel_loop3A_1331 = tpu.vector_load_idx %arg6[%parallel_loop3A_1330] : memref<100000xf32, #tpu.memory_space<vmem>>[vector<16xi32>], vector<16xf32>,
      %parallel_loop3A_1332 = arith.index_cast %parallel_loop3A_1324 : i32 to index
      %parallel_loop3A_1333 = tpu.vector_load %arg8[%parallel_loop3A_1332] {strides = array<i32>} : memref<4096xf32, #tpu.memory_space<vmem>>, vector<16xf32>,
      tpu.vector_store %arg8[%parallel_loop3A_1332], %parallel_loop3A_1331 {strides = array<i32>} : memref<4096xf32, #tpu.memory_space<vmem>>, vector<16xf32>,
    } {sc.loop_unroll_factor = 8 : i64, sc.parallel_access}
    %add3A_832 = arith.constant 13 : i32
    %add3A_833 = arith.addi %add3A_832, %add3A_799 : i32
    %dma_start3A_834 = arith.constant 0 : i32
    %dma_start3A_835 = tpu.memref_slice %arg5[%add3A_833, %dma_start3A_834] : memref<429x16384xf32, #tpu.memory_space<hbm>> -> memref<1x4096xf32, #tpu.memory_space<hbm>>
    %dma_start3A_836 = tpu.memref_squeeze %dma_start3A_835 : memref<1x4096xf32, #tpu.memory_space<hbm>> -> memref<4096xf32, #tpu.memory_space<hbm>>
    %dma_start3A_837 = arith.constant 0 : i32
    %dma_start3A_838 = tpu.memref_slice %arg5[%add3A_833, %dma_start3A_837] : memref<429x16384xf32, #tpu.memory_space<hbm>> -> memref<1x4096xf32, #tpu.memory_space<hbm>>
    %dma_start3A_839 = tpu.memref_squeeze %dma_start3A_838 : memref<1x4096xf32, #tpu.memory_space<hbm>> -> memref<4096xf32, #tpu.memory_space<hbm>>
    tpu.enqueue_dma source(%arg8 : memref<4096xf32, #tpu.memory_space<vmem>>) target(%dma_start3A_839 : memref<4096xf32, #tpu.memory_space<hbm>>) target_semaphore(%arg12 : memref<!tpu.dma_semaphore, #tpu.memory_space<semaphore_mem>>)
    %add3A_840 = arith.constant 13 : i32
    %add3A_841 = arith.addi %add3A_840, %add3A_799 : i32
    %dma_wait3A_842 = arith.constant 4096 : i32
    %dma_wait3A_843 = tpu.memref_slice %arg5[%add3A_841, %dma_wait3A_842] : memref<429x16384xf32, #tpu.memory_space<hbm>> -> memref<1x4096xf32, #tpu.memory_space<hbm>>
    %dma_wait3A_844 = tpu.memref_squeeze %dma_wait3A_843 : memref<1x4096xf32, #tpu.memory_space<hbm>> -> memref<4096xf32, #tpu.memory_space<hbm>>
    %dma_wait3A_845 = arith.constant 4096 : i32
    %dma_wait3A_846 = tpu.memref_slice %arg5[%add3A_841, %dma_wait3A_845] : memref<429x16384xf32, #tpu.memory_space<hbm>> -> memref<1x4096xf32, #tpu.memory_space<hbm>>
    %dma_wait3A_847 = tpu.memref_squeeze %dma_wait3A_846 : memref<1x4096xf32, #tpu.memory_space<hbm>> -> memref<4096xf32, #tpu.memory_space<hbm>>
    tpu.wait_dma2 semaphore(%arg13 : memref<!tpu.dma_semaphore, #tpu.memory_space<semaphore_mem>>) src(%arg9 : memref<4096xf32, #tpu.memory_space<vmem>>) dst(%dma_wait3A_847 : memref<4096xf32, #tpu.memory_space<hbm>>)
    %parallel_loop3A_848 = arith.constant 0 : i32
    %parallel_loop3A_849 = arith.constant 256 : i32
    %parallel_loop3A_850 = arith.constant 1 : i32
    scf.for %parallel_loop3A_1322 = %parallel_loop3A_848 to %parallel_loop3A_849 step %parallel_loop3A_850  : i32 {
      %parallel_loop3A_1323 = arith.constant 16 : i32
      %parallel_loop3A_1324 = arith.muli %parallel_loop3A_1322, %parallel_loop3A_1323 : i32
      %parallel_loop3A_1325 = arith.constant 16 : i32
      %parallel_loop3A_1326 = arith.muli %parallel_loop3A_1322, %parallel_loop3A_1325 : i32
      %parallel_loop3A_1327 = arith.constant 4096 : i32
      %parallel_loop3A_1328 = arith.addi %parallel_loop3A_1327, %parallel_loop3A_1326 : i32
      %parallel_loop3A_1329 = arith.index_cast %parallel_loop3A_1328 : i32 to index
      %parallel_loop3A_1330 = tpu.vector_load %arg7[%parallel_loop3A_1329] {strides = array<i32>} : memref<16384xi32, #tpu.memory_space<vmem>>, vector<16xi32>,
      %parallel_loop3A_1331 = tpu.vector_load_idx %arg6[%parallel_loop3A_1330] : memref<100000xf32, #tpu.memory_space<vmem>>[vector<16xi32>], vector<16xf32>,
      %parallel_loop3A_1332 = arith.index_cast %parallel_loop3A_1324 : i32 to index
      %parallel_loop3A_1333 = tpu.vector_load %arg9[%parallel_loop3A_1332] {strides = array<i32>} : memref<4096xf32, #tpu.memory_space<vmem>>, vector<16xf32>,
      tpu.vector_store %arg9[%parallel_loop3A_1332], %parallel_loop3A_1331 {strides = array<i32>} : memref<4096xf32, #tpu.memory_space<vmem>>, vector<16xf32>,
    } {sc.loop_unroll_factor = 8 : i64, sc.parallel_access}
    %add3A_851 = arith.constant 13 : i32
    %add3A_852 = arith.addi %add3A_851, %add3A_799 : i32
    %dma_start3A_853 = arith.constant 4096 : i32
    %dma_start3A_854 = tpu.memref_slice %arg5[%add3A_852, %dma_start3A_853] : memref<429x16384xf32, #tpu.memory_space<hbm>> -> memref<1x4096xf32, #tpu.memory_space<hbm>>
    %dma_start3A_855 = tpu.memref_squeeze %dma_start3A_854 : memref<1x4096xf32, #tpu.memory_space<hbm>> -> memref<4096xf32, #tpu.memory_space<hbm>>
    %dma_start3A_856 = arith.constant 4096 : i32
    %dma_start3A_857 = tpu.memref_slice %arg5[%add3A_852, %dma_start3A_856] : memref<429x16384xf32, #tpu.memory_space<hbm>> -> memref<1x4096xf32, #tpu.memory_space<hbm>>
    %dma_start3A_858 = tpu.memref_squeeze %dma_start3A_857 : memref<1x4096xf32, #tpu.memory_space<hbm>> -> memref<4096xf32, #tpu.memory_space<hbm>>
    tpu.enqueue_dma source(%arg9 : memref<4096xf32, #tpu.memory_space<vmem>>) target(%dma_start3A_858 : memref<4096xf32, #tpu.memory_space<hbm>>) target_semaphore(%arg13 : memref<!tpu.dma_semaphore, #tpu.memory_space<semaphore_mem>>)
    %add3A_859 = arith.constant 13 : i32
    %add3A_860 = arith.addi %add3A_859, %add3A_799 : i32
    %dma_wait3A_861 = arith.constant 8192 : i32
    %dma_wait3A_862 = tpu.memref_slice %arg5[%add3A_860, %dma_wait3A_861] : memref<429x16384xf32, #tpu.memory_space<hbm>> -> memref<1x4096xf32, #tpu.memory_space<hbm>>
    %dma_wait3A_863 = tpu.memref_squeeze %dma_wait3A_862 : memref<1x4096xf32, #tpu.memory_space<hbm>> -> memref<4096xf32, #tpu.memory_space<hbm>>
    %dma_wait3A_864 = arith.constant 8192 : i32
    %dma_wait3A_865 = tpu.memref_slice %arg5[%add3A_860, %dma_wait3A_864] : memref<429x16384xf32, #tpu.memory_space<hbm>> -> memref<1x4096xf32, #tpu.memory_space<hbm>>
    %dma_wait3A_866 = tpu.memref_squeeze %dma_wait3A_865 : memref<1x4096xf32, #tpu.memory_space<hbm>> -> memref<4096xf32, #tpu.memory_space<hbm>>
    tpu.wait_dma2 semaphore(%arg12 : memref<!tpu.dma_semaphore, #tpu.memory_space<semaphore_mem>>) src(%arg8 : memref<4096xf32, #tpu.memory_space<vmem>>) dst(%dma_wait3A_866 : memref<4096xf32, #tpu.memory_space<hbm>>)
    %parallel_loop3A_867 = arith.constant 0 : i32
    %parallel_loop3A_868 = arith.constant 256 : i32
    %parallel_loop3A_869 = arith.constant 1 : i32
    scf.for %parallel_loop3A_1322 = %parallel_loop3A_867 to %parallel_loop3A_868 step %parallel_loop3A_869  : i32 {
      %parallel_loop3A_1323 = arith.constant 16 : i32
      %parallel_loop3A_1324 = arith.muli %parallel_loop3A_1322, %parallel_loop3A_1323 : i32
      %parallel_loop3A_1325 = arith.constant 16 : i32
      %parallel_loop3A_1326 = arith.muli %parallel_loop3A_1322, %parallel_loop3A_1325 : i32
      %parallel_loop3A_1327 = arith.constant 8192 : i32
      %parallel_loop3A_1328 = arith.addi %parallel_loop3A_1327, %parallel_loop3A_1326 : i32
      %parallel_loop3A_1329 = arith.index_cast %parallel_loop3A_1328 : i32 to index
      %parallel_loop3A_1330 = tpu.vector_load %arg7[%parallel_loop3A_1329] {strides = array<i32>} : memref<16384xi32, #tpu.memory_space<vmem>>, vector<16xi32>,
      %parallel_loop3A_1331 = tpu.vector_load_idx %arg6[%parallel_loop3A_1330] : memref<100000xf32, #tpu.memory_space<vmem>>[vector<16xi32>], vector<16xf32>,
      %parallel_loop3A_1332 = arith.index_cast %parallel_loop3A_1324 : i32 to index
      %parallel_loop3A_1333 = tpu.vector_load %arg8[%parallel_loop3A_1332] {strides = array<i32>} : memref<4096xf32, #tpu.memory_space<vmem>>, vector<16xf32>,
      tpu.vector_store %arg8[%parallel_loop3A_1332], %parallel_loop3A_1331 {strides = array<i32>} : memref<4096xf32, #tpu.memory_space<vmem>>, vector<16xf32>,
    } {sc.loop_unroll_factor = 8 : i64, sc.parallel_access}
    %add3A_870 = arith.constant 13 : i32
    %add3A_871 = arith.addi %add3A_870, %add3A_799 : i32
    %dma_start3A_872 = arith.constant 8192 : i32
    %dma_start3A_873 = tpu.memref_slice %arg5[%add3A_871, %dma_start3A_872] : memref<429x16384xf32, #tpu.memory_space<hbm>> -> memref<1x4096xf32, #tpu.memory_space<hbm>>
    %dma_start3A_874 = tpu.memref_squeeze %dma_start3A_873 : memref<1x4096xf32, #tpu.memory_space<hbm>> -> memref<4096xf32, #tpu.memory_space<hbm>>
    %dma_start3A_875 = arith.constant 8192 : i32
    %dma_start3A_876 = tpu.memref_slice %arg5[%add3A_871, %dma_start3A_875] : memref<429x16384xf32, #tpu.memory_space<hbm>> -> memref<1x4096xf32, #tpu.memory_space<hbm>>
    %dma_start3A_877 = tpu.memref_squeeze %dma_start3A_876 : memref<1x4096xf32, #tpu.memory_space<hbm>> -> memref<4096xf32, #tpu.memory_space<hbm>>
    tpu.enqueue_dma source(%arg8 : memref<4096xf32, #tpu.memory_space<vmem>>) target(%dma_start3A_877 : memref<4096xf32, #tpu.memory_space<hbm>>) target_semaphore(%arg12 : memref<!tpu.dma_semaphore, #tpu.memory_space<semaphore_mem>>)
    %add3A_878 = arith.constant 13 : i32
    %add3A_879 = arith.addi %add3A_878, %add3A_799 : i32
    %dma_wait3A_880 = arith.constant 12288 : i32
    %dma_wait3A_881 = tpu.memref_slice %arg5[%add3A_879, %dma_wait3A_880] : memref<429x16384xf32, #tpu.memory_space<hbm>> -> memref<1x4096xf32, #tpu.memory_space<hbm>>
    %dma_wait3A_882 = tpu.memref_squeeze %dma_wait3A_881 : memref<1x4096xf32, #tpu.memory_space<hbm>> -> memref<4096xf32, #tpu.memory_space<hbm>>
    %dma_wait3A_883 = arith.constant 12288 : i32
    %dma_wait3A_884 = tpu.memref_slice %arg5[%add3A_879, %dma_wait3A_883] : memref<429x16384xf32, #tpu.memory_space<hbm>> -> memref<1x4096xf32, #tpu.memory_space<hbm>>
    %dma_wait3A_885 = tpu.memref_squeeze %dma_wait3A_884 : memref<1x4096xf32, #tpu.memory_space<hbm>> -> memref<4096xf32, #tpu.memory_space<hbm>>
    tpu.wait_dma2 semaphore(%arg13 : memref<!tpu.dma_semaphore, #tpu.memory_space<semaphore_mem>>) src(%arg9 : memref<4096xf32, #tpu.memory_space<vmem>>) dst(%dma_wait3A_885 : memref<4096xf32, #tpu.memory_space<hbm>>)
    %parallel_loop3A_886 = arith.constant 0 : i32
    %parallel_loop3A_887 = arith.constant 256 : i32
    %parallel_loop3A_888 = arith.constant 1 : i32
    scf.for %parallel_loop3A_1322 = %parallel_loop3A_886 to %parallel_loop3A_887 step %parallel_loop3A_888  : i32 {
      %parallel_loop3A_1323 = arith.constant 16 : i32
      %parallel_loop3A_1324 = arith.muli %parallel_loop3A_1322, %parallel_loop3A_1323 : i32
      %parallel_loop3A_1325 = arith.constant 16 : i32
      %parallel_loop3A_1326 = arith.muli %parallel_loop3A_1322, %parallel_loop3A_1325 : i32
      %parallel_loop3A_1327 = arith.constant 12288 : i32
      %parallel_loop3A_1328 = arith.addi %parallel_loop3A_1327, %parallel_loop3A_1326 : i32
      %parallel_loop3A_1329 = arith.index_cast %parallel_loop3A_1328 : i32 to index
      %parallel_loop3A_1330 = tpu.vector_load %arg7[%parallel_loop3A_1329] {strides = array<i32>} : memref<16384xi32, #tpu.memory_space<vmem>>, vector<16xi32>,
      %parallel_loop3A_1331 = tpu.vector_load_idx %arg6[%parallel_loop3A_1330] : memref<100000xf32, #tpu.memory_space<vmem>>[vector<16xi32>], vector<16xf32>,
      %parallel_loop3A_1332 = arith.index_cast %parallel_loop3A_1324 : i32 to index
      %parallel_loop3A_1333 = tpu.vector_load %arg9[%parallel_loop3A_1332] {strides = array<i32>} : memref<4096xf32, #tpu.memory_space<vmem>>, vector<16xf32>,
      tpu.vector_store %arg9[%parallel_loop3A_1332], %parallel_loop3A_1331 {strides = array<i32>} : memref<4096xf32, #tpu.memory_space<vmem>>, vector<16xf32>,
    } {sc.loop_unroll_factor = 8 : i64, sc.parallel_access}
    %add3A_889 = arith.constant 13 : i32
    %add3A_890 = arith.addi %add3A_889, %add3A_799 : i32
    %dma_start3A_891 = arith.constant 12288 : i32
    %dma_start3A_892 = tpu.memref_slice %arg5[%add3A_890, %dma_start3A_891] : memref<429x16384xf32, #tpu.memory_space<hbm>> -> memref<1x4096xf32, #tpu.memory_space<hbm>>
    %dma_start3A_893 = tpu.memref_squeeze %dma_start3A_892 : memref<1x4096xf32, #tpu.memory_space<hbm>> -> memref<4096xf32, #tpu.memory_space<hbm>>
    %dma_start3A_894 = arith.constant 12288 : i32
    %dma_start3A_895 = tpu.memref_slice %arg5[%add3A_890, %dma_start3A_894] : memref<429x16384xf32, #tpu.memory_space<hbm>> -> memref<1x4096xf32, #tpu.memory_space<hbm>>
    %dma_start3A_896 = tpu.memref_squeeze %dma_start3A_895 : memref<1x4096xf32, #tpu.memory_space<hbm>> -> memref<4096xf32, #tpu.memory_space<hbm>>
    tpu.enqueue_dma source(%arg9 : memref<4096xf32, #tpu.memory_space<vmem>>) target(%dma_start3A_896 : memref<4096xf32, #tpu.memory_space<hbm>>) target_semaphore(%arg13 : memref<!tpu.dma_semaphore, #tpu.memory_space<semaphore_mem>>)
    %mul3A_897 = arith.constant 13 : i32
    %mul3A_898 = arith.muli %add3A, %mul3A_897 : i32
    %add3A_899 = arith.constant 9 : i32
    %add3A_900 = arith.addi %mul3A_898, %add3A_899 : i32
    %div3A_901 = arith.constant 16 : i32
    %div3A_902 = arith.divsi %add3A_900, %div3A_901 : i32
    %rem3A_903 = arith.constant 16 : i32
    %rem3A_904 = arith.remsi %add3A_900, %rem3A_903 : i32
    %dma_start3A_905 = arith.constant 0 : i32
    %dma_start3A_906 = tpu.memref_slice %arg4[%div3A_902, %rem3A_904, %dma_start3A_905] : memref<26x16x100000xf32, #tpu.memory_space<hbm>> -> memref<1x1x100000xf32, #tpu.memory_space<hbm>>
    %dma_start3A_907 = tpu.memref_squeeze %dma_start3A_906 : memref<1x1x100000xf32, #tpu.memory_space<hbm>> -> memref<100000xf32, #tpu.memory_space<hbm>>
    %dma_start3A_908 = arith.constant 0 : i32
    %dma_start3A_909 = tpu.memref_slice %arg4[%div3A_902, %rem3A_904, %dma_start3A_908] : memref<26x16x100000xf32, #tpu.memory_space<hbm>> -> memref<1x1x100000xf32, #tpu.memory_space<hbm>>
    %dma_start3A_910 = tpu.memref_squeeze %dma_start3A_909 : memref<1x1x100000xf32, #tpu.memory_space<hbm>> -> memref<100000xf32, #tpu.memory_space<hbm>>
    tpu.enqueue_dma source(%dma_start3A_910 : memref<100000xf32, #tpu.memory_space<hbm>>) target(%arg6 : memref<100000xf32, #tpu.memory_space<vmem>>) target_semaphore(%arg10 : memref<!tpu.dma_semaphore, #tpu.memory_space<semaphore_mem>>)
    %eq3A_911 = arith.constant 0 : i32
    %eq3A_912 = arith.cmpi eq, %rem3A_904, %eq3A_911 : i32
    %convert_element_type3A_913 = arith.extui %eq3A_912 : i1 to i32
    %cond3A_914 = arith.constant 0 : i32
    %cond3A_915 = arith.cmpi ne, %convert_element_type3A_913, %cond3A_914 : i32
    scf.if %cond3A_915 {
      %dma_start3A_1322 = arith.constant 0 : i32
      %dma_start3A_1323 = tpu.memref_slice %arg3[%div3A_902, %dma_start3A_1322] : memref<26x16384xi32, #tpu.memory_space<hbm>> -> memref<1x16384xi32, #tpu.memory_space<hbm>>
      %dma_start3A_1324 = tpu.memref_squeeze %dma_start3A_1323 : memref<1x16384xi32, #tpu.memory_space<hbm>> -> memref<16384xi32, #tpu.memory_space<hbm>>
      %dma_start3A_1325 = arith.constant 0 : i32
      %dma_start3A_1326 = tpu.memref_slice %arg3[%div3A_902, %dma_start3A_1325] : memref<26x16384xi32, #tpu.memory_space<hbm>> -> memref<1x16384xi32, #tpu.memory_space<hbm>>
      %dma_start3A_1327 = tpu.memref_squeeze %dma_start3A_1326 : memref<1x16384xi32, #tpu.memory_space<hbm>> -> memref<16384xi32, #tpu.memory_space<hbm>>
      tpu.enqueue_dma source(%dma_start3A_1327 : memref<16384xi32, #tpu.memory_space<hbm>>) target(%arg7 : memref<16384xi32, #tpu.memory_space<vmem>>) target_semaphore(%arg11 : memref<!tpu.dma_semaphore, #tpu.memory_space<semaphore_mem>>)
      %dma_wait3A_1328 = arith.constant 0 : i32
      %dma_wait3A_1329 = tpu.memref_slice %arg3[%div3A_902, %dma_wait3A_1328] : memref<26x16384xi32, #tpu.memory_space<hbm>> -> memref<1x16384xi32, #tpu.memory_space<hbm>>
      %dma_wait3A_1330 = tpu.memref_squeeze %dma_wait3A_1329 : memref<1x16384xi32, #tpu.memory_space<hbm>> -> memref<16384xi32, #tpu.memory_space<hbm>>
      %dma_wait3A_1331 = arith.constant 0 : i32
      %dma_wait3A_1332 = tpu.memref_slice %arg3[%div3A_902, %dma_wait3A_1331] : memref<26x16384xi32, #tpu.memory_space<hbm>> -> memref<1x16384xi32, #tpu.memory_space<hbm>>
      %dma_wait3A_1333 = tpu.memref_squeeze %dma_wait3A_1332 : memref<1x16384xi32, #tpu.memory_space<hbm>> -> memref<16384xi32, #tpu.memory_space<hbm>>
      tpu.wait_dma2 semaphore(%arg11 : memref<!tpu.dma_semaphore, #tpu.memory_space<semaphore_mem>>) src(%dma_wait3A_1333 : memref<16384xi32, #tpu.memory_space<hbm>>) dst(%arg7 : memref<16384xi32, #tpu.memory_space<vmem>>)
    } else {
    }
    %dma_wait3A_916 = arith.constant 0 : i32
    %dma_wait3A_917 = tpu.memref_slice %arg4[%div3A_902, %rem3A_904, %dma_wait3A_916] : memref<26x16x100000xf32, #tpu.memory_space<hbm>> -> memref<1x1x100000xf32, #tpu.memory_space<hbm>>
    %dma_wait3A_918 = tpu.memref_squeeze %dma_wait3A_917 : memref<1x1x100000xf32, #tpu.memory_space<hbm>> -> memref<100000xf32, #tpu.memory_space<hbm>>
    %dma_wait3A_919 = arith.constant 0 : i32
    %dma_wait3A_920 = tpu.memref_slice %arg4[%div3A_902, %rem3A_904, %dma_wait3A_919] : memref<26x16x100000xf32, #tpu.memory_space<hbm>> -> memref<1x1x100000xf32, #tpu.memory_space<hbm>>
    %dma_wait3A_921 = tpu.memref_squeeze %dma_wait3A_920 : memref<1x1x100000xf32, #tpu.memory_space<hbm>> -> memref<100000xf32, #tpu.memory_space<hbm>>
    tpu.wait_dma2 semaphore(%arg10 : memref<!tpu.dma_semaphore, #tpu.memory_space<semaphore_mem>>) src(%dma_wait3A_921 : memref<100000xf32, #tpu.memory_space<hbm>>) dst(%arg6 : memref<100000xf32, #tpu.memory_space<vmem>>)
    %add3A_922 = arith.constant 13 : i32
    %add3A_923 = arith.addi %add3A_922, %add3A_900 : i32
    %dma_wait3A_924 = arith.constant 0 : i32
    %dma_wait3A_925 = tpu.memref_slice %arg5[%add3A_923, %dma_wait3A_924] : memref<429x16384xf32, #tpu.memory_space<hbm>> -> memref<1x4096xf32, #tpu.memory_space<hbm>>
    %dma_wait3A_926 = tpu.memref_squeeze %dma_wait3A_925 : memref<1x4096xf32, #tpu.memory_space<hbm>> -> memref<4096xf32, #tpu.memory_space<hbm>>
    %dma_wait3A_927 = arith.constant 0 : i32
    %dma_wait3A_928 = tpu.memref_slice %arg5[%add3A_923, %dma_wait3A_927] : memref<429x16384xf32, #tpu.memory_space<hbm>> -> memref<1x4096xf32, #tpu.memory_space<hbm>>
    %dma_wait3A_929 = tpu.memref_squeeze %dma_wait3A_928 : memref<1x4096xf32, #tpu.memory_space<hbm>> -> memref<4096xf32, #tpu.memory_space<hbm>>
    tpu.wait_dma2 semaphore(%arg12 : memref<!tpu.dma_semaphore, #tpu.memory_space<semaphore_mem>>) src(%arg8 : memref<4096xf32, #tpu.memory_space<vmem>>) dst(%dma_wait3A_929 : memref<4096xf32, #tpu.memory_space<hbm>>)
    %parallel_loop3A_930 = arith.constant 0 : i32
    %parallel_loop3A_931 = arith.constant 256 : i32
    %parallel_loop3A_932 = arith.constant 1 : i32
    scf.for %parallel_loop3A_1322 = %parallel_loop3A_930 to %parallel_loop3A_931 step %parallel_loop3A_932  : i32 {
      %parallel_loop3A_1323 = arith.constant 16 : i32
      %parallel_loop3A_1324 = arith.muli %parallel_loop3A_1322, %parallel_loop3A_1323 : i32
      %parallel_loop3A_1325 = arith.constant 16 : i32
      %parallel_loop3A_1326 = arith.muli %parallel_loop3A_1322, %parallel_loop3A_1325 : i32
      %parallel_loop3A_1327 = arith.constant 0 : i32
      %parallel_loop3A_1328 = arith.addi %parallel_loop3A_1327, %parallel_loop3A_1326 : i32
      %parallel_loop3A_1329 = arith.index_cast %parallel_loop3A_1328 : i32 to index
      %parallel_loop3A_1330 = tpu.vector_load %arg7[%parallel_loop3A_1329] {strides = array<i32>} : memref<16384xi32, #tpu.memory_space<vmem>>, vector<16xi32>,
      %parallel_loop3A_1331 = tpu.vector_load_idx %arg6[%parallel_loop3A_1330] : memref<100000xf32, #tpu.memory_space<vmem>>[vector<16xi32>], vector<16xf32>,
      %parallel_loop3A_1332 = arith.index_cast %parallel_loop3A_1324 : i32 to index
      %parallel_loop3A_1333 = tpu.vector_load %arg8[%parallel_loop3A_1332] {strides = array<i32>} : memref<4096xf32, #tpu.memory_space<vmem>>, vector<16xf32>,
      tpu.vector_store %arg8[%parallel_loop3A_1332], %parallel_loop3A_1331 {strides = array<i32>} : memref<4096xf32, #tpu.memory_space<vmem>>, vector<16xf32>,
    } {sc.loop_unroll_factor = 8 : i64, sc.parallel_access}
    %add3A_933 = arith.constant 13 : i32
    %add3A_934 = arith.addi %add3A_933, %add3A_900 : i32
    %dma_start3A_935 = arith.constant 0 : i32
    %dma_start3A_936 = tpu.memref_slice %arg5[%add3A_934, %dma_start3A_935] : memref<429x16384xf32, #tpu.memory_space<hbm>> -> memref<1x4096xf32, #tpu.memory_space<hbm>>
    %dma_start3A_937 = tpu.memref_squeeze %dma_start3A_936 : memref<1x4096xf32, #tpu.memory_space<hbm>> -> memref<4096xf32, #tpu.memory_space<hbm>>
    %dma_start3A_938 = arith.constant 0 : i32
    %dma_start3A_939 = tpu.memref_slice %arg5[%add3A_934, %dma_start3A_938] : memref<429x16384xf32, #tpu.memory_space<hbm>> -> memref<1x4096xf32, #tpu.memory_space<hbm>>
    %dma_start3A_940 = tpu.memref_squeeze %dma_start3A_939 : memref<1x4096xf32, #tpu.memory_space<hbm>> -> memref<4096xf32, #tpu.memory_space<hbm>>
    tpu.enqueue_dma source(%arg8 : memref<4096xf32, #tpu.memory_space<vmem>>) target(%dma_start3A_940 : memref<4096xf32, #tpu.memory_space<hbm>>) target_semaphore(%arg12 : memref<!tpu.dma_semaphore, #tpu.memory_space<semaphore_mem>>)
    %add3A_941 = arith.constant 13 : i32
    %add3A_942 = arith.addi %add3A_941, %add3A_900 : i32
    %dma_wait3A_943 = arith.constant 4096 : i32
    %dma_wait3A_944 = tpu.memref_slice %arg5[%add3A_942, %dma_wait3A_943] : memref<429x16384xf32, #tpu.memory_space<hbm>> -> memref<1x4096xf32, #tpu.memory_space<hbm>>
    %dma_wait3A_945 = tpu.memref_squeeze %dma_wait3A_944 : memref<1x4096xf32, #tpu.memory_space<hbm>> -> memref<4096xf32, #tpu.memory_space<hbm>>
    %dma_wait3A_946 = arith.constant 4096 : i32
    %dma_wait3A_947 = tpu.memref_slice %arg5[%add3A_942, %dma_wait3A_946] : memref<429x16384xf32, #tpu.memory_space<hbm>> -> memref<1x4096xf32, #tpu.memory_space<hbm>>
    %dma_wait3A_948 = tpu.memref_squeeze %dma_wait3A_947 : memref<1x4096xf32, #tpu.memory_space<hbm>> -> memref<4096xf32, #tpu.memory_space<hbm>>
    tpu.wait_dma2 semaphore(%arg13 : memref<!tpu.dma_semaphore, #tpu.memory_space<semaphore_mem>>) src(%arg9 : memref<4096xf32, #tpu.memory_space<vmem>>) dst(%dma_wait3A_948 : memref<4096xf32, #tpu.memory_space<hbm>>)
    %parallel_loop3A_949 = arith.constant 0 : i32
    %parallel_loop3A_950 = arith.constant 256 : i32
    %parallel_loop3A_951 = arith.constant 1 : i32
    scf.for %parallel_loop3A_1322 = %parallel_loop3A_949 to %parallel_loop3A_950 step %parallel_loop3A_951  : i32 {
      %parallel_loop3A_1323 = arith.constant 16 : i32
      %parallel_loop3A_1324 = arith.muli %parallel_loop3A_1322, %parallel_loop3A_1323 : i32
      %parallel_loop3A_1325 = arith.constant 16 : i32
      %parallel_loop3A_1326 = arith.muli %parallel_loop3A_1322, %parallel_loop3A_1325 : i32
      %parallel_loop3A_1327 = arith.constant 4096 : i32
      %parallel_loop3A_1328 = arith.addi %parallel_loop3A_1327, %parallel_loop3A_1326 : i32
      %parallel_loop3A_1329 = arith.index_cast %parallel_loop3A_1328 : i32 to index
      %parallel_loop3A_1330 = tpu.vector_load %arg7[%parallel_loop3A_1329] {strides = array<i32>} : memref<16384xi32, #tpu.memory_space<vmem>>, vector<16xi32>,
      %parallel_loop3A_1331 = tpu.vector_load_idx %arg6[%parallel_loop3A_1330] : memref<100000xf32, #tpu.memory_space<vmem>>[vector<16xi32>], vector<16xf32>,
      %parallel_loop3A_1332 = arith.index_cast %parallel_loop3A_1324 : i32 to index
      %parallel_loop3A_1333 = tpu.vector_load %arg9[%parallel_loop3A_1332] {strides = array<i32>} : memref<4096xf32, #tpu.memory_space<vmem>>, vector<16xf32>,
      tpu.vector_store %arg9[%parallel_loop3A_1332], %parallel_loop3A_1331 {strides = array<i32>} : memref<4096xf32, #tpu.memory_space<vmem>>, vector<16xf32>,
    } {sc.loop_unroll_factor = 8 : i64, sc.parallel_access}
    %add3A_952 = arith.constant 13 : i32
    %add3A_953 = arith.addi %add3A_952, %add3A_900 : i32
    %dma_start3A_954 = arith.constant 4096 : i32
    %dma_start3A_955 = tpu.memref_slice %arg5[%add3A_953, %dma_start3A_954] : memref<429x16384xf32, #tpu.memory_space<hbm>> -> memref<1x4096xf32, #tpu.memory_space<hbm>>
    %dma_start3A_956 = tpu.memref_squeeze %dma_start3A_955 : memref<1x4096xf32, #tpu.memory_space<hbm>> -> memref<4096xf32, #tpu.memory_space<hbm>>
    %dma_start3A_957 = arith.constant 4096 : i32
    %dma_start3A_958 = tpu.memref_slice %arg5[%add3A_953, %dma_start3A_957] : memref<429x16384xf32, #tpu.memory_space<hbm>> -> memref<1x4096xf32, #tpu.memory_space<hbm>>
    %dma_start3A_959 = tpu.memref_squeeze %dma_start3A_958 : memref<1x4096xf32, #tpu.memory_space<hbm>> -> memref<4096xf32, #tpu.memory_space<hbm>>
    tpu.enqueue_dma source(%arg9 : memref<4096xf32, #tpu.memory_space<vmem>>) target(%dma_start3A_959 : memref<4096xf32, #tpu.memory_space<hbm>>) target_semaphore(%arg13 : memref<!tpu.dma_semaphore, #tpu.memory_space<semaphore_mem>>)
    %add3A_960 = arith.constant 13 : i32
    %add3A_961 = arith.addi %add3A_960, %add3A_900 : i32
    %dma_wait3A_962 = arith.constant 8192 : i32
    %dma_wait3A_963 = tpu.memref_slice %arg5[%add3A_961, %dma_wait3A_962] : memref<429x16384xf32, #tpu.memory_space<hbm>> -> memref<1x4096xf32, #tpu.memory_space<hbm>>
    %dma_wait3A_964 = tpu.memref_squeeze %dma_wait3A_963 : memref<1x4096xf32, #tpu.memory_space<hbm>> -> memref<4096xf32, #tpu.memory_space<hbm>>
    %dma_wait3A_965 = arith.constant 8192 : i32
    %dma_wait3A_966 = tpu.memref_slice %arg5[%add3A_961, %dma_wait3A_965] : memref<429x16384xf32, #tpu.memory_space<hbm>> -> memref<1x4096xf32, #tpu.memory_space<hbm>>
    %dma_wait3A_967 = tpu.memref_squeeze %dma_wait3A_966 : memref<1x4096xf32, #tpu.memory_space<hbm>> -> memref<4096xf32, #tpu.memory_space<hbm>>
    tpu.wait_dma2 semaphore(%arg12 : memref<!tpu.dma_semaphore, #tpu.memory_space<semaphore_mem>>) src(%arg8 : memref<4096xf32, #tpu.memory_space<vmem>>) dst(%dma_wait3A_967 : memref<4096xf32, #tpu.memory_space<hbm>>)
    %parallel_loop3A_968 = arith.constant 0 : i32
    %parallel_loop3A_969 = arith.constant 256 : i32
    %parallel_loop3A_970 = arith.constant 1 : i32
    scf.for %parallel_loop3A_1322 = %parallel_loop3A_968 to %parallel_loop3A_969 step %parallel_loop3A_970  : i32 {
      %parallel_loop3A_1323 = arith.constant 16 : i32
      %parallel_loop3A_1324 = arith.muli %parallel_loop3A_1322, %parallel_loop3A_1323 : i32
      %parallel_loop3A_1325 = arith.constant 16 : i32
      %parallel_loop3A_1326 = arith.muli %parallel_loop3A_1322, %parallel_loop3A_1325 : i32
      %parallel_loop3A_1327 = arith.constant 8192 : i32
      %parallel_loop3A_1328 = arith.addi %parallel_loop3A_1327, %parallel_loop3A_1326 : i32
      %parallel_loop3A_1329 = arith.index_cast %parallel_loop3A_1328 : i32 to index
      %parallel_loop3A_1330 = tpu.vector_load %arg7[%parallel_loop3A_1329] {strides = array<i32>} : memref<16384xi32, #tpu.memory_space<vmem>>, vector<16xi32>,
      %parallel_loop3A_1331 = tpu.vector_load_idx %arg6[%parallel_loop3A_1330] : memref<100000xf32, #tpu.memory_space<vmem>>[vector<16xi32>], vector<16xf32>,
      %parallel_loop3A_1332 = arith.index_cast %parallel_loop3A_1324 : i32 to index
      %parallel_loop3A_1333 = tpu.vector_load %arg8[%parallel_loop3A_1332] {strides = array<i32>} : memref<4096xf32, #tpu.memory_space<vmem>>, vector<16xf32>,
      tpu.vector_store %arg8[%parallel_loop3A_1332], %parallel_loop3A_1331 {strides = array<i32>} : memref<4096xf32, #tpu.memory_space<vmem>>, vector<16xf32>,
    } {sc.loop_unroll_factor = 8 : i64, sc.parallel_access}
    %add3A_971 = arith.constant 13 : i32
    %add3A_972 = arith.addi %add3A_971, %add3A_900 : i32
    %dma_start3A_973 = arith.constant 8192 : i32
    %dma_start3A_974 = tpu.memref_slice %arg5[%add3A_972, %dma_start3A_973] : memref<429x16384xf32, #tpu.memory_space<hbm>> -> memref<1x4096xf32, #tpu.memory_space<hbm>>
    %dma_start3A_975 = tpu.memref_squeeze %dma_start3A_974 : memref<1x4096xf32, #tpu.memory_space<hbm>> -> memref<4096xf32, #tpu.memory_space<hbm>>
    %dma_start3A_976 = arith.constant 8192 : i32
    %dma_start3A_977 = tpu.memref_slice %arg5[%add3A_972, %dma_start3A_976] : memref<429x16384xf32, #tpu.memory_space<hbm>> -> memref<1x4096xf32, #tpu.memory_space<hbm>>
    %dma_start3A_978 = tpu.memref_squeeze %dma_start3A_977 : memref<1x4096xf32, #tpu.memory_space<hbm>> -> memref<4096xf32, #tpu.memory_space<hbm>>
    tpu.enqueue_dma source(%arg8 : memref<4096xf32, #tpu.memory_space<vmem>>) target(%dma_start3A_978 : memref<4096xf32, #tpu.memory_space<hbm>>) target_semaphore(%arg12 : memref<!tpu.dma_semaphore, #tpu.memory_space<semaphore_mem>>)
    %add3A_979 = arith.constant 13 : i32
    %add3A_980 = arith.addi %add3A_979, %add3A_900 : i32
    %dma_wait3A_981 = arith.constant 12288 : i32
    %dma_wait3A_982 = tpu.memref_slice %arg5[%add3A_980, %dma_wait3A_981] : memref<429x16384xf32, #tpu.memory_space<hbm>> -> memref<1x4096xf32, #tpu.memory_space<hbm>>
    %dma_wait3A_983 = tpu.memref_squeeze %dma_wait3A_982 : memref<1x4096xf32, #tpu.memory_space<hbm>> -> memref<4096xf32, #tpu.memory_space<hbm>>
    %dma_wait3A_984 = arith.constant 12288 : i32
    %dma_wait3A_985 = tpu.memref_slice %arg5[%add3A_980, %dma_wait3A_984] : memref<429x16384xf32, #tpu.memory_space<hbm>> -> memref<1x4096xf32, #tpu.memory_space<hbm>>
    %dma_wait3A_986 = tpu.memref_squeeze %dma_wait3A_985 : memref<1x4096xf32, #tpu.memory_space<hbm>> -> memref<4096xf32, #tpu.memory_space<hbm>>
    tpu.wait_dma2 semaphore(%arg13 : memref<!tpu.dma_semaphore, #tpu.memory_space<semaphore_mem>>) src(%arg9 : memref<4096xf32, #tpu.memory_space<vmem>>) dst(%dma_wait3A_986 : memref<4096xf32, #tpu.memory_space<hbm>>)
    %parallel_loop3A_987 = arith.constant 0 : i32
    %parallel_loop3A_988 = arith.constant 256 : i32
    %parallel_loop3A_989 = arith.constant 1 : i32
    scf.for %parallel_loop3A_1322 = %parallel_loop3A_987 to %parallel_loop3A_988 step %parallel_loop3A_989  : i32 {
      %parallel_loop3A_1323 = arith.constant 16 : i32
      %parallel_loop3A_1324 = arith.muli %parallel_loop3A_1322, %parallel_loop3A_1323 : i32
      %parallel_loop3A_1325 = arith.constant 16 : i32
      %parallel_loop3A_1326 = arith.muli %parallel_loop3A_1322, %parallel_loop3A_1325 : i32
      %parallel_loop3A_1327 = arith.constant 12288 : i32
      %parallel_loop3A_1328 = arith.addi %parallel_loop3A_1327, %parallel_loop3A_1326 : i32
      %parallel_loop3A_1329 = arith.index_cast %parallel_loop3A_1328 : i32 to index
      %parallel_loop3A_1330 = tpu.vector_load %arg7[%parallel_loop3A_1329] {strides = array<i32>} : memref<16384xi32, #tpu.memory_space<vmem>>, vector<16xi32>,
      %parallel_loop3A_1331 = tpu.vector_load_idx %arg6[%parallel_loop3A_1330] : memref<100000xf32, #tpu.memory_space<vmem>>[vector<16xi32>], vector<16xf32>,
      %parallel_loop3A_1332 = arith.index_cast %parallel_loop3A_1324 : i32 to index
      %parallel_loop3A_1333 = tpu.vector_load %arg9[%parallel_loop3A_1332] {strides = array<i32>} : memref<4096xf32, #tpu.memory_space<vmem>>, vector<16xf32>,
      tpu.vector_store %arg9[%parallel_loop3A_1332], %parallel_loop3A_1331 {strides = array<i32>} : memref<4096xf32, #tpu.memory_space<vmem>>, vector<16xf32>,
    } {sc.loop_unroll_factor = 8 : i64, sc.parallel_access}
    %add3A_990 = arith.constant 13 : i32
    %add3A_991 = arith.addi %add3A_990, %add3A_900 : i32
    %dma_start3A_992 = arith.constant 12288 : i32
    %dma_start3A_993 = tpu.memref_slice %arg5[%add3A_991, %dma_start3A_992] : memref<429x16384xf32, #tpu.memory_space<hbm>> -> memref<1x4096xf32, #tpu.memory_space<hbm>>
    %dma_start3A_994 = tpu.memref_squeeze %dma_start3A_993 : memref<1x4096xf32, #tpu.memory_space<hbm>> -> memref<4096xf32, #tpu.memory_space<hbm>>
    %dma_start3A_995 = arith.constant 12288 : i32
    %dma_start3A_996 = tpu.memref_slice %arg5[%add3A_991, %dma_start3A_995] : memref<429x16384xf32, #tpu.memory_space<hbm>> -> memref<1x4096xf32, #tpu.memory_space<hbm>>
    %dma_start3A_997 = tpu.memref_squeeze %dma_start3A_996 : memref<1x4096xf32, #tpu.memory_space<hbm>> -> memref<4096xf32, #tpu.memory_space<hbm>>
    tpu.enqueue_dma source(%arg9 : memref<4096xf32, #tpu.memory_space<vmem>>) target(%dma_start3A_997 : memref<4096xf32, #tpu.memory_space<hbm>>) target_semaphore(%arg13 : memref<!tpu.dma_semaphore, #tpu.memory_space<semaphore_mem>>)
    %mul3A_998 = arith.constant 13 : i32
    %mul3A_999 = arith.muli %add3A, %mul3A_998 : i32
    %add3A_1000 = arith.constant 10 : i32
    %add3A_1001 = arith.addi %mul3A_999, %add3A_1000 : i32
    %div3A_1002 = arith.constant 16 : i32
    %div3A_1003 = arith.divsi %add3A_1001, %div3A_1002 : i32
    %rem3A_1004 = arith.constant 16 : i32
    %rem3A_1005 = arith.remsi %add3A_1001, %rem3A_1004 : i32
    %dma_start3A_1006 = arith.constant 0 : i32
    %dma_start3A_1007 = tpu.memref_slice %arg4[%div3A_1003, %rem3A_1005, %dma_start3A_1006] : memref<26x16x100000xf32, #tpu.memory_space<hbm>> -> memref<1x1x100000xf32, #tpu.memory_space<hbm>>
    %dma_start3A_1008 = tpu.memref_squeeze %dma_start3A_1007 : memref<1x1x100000xf32, #tpu.memory_space<hbm>> -> memref<100000xf32, #tpu.memory_space<hbm>>
    %dma_start3A_1009 = arith.constant 0 : i32
    %dma_start3A_1010 = tpu.memref_slice %arg4[%div3A_1003, %rem3A_1005, %dma_start3A_1009] : memref<26x16x100000xf32, #tpu.memory_space<hbm>> -> memref<1x1x100000xf32, #tpu.memory_space<hbm>>
    %dma_start3A_1011 = tpu.memref_squeeze %dma_start3A_1010 : memref<1x1x100000xf32, #tpu.memory_space<hbm>> -> memref<100000xf32, #tpu.memory_space<hbm>>
    tpu.enqueue_dma source(%dma_start3A_1011 : memref<100000xf32, #tpu.memory_space<hbm>>) target(%arg6 : memref<100000xf32, #tpu.memory_space<vmem>>) target_semaphore(%arg10 : memref<!tpu.dma_semaphore, #tpu.memory_space<semaphore_mem>>)
    %eq3A_1012 = arith.constant 0 : i32
    %eq3A_1013 = arith.cmpi eq, %rem3A_1005, %eq3A_1012 : i32
    %convert_element_type3A_1014 = arith.extui %eq3A_1013 : i1 to i32
    %cond3A_1015 = arith.constant 0 : i32
    %cond3A_1016 = arith.cmpi ne, %convert_element_type3A_1014, %cond3A_1015 : i32
    scf.if %cond3A_1016 {
      %dma_start3A_1322 = arith.constant 0 : i32
      %dma_start3A_1323 = tpu.memref_slice %arg3[%div3A_1003, %dma_start3A_1322] : memref<26x16384xi32, #tpu.memory_space<hbm>> -> memref<1x16384xi32, #tpu.memory_space<hbm>>
      %dma_start3A_1324 = tpu.memref_squeeze %dma_start3A_1323 : memref<1x16384xi32, #tpu.memory_space<hbm>> -> memref<16384xi32, #tpu.memory_space<hbm>>
      %dma_start3A_1325 = arith.constant 0 : i32
      %dma_start3A_1326 = tpu.memref_slice %arg3[%div3A_1003, %dma_start3A_1325] : memref<26x16384xi32, #tpu.memory_space<hbm>> -> memref<1x16384xi32, #tpu.memory_space<hbm>>
      %dma_start3A_1327 = tpu.memref_squeeze %dma_start3A_1326 : memref<1x16384xi32, #tpu.memory_space<hbm>> -> memref<16384xi32, #tpu.memory_space<hbm>>
      tpu.enqueue_dma source(%dma_start3A_1327 : memref<16384xi32, #tpu.memory_space<hbm>>) target(%arg7 : memref<16384xi32, #tpu.memory_space<vmem>>) target_semaphore(%arg11 : memref<!tpu.dma_semaphore, #tpu.memory_space<semaphore_mem>>)
      %dma_wait3A_1328 = arith.constant 0 : i32
      %dma_wait3A_1329 = tpu.memref_slice %arg3[%div3A_1003, %dma_wait3A_1328] : memref<26x16384xi32, #tpu.memory_space<hbm>> -> memref<1x16384xi32, #tpu.memory_space<hbm>>
      %dma_wait3A_1330 = tpu.memref_squeeze %dma_wait3A_1329 : memref<1x16384xi32, #tpu.memory_space<hbm>> -> memref<16384xi32, #tpu.memory_space<hbm>>
      %dma_wait3A_1331 = arith.constant 0 : i32
      %dma_wait3A_1332 = tpu.memref_slice %arg3[%div3A_1003, %dma_wait3A_1331] : memref<26x16384xi32, #tpu.memory_space<hbm>> -> memref<1x16384xi32, #tpu.memory_space<hbm>>
      %dma_wait3A_1333 = tpu.memref_squeeze %dma_wait3A_1332 : memref<1x16384xi32, #tpu.memory_space<hbm>> -> memref<16384xi32, #tpu.memory_space<hbm>>
      tpu.wait_dma2 semaphore(%arg11 : memref<!tpu.dma_semaphore, #tpu.memory_space<semaphore_mem>>) src(%dma_wait3A_1333 : memref<16384xi32, #tpu.memory_space<hbm>>) dst(%arg7 : memref<16384xi32, #tpu.memory_space<vmem>>)
    } else {
    }
    %dma_wait3A_1017 = arith.constant 0 : i32
    %dma_wait3A_1018 = tpu.memref_slice %arg4[%div3A_1003, %rem3A_1005, %dma_wait3A_1017] : memref<26x16x100000xf32, #tpu.memory_space<hbm>> -> memref<1x1x100000xf32, #tpu.memory_space<hbm>>
    %dma_wait3A_1019 = tpu.memref_squeeze %dma_wait3A_1018 : memref<1x1x100000xf32, #tpu.memory_space<hbm>> -> memref<100000xf32, #tpu.memory_space<hbm>>
    %dma_wait3A_1020 = arith.constant 0 : i32
    %dma_wait3A_1021 = tpu.memref_slice %arg4[%div3A_1003, %rem3A_1005, %dma_wait3A_1020] : memref<26x16x100000xf32, #tpu.memory_space<hbm>> -> memref<1x1x100000xf32, #tpu.memory_space<hbm>>
    %dma_wait3A_1022 = tpu.memref_squeeze %dma_wait3A_1021 : memref<1x1x100000xf32, #tpu.memory_space<hbm>> -> memref<100000xf32, #tpu.memory_space<hbm>>
    tpu.wait_dma2 semaphore(%arg10 : memref<!tpu.dma_semaphore, #tpu.memory_space<semaphore_mem>>) src(%dma_wait3A_1022 : memref<100000xf32, #tpu.memory_space<hbm>>) dst(%arg6 : memref<100000xf32, #tpu.memory_space<vmem>>)
    %add3A_1023 = arith.constant 13 : i32
    %add3A_1024 = arith.addi %add3A_1023, %add3A_1001 : i32
    %dma_wait3A_1025 = arith.constant 0 : i32
    %dma_wait3A_1026 = tpu.memref_slice %arg5[%add3A_1024, %dma_wait3A_1025] : memref<429x16384xf32, #tpu.memory_space<hbm>> -> memref<1x4096xf32, #tpu.memory_space<hbm>>
    %dma_wait3A_1027 = tpu.memref_squeeze %dma_wait3A_1026 : memref<1x4096xf32, #tpu.memory_space<hbm>> -> memref<4096xf32, #tpu.memory_space<hbm>>
    %dma_wait3A_1028 = arith.constant 0 : i32
    %dma_wait3A_1029 = tpu.memref_slice %arg5[%add3A_1024, %dma_wait3A_1028] : memref<429x16384xf32, #tpu.memory_space<hbm>> -> memref<1x4096xf32, #tpu.memory_space<hbm>>
    %dma_wait3A_1030 = tpu.memref_squeeze %dma_wait3A_1029 : memref<1x4096xf32, #tpu.memory_space<hbm>> -> memref<4096xf32, #tpu.memory_space<hbm>>
    tpu.wait_dma2 semaphore(%arg12 : memref<!tpu.dma_semaphore, #tpu.memory_space<semaphore_mem>>) src(%arg8 : memref<4096xf32, #tpu.memory_space<vmem>>) dst(%dma_wait3A_1030 : memref<4096xf32, #tpu.memory_space<hbm>>)
    %parallel_loop3A_1031 = arith.constant 0 : i32
    %parallel_loop3A_1032 = arith.constant 256 : i32
    %parallel_loop3A_1033 = arith.constant 1 : i32
    scf.for %parallel_loop3A_1322 = %parallel_loop3A_1031 to %parallel_loop3A_1032 step %parallel_loop3A_1033  : i32 {
      %parallel_loop3A_1323 = arith.constant 16 : i32
      %parallel_loop3A_1324 = arith.muli %parallel_loop3A_1322, %parallel_loop3A_1323 : i32
      %parallel_loop3A_1325 = arith.constant 16 : i32
      %parallel_loop3A_1326 = arith.muli %parallel_loop3A_1322, %parallel_loop3A_1325 : i32
      %parallel_loop3A_1327 = arith.constant 0 : i32
      %parallel_loop3A_1328 = arith.addi %parallel_loop3A_1327, %parallel_loop3A_1326 : i32
      %parallel_loop3A_1329 = arith.index_cast %parallel_loop3A_1328 : i32 to index
      %parallel_loop3A_1330 = tpu.vector_load %arg7[%parallel_loop3A_1329] {strides = array<i32>} : memref<16384xi32, #tpu.memory_space<vmem>>, vector<16xi32>,
      %parallel_loop3A_1331 = tpu.vector_load_idx %arg6[%parallel_loop3A_1330] : memref<100000xf32, #tpu.memory_space<vmem>>[vector<16xi32>], vector<16xf32>,
      %parallel_loop3A_1332 = arith.index_cast %parallel_loop3A_1324 : i32 to index
      %parallel_loop3A_1333 = tpu.vector_load %arg8[%parallel_loop3A_1332] {strides = array<i32>} : memref<4096xf32, #tpu.memory_space<vmem>>, vector<16xf32>,
      tpu.vector_store %arg8[%parallel_loop3A_1332], %parallel_loop3A_1331 {strides = array<i32>} : memref<4096xf32, #tpu.memory_space<vmem>>, vector<16xf32>,
    } {sc.loop_unroll_factor = 8 : i64, sc.parallel_access}
    %add3A_1034 = arith.constant 13 : i32
    %add3A_1035 = arith.addi %add3A_1034, %add3A_1001 : i32
    %dma_start3A_1036 = arith.constant 0 : i32
    %dma_start3A_1037 = tpu.memref_slice %arg5[%add3A_1035, %dma_start3A_1036] : memref<429x16384xf32, #tpu.memory_space<hbm>> -> memref<1x4096xf32, #tpu.memory_space<hbm>>
    %dma_start3A_1038 = tpu.memref_squeeze %dma_start3A_1037 : memref<1x4096xf32, #tpu.memory_space<hbm>> -> memref<4096xf32, #tpu.memory_space<hbm>>
    %dma_start3A_1039 = arith.constant 0 : i32
    %dma_start3A_1040 = tpu.memref_slice %arg5[%add3A_1035, %dma_start3A_1039] : memref<429x16384xf32, #tpu.memory_space<hbm>> -> memref<1x4096xf32, #tpu.memory_space<hbm>>
    %dma_start3A_1041 = tpu.memref_squeeze %dma_start3A_1040 : memref<1x4096xf32, #tpu.memory_space<hbm>> -> memref<4096xf32, #tpu.memory_space<hbm>>
    tpu.enqueue_dma source(%arg8 : memref<4096xf32, #tpu.memory_space<vmem>>) target(%dma_start3A_1041 : memref<4096xf32, #tpu.memory_space<hbm>>) target_semaphore(%arg12 : memref<!tpu.dma_semaphore, #tpu.memory_space<semaphore_mem>>)
    %add3A_1042 = arith.constant 13 : i32
    %add3A_1043 = arith.addi %add3A_1042, %add3A_1001 : i32
    %dma_wait3A_1044 = arith.constant 4096 : i32
    %dma_wait3A_1045 = tpu.memref_slice %arg5[%add3A_1043, %dma_wait3A_1044] : memref<429x16384xf32, #tpu.memory_space<hbm>> -> memref<1x4096xf32, #tpu.memory_space<hbm>>
    %dma_wait3A_1046 = tpu.memref_squeeze %dma_wait3A_1045 : memref<1x4096xf32, #tpu.memory_space<hbm>> -> memref<4096xf32, #tpu.memory_space<hbm>>
    %dma_wait3A_1047 = arith.constant 4096 : i32
    %dma_wait3A_1048 = tpu.memref_slice %arg5[%add3A_1043, %dma_wait3A_1047] : memref<429x16384xf32, #tpu.memory_space<hbm>> -> memref<1x4096xf32, #tpu.memory_space<hbm>>
    %dma_wait3A_1049 = tpu.memref_squeeze %dma_wait3A_1048 : memref<1x4096xf32, #tpu.memory_space<hbm>> -> memref<4096xf32, #tpu.memory_space<hbm>>
    tpu.wait_dma2 semaphore(%arg13 : memref<!tpu.dma_semaphore, #tpu.memory_space<semaphore_mem>>) src(%arg9 : memref<4096xf32, #tpu.memory_space<vmem>>) dst(%dma_wait3A_1049 : memref<4096xf32, #tpu.memory_space<hbm>>)
    %parallel_loop3A_1050 = arith.constant 0 : i32
    %parallel_loop3A_1051 = arith.constant 256 : i32
    %parallel_loop3A_1052 = arith.constant 1 : i32
    scf.for %parallel_loop3A_1322 = %parallel_loop3A_1050 to %parallel_loop3A_1051 step %parallel_loop3A_1052  : i32 {
      %parallel_loop3A_1323 = arith.constant 16 : i32
      %parallel_loop3A_1324 = arith.muli %parallel_loop3A_1322, %parallel_loop3A_1323 : i32
      %parallel_loop3A_1325 = arith.constant 16 : i32
      %parallel_loop3A_1326 = arith.muli %parallel_loop3A_1322, %parallel_loop3A_1325 : i32
      %parallel_loop3A_1327 = arith.constant 4096 : i32
      %parallel_loop3A_1328 = arith.addi %parallel_loop3A_1327, %parallel_loop3A_1326 : i32
      %parallel_loop3A_1329 = arith.index_cast %parallel_loop3A_1328 : i32 to index
      %parallel_loop3A_1330 = tpu.vector_load %arg7[%parallel_loop3A_1329] {strides = array<i32>} : memref<16384xi32, #tpu.memory_space<vmem>>, vector<16xi32>,
      %parallel_loop3A_1331 = tpu.vector_load_idx %arg6[%parallel_loop3A_1330] : memref<100000xf32, #tpu.memory_space<vmem>>[vector<16xi32>], vector<16xf32>,
      %parallel_loop3A_1332 = arith.index_cast %parallel_loop3A_1324 : i32 to index
      %parallel_loop3A_1333 = tpu.vector_load %arg9[%parallel_loop3A_1332] {strides = array<i32>} : memref<4096xf32, #tpu.memory_space<vmem>>, vector<16xf32>,
      tpu.vector_store %arg9[%parallel_loop3A_1332], %parallel_loop3A_1331 {strides = array<i32>} : memref<4096xf32, #tpu.memory_space<vmem>>, vector<16xf32>,
    } {sc.loop_unroll_factor = 8 : i64, sc.parallel_access}
    %add3A_1053 = arith.constant 13 : i32
    %add3A_1054 = arith.addi %add3A_1053, %add3A_1001 : i32
    %dma_start3A_1055 = arith.constant 4096 : i32
    %dma_start3A_1056 = tpu.memref_slice %arg5[%add3A_1054, %dma_start3A_1055] : memref<429x16384xf32, #tpu.memory_space<hbm>> -> memref<1x4096xf32, #tpu.memory_space<hbm>>
    %dma_start3A_1057 = tpu.memref_squeeze %dma_start3A_1056 : memref<1x4096xf32, #tpu.memory_space<hbm>> -> memref<4096xf32, #tpu.memory_space<hbm>>
    %dma_start3A_1058 = arith.constant 4096 : i32
    %dma_start3A_1059 = tpu.memref_slice %arg5[%add3A_1054, %dma_start3A_1058] : memref<429x16384xf32, #tpu.memory_space<hbm>> -> memref<1x4096xf32, #tpu.memory_space<hbm>>
    %dma_start3A_1060 = tpu.memref_squeeze %dma_start3A_1059 : memref<1x4096xf32, #tpu.memory_space<hbm>> -> memref<4096xf32, #tpu.memory_space<hbm>>
    tpu.enqueue_dma source(%arg9 : memref<4096xf32, #tpu.memory_space<vmem>>) target(%dma_start3A_1060 : memref<4096xf32, #tpu.memory_space<hbm>>) target_semaphore(%arg13 : memref<!tpu.dma_semaphore, #tpu.memory_space<semaphore_mem>>)
    %add3A_1061 = arith.constant 13 : i32
    %add3A_1062 = arith.addi %add3A_1061, %add3A_1001 : i32
    %dma_wait3A_1063 = arith.constant 8192 : i32
    %dma_wait3A_1064 = tpu.memref_slice %arg5[%add3A_1062, %dma_wait3A_1063] : memref<429x16384xf32, #tpu.memory_space<hbm>> -> memref<1x4096xf32, #tpu.memory_space<hbm>>
    %dma_wait3A_1065 = tpu.memref_squeeze %dma_wait3A_1064 : memref<1x4096xf32, #tpu.memory_space<hbm>> -> memref<4096xf32, #tpu.memory_space<hbm>>
    %dma_wait3A_1066 = arith.constant 8192 : i32
    %dma_wait3A_1067 = tpu.memref_slice %arg5[%add3A_1062, %dma_wait3A_1066] : memref<429x16384xf32, #tpu.memory_space<hbm>> -> memref<1x4096xf32, #tpu.memory_space<hbm>>
    %dma_wait3A_1068 = tpu.memref_squeeze %dma_wait3A_1067 : memref<1x4096xf32, #tpu.memory_space<hbm>> -> memref<4096xf32, #tpu.memory_space<hbm>>
    tpu.wait_dma2 semaphore(%arg12 : memref<!tpu.dma_semaphore, #tpu.memory_space<semaphore_mem>>) src(%arg8 : memref<4096xf32, #tpu.memory_space<vmem>>) dst(%dma_wait3A_1068 : memref<4096xf32, #tpu.memory_space<hbm>>)
    %parallel_loop3A_1069 = arith.constant 0 : i32
    %parallel_loop3A_1070 = arith.constant 256 : i32
    %parallel_loop3A_1071 = arith.constant 1 : i32
    scf.for %parallel_loop3A_1322 = %parallel_loop3A_1069 to %parallel_loop3A_1070 step %parallel_loop3A_1071  : i32 {
      %parallel_loop3A_1323 = arith.constant 16 : i32
      %parallel_loop3A_1324 = arith.muli %parallel_loop3A_1322, %parallel_loop3A_1323 : i32
      %parallel_loop3A_1325 = arith.constant 16 : i32
      %parallel_loop3A_1326 = arith.muli %parallel_loop3A_1322, %parallel_loop3A_1325 : i32
      %parallel_loop3A_1327 = arith.constant 8192 : i32
      %parallel_loop3A_1328 = arith.addi %parallel_loop3A_1327, %parallel_loop3A_1326 : i32
      %parallel_loop3A_1329 = arith.index_cast %parallel_loop3A_1328 : i32 to index
      %parallel_loop3A_1330 = tpu.vector_load %arg7[%parallel_loop3A_1329] {strides = array<i32>} : memref<16384xi32, #tpu.memory_space<vmem>>, vector<16xi32>,
      %parallel_loop3A_1331 = tpu.vector_load_idx %arg6[%parallel_loop3A_1330] : memref<100000xf32, #tpu.memory_space<vmem>>[vector<16xi32>], vector<16xf32>,
      %parallel_loop3A_1332 = arith.index_cast %parallel_loop3A_1324 : i32 to index
      %parallel_loop3A_1333 = tpu.vector_load %arg8[%parallel_loop3A_1332] {strides = array<i32>} : memref<4096xf32, #tpu.memory_space<vmem>>, vector<16xf32>,
      tpu.vector_store %arg8[%parallel_loop3A_1332], %parallel_loop3A_1331 {strides = array<i32>} : memref<4096xf32, #tpu.memory_space<vmem>>, vector<16xf32>,
    } {sc.loop_unroll_factor = 8 : i64, sc.parallel_access}
    %add3A_1072 = arith.constant 13 : i32
    %add3A_1073 = arith.addi %add3A_1072, %add3A_1001 : i32
    %dma_start3A_1074 = arith.constant 8192 : i32
    %dma_start3A_1075 = tpu.memref_slice %arg5[%add3A_1073, %dma_start3A_1074] : memref<429x16384xf32, #tpu.memory_space<hbm>> -> memref<1x4096xf32, #tpu.memory_space<hbm>>
    %dma_start3A_1076 = tpu.memref_squeeze %dma_start3A_1075 : memref<1x4096xf32, #tpu.memory_space<hbm>> -> memref<4096xf32, #tpu.memory_space<hbm>>
    %dma_start3A_1077 = arith.constant 8192 : i32
    %dma_start3A_1078 = tpu.memref_slice %arg5[%add3A_1073, %dma_start3A_1077] : memref<429x16384xf32, #tpu.memory_space<hbm>> -> memref<1x4096xf32, #tpu.memory_space<hbm>>
    %dma_start3A_1079 = tpu.memref_squeeze %dma_start3A_1078 : memref<1x4096xf32, #tpu.memory_space<hbm>> -> memref<4096xf32, #tpu.memory_space<hbm>>
    tpu.enqueue_dma source(%arg8 : memref<4096xf32, #tpu.memory_space<vmem>>) target(%dma_start3A_1079 : memref<4096xf32, #tpu.memory_space<hbm>>) target_semaphore(%arg12 : memref<!tpu.dma_semaphore, #tpu.memory_space<semaphore_mem>>)
    %add3A_1080 = arith.constant 13 : i32
    %add3A_1081 = arith.addi %add3A_1080, %add3A_1001 : i32
    %dma_wait3A_1082 = arith.constant 12288 : i32
    %dma_wait3A_1083 = tpu.memref_slice %arg5[%add3A_1081, %dma_wait3A_1082] : memref<429x16384xf32, #tpu.memory_space<hbm>> -> memref<1x4096xf32, #tpu.memory_space<hbm>>
    %dma_wait3A_1084 = tpu.memref_squeeze %dma_wait3A_1083 : memref<1x4096xf32, #tpu.memory_space<hbm>> -> memref<4096xf32, #tpu.memory_space<hbm>>
    %dma_wait3A_1085 = arith.constant 12288 : i32
    %dma_wait3A_1086 = tpu.memref_slice %arg5[%add3A_1081, %dma_wait3A_1085] : memref<429x16384xf32, #tpu.memory_space<hbm>> -> memref<1x4096xf32, #tpu.memory_space<hbm>>
    %dma_wait3A_1087 = tpu.memref_squeeze %dma_wait3A_1086 : memref<1x4096xf32, #tpu.memory_space<hbm>> -> memref<4096xf32, #tpu.memory_space<hbm>>
    tpu.wait_dma2 semaphore(%arg13 : memref<!tpu.dma_semaphore, #tpu.memory_space<semaphore_mem>>) src(%arg9 : memref<4096xf32, #tpu.memory_space<vmem>>) dst(%dma_wait3A_1087 : memref<4096xf32, #tpu.memory_space<hbm>>)
    %parallel_loop3A_1088 = arith.constant 0 : i32
    %parallel_loop3A_1089 = arith.constant 256 : i32
    %parallel_loop3A_1090 = arith.constant 1 : i32
    scf.for %parallel_loop3A_1322 = %parallel_loop3A_1088 to %parallel_loop3A_1089 step %parallel_loop3A_1090  : i32 {
      %parallel_loop3A_1323 = arith.constant 16 : i32
      %parallel_loop3A_1324 = arith.muli %parallel_loop3A_1322, %parallel_loop3A_1323 : i32
      %parallel_loop3A_1325 = arith.constant 16 : i32
      %parallel_loop3A_1326 = arith.muli %parallel_loop3A_1322, %parallel_loop3A_1325 : i32
      %parallel_loop3A_1327 = arith.constant 12288 : i32
      %parallel_loop3A_1328 = arith.addi %parallel_loop3A_1327, %parallel_loop3A_1326 : i32
      %parallel_loop3A_1329 = arith.index_cast %parallel_loop3A_1328 : i32 to index
      %parallel_loop3A_1330 = tpu.vector_load %arg7[%parallel_loop3A_1329] {strides = array<i32>} : memref<16384xi32, #tpu.memory_space<vmem>>, vector<16xi32>,
      %parallel_loop3A_1331 = tpu.vector_load_idx %arg6[%parallel_loop3A_1330] : memref<100000xf32, #tpu.memory_space<vmem>>[vector<16xi32>], vector<16xf32>,
      %parallel_loop3A_1332 = arith.index_cast %parallel_loop3A_1324 : i32 to index
      %parallel_loop3A_1333 = tpu.vector_load %arg9[%parallel_loop3A_1332] {strides = array<i32>} : memref<4096xf32, #tpu.memory_space<vmem>>, vector<16xf32>,
      tpu.vector_store %arg9[%parallel_loop3A_1332], %parallel_loop3A_1331 {strides = array<i32>} : memref<4096xf32, #tpu.memory_space<vmem>>, vector<16xf32>,
    } {sc.loop_unroll_factor = 8 : i64, sc.parallel_access}
    %add3A_1091 = arith.constant 13 : i32
    %add3A_1092 = arith.addi %add3A_1091, %add3A_1001 : i32
    %dma_start3A_1093 = arith.constant 12288 : i32
    %dma_start3A_1094 = tpu.memref_slice %arg5[%add3A_1092, %dma_start3A_1093] : memref<429x16384xf32, #tpu.memory_space<hbm>> -> memref<1x4096xf32, #tpu.memory_space<hbm>>
    %dma_start3A_1095 = tpu.memref_squeeze %dma_start3A_1094 : memref<1x4096xf32, #tpu.memory_space<hbm>> -> memref<4096xf32, #tpu.memory_space<hbm>>
    %dma_start3A_1096 = arith.constant 12288 : i32
    %dma_start3A_1097 = tpu.memref_slice %arg5[%add3A_1092, %dma_start3A_1096] : memref<429x16384xf32, #tpu.memory_space<hbm>> -> memref<1x4096xf32, #tpu.memory_space<hbm>>
    %dma_start3A_1098 = tpu.memref_squeeze %dma_start3A_1097 : memref<1x4096xf32, #tpu.memory_space<hbm>> -> memref<4096xf32, #tpu.memory_space<hbm>>
    tpu.enqueue_dma source(%arg9 : memref<4096xf32, #tpu.memory_space<vmem>>) target(%dma_start3A_1098 : memref<4096xf32, #tpu.memory_space<hbm>>) target_semaphore(%arg13 : memref<!tpu.dma_semaphore, #tpu.memory_space<semaphore_mem>>)
    %mul3A_1099 = arith.constant 13 : i32
    %mul3A_1100 = arith.muli %add3A, %mul3A_1099 : i32
    %add3A_1101 = arith.constant 11 : i32
    %add3A_1102 = arith.addi %mul3A_1100, %add3A_1101 : i32
    %div3A_1103 = arith.constant 16 : i32
    %div3A_1104 = arith.divsi %add3A_1102, %div3A_1103 : i32
    %rem3A_1105 = arith.constant 16 : i32
    %rem3A_1106 = arith.remsi %add3A_1102, %rem3A_1105 : i32
    %dma_start3A_1107 = arith.constant 0 : i32
    %dma_start3A_1108 = tpu.memref_slice %arg4[%div3A_1104, %rem3A_1106, %dma_start3A_1107] : memref<26x16x100000xf32, #tpu.memory_space<hbm>> -> memref<1x1x100000xf32, #tpu.memory_space<hbm>>
    %dma_start3A_1109 = tpu.memref_squeeze %dma_start3A_1108 : memref<1x1x100000xf32, #tpu.memory_space<hbm>> -> memref<100000xf32, #tpu.memory_space<hbm>>
    %dma_start3A_1110 = arith.constant 0 : i32
    %dma_start3A_1111 = tpu.memref_slice %arg4[%div3A_1104, %rem3A_1106, %dma_start3A_1110] : memref<26x16x100000xf32, #tpu.memory_space<hbm>> -> memref<1x1x100000xf32, #tpu.memory_space<hbm>>
    %dma_start3A_1112 = tpu.memref_squeeze %dma_start3A_1111 : memref<1x1x100000xf32, #tpu.memory_space<hbm>> -> memref<100000xf32, #tpu.memory_space<hbm>>
    tpu.enqueue_dma source(%dma_start3A_1112 : memref<100000xf32, #tpu.memory_space<hbm>>) target(%arg6 : memref<100000xf32, #tpu.memory_space<vmem>>) target_semaphore(%arg10 : memref<!tpu.dma_semaphore, #tpu.memory_space<semaphore_mem>>)
    %eq3A_1113 = arith.constant 0 : i32
    %eq3A_1114 = arith.cmpi eq, %rem3A_1106, %eq3A_1113 : i32
    %convert_element_type3A_1115 = arith.extui %eq3A_1114 : i1 to i32
    %cond3A_1116 = arith.constant 0 : i32
    %cond3A_1117 = arith.cmpi ne, %convert_element_type3A_1115, %cond3A_1116 : i32
    scf.if %cond3A_1117 {
      %dma_start3A_1322 = arith.constant 0 : i32
      %dma_start3A_1323 = tpu.memref_slice %arg3[%div3A_1104, %dma_start3A_1322] : memref<26x16384xi32, #tpu.memory_space<hbm>> -> memref<1x16384xi32, #tpu.memory_space<hbm>>
      %dma_start3A_1324 = tpu.memref_squeeze %dma_start3A_1323 : memref<1x16384xi32, #tpu.memory_space<hbm>> -> memref<16384xi32, #tpu.memory_space<hbm>>
      %dma_start3A_1325 = arith.constant 0 : i32
      %dma_start3A_1326 = tpu.memref_slice %arg3[%div3A_1104, %dma_start3A_1325] : memref<26x16384xi32, #tpu.memory_space<hbm>> -> memref<1x16384xi32, #tpu.memory_space<hbm>>
      %dma_start3A_1327 = tpu.memref_squeeze %dma_start3A_1326 : memref<1x16384xi32, #tpu.memory_space<hbm>> -> memref<16384xi32, #tpu.memory_space<hbm>>
      tpu.enqueue_dma source(%dma_start3A_1327 : memref<16384xi32, #tpu.memory_space<hbm>>) target(%arg7 : memref<16384xi32, #tpu.memory_space<vmem>>) target_semaphore(%arg11 : memref<!tpu.dma_semaphore, #tpu.memory_space<semaphore_mem>>)
      %dma_wait3A_1328 = arith.constant 0 : i32
      %dma_wait3A_1329 = tpu.memref_slice %arg3[%div3A_1104, %dma_wait3A_1328] : memref<26x16384xi32, #tpu.memory_space<hbm>> -> memref<1x16384xi32, #tpu.memory_space<hbm>>
      %dma_wait3A_1330 = tpu.memref_squeeze %dma_wait3A_1329 : memref<1x16384xi32, #tpu.memory_space<hbm>> -> memref<16384xi32, #tpu.memory_space<hbm>>
      %dma_wait3A_1331 = arith.constant 0 : i32
      %dma_wait3A_1332 = tpu.memref_slice %arg3[%div3A_1104, %dma_wait3A_1331] : memref<26x16384xi32, #tpu.memory_space<hbm>> -> memref<1x16384xi32, #tpu.memory_space<hbm>>
      %dma_wait3A_1333 = tpu.memref_squeeze %dma_wait3A_1332 : memref<1x16384xi32, #tpu.memory_space<hbm>> -> memref<16384xi32, #tpu.memory_space<hbm>>
      tpu.wait_dma2 semaphore(%arg11 : memref<!tpu.dma_semaphore, #tpu.memory_space<semaphore_mem>>) src(%dma_wait3A_1333 : memref<16384xi32, #tpu.memory_space<hbm>>) dst(%arg7 : memref<16384xi32, #tpu.memory_space<vmem>>)
    } else {
    }
    %dma_wait3A_1118 = arith.constant 0 : i32
    %dma_wait3A_1119 = tpu.memref_slice %arg4[%div3A_1104, %rem3A_1106, %dma_wait3A_1118] : memref<26x16x100000xf32, #tpu.memory_space<hbm>> -> memref<1x1x100000xf32, #tpu.memory_space<hbm>>
    %dma_wait3A_1120 = tpu.memref_squeeze %dma_wait3A_1119 : memref<1x1x100000xf32, #tpu.memory_space<hbm>> -> memref<100000xf32, #tpu.memory_space<hbm>>
    %dma_wait3A_1121 = arith.constant 0 : i32
    %dma_wait3A_1122 = tpu.memref_slice %arg4[%div3A_1104, %rem3A_1106, %dma_wait3A_1121] : memref<26x16x100000xf32, #tpu.memory_space<hbm>> -> memref<1x1x100000xf32, #tpu.memory_space<hbm>>
    %dma_wait3A_1123 = tpu.memref_squeeze %dma_wait3A_1122 : memref<1x1x100000xf32, #tpu.memory_space<hbm>> -> memref<100000xf32, #tpu.memory_space<hbm>>
    tpu.wait_dma2 semaphore(%arg10 : memref<!tpu.dma_semaphore, #tpu.memory_space<semaphore_mem>>) src(%dma_wait3A_1123 : memref<100000xf32, #tpu.memory_space<hbm>>) dst(%arg6 : memref<100000xf32, #tpu.memory_space<vmem>>)
    %add3A_1124 = arith.constant 13 : i32
    %add3A_1125 = arith.addi %add3A_1124, %add3A_1102 : i32
    %dma_wait3A_1126 = arith.constant 0 : i32
    %dma_wait3A_1127 = tpu.memref_slice %arg5[%add3A_1125, %dma_wait3A_1126] : memref<429x16384xf32, #tpu.memory_space<hbm>> -> memref<1x4096xf32, #tpu.memory_space<hbm>>
    %dma_wait3A_1128 = tpu.memref_squeeze %dma_wait3A_1127 : memref<1x4096xf32, #tpu.memory_space<hbm>> -> memref<4096xf32, #tpu.memory_space<hbm>>
    %dma_wait3A_1129 = arith.constant 0 : i32
    %dma_wait3A_1130 = tpu.memref_slice %arg5[%add3A_1125, %dma_wait3A_1129] : memref<429x16384xf32, #tpu.memory_space<hbm>> -> memref<1x4096xf32, #tpu.memory_space<hbm>>
    %dma_wait3A_1131 = tpu.memref_squeeze %dma_wait3A_1130 : memref<1x4096xf32, #tpu.memory_space<hbm>> -> memref<4096xf32, #tpu.memory_space<hbm>>
    tpu.wait_dma2 semaphore(%arg12 : memref<!tpu.dma_semaphore, #tpu.memory_space<semaphore_mem>>) src(%arg8 : memref<4096xf32, #tpu.memory_space<vmem>>) dst(%dma_wait3A_1131 : memref<4096xf32, #tpu.memory_space<hbm>>)
    %parallel_loop3A_1132 = arith.constant 0 : i32
    %parallel_loop3A_1133 = arith.constant 256 : i32
    %parallel_loop3A_1134 = arith.constant 1 : i32
    scf.for %parallel_loop3A_1322 = %parallel_loop3A_1132 to %parallel_loop3A_1133 step %parallel_loop3A_1134  : i32 {
      %parallel_loop3A_1323 = arith.constant 16 : i32
      %parallel_loop3A_1324 = arith.muli %parallel_loop3A_1322, %parallel_loop3A_1323 : i32
      %parallel_loop3A_1325 = arith.constant 16 : i32
      %parallel_loop3A_1326 = arith.muli %parallel_loop3A_1322, %parallel_loop3A_1325 : i32
      %parallel_loop3A_1327 = arith.constant 0 : i32
      %parallel_loop3A_1328 = arith.addi %parallel_loop3A_1327, %parallel_loop3A_1326 : i32
      %parallel_loop3A_1329 = arith.index_cast %parallel_loop3A_1328 : i32 to index
      %parallel_loop3A_1330 = tpu.vector_load %arg7[%parallel_loop3A_1329] {strides = array<i32>} : memref<16384xi32, #tpu.memory_space<vmem>>, vector<16xi32>,
      %parallel_loop3A_1331 = tpu.vector_load_idx %arg6[%parallel_loop3A_1330] : memref<100000xf32, #tpu.memory_space<vmem>>[vector<16xi32>], vector<16xf32>,
      %parallel_loop3A_1332 = arith.index_cast %parallel_loop3A_1324 : i32 to index
      %parallel_loop3A_1333 = tpu.vector_load %arg8[%parallel_loop3A_1332] {strides = array<i32>} : memref<4096xf32, #tpu.memory_space<vmem>>, vector<16xf32>,
      tpu.vector_store %arg8[%parallel_loop3A_1332], %parallel_loop3A_1331 {strides = array<i32>} : memref<4096xf32, #tpu.memory_space<vmem>>, vector<16xf32>,
    } {sc.loop_unroll_factor = 8 : i64, sc.parallel_access}
    %add3A_1135 = arith.constant 13 : i32
    %add3A_1136 = arith.addi %add3A_1135, %add3A_1102 : i32
    %dma_start3A_1137 = arith.constant 0 : i32
    %dma_start3A_1138 = tpu.memref_slice %arg5[%add3A_1136, %dma_start3A_1137] : memref<429x16384xf32, #tpu.memory_space<hbm>> -> memref<1x4096xf32, #tpu.memory_space<hbm>>
    %dma_start3A_1139 = tpu.memref_squeeze %dma_start3A_1138 : memref<1x4096xf32, #tpu.memory_space<hbm>> -> memref<4096xf32, #tpu.memory_space<hbm>>
    %dma_start3A_1140 = arith.constant 0 : i32
    %dma_start3A_1141 = tpu.memref_slice %arg5[%add3A_1136, %dma_start3A_1140] : memref<429x16384xf32, #tpu.memory_space<hbm>> -> memref<1x4096xf32, #tpu.memory_space<hbm>>
    %dma_start3A_1142 = tpu.memref_squeeze %dma_start3A_1141 : memref<1x4096xf32, #tpu.memory_space<hbm>> -> memref<4096xf32, #tpu.memory_space<hbm>>
    tpu.enqueue_dma source(%arg8 : memref<4096xf32, #tpu.memory_space<vmem>>) target(%dma_start3A_1142 : memref<4096xf32, #tpu.memory_space<hbm>>) target_semaphore(%arg12 : memref<!tpu.dma_semaphore, #tpu.memory_space<semaphore_mem>>)
    %add3A_1143 = arith.constant 13 : i32
    %add3A_1144 = arith.addi %add3A_1143, %add3A_1102 : i32
    %dma_wait3A_1145 = arith.constant 4096 : i32
    %dma_wait3A_1146 = tpu.memref_slice %arg5[%add3A_1144, %dma_wait3A_1145] : memref<429x16384xf32, #tpu.memory_space<hbm>> -> memref<1x4096xf32, #tpu.memory_space<hbm>>
    %dma_wait3A_1147 = tpu.memref_squeeze %dma_wait3A_1146 : memref<1x4096xf32, #tpu.memory_space<hbm>> -> memref<4096xf32, #tpu.memory_space<hbm>>
    %dma_wait3A_1148 = arith.constant 4096 : i32
    %dma_wait3A_1149 = tpu.memref_slice %arg5[%add3A_1144, %dma_wait3A_1148] : memref<429x16384xf32, #tpu.memory_space<hbm>> -> memref<1x4096xf32, #tpu.memory_space<hbm>>
    %dma_wait3A_1150 = tpu.memref_squeeze %dma_wait3A_1149 : memref<1x4096xf32, #tpu.memory_space<hbm>> -> memref<4096xf32, #tpu.memory_space<hbm>>
    tpu.wait_dma2 semaphore(%arg13 : memref<!tpu.dma_semaphore, #tpu.memory_space<semaphore_mem>>) src(%arg9 : memref<4096xf32, #tpu.memory_space<vmem>>) dst(%dma_wait3A_1150 : memref<4096xf32, #tpu.memory_space<hbm>>)
    %parallel_loop3A_1151 = arith.constant 0 : i32
    %parallel_loop3A_1152 = arith.constant 256 : i32
    %parallel_loop3A_1153 = arith.constant 1 : i32
    scf.for %parallel_loop3A_1322 = %parallel_loop3A_1151 to %parallel_loop3A_1152 step %parallel_loop3A_1153  : i32 {
      %parallel_loop3A_1323 = arith.constant 16 : i32
      %parallel_loop3A_1324 = arith.muli %parallel_loop3A_1322, %parallel_loop3A_1323 : i32
      %parallel_loop3A_1325 = arith.constant 16 : i32
      %parallel_loop3A_1326 = arith.muli %parallel_loop3A_1322, %parallel_loop3A_1325 : i32
      %parallel_loop3A_1327 = arith.constant 4096 : i32
      %parallel_loop3A_1328 = arith.addi %parallel_loop3A_1327, %parallel_loop3A_1326 : i32
      %parallel_loop3A_1329 = arith.index_cast %parallel_loop3A_1328 : i32 to index
      %parallel_loop3A_1330 = tpu.vector_load %arg7[%parallel_loop3A_1329] {strides = array<i32>} : memref<16384xi32, #tpu.memory_space<vmem>>, vector<16xi32>,
      %parallel_loop3A_1331 = tpu.vector_load_idx %arg6[%parallel_loop3A_1330] : memref<100000xf32, #tpu.memory_space<vmem>>[vector<16xi32>], vector<16xf32>,
      %parallel_loop3A_1332 = arith.index_cast %parallel_loop3A_1324 : i32 to index
      %parallel_loop3A_1333 = tpu.vector_load %arg9[%parallel_loop3A_1332] {strides = array<i32>} : memref<4096xf32, #tpu.memory_space<vmem>>, vector<16xf32>,
      tpu.vector_store %arg9[%parallel_loop3A_1332], %parallel_loop3A_1331 {strides = array<i32>} : memref<4096xf32, #tpu.memory_space<vmem>>, vector<16xf32>,
    } {sc.loop_unroll_factor = 8 : i64, sc.parallel_access}
    %add3A_1154 = arith.constant 13 : i32
    %add3A_1155 = arith.addi %add3A_1154, %add3A_1102 : i32
    %dma_start3A_1156 = arith.constant 4096 : i32
    %dma_start3A_1157 = tpu.memref_slice %arg5[%add3A_1155, %dma_start3A_1156] : memref<429x16384xf32, #tpu.memory_space<hbm>> -> memref<1x4096xf32, #tpu.memory_space<hbm>>
    %dma_start3A_1158 = tpu.memref_squeeze %dma_start3A_1157 : memref<1x4096xf32, #tpu.memory_space<hbm>> -> memref<4096xf32, #tpu.memory_space<hbm>>
    %dma_start3A_1159 = arith.constant 4096 : i32
    %dma_start3A_1160 = tpu.memref_slice %arg5[%add3A_1155, %dma_start3A_1159] : memref<429x16384xf32, #tpu.memory_space<hbm>> -> memref<1x4096xf32, #tpu.memory_space<hbm>>
    %dma_start3A_1161 = tpu.memref_squeeze %dma_start3A_1160 : memref<1x4096xf32, #tpu.memory_space<hbm>> -> memref<4096xf32, #tpu.memory_space<hbm>>
    tpu.enqueue_dma source(%arg9 : memref<4096xf32, #tpu.memory_space<vmem>>) target(%dma_start3A_1161 : memref<4096xf32, #tpu.memory_space<hbm>>) target_semaphore(%arg13 : memref<!tpu.dma_semaphore, #tpu.memory_space<semaphore_mem>>)
    %add3A_1162 = arith.constant 13 : i32
    %add3A_1163 = arith.addi %add3A_1162, %add3A_1102 : i32
    %dma_wait3A_1164 = arith.constant 8192 : i32
    %dma_wait3A_1165 = tpu.memref_slice %arg5[%add3A_1163, %dma_wait3A_1164] : memref<429x16384xf32, #tpu.memory_space<hbm>> -> memref<1x4096xf32, #tpu.memory_space<hbm>>
    %dma_wait3A_1166 = tpu.memref_squeeze %dma_wait3A_1165 : memref<1x4096xf32, #tpu.memory_space<hbm>> -> memref<4096xf32, #tpu.memory_space<hbm>>
    %dma_wait3A_1167 = arith.constant 8192 : i32
    %dma_wait3A_1168 = tpu.memref_slice %arg5[%add3A_1163, %dma_wait3A_1167] : memref<429x16384xf32, #tpu.memory_space<hbm>> -> memref<1x4096xf32, #tpu.memory_space<hbm>>
    %dma_wait3A_1169 = tpu.memref_squeeze %dma_wait3A_1168 : memref<1x4096xf32, #tpu.memory_space<hbm>> -> memref<4096xf32, #tpu.memory_space<hbm>>
    tpu.wait_dma2 semaphore(%arg12 : memref<!tpu.dma_semaphore, #tpu.memory_space<semaphore_mem>>) src(%arg8 : memref<4096xf32, #tpu.memory_space<vmem>>) dst(%dma_wait3A_1169 : memref<4096xf32, #tpu.memory_space<hbm>>)
    %parallel_loop3A_1170 = arith.constant 0 : i32
    %parallel_loop3A_1171 = arith.constant 256 : i32
    %parallel_loop3A_1172 = arith.constant 1 : i32
    scf.for %parallel_loop3A_1322 = %parallel_loop3A_1170 to %parallel_loop3A_1171 step %parallel_loop3A_1172  : i32 {
      %parallel_loop3A_1323 = arith.constant 16 : i32
      %parallel_loop3A_1324 = arith.muli %parallel_loop3A_1322, %parallel_loop3A_1323 : i32
      %parallel_loop3A_1325 = arith.constant 16 : i32
      %parallel_loop3A_1326 = arith.muli %parallel_loop3A_1322, %parallel_loop3A_1325 : i32
      %parallel_loop3A_1327 = arith.constant 8192 : i32
      %parallel_loop3A_1328 = arith.addi %parallel_loop3A_1327, %parallel_loop3A_1326 : i32
      %parallel_loop3A_1329 = arith.index_cast %parallel_loop3A_1328 : i32 to index
      %parallel_loop3A_1330 = tpu.vector_load %arg7[%parallel_loop3A_1329] {strides = array<i32>} : memref<16384xi32, #tpu.memory_space<vmem>>, vector<16xi32>,
      %parallel_loop3A_1331 = tpu.vector_load_idx %arg6[%parallel_loop3A_1330] : memref<100000xf32, #tpu.memory_space<vmem>>[vector<16xi32>], vector<16xf32>,
      %parallel_loop3A_1332 = arith.index_cast %parallel_loop3A_1324 : i32 to index
      %parallel_loop3A_1333 = tpu.vector_load %arg8[%parallel_loop3A_1332] {strides = array<i32>} : memref<4096xf32, #tpu.memory_space<vmem>>, vector<16xf32>,
      tpu.vector_store %arg8[%parallel_loop3A_1332], %parallel_loop3A_1331 {strides = array<i32>} : memref<4096xf32, #tpu.memory_space<vmem>>, vector<16xf32>,
    } {sc.loop_unroll_factor = 8 : i64, sc.parallel_access}
    %add3A_1173 = arith.constant 13 : i32
    %add3A_1174 = arith.addi %add3A_1173, %add3A_1102 : i32
    %dma_start3A_1175 = arith.constant 8192 : i32
    %dma_start3A_1176 = tpu.memref_slice %arg5[%add3A_1174, %dma_start3A_1175] : memref<429x16384xf32, #tpu.memory_space<hbm>> -> memref<1x4096xf32, #tpu.memory_space<hbm>>
    %dma_start3A_1177 = tpu.memref_squeeze %dma_start3A_1176 : memref<1x4096xf32, #tpu.memory_space<hbm>> -> memref<4096xf32, #tpu.memory_space<hbm>>
    %dma_start3A_1178 = arith.constant 8192 : i32
    %dma_start3A_1179 = tpu.memref_slice %arg5[%add3A_1174, %dma_start3A_1178] : memref<429x16384xf32, #tpu.memory_space<hbm>> -> memref<1x4096xf32, #tpu.memory_space<hbm>>
    %dma_start3A_1180 = tpu.memref_squeeze %dma_start3A_1179 : memref<1x4096xf32, #tpu.memory_space<hbm>> -> memref<4096xf32, #tpu.memory_space<hbm>>
    tpu.enqueue_dma source(%arg8 : memref<4096xf32, #tpu.memory_space<vmem>>) target(%dma_start3A_1180 : memref<4096xf32, #tpu.memory_space<hbm>>) target_semaphore(%arg12 : memref<!tpu.dma_semaphore, #tpu.memory_space<semaphore_mem>>)
    %add3A_1181 = arith.constant 13 : i32
    %add3A_1182 = arith.addi %add3A_1181, %add3A_1102 : i32
    %dma_wait3A_1183 = arith.constant 12288 : i32
    %dma_wait3A_1184 = tpu.memref_slice %arg5[%add3A_1182, %dma_wait3A_1183] : memref<429x16384xf32, #tpu.memory_space<hbm>> -> memref<1x4096xf32, #tpu.memory_space<hbm>>
    %dma_wait3A_1185 = tpu.memref_squeeze %dma_wait3A_1184 : memref<1x4096xf32, #tpu.memory_space<hbm>> -> memref<4096xf32, #tpu.memory_space<hbm>>
    %dma_wait3A_1186 = arith.constant 12288 : i32
    %dma_wait3A_1187 = tpu.memref_slice %arg5[%add3A_1182, %dma_wait3A_1186] : memref<429x16384xf32, #tpu.memory_space<hbm>> -> memref<1x4096xf32, #tpu.memory_space<hbm>>
    %dma_wait3A_1188 = tpu.memref_squeeze %dma_wait3A_1187 : memref<1x4096xf32, #tpu.memory_space<hbm>> -> memref<4096xf32, #tpu.memory_space<hbm>>
    tpu.wait_dma2 semaphore(%arg13 : memref<!tpu.dma_semaphore, #tpu.memory_space<semaphore_mem>>) src(%arg9 : memref<4096xf32, #tpu.memory_space<vmem>>) dst(%dma_wait3A_1188 : memref<4096xf32, #tpu.memory_space<hbm>>)
    %parallel_loop3A_1189 = arith.constant 0 : i32
    %parallel_loop3A_1190 = arith.constant 256 : i32
    %parallel_loop3A_1191 = arith.constant 1 : i32
    scf.for %parallel_loop3A_1322 = %parallel_loop3A_1189 to %parallel_loop3A_1190 step %parallel_loop3A_1191  : i32 {
      %parallel_loop3A_1323 = arith.constant 16 : i32
      %parallel_loop3A_1324 = arith.muli %parallel_loop3A_1322, %parallel_loop3A_1323 : i32
      %parallel_loop3A_1325 = arith.constant 16 : i32
      %parallel_loop3A_1326 = arith.muli %parallel_loop3A_1322, %parallel_loop3A_1325 : i32
      %parallel_loop3A_1327 = arith.constant 12288 : i32
      %parallel_loop3A_1328 = arith.addi %parallel_loop3A_1327, %parallel_loop3A_1326 : i32
      %parallel_loop3A_1329 = arith.index_cast %parallel_loop3A_1328 : i32 to index
      %parallel_loop3A_1330 = tpu.vector_load %arg7[%parallel_loop3A_1329] {strides = array<i32>} : memref<16384xi32, #tpu.memory_space<vmem>>, vector<16xi32>,
      %parallel_loop3A_1331 = tpu.vector_load_idx %arg6[%parallel_loop3A_1330] : memref<100000xf32, #tpu.memory_space<vmem>>[vector<16xi32>], vector<16xf32>,
      %parallel_loop3A_1332 = arith.index_cast %parallel_loop3A_1324 : i32 to index
      %parallel_loop3A_1333 = tpu.vector_load %arg9[%parallel_loop3A_1332] {strides = array<i32>} : memref<4096xf32, #tpu.memory_space<vmem>>, vector<16xf32>,
      tpu.vector_store %arg9[%parallel_loop3A_1332], %parallel_loop3A_1331 {strides = array<i32>} : memref<4096xf32, #tpu.memory_space<vmem>>, vector<16xf32>,
    } {sc.loop_unroll_factor = 8 : i64, sc.parallel_access}
    %add3A_1192 = arith.constant 13 : i32
    %add3A_1193 = arith.addi %add3A_1192, %add3A_1102 : i32
    %dma_start3A_1194 = arith.constant 12288 : i32
    %dma_start3A_1195 = tpu.memref_slice %arg5[%add3A_1193, %dma_start3A_1194] : memref<429x16384xf32, #tpu.memory_space<hbm>> -> memref<1x4096xf32, #tpu.memory_space<hbm>>
    %dma_start3A_1196 = tpu.memref_squeeze %dma_start3A_1195 : memref<1x4096xf32, #tpu.memory_space<hbm>> -> memref<4096xf32, #tpu.memory_space<hbm>>
    %dma_start3A_1197 = arith.constant 12288 : i32
    %dma_start3A_1198 = tpu.memref_slice %arg5[%add3A_1193, %dma_start3A_1197] : memref<429x16384xf32, #tpu.memory_space<hbm>> -> memref<1x4096xf32, #tpu.memory_space<hbm>>
    %dma_start3A_1199 = tpu.memref_squeeze %dma_start3A_1198 : memref<1x4096xf32, #tpu.memory_space<hbm>> -> memref<4096xf32, #tpu.memory_space<hbm>>
    tpu.enqueue_dma source(%arg9 : memref<4096xf32, #tpu.memory_space<vmem>>) target(%dma_start3A_1199 : memref<4096xf32, #tpu.memory_space<hbm>>) target_semaphore(%arg13 : memref<!tpu.dma_semaphore, #tpu.memory_space<semaphore_mem>>)
    %mul3A_1200 = arith.constant 13 : i32
    %mul3A_1201 = arith.muli %add3A, %mul3A_1200 : i32
    %add3A_1202 = arith.constant 12 : i32
    %add3A_1203 = arith.addi %mul3A_1201, %add3A_1202 : i32
    %div3A_1204 = arith.constant 16 : i32
    %div3A_1205 = arith.divsi %add3A_1203, %div3A_1204 : i32
    %rem3A_1206 = arith.constant 16 : i32
    %rem3A_1207 = arith.remsi %add3A_1203, %rem3A_1206 : i32
    %dma_start3A_1208 = arith.constant 0 : i32
    %dma_start3A_1209 = tpu.memref_slice %arg4[%div3A_1205, %rem3A_1207, %dma_start3A_1208] : memref<26x16x100000xf32, #tpu.memory_space<hbm>> -> memref<1x1x100000xf32, #tpu.memory_space<hbm>>
    %dma_start3A_1210 = tpu.memref_squeeze %dma_start3A_1209 : memref<1x1x100000xf32, #tpu.memory_space<hbm>> -> memref<100000xf32, #tpu.memory_space<hbm>>
    %dma_start3A_1211 = arith.constant 0 : i32
    %dma_start3A_1212 = tpu.memref_slice %arg4[%div3A_1205, %rem3A_1207, %dma_start3A_1211] : memref<26x16x100000xf32, #tpu.memory_space<hbm>> -> memref<1x1x100000xf32, #tpu.memory_space<hbm>>
    %dma_start3A_1213 = tpu.memref_squeeze %dma_start3A_1212 : memref<1x1x100000xf32, #tpu.memory_space<hbm>> -> memref<100000xf32, #tpu.memory_space<hbm>>
    tpu.enqueue_dma source(%dma_start3A_1213 : memref<100000xf32, #tpu.memory_space<hbm>>) target(%arg6 : memref<100000xf32, #tpu.memory_space<vmem>>) target_semaphore(%arg10 : memref<!tpu.dma_semaphore, #tpu.memory_space<semaphore_mem>>)
    %eq3A_1214 = arith.constant 0 : i32
    %eq3A_1215 = arith.cmpi eq, %rem3A_1207, %eq3A_1214 : i32
    %convert_element_type3A_1216 = arith.extui %eq3A_1215 : i1 to i32
    %cond3A_1217 = arith.constant 0 : i32
    %cond3A_1218 = arith.cmpi ne, %convert_element_type3A_1216, %cond3A_1217 : i32
    scf.if %cond3A_1218 {
      %dma_start3A_1322 = arith.constant 0 : i32
      %dma_start3A_1323 = tpu.memref_slice %arg3[%div3A_1205, %dma_start3A_1322] : memref<26x16384xi32, #tpu.memory_space<hbm>> -> memref<1x16384xi32, #tpu.memory_space<hbm>>
      %dma_start3A_1324 = tpu.memref_squeeze %dma_start3A_1323 : memref<1x16384xi32, #tpu.memory_space<hbm>> -> memref<16384xi32, #tpu.memory_space<hbm>>
      %dma_start3A_1325 = arith.constant 0 : i32
      %dma_start3A_1326 = tpu.memref_slice %arg3[%div3A_1205, %dma_start3A_1325] : memref<26x16384xi32, #tpu.memory_space<hbm>> -> memref<1x16384xi32, #tpu.memory_space<hbm>>
      %dma_start3A_1327 = tpu.memref_squeeze %dma_start3A_1326 : memref<1x16384xi32, #tpu.memory_space<hbm>> -> memref<16384xi32, #tpu.memory_space<hbm>>
      tpu.enqueue_dma source(%dma_start3A_1327 : memref<16384xi32, #tpu.memory_space<hbm>>) target(%arg7 : memref<16384xi32, #tpu.memory_space<vmem>>) target_semaphore(%arg11 : memref<!tpu.dma_semaphore, #tpu.memory_space<semaphore_mem>>)
      %dma_wait3A_1328 = arith.constant 0 : i32
      %dma_wait3A_1329 = tpu.memref_slice %arg3[%div3A_1205, %dma_wait3A_1328] : memref<26x16384xi32, #tpu.memory_space<hbm>> -> memref<1x16384xi32, #tpu.memory_space<hbm>>
      %dma_wait3A_1330 = tpu.memref_squeeze %dma_wait3A_1329 : memref<1x16384xi32, #tpu.memory_space<hbm>> -> memref<16384xi32, #tpu.memory_space<hbm>>
      %dma_wait3A_1331 = arith.constant 0 : i32
      %dma_wait3A_1332 = tpu.memref_slice %arg3[%div3A_1205, %dma_wait3A_1331] : memref<26x16384xi32, #tpu.memory_space<hbm>> -> memref<1x16384xi32, #tpu.memory_space<hbm>>
      %dma_wait3A_1333 = tpu.memref_squeeze %dma_wait3A_1332 : memref<1x16384xi32, #tpu.memory_space<hbm>> -> memref<16384xi32, #tpu.memory_space<hbm>>
      tpu.wait_dma2 semaphore(%arg11 : memref<!tpu.dma_semaphore, #tpu.memory_space<semaphore_mem>>) src(%dma_wait3A_1333 : memref<16384xi32, #tpu.memory_space<hbm>>) dst(%arg7 : memref<16384xi32, #tpu.memory_space<vmem>>)
    } else {
    }
    %dma_wait3A_1219 = arith.constant 0 : i32
    %dma_wait3A_1220 = tpu.memref_slice %arg4[%div3A_1205, %rem3A_1207, %dma_wait3A_1219] : memref<26x16x100000xf32, #tpu.memory_space<hbm>> -> memref<1x1x100000xf32, #tpu.memory_space<hbm>>
    %dma_wait3A_1221 = tpu.memref_squeeze %dma_wait3A_1220 : memref<1x1x100000xf32, #tpu.memory_space<hbm>> -> memref<100000xf32, #tpu.memory_space<hbm>>
    %dma_wait3A_1222 = arith.constant 0 : i32
    %dma_wait3A_1223 = tpu.memref_slice %arg4[%div3A_1205, %rem3A_1207, %dma_wait3A_1222] : memref<26x16x100000xf32, #tpu.memory_space<hbm>> -> memref<1x1x100000xf32, #tpu.memory_space<hbm>>
    %dma_wait3A_1224 = tpu.memref_squeeze %dma_wait3A_1223 : memref<1x1x100000xf32, #tpu.memory_space<hbm>> -> memref<100000xf32, #tpu.memory_space<hbm>>
    tpu.wait_dma2 semaphore(%arg10 : memref<!tpu.dma_semaphore, #tpu.memory_space<semaphore_mem>>) src(%dma_wait3A_1224 : memref<100000xf32, #tpu.memory_space<hbm>>) dst(%arg6 : memref<100000xf32, #tpu.memory_space<vmem>>)
    %add3A_1225 = arith.constant 13 : i32
    %add3A_1226 = arith.addi %add3A_1225, %add3A_1203 : i32
    %dma_wait3A_1227 = arith.constant 0 : i32
    %dma_wait3A_1228 = tpu.memref_slice %arg5[%add3A_1226, %dma_wait3A_1227] : memref<429x16384xf32, #tpu.memory_space<hbm>> -> memref<1x4096xf32, #tpu.memory_space<hbm>>
    %dma_wait3A_1229 = tpu.memref_squeeze %dma_wait3A_1228 : memref<1x4096xf32, #tpu.memory_space<hbm>> -> memref<4096xf32, #tpu.memory_space<hbm>>
    %dma_wait3A_1230 = arith.constant 0 : i32
    %dma_wait3A_1231 = tpu.memref_slice %arg5[%add3A_1226, %dma_wait3A_1230] : memref<429x16384xf32, #tpu.memory_space<hbm>> -> memref<1x4096xf32, #tpu.memory_space<hbm>>
    %dma_wait3A_1232 = tpu.memref_squeeze %dma_wait3A_1231 : memref<1x4096xf32, #tpu.memory_space<hbm>> -> memref<4096xf32, #tpu.memory_space<hbm>>
    tpu.wait_dma2 semaphore(%arg12 : memref<!tpu.dma_semaphore, #tpu.memory_space<semaphore_mem>>) src(%arg8 : memref<4096xf32, #tpu.memory_space<vmem>>) dst(%dma_wait3A_1232 : memref<4096xf32, #tpu.memory_space<hbm>>)
    %parallel_loop3A_1233 = arith.constant 0 : i32
    %parallel_loop3A_1234 = arith.constant 256 : i32
    %parallel_loop3A_1235 = arith.constant 1 : i32
    scf.for %parallel_loop3A_1322 = %parallel_loop3A_1233 to %parallel_loop3A_1234 step %parallel_loop3A_1235  : i32 {
      %parallel_loop3A_1323 = arith.constant 16 : i32
      %parallel_loop3A_1324 = arith.muli %parallel_loop3A_1322, %parallel_loop3A_1323 : i32
      %parallel_loop3A_1325 = arith.constant 16 : i32
      %parallel_loop3A_1326 = arith.muli %parallel_loop3A_1322, %parallel_loop3A_1325 : i32
      %parallel_loop3A_1327 = arith.constant 0 : i32
      %parallel_loop3A_1328 = arith.addi %parallel_loop3A_1327, %parallel_loop3A_1326 : i32
      %parallel_loop3A_1329 = arith.index_cast %parallel_loop3A_1328 : i32 to index
      %parallel_loop3A_1330 = tpu.vector_load %arg7[%parallel_loop3A_1329] {strides = array<i32>} : memref<16384xi32, #tpu.memory_space<vmem>>, vector<16xi32>,
      %parallel_loop3A_1331 = tpu.vector_load_idx %arg6[%parallel_loop3A_1330] : memref<100000xf32, #tpu.memory_space<vmem>>[vector<16xi32>], vector<16xf32>,
      %parallel_loop3A_1332 = arith.index_cast %parallel_loop3A_1324 : i32 to index
      %parallel_loop3A_1333 = tpu.vector_load %arg8[%parallel_loop3A_1332] {strides = array<i32>} : memref<4096xf32, #tpu.memory_space<vmem>>, vector<16xf32>,
      tpu.vector_store %arg8[%parallel_loop3A_1332], %parallel_loop3A_1331 {strides = array<i32>} : memref<4096xf32, #tpu.memory_space<vmem>>, vector<16xf32>,
    } {sc.loop_unroll_factor = 8 : i64, sc.parallel_access}
    %add3A_1236 = arith.constant 13 : i32
    %add3A_1237 = arith.addi %add3A_1236, %add3A_1203 : i32
    %dma_start3A_1238 = arith.constant 0 : i32
    %dma_start3A_1239 = tpu.memref_slice %arg5[%add3A_1237, %dma_start3A_1238] : memref<429x16384xf32, #tpu.memory_space<hbm>> -> memref<1x4096xf32, #tpu.memory_space<hbm>>
    %dma_start3A_1240 = tpu.memref_squeeze %dma_start3A_1239 : memref<1x4096xf32, #tpu.memory_space<hbm>> -> memref<4096xf32, #tpu.memory_space<hbm>>
    %dma_start3A_1241 = arith.constant 0 : i32
    %dma_start3A_1242 = tpu.memref_slice %arg5[%add3A_1237, %dma_start3A_1241] : memref<429x16384xf32, #tpu.memory_space<hbm>> -> memref<1x4096xf32, #tpu.memory_space<hbm>>
    %dma_start3A_1243 = tpu.memref_squeeze %dma_start3A_1242 : memref<1x4096xf32, #tpu.memory_space<hbm>> -> memref<4096xf32, #tpu.memory_space<hbm>>
    tpu.enqueue_dma source(%arg8 : memref<4096xf32, #tpu.memory_space<vmem>>) target(%dma_start3A_1243 : memref<4096xf32, #tpu.memory_space<hbm>>) target_semaphore(%arg12 : memref<!tpu.dma_semaphore, #tpu.memory_space<semaphore_mem>>)
    %add3A_1244 = arith.constant 13 : i32
    %add3A_1245 = arith.addi %add3A_1244, %add3A_1203 : i32
    %dma_wait3A_1246 = arith.constant 4096 : i32
    %dma_wait3A_1247 = tpu.memref_slice %arg5[%add3A_1245, %dma_wait3A_1246] : memref<429x16384xf32, #tpu.memory_space<hbm>> -> memref<1x4096xf32, #tpu.memory_space<hbm>>
    %dma_wait3A_1248 = tpu.memref_squeeze %dma_wait3A_1247 : memref<1x4096xf32, #tpu.memory_space<hbm>> -> memref<4096xf32, #tpu.memory_space<hbm>>
    %dma_wait3A_1249 = arith.constant 4096 : i32
    %dma_wait3A_1250 = tpu.memref_slice %arg5[%add3A_1245, %dma_wait3A_1249] : memref<429x16384xf32, #tpu.memory_space<hbm>> -> memref<1x4096xf32, #tpu.memory_space<hbm>>
    %dma_wait3A_1251 = tpu.memref_squeeze %dma_wait3A_1250 : memref<1x4096xf32, #tpu.memory_space<hbm>> -> memref<4096xf32, #tpu.memory_space<hbm>>
    tpu.wait_dma2 semaphore(%arg13 : memref<!tpu.dma_semaphore, #tpu.memory_space<semaphore_mem>>) src(%arg9 : memref<4096xf32, #tpu.memory_space<vmem>>) dst(%dma_wait3A_1251 : memref<4096xf32, #tpu.memory_space<hbm>>)
    %parallel_loop3A_1252 = arith.constant 0 : i32
    %parallel_loop3A_1253 = arith.constant 256 : i32
    %parallel_loop3A_1254 = arith.constant 1 : i32
    scf.for %parallel_loop3A_1322 = %parallel_loop3A_1252 to %parallel_loop3A_1253 step %parallel_loop3A_1254  : i32 {
      %parallel_loop3A_1323 = arith.constant 16 : i32
      %parallel_loop3A_1324 = arith.muli %parallel_loop3A_1322, %parallel_loop3A_1323 : i32
      %parallel_loop3A_1325 = arith.constant 16 : i32
      %parallel_loop3A_1326 = arith.muli %parallel_loop3A_1322, %parallel_loop3A_1325 : i32
      %parallel_loop3A_1327 = arith.constant 4096 : i32
      %parallel_loop3A_1328 = arith.addi %parallel_loop3A_1327, %parallel_loop3A_1326 : i32
      %parallel_loop3A_1329 = arith.index_cast %parallel_loop3A_1328 : i32 to index
      %parallel_loop3A_1330 = tpu.vector_load %arg7[%parallel_loop3A_1329] {strides = array<i32>} : memref<16384xi32, #tpu.memory_space<vmem>>, vector<16xi32>,
      %parallel_loop3A_1331 = tpu.vector_load_idx %arg6[%parallel_loop3A_1330] : memref<100000xf32, #tpu.memory_space<vmem>>[vector<16xi32>], vector<16xf32>,
      %parallel_loop3A_1332 = arith.index_cast %parallel_loop3A_1324 : i32 to index
      %parallel_loop3A_1333 = tpu.vector_load %arg9[%parallel_loop3A_1332] {strides = array<i32>} : memref<4096xf32, #tpu.memory_space<vmem>>, vector<16xf32>,
      tpu.vector_store %arg9[%parallel_loop3A_1332], %parallel_loop3A_1331 {strides = array<i32>} : memref<4096xf32, #tpu.memory_space<vmem>>, vector<16xf32>,
    } {sc.loop_unroll_factor = 8 : i64, sc.parallel_access}
    %add3A_1255 = arith.constant 13 : i32
    %add3A_1256 = arith.addi %add3A_1255, %add3A_1203 : i32
    %dma_start3A_1257 = arith.constant 4096 : i32
    %dma_start3A_1258 = tpu.memref_slice %arg5[%add3A_1256, %dma_start3A_1257] : memref<429x16384xf32, #tpu.memory_space<hbm>> -> memref<1x4096xf32, #tpu.memory_space<hbm>>
    %dma_start3A_1259 = tpu.memref_squeeze %dma_start3A_1258 : memref<1x4096xf32, #tpu.memory_space<hbm>> -> memref<4096xf32, #tpu.memory_space<hbm>>
    %dma_start3A_1260 = arith.constant 4096 : i32
    %dma_start3A_1261 = tpu.memref_slice %arg5[%add3A_1256, %dma_start3A_1260] : memref<429x16384xf32, #tpu.memory_space<hbm>> -> memref<1x4096xf32, #tpu.memory_space<hbm>>
    %dma_start3A_1262 = tpu.memref_squeeze %dma_start3A_1261 : memref<1x4096xf32, #tpu.memory_space<hbm>> -> memref<4096xf32, #tpu.memory_space<hbm>>
    tpu.enqueue_dma source(%arg9 : memref<4096xf32, #tpu.memory_space<vmem>>) target(%dma_start3A_1262 : memref<4096xf32, #tpu.memory_space<hbm>>) target_semaphore(%arg13 : memref<!tpu.dma_semaphore, #tpu.memory_space<semaphore_mem>>)
    %add3A_1263 = arith.constant 13 : i32
    %add3A_1264 = arith.addi %add3A_1263, %add3A_1203 : i32
    %dma_wait3A_1265 = arith.constant 8192 : i32
    %dma_wait3A_1266 = tpu.memref_slice %arg5[%add3A_1264, %dma_wait3A_1265] : memref<429x16384xf32, #tpu.memory_space<hbm>> -> memref<1x4096xf32, #tpu.memory_space<hbm>>
    %dma_wait3A_1267 = tpu.memref_squeeze %dma_wait3A_1266 : memref<1x4096xf32, #tpu.memory_space<hbm>> -> memref<4096xf32, #tpu.memory_space<hbm>>
    %dma_wait3A_1268 = arith.constant 8192 : i32
    %dma_wait3A_1269 = tpu.memref_slice %arg5[%add3A_1264, %dma_wait3A_1268] : memref<429x16384xf32, #tpu.memory_space<hbm>> -> memref<1x4096xf32, #tpu.memory_space<hbm>>
    %dma_wait3A_1270 = tpu.memref_squeeze %dma_wait3A_1269 : memref<1x4096xf32, #tpu.memory_space<hbm>> -> memref<4096xf32, #tpu.memory_space<hbm>>
    tpu.wait_dma2 semaphore(%arg12 : memref<!tpu.dma_semaphore, #tpu.memory_space<semaphore_mem>>) src(%arg8 : memref<4096xf32, #tpu.memory_space<vmem>>) dst(%dma_wait3A_1270 : memref<4096xf32, #tpu.memory_space<hbm>>)
    %parallel_loop3A_1271 = arith.constant 0 : i32
    %parallel_loop3A_1272 = arith.constant 256 : i32
    %parallel_loop3A_1273 = arith.constant 1 : i32
    scf.for %parallel_loop3A_1322 = %parallel_loop3A_1271 to %parallel_loop3A_1272 step %parallel_loop3A_1273  : i32 {
      %parallel_loop3A_1323 = arith.constant 16 : i32
      %parallel_loop3A_1324 = arith.muli %parallel_loop3A_1322, %parallel_loop3A_1323 : i32
      %parallel_loop3A_1325 = arith.constant 16 : i32
      %parallel_loop3A_1326 = arith.muli %parallel_loop3A_1322, %parallel_loop3A_1325 : i32
      %parallel_loop3A_1327 = arith.constant 8192 : i32
      %parallel_loop3A_1328 = arith.addi %parallel_loop3A_1327, %parallel_loop3A_1326 : i32
      %parallel_loop3A_1329 = arith.index_cast %parallel_loop3A_1328 : i32 to index
      %parallel_loop3A_1330 = tpu.vector_load %arg7[%parallel_loop3A_1329] {strides = array<i32>} : memref<16384xi32, #tpu.memory_space<vmem>>, vector<16xi32>,
      %parallel_loop3A_1331 = tpu.vector_load_idx %arg6[%parallel_loop3A_1330] : memref<100000xf32, #tpu.memory_space<vmem>>[vector<16xi32>], vector<16xf32>,
      %parallel_loop3A_1332 = arith.index_cast %parallel_loop3A_1324 : i32 to index
      %parallel_loop3A_1333 = tpu.vector_load %arg8[%parallel_loop3A_1332] {strides = array<i32>} : memref<4096xf32, #tpu.memory_space<vmem>>, vector<16xf32>,
      tpu.vector_store %arg8[%parallel_loop3A_1332], %parallel_loop3A_1331 {strides = array<i32>} : memref<4096xf32, #tpu.memory_space<vmem>>, vector<16xf32>,
    } {sc.loop_unroll_factor = 8 : i64, sc.parallel_access}
    %add3A_1274 = arith.constant 13 : i32
    %add3A_1275 = arith.addi %add3A_1274, %add3A_1203 : i32
    %dma_start3A_1276 = arith.constant 8192 : i32
    %dma_start3A_1277 = tpu.memref_slice %arg5[%add3A_1275, %dma_start3A_1276] : memref<429x16384xf32, #tpu.memory_space<hbm>> -> memref<1x4096xf32, #tpu.memory_space<hbm>>
    %dma_start3A_1278 = tpu.memref_squeeze %dma_start3A_1277 : memref<1x4096xf32, #tpu.memory_space<hbm>> -> memref<4096xf32, #tpu.memory_space<hbm>>
    %dma_start3A_1279 = arith.constant 8192 : i32
    %dma_start3A_1280 = tpu.memref_slice %arg5[%add3A_1275, %dma_start3A_1279] : memref<429x16384xf32, #tpu.memory_space<hbm>> -> memref<1x4096xf32, #tpu.memory_space<hbm>>
    %dma_start3A_1281 = tpu.memref_squeeze %dma_start3A_1280 : memref<1x4096xf32, #tpu.memory_space<hbm>> -> memref<4096xf32, #tpu.memory_space<hbm>>
    tpu.enqueue_dma source(%arg8 : memref<4096xf32, #tpu.memory_space<vmem>>) target(%dma_start3A_1281 : memref<4096xf32, #tpu.memory_space<hbm>>) target_semaphore(%arg12 : memref<!tpu.dma_semaphore, #tpu.memory_space<semaphore_mem>>)
    %add3A_1282 = arith.constant 13 : i32
    %add3A_1283 = arith.addi %add3A_1282, %add3A_1203 : i32
    %dma_wait3A_1284 = arith.constant 12288 : i32
    %dma_wait3A_1285 = tpu.memref_slice %arg5[%add3A_1283, %dma_wait3A_1284] : memref<429x16384xf32, #tpu.memory_space<hbm>> -> memref<1x4096xf32, #tpu.memory_space<hbm>>
    %dma_wait3A_1286 = tpu.memref_squeeze %dma_wait3A_1285 : memref<1x4096xf32, #tpu.memory_space<hbm>> -> memref<4096xf32, #tpu.memory_space<hbm>>
    %dma_wait3A_1287 = arith.constant 12288 : i32
    %dma_wait3A_1288 = tpu.memref_slice %arg5[%add3A_1283, %dma_wait3A_1287] : memref<429x16384xf32, #tpu.memory_space<hbm>> -> memref<1x4096xf32, #tpu.memory_space<hbm>>
    %dma_wait3A_1289 = tpu.memref_squeeze %dma_wait3A_1288 : memref<1x4096xf32, #tpu.memory_space<hbm>> -> memref<4096xf32, #tpu.memory_space<hbm>>
    tpu.wait_dma2 semaphore(%arg13 : memref<!tpu.dma_semaphore, #tpu.memory_space<semaphore_mem>>) src(%arg9 : memref<4096xf32, #tpu.memory_space<vmem>>) dst(%dma_wait3A_1289 : memref<4096xf32, #tpu.memory_space<hbm>>)
    %parallel_loop3A_1290 = arith.constant 0 : i32
    %parallel_loop3A_1291 = arith.constant 256 : i32
    %parallel_loop3A_1292 = arith.constant 1 : i32
    scf.for %parallel_loop3A_1322 = %parallel_loop3A_1290 to %parallel_loop3A_1291 step %parallel_loop3A_1292  : i32 {
      %parallel_loop3A_1323 = arith.constant 16 : i32
      %parallel_loop3A_1324 = arith.muli %parallel_loop3A_1322, %parallel_loop3A_1323 : i32
      %parallel_loop3A_1325 = arith.constant 16 : i32
      %parallel_loop3A_1326 = arith.muli %parallel_loop3A_1322, %parallel_loop3A_1325 : i32
      %parallel_loop3A_1327 = arith.constant 12288 : i32
      %parallel_loop3A_1328 = arith.addi %parallel_loop3A_1327, %parallel_loop3A_1326 : i32
      %parallel_loop3A_1329 = arith.index_cast %parallel_loop3A_1328 : i32 to index
      %parallel_loop3A_1330 = tpu.vector_load %arg7[%parallel_loop3A_1329] {strides = array<i32>} : memref<16384xi32, #tpu.memory_space<vmem>>, vector<16xi32>,
      %parallel_loop3A_1331 = tpu.vector_load_idx %arg6[%parallel_loop3A_1330] : memref<100000xf32, #tpu.memory_space<vmem>>[vector<16xi32>], vector<16xf32>,
      %parallel_loop3A_1332 = arith.index_cast %parallel_loop3A_1324 : i32 to index
      %parallel_loop3A_1333 = tpu.vector_load %arg9[%parallel_loop3A_1332] {strides = array<i32>} : memref<4096xf32, #tpu.memory_space<vmem>>, vector<16xf32>,
      tpu.vector_store %arg9[%parallel_loop3A_1332], %parallel_loop3A_1331 {strides = array<i32>} : memref<4096xf32, #tpu.memory_space<vmem>>, vector<16xf32>,
    } {sc.loop_unroll_factor = 8 : i64, sc.parallel_access}
    %add3A_1293 = arith.constant 13 : i32
    %add3A_1294 = arith.addi %add3A_1293, %add3A_1203 : i32
    %dma_start3A_1295 = arith.constant 12288 : i32
    %dma_start3A_1296 = tpu.memref_slice %arg5[%add3A_1294, %dma_start3A_1295] : memref<429x16384xf32, #tpu.memory_space<hbm>> -> memref<1x4096xf32, #tpu.memory_space<hbm>>
    %dma_start3A_1297 = tpu.memref_squeeze %dma_start3A_1296 : memref<1x4096xf32, #tpu.memory_space<hbm>> -> memref<4096xf32, #tpu.memory_space<hbm>>
    %dma_start3A_1298 = arith.constant 12288 : i32
    %dma_start3A_1299 = tpu.memref_slice %arg5[%add3A_1294, %dma_start3A_1298] : memref<429x16384xf32, #tpu.memory_space<hbm>> -> memref<1x4096xf32, #tpu.memory_space<hbm>>
    %dma_start3A_1300 = tpu.memref_squeeze %dma_start3A_1299 : memref<1x4096xf32, #tpu.memory_space<hbm>> -> memref<4096xf32, #tpu.memory_space<hbm>>
    tpu.enqueue_dma source(%arg9 : memref<4096xf32, #tpu.memory_space<vmem>>) target(%dma_start3A_1300 : memref<4096xf32, #tpu.memory_space<hbm>>) target_semaphore(%arg13 : memref<!tpu.dma_semaphore, #tpu.memory_space<semaphore_mem>>)
    %mul3A_1301 = arith.constant 13 : i32
    %mul3A_1302 = arith.muli %add3A, %mul3A_1301 : i32
    %add3A_1303 = arith.constant 13 : i32
    %add3A_1304 = arith.addi %mul3A_1302, %add3A_1303 : i32
    %sub3A = arith.constant 1 : i32
    %sub3A_1305 = arith.subi %add3A_1304, %sub3A : i32
    %add3A_1306 = arith.constant 13 : i32
    %add3A_1307 = arith.addi %add3A_1306, %sub3A_1305 : i32
    %dma_wait3A_1308 = arith.constant 0 : i32
    %dma_wait3A_1309 = tpu.memref_slice %arg5[%add3A_1307, %dma_wait3A_1308] : memref<429x16384xf32, #tpu.memory_space<hbm>> -> memref<1x4096xf32, #tpu.memory_space<hbm>>
    %dma_wait3A_1310 = tpu.memref_squeeze %dma_wait3A_1309 : memref<1x4096xf32, #tpu.memory_space<hbm>> -> memref<4096xf32, #tpu.memory_space<hbm>>
    %dma_wait3A_1311 = arith.constant 0 : i32
    %dma_wait3A_1312 = tpu.memref_slice %arg5[%add3A_1307, %dma_wait3A_1311] : memref<429x16384xf32, #tpu.memory_space<hbm>> -> memref<1x4096xf32, #tpu.memory_space<hbm>>
    %dma_wait3A_1313 = tpu.memref_squeeze %dma_wait3A_1312 : memref<1x4096xf32, #tpu.memory_space<hbm>> -> memref<4096xf32, #tpu.memory_space<hbm>>
    tpu.wait_dma2 semaphore(%arg12 : memref<!tpu.dma_semaphore, #tpu.memory_space<semaphore_mem>>) src(%arg8 : memref<4096xf32, #tpu.memory_space<vmem>>) dst(%dma_wait3A_1313 : memref<4096xf32, #tpu.memory_space<hbm>>)
    %add3A_1314 = arith.constant 13 : i32
    %add3A_1315 = arith.addi %add3A_1314, %sub3A_1305 : i32
    %dma_wait3A_1316 = arith.constant 4096 : i32
    %dma_wait3A_1317 = tpu.memref_slice %arg5[%add3A_1315, %dma_wait3A_1316] : memref<429x16384xf32, #tpu.memory_space<hbm>> -> memref<1x4096xf32, #tpu.memory_space<hbm>>
    %dma_wait3A_1318 = tpu.memref_squeeze %dma_wait3A_1317 : memref<1x4096xf32, #tpu.memory_space<hbm>> -> memref<4096xf32, #tpu.memory_space<hbm>>
    %dma_wait3A_1319 = arith.constant 4096 : i32
    %dma_wait3A_1320 = tpu.memref_slice %arg5[%add3A_1315, %dma_wait3A_1319] : memref<429x16384xf32, #tpu.memory_space<hbm>> -> memref<1x4096xf32, #tpu.memory_space<hbm>>
    %dma_wait3A_1321 = tpu.memref_squeeze %dma_wait3A_1320 : memref<1x4096xf32, #tpu.memory_space<hbm>> -> memref<4096xf32, #tpu.memory_space<hbm>>
    tpu.wait_dma2 semaphore(%arg13 : memref<!tpu.dma_semaphore, #tpu.memory_space<semaphore_mem>>) src(%arg9 : memref<4096xf32, #tpu.memory_space<vmem>>) dst(%dma_wait3A_1321 : memref<4096xf32, #tpu.memory_space<hbm>>)
    return
  }
}

</mosaic_0001>

<sc_bundles>
// kernel: _embed.3.cloned.1.call-start
scs
__scs_entry_jumppad:
0x0: {  	(pc) =	sbr.rel $0x88, $3  }
0x1: {  	(tag) =	ssettag $0x0;
	lr =	simm.s32 $0x1  }
0x2: {  	[smem:$0x3F9E] =	sst lr;
	_ =	strace $0xD0000000  }
0x3: {  	_ = 	snop  }
0x4: {  	_ = 	snop  }
0x5: {  	_ = 	snop  }
0x6: {  	_ = 	snop  }
0x7: {  	_ = 	snop  }
__scs_overlays_trampoline_lowered:
0x8: {  	[smem:$0x3FAD] =	sst s0  }
0x9: {  	[smem:$0x3FAE] =	sst s1  }
0xa: {  	[smem:$0x3FAF] =	sst s2  }
0xb: {  	[smem:$0x3FB0] =	sst s3  }
0xc: {  	[smem:$0x3FB1] =	sst s4  }
0xd: {  	[smem:$0x3FB2] =	sst s5  }
0xe: {  	[smem:$0x3FB3] =	sst s6  }
0xf: {  	[smem:$0x3FB4] =	sst s7  }
0x10: {  	[smem:$0x3FB5] =	sst s8  }
0x11: {  	[smem:$0x3FB6] =	sst s9;
	s0 =	simm.s32 @!p0 $0x0  }
0x12: {  	s1 =	sld [smem:$0x3F9C];
	s0 =	simm.s32 @p0 $0x1  }
0x13: {  	[smem:$0x3FB7] =	sst s0;
	s0 =	simm.s32 @!p1 $0x0  }
0x14: {  	s2 =	sld [smem:$0x3F9B];
	s0 =	simm.s32 @p1 $0x1  }
0x15: {  	[smem:$0x3FB8] =	sst s0;
	s0 =	simm.s32 @!p2 $0x0  }
0x16: {  	s3 =	sld [smem:$0x3FDB];
	s0 =	simm.s32 @p2 $0x1  }
0x17: {  	s4 =	simm.s32 $0x1BF5;
	[smem:$0x3FBA] =	sst s0  }
0x18: {  	s0 =	sld [smem:$0x3F9D];
	_ =	swait.ge [sflag:s4], $0x0  }
0x19: {  	s7 =	sld [smem:$0x3F9E]  }
0x1a: {  	s8 =	sadd.s32 $0xFFFFE003, lr  }
0x1b: {  	s9 =	sadd.s32 $0xFFFFFEF7, lr;
	s5 =	simm.s32 $0xFFFFFFFF;
	p2 =	slt.u32 s8, $0xFFFFF086  }
0x1c: {  	p1 =	slt.u32 s9, $0xF7A;
	s5 =	simm.s32 @!p2 $0x0  }
0x1d: {  	s5 =	simm.s32 @p1 $0x1;
	p0 =	seq.s32 s7, s2  }
0x1e: {  	s7 =	smul.u32 @!p0 $0xF7A, s2;
	p2 =	seq.s32 @!p0 s5, $0x0  }
0x1f: {  	s9 =	smul.u32 $0xF7A, s1;
	s8 =	simm.s32 @!p0 $0x1BF5;
	p2 =	por !p2, p0  }
0x20: {  	[sflag:s8] =	ssyncset.s32 @!p0 $0xFFFFF086;
	s6 =	sadd.s32 @!p0 s3, s7;
	s7 =	simm.s32 @!p0 $0x108  }
0x21: {  	s3 =	sadd.s32 s3, s9;
	s6 =	sadd.s32 @!p0 $0x88, s6;
	s7 =	simm.s32 @p2 $0x1082  }
0x22: {  	[simem:s7], [sflag:s8] =	dma.local @!p0 [hbm:s6], $0xF7A  }
0x23: {  	s9 =	sor.u32 $0xD0000000, s2;
	s6 =	simm.s32 $0x108;
	_ =	swait.ge @!p0 [sflag:s8], $0x0  }
0x24: {  	s3 =	sadd.s32 $0x88, s3;
	s6 =	simm.s32 @!p1 $0x1082;
	[sflag:s4] =	ssyncset.s32 $0xFFFFF086  }
0x25: {  	[simem:s6], [sflag:s4] =	dma.local [hbm:s3], $0xF7A  }
0x26: {  	[smem:$0x3F9E] =	sst s1;
	(tag) =	ssettag s2;
	_ =	strace s9  }
0x27: {  	s1 =	sld [smem:$0x3FAE]  }
0x28: {  	s2 =	sld [smem:$0x3FAF]  }
0x29: {  	s4 =	sld [smem:$0x3FB1]  }
0x2a: {  	p0 =	seq.s32 s5, $0x0;
	s5 =	sld [smem:$0x3FB2]  }
0x2b: {  	s6 =	sld [smem:$0x3FB3]  }
0x2c: {  	s7 =	sld [smem:$0x3FB4]  }
0x2d: {  	s3 =	simm.s32 $0x108;
	s8 =	sld [smem:$0x3FB5]  }
0x2e: {  	s3 =	simm.s32 @!p0 $0x1082;
	s9 =	sld [smem:$0x3FB6]  }
0x2f: {  	lr =	sadd.s32 s0, s3;
	s0 =	sld [smem:$0x3FAD]  }
0x30: {  	s3 =	sld [smem:$0x3FB0]  }
0x31: {  	[smem:$0x3FB9] =	sst s10  }
0x32: {  	s10 =	sld [smem:$0x3FB7];
	_ =	sdelay $0x3  }
0x33: {  	p0 =	seq.s32 s10, $0x1;
	s10 =	sld [smem:$0x3FB9];
	_ =	sdelay $0x3  }
0x34: {  	[smem:$0x3FB9] =	sst s10  }
0x35: {  	s10 =	sld [smem:$0x3FB8];
	_ =	sdelay $0x3  }
0x36: {  	p1 =	seq.s32 s10, $0x1;
	s10 =	sld [smem:$0x3FB9];
	_ =	sdelay $0x3  }
0x37: {  	[smem:$0x3FB9] =	sst s10  }
0x38: {  	s10 =	sld [smem:$0x3FBA]  }
0x39: {  	_ = 	snop;
	(pc) =	sbr.ind lr, $3  }
0x3a: {  	_ = 	snop  }
0x3b: {  	_ = 	snop  }
0x3c: {  	p2 =	seq.s32 s10, $0x1;
	s10 =	sld [smem:$0x3FB9]  }
0x3d: {  	_ =	shalt  }
0x3e: {  	_ =	shalt  }
0x3f: {  	_ =	shalt  }
0x40: {  	_ =	shalt  }
0x41: {  	_ =	shalt  }
0x42: {  	_ =	shalt  }
0x43: {  	_ =	shalt  }
0x44: {  	_ =	shalt  }
0x45: {  	_ =	shalt  }
0x46: {  	_ =	shalt  }
0x47: {  	_ =	shalt  }
0x48: {  	_ =	shalt  }
0x49: {  	_ =	shalt  }
0x4a: {  	_ =	shalt  }
0x4b: {  	_ =	shalt  }
0x4c: {  	_ =	shalt  }
0x4d: {  	_ =	shalt  }
0x4e: {  	_ =	shalt  }
0x4f: {  	_ =	shalt  }
0x50: {  	_ =	shalt  }
0x51: {  	_ =	shalt  }
0x52: {  	_ =	shalt  }
0x53: {  	_ =	shalt  }
0x54: {  	_ =	shalt  }
0x55: {  	_ =	shalt  }
0x56: {  	_ =	shalt  }
0x57: {  	_ =	shalt  }
0x58: {  	_ =	shalt  }
0x59: {  	_ =	shalt  }
0x5a: {  	_ =	shalt  }
0x5b: {  	_ =	shalt  }
0x5c: {  	_ =	shalt  }
0x5d: {  	_ =	shalt  }
0x5e: {  	_ =	shalt  }
0x5f: {  	_ =	shalt  }
0x60: {  	_ =	shalt  }
0x61: {  	_ =	shalt  }
0x62: {  	_ =	shalt  }
0x63: {  	_ =	shalt  }
0x64: {  	_ =	shalt  }
0x65: {  	_ =	shalt  }
0x66: {  	_ =	shalt  }
0x67: {  	_ =	shalt  }
0x68: {  	_ =	shalt  }
0x69: {  	_ =	shalt  }
0x6a: {  	_ =	shalt  }
0x6b: {  	_ =	shalt  }
0x6c: {  	_ =	shalt  }
0x6d: {  	_ =	shalt  }
0x6e: {  	_ =	shalt  }
0x6f: {  	_ =	shalt  }
0x70: {  	_ =	shalt  }
0x71: {  	_ =	shalt  }
0x72: {  	_ =	shalt  }
0x73: {  	_ =	shalt  }
0x74: {  	_ =	shalt  }
0x75: {  	_ =	shalt  }
0x76: {  	_ =	shalt  }
0x77: {  	_ =	shalt  }
0x78: {  	_ =	shalt  }
0x79: {  	_ =	shalt  }
0x7a: {  	_ =	shalt  }
0x7b: {  	_ =	shalt  }
0x7c: {  	_ =	shalt  }
0x7d: {  	_ =	shalt  }
0x7e: {  	_ =	shalt  }
0x7f: {  	_ =	shalt  }
0x80: {  	_ =	shalt  }
0x81: {  	_ =	shalt  }
0x82: {  	_ =	shalt  }
0x83: {  	_ =	shalt  }
0x84: {  	_ =	shalt  }
0x85: {  	_ =	shalt  }
0x86: {  	_ =	shalt  }
0x87: {  	_ =	shalt  }
.Lfunc_end0:
.L_simem_size_0:
called_computation_lowered:
.L_overlay_start_0:
0x88: {  	s2 =	sld [smem:$0x3FD9]  }
0x89: {  	s3 =	sld [smem:$0x3FFE];
	_ =	sdelay $0x1  }
0x8a: {  	s1 =	srdreg.scid  }
0x8b: {  	s0 =	sand.u32 $0x1, s1  }
0x8c: {  	s18 =	sshll.u32 s0, $0xA;
	s2 =	sadd.s32 s3, s2  }
0x8d: {  	s2 =	sadd.s32 s2, s18  }
0x8e: {  	[smem:$0x3FC5] =	sst s2  }
0x8f: {  	_ = 	snop  }
0x90: {  	s2 =	sld [smem:$0x3FC9]  }
0x91: {  	s19 =	sld [smem:$0x3FC8]  }
0x92: {  	s4 =	sld [smem:$0x3FC7]  }
0x93: {  	s5 =	sld [smem:$0x3FD0];
	(tm) =	ssettm $0x1  }
0x94: {  	s6 =	sld [smem:$0x3FFB];
	_ =	sdelay $0x3  }
0x95: {  	_ =	strace s6  }
0x96: {  	s6 =	sld [smem:$0x3FFC];
	_ =	sdelay $0x3  }
0x97: {  	_ =	strace s6  }
0x98: {  	s6 =	sld [smem:$0x3FFD];
	_ =	sdelay $0x3  }
0x99: {  	_ =	strace s6  }
0x9a: {  	_ =	strace $0x8FFFFFFF  }
0x9b: {  	s20 =	sld [smem:$0x3FDB];
	_ =	sdelay $0x1  }
0x9c: {  	s7 =	simm.s32 $_scs_section_size  }
0x9d: {  	s8 =	simm.s32 $_size__tile_overlayer_lowered;
	s9 =	simm.s32 $_tile_overlayer_lowered  }
0x9e: {  	s23 =	simm.s32 $0x1BFF;
	s22 =	sshll.u32 s9, $0x1;
	s6 =	sadd.s32 s7, s20  }
0x9f: {  	s10 =	simm.s32 $0x0;
	s21 =	sshll.u32 s8, $0x1;
	s8 =	sadd.s32 s22, s6  }
0xa0: {  	[timem:s10], [sflag:s23] =	dma.local [hbm:s8], s21  }
0xa1: {  	_ =	swait.ge [sflag:s23], s21  }
0xa2: {  	s7 =	ssub.s32 $0x0, s21;
	[sflag:s23] =	ssyncset.done $0x0  }
0xa3: {  	[sflag:s23] =	ssyncadd.s32 s7;
	_ =	sdelay $0x1  }
0xa4: {  	s24 =	simm.s32 $0x1B8B  }
0xa5: {  	_ =	swait.ge [sflag:s24], $0x1  }
0xa6: {  	[sflag:s24] =	ssyncset.done $0x0  }
0xa7: {  	s25 =	simm.s32 $0x1B8E;
	[sflag:s24] =	ssyncadd.s32 $0xFFFFFFFF  }
0xa8: {  	s26 =	simm.s32 $execute0_lowered;
	[smem:$0x3FD2] =	sst s25  }
0xa9: {  	s7 =	sshll.u32 s26, $0x1;
	_ =	strace $0x80000046;
	[dreg:$0x1] =	wrdreg $0xFFFFFFFF  }
0xaa: {  	s28 =	simm.s32 $_size_execute0_lowered;
	s6 =	sadd.s32 s6, s7;
	[dreg:$0x0] =	wrdreg $0x0  }
0xab: {  	s7 =	sshll.u32 s28, $0x1;
	[dreg:$0x2] =	wrdreg s6  }
0xac: {  	[dreg:$0x3] =	wrdreg s7  }
0xad: {  	[dreg:$0x4] =	wrdreg $0xC0  }
0xae: {  	_ =	task [dreg:s10], $0x5FFFF  }
0xaf: {  	[dreg:$0x1] =	wrdreg $0xFFFFFFFF  }
0xb0: {  	[dreg:$0x0] =	wrdreg $0x60  }
0xb1: {  	[dreg:$0x2] =	wrdreg s2  }
0xb2: {  	[dreg:$0x3] =	wrdreg s19  }
0xb3: {  	[dreg:$0x4] =	wrdreg s4  }
0xb4: {  	[dreg:$0x5] =	wrdreg s5  }
0xb5: {  	[dreg:$0x6] =	wrdreg $0x9  }
0xb6: {  	_ =	task.clear_ibuf [dreg:s10], $0x7FFFF;
	_ =	strace $0x90000046  }
0xb7: {  	s29 =	simm.s32 $0x9;
	_ =	strace $0x80000048  }
0xb8: {  	_ =	swait.ge [sflag:s29], $0x1  }
0xb9: {  	[sflag:s29] =	ssyncadd.s32 $0xFFFFFFFF  }
0xba: {  	_ =	strace $0x90000048  }
0xbb: {  	_ =	sfence  }
0xbc: {  	s30 =	sld [smem:$0x0];
	_ =	sdelay $0x2  }
0xbd: {  	s31 =	sshll.u32 s1, $0xD;
	s1 =	sshrl.u32 s1, $0x2  }
0xbe: {  	s3 =	sand.u32 $0x4000, s31;
	s1 =	sadd.s32 s1, s30  }
0xbf: {  	s0 =	sor.u32 s3, s0;
	s1 =	sshll.u32 s1, $0x11  }
0xc0: {  	s0 =	sor.u32 s1, s0  }
0xc1: {  	s0 =	sadd.s32 $0x8F2B, s0  }
0xc2: {  	[sflag:s0] =	ssyncadd.remote.s32 $0x1  }
0xc3: {  	_ =	sfence.sel $0xFFFF  }
0xc4: {  	[dreg:$0x0] =	wrdreg $0xFFFFFFFF;
	(pc) =	sbr.abs _section_cstart, $3  }
0xc5: {  	[dreg:$0x1] =	wrdreg $0xFFFFFFFF  }
0xc6: {  	_ =	task.clear_ibuf [dreg:s10], $0x2FFFF;
	_ =	strace $0x9FFFFFFF  }
0xc7: {  	(tm) =	ssettm $0x7FFFFFFF  }
tec
execute0_lowered:
.L_overlay_start_1:
0x0: {  	(tag) =	ssettag $0x1  }
0x1: {  	s0 =	srdreg.scid;
	s3 =	stileid.u32  }
0x2: {  	s0 =	sand.u32 $0x1, s0;
	s1 =	sshll.u32 s3, $0x1  }
0x3: {  	s15 =	sor.u32 s0, s1  }
0x4: {  	s12 =	rddreg [dreg:$0x1];
	s0 =	ssub.s32 $0x2, s0;
	s5 =	smul.u32 $0xD, s15  }
0x5: {  	s22 =	sshll.u32 s3, $0xC;
	s4 =	sshrl.u32 s0, $0x1;
	s23 =	sshll.u32 s15, $0x4  }
0x6: {  	s0 =	ssub.s32 s0, s4;
	s20 =	sshrl.u32 s5, $0x4;
	s2 =	sand.u32 $0x8, s5  }
0x7: {  	[smem:$0x7FD] =	sst s0;
	s7 =	sshll.u32 s5, $0x7;
	s26 =	sadd.s32 $0x1, s5  }
0x8: {  	s4 =	sand.u32 $0x70, s5;
	s9 =	sadd.s32 $0xD, s5;
	s17 =	sadd.s32 $0x2, s5  }
0x9: {  	s1 =	smul.u32 $0x187000, s20;
	s2 =	sshrl.u32 s2, $0x3;
	s24 =	sand.u32 $0x380, s7  }
0xa: {  	s25 =	sand.u32 $0xC000, s7;
	s6 =	sshrl.u32 s26, $0x4;
	s7 =	sand.u32 $0xF, s26  }
0xb: {  	s11 =	sshll.u32 s9, $0xB;
	s18 =	sshrl.u32 s17, $0x4;
	s19 =	sand.u32 $0xF, s17  }
0xc: {  	s21 =	smul.u32 $0xC3800, s2;
	s2 =	sor.u32 s22, s23;
	s8 =	sshrl.u32 s7, $0x3  }
0xd: {  	[smem:$0x7BD] =	sst s2;
	s2 =	sadd.s32 s12, s4;
	s4 =	smul.u32 $0x187000, s6  }
0xe: {  	[smem:$0x7F1] =	sst s7;
	s20 =	sshrl.u32 s19, $0x3;
	s10 =	smul.u32 $0xC3800, s8  }
0xf: {  	[smem:$0x7F3] =	sst s19;
	s8 =	sshll.u32 s26, $0x7;
	s22 =	smul.u32 $0xC3800, s20  }
0x10: {  	s6 =	sadd.s32 $0x3, s5;
	s0 =	sadd.s32 s1, s21;
	s14 =	sand.u32 $0x380, s8  }
0x11: {  	s16 =	sand.u32 $0x1C000, s8;
	s1 =	sand.u32 $0x70, s26;
	s21 =	sadd.s32 $0xE, s5  }
0x12: {  	s8 =	sshrl.u32 s6, $0x4;
	s0 =	sor.u32 s24, s0;
	s13 =	sadd.s32 s4, s10  }
0x13: {  	s1 =	sadd.s32 s12, s1;
	s4 =	smul.u32 $0x187000, s18;
	s23 =	sshll.u32 s21, $0xB  }
0x14: {  	s24 =	sshll.u32 s17, $0x7;
	[smem:$0x7BA] =	sst s0;
	s0 =	sadd.s32 s25, s2  }
0x15: {  	s26 =	sand.u32 $0x380, s24;
	s2 =	sand.u32 $0x70, s17;
	s17 =	sadd.s32 $0x4, s5  }
0x16: {  	[dreg:$0x1d] =	wrdreg s0;
	s0 =	sshll.u32 s9, $0x4;
	s25 =	sadd.s32 s4, s22  }
0x17: {  	s9 =	sand.u32 $0xF, s6;
	s2 =	sadd.s32 s12, s2;
	s4 =	smul.u32 $0x187000, s8  }
0x18: {  	s18 =	sshrl.u32 s17, $0x4;
	s19 =	sand.u32 $0xF, s17;
	s3 =	sshll.u32 s17, $0x7  }
0x19: {  	s0 =	sor.u32 s0, s11;
	[smem:$0x7F5] =	sst s9;
	s10 =	sshrl.u32 s9, $0x3  }
0x1a: {  	s11 =	sadd.s32 $0xF, s5;
	[smem:$0x7F7] =	sst s19;
	s9 =	sshll.u32 s6, $0x7  }
0x1b: {  	[smem:$0x7C2] =	sst s0;
	s0 =	sor.u32 s14, s13;
	s13 =	smul.u32 $0xC3800, s10  }
0x1c: {  	s14 =	sshll.u32 s11, $0xB;
	s10 =	sshrl.u32 s19, $0x3;
	[smem:$0x7BB] =	sst s0  }
0x1d: {  	s0 =	sadd.s32 s16, s1;
	s1 =	sand.u32 $0x1C000, s24;
	s10 =	smul.u32 $0xC3800, s10  }
0x1e: {  	s16 =	sadd.s32 $0x5, s5;
	[smem:$0x7FC] =	sst s0;
	s0 =	sshll.u32 s21, $0x4  }
0x1f: {  	s24 =	smul.u32 $0x34000, s15;
	s20 =	sshrl.u32 s16, $0x4;
	s0 =	sor.u32 s0, s23  }
0x20: {  	s23 =	sand.u32 $0x1C000, s9;
	[smem:$0x7C8] =	sst s0;
	s0 =	sor.u32 s26, s25  }
0x21: {  	s26 =	sand.u32 $0xF, s16;
	s25 =	smul.u32 $0x280, s15;
	[smem:$0x7BC] =	sst s0  }
0x22: {  	s0 =	sadd.s32 s1, s2;
	s2 =	sadd.s32 s4, s13;
	s4 =	smul.u32 $0x187000, s18  }
0x23: {  	s1 =	sand.u32 $0x70, s6;
	s6 =	sshrl.u32 s26, $0x3;
	s13 =	sand.u32 $0x380, s3  }
0x24: {  	[smem:$0x7F0] =	sst s0;
	s0 =	sshll.u32 s11, $0x4;
	s11 =	sand.u32 $0x380, s9  }
0x25: {  	s1 =	sadd.s32 s12, s1;
	s9 =	sor.u32 s25, s24;
	s24 =	sshll.u32 s16, $0x7  }
0x26: {  	s0 =	sor.u32 s0, s14;
	s21 =	sor.u32 s11, s2;
	s22 =	sadd.s32 s4, s10  }
0x27: {  	s11 =	smul.u32 $0xC3800, s6;
	s1 =	sadd.s32 s23, s1;
	[smem:$0x7CE] =	sst s9  }
0x28: {  	s14 =	sand.u32 $0x70, s17;
	s2 =	sadd.s32 $0x6, s5;
	s17 =	sand.u32 $0x1C000, s3  }
0x29: {  	s3 =	sand.u32 $0x380, s24;
	s9 =	sand.u32 $0x70, s16;
	[smem:$0x7CD] =	sst s0  }
0x2a: {  	s10 =	sand.u32 $0x1C000, s24;
	s0 =	smul.u32 $0x187000, s20;
	[dreg:$0x5] =	wrdreg s1  }
0x2b: {  	s22 =	sor.u32 s13, s22;
	s1 =	sadd.s32 s12, s14;
	s19 =	sshrl.u32 s2, $0x4  }
0x2c: {  	s20 =	sadd.s32 $0x11, s5;
	s28 =	sand.u32 $0xF, s2;
	s13 =	sadd.s32 $0x12, s5  }
0x2d: {  	s7 =	smul.u32 $0x187000, s19;
	s23 =	sshll.u32 s20, $0xB;
	s25 =	sshrl.u32 s28, $0x3  }
0x2e: {  	s8 =	sshll.u32 s20, $0x4;
	s1 =	sadd.s32 s17, s1;
	s14 =	sshll.u32 s13, $0xB  }
0x2f: {  	s17 =	sshll.u32 s2, $0x7;
	s2 =	sand.u32 $0x70, s2;
	s0 =	sadd.s32 s0, s11  }
0x30: {  	s18 =	smul.u32 $0xC3800, s25;
	[dreg:$0x6] =	wrdreg s1;
	s4 =	sor.u32 s8, s23  }
0x31: {  	s1 =	sadd.s32 s12, s9;
	s9 =	sshll.u32 s13, $0x4;
	[smem:$0x7D7] =	sst s4  }
0x32: {  	s19 =	sor.u32 s3, s0;
	s1 =	sadd.s32 s10, s1;
	s24 =	sor.u32 s9, s14  }
0x33: {  	s3 =	sand.u32 $0x1C000, s17;
	s6 =	sadd.s32 s7, s18;
	[dreg:$0x7] =	wrdreg s1  }
0x34: {  	s7 =	sadd.s32 $0x7, s5;
	[smem:$0x7D8] =	sst s24;
	s1 =	sadd.s32 s12, s2  }
0x35: {  	s11 =	sshrl.u32 s7, $0x4;
	s29 =	sand.u32 $0xF, s7;
	s13 =	sshll.u32 s7, $0x7  }
0x36: {  	s1 =	sadd.s32 s3, s1;
	s8 =	smul.u32 $0x187000, s11;
	s23 =	sshrl.u32 s29, $0x3  }
0x37: {  	s24 =	sand.u32 $0x380, s13;
	[dreg:$0x8] =	wrdreg s1;
	s20 =	smul.u32 $0xC3800, s23  }
0x38: {  	s23 =	sand.u32 $0x380, s17;
	s17 =	sand.u32 $0x70, s7;
	s7 =	sadd.s32 $0x9, s5  }
0x39: {  	s16 =	sor.u32 s23, s6;
	s6 =	sadd.s32 $0x13, s5;
	s1 =	sshrl.u32 s7, $0x4  }
0x3a: {  	s31 =	sand.u32 $0xF, s7;
	s25 =	sadd.s32 s8, s20;
	s8 =	sadd.s32 $0x8, s5  }
0x3b: {  	s11 =	sshll.u32 s6, $0xB;
	s10 =	sshll.u32 s6, $0x4;
	s4 =	sshrl.u32 s8, $0x4  }
0x3c: {  	s30 =	sand.u32 $0xF, s8;
	s18 =	sor.u32 s10, s11;
	s10 =	smul.u32 $0x187000, s1  }
0x3d: {  	s11 =	sshll.u32 s8, $0x7;
	s9 =	smul.u32 $0x187000, s4;
	s14 =	sshrl.u32 s30, $0x3  }
0x3e: {  	s1 =	sadd.s32 $0x15, s5;
	s4 =	sadd.s32 $0x14, s5;
	s23 =	smul.u32 $0xC3800, s14  }
0x3f: {  	s14 =	sor.u32 s24, s25;
	s24 =	sadd.s32 s12, s17;
	s6 =	sshll.u32 s4, $0xB  }
0x40: {  	s20 =	sshll.u32 s4, $0x4;
	s25 =	sand.u32 $0x380, s11;
	s4 =	sand.u32 $0x1C000, s11  }
0x41: {  	s3 =	sadd.s32 s9, s23;
	s23 =	sand.u32 $0x1C000, s13;
	s13 =	sshrl.u32 s31, $0x3  }
0x42: {  	s20 =	sor.u32 s20, s6;
	s17 =	smul.u32 $0xC3800, s13;
	s2 =	sadd.s32 s23, s24  }
0x43: {  	s13 =	sor.u32 s25, s3;
	s3 =	sadd.s32 $0xA, s5;
	s23 =	sshll.u32 s1, $0x4  }
0x44: {  	[dreg:$0x9] =	wrdreg s2;
	s2 =	sand.u32 $0x70, s8;
	s0 =	sshrl.u32 s3, $0x4  }
0x45: {  	s6 =	sadd.s32 s10, s17;
	s24 =	sadd.s32 s12, s2;
	s10 =	smul.u32 $0x187000, s0  }
0x46: {  	s17 =	sand.u32 $0xF, s3;
	s2 =	sshll.u32 s1, $0xB;
	s0 =	sshll.u32 s7, $0x7  }
0x47: {  	s11 =	sshrl.u32 s17, $0x3;
	s9 =	sand.u32 $0x380, s0;
	s4 =	sadd.s32 s4, s24  }
0x48: {  	s23 =	sor.u32 s23, s2;
	s24 =	sadd.s32 $0x16, s5;
	s25 =	smul.u32 $0xC3800, s11  }
0x49: {  	s11 =	sor.u32 s9, s6;
	s1 =	sshll.u32 s24, $0xB;
	s6 =	sshll.u32 s24, $0x4  }
0x4a: {  	s0 =	sand.u32 $0x1C000, s0;
	[dreg:$0xa] =	wrdreg s4;
	s24 =	sor.u32 s6, s1  }
0x4b: {  	s2 =	sadd.s32 s10, s25;
	s10 =	sand.u32 $0x70, s7;
	s25 =	sshll.u32 s3, $0x7  }
0x4c: {  	s3 =	sand.u32 $0x70, s3;
	s4 =	sadd.s32 s12, s10;
	s9 =	sand.u32 $0x380, s25  }
0x4d: {  	s3 =	sadd.s32 s12, s3;
	s0 =	sadd.s32 s0, s4;
	s9 =	sor.u32 s9, s2  }
0x4e: {  	s2 =	sand.u32 $0x1C000, s25;
	s4 =	sadd.s32 $0xB, s5;
	[dreg:$0xb] =	wrdreg s0  }
0x4f: {  	s25 =	sshrl.u32 s4, $0x4;
	s7 =	sand.u32 $0xF, s4;
	s0 =	sadd.s32 $0x17, s5  }
0x50: {  	s3 =	sadd.s32 s2, s3;
	s6 =	smul.u32 $0x187000, s25;
	s1 =	sshrl.u32 s7, $0x3  }
0x51: {  	s25 =	sshll.u32 s0, $0xB;
	s8 =	sshll.u32 s0, $0x4;
	s10 =	smul.u32 $0xC3800, s1  }
0x52: {  	[dreg:$0xc] =	wrdreg s3;
	s3 =	sor.u32 s8, s25;
	s1 =	sadd.s32 $0xC, s5  }
0x53: {  	s8 =	sand.u32 $0xF, s1;
	s2 =	sadd.s32 s6, s10;
	s10 =	sshrl.u32 s1, $0x4  }
0x54: {  	s25 =	sshrl.u32 s8, $0x3;
	s6 =	smul.u32 $0x187000, s10  }
0x55: {  	s10 =	sshll.u32 s4, $0x7;
	s4 =	sand.u32 $0x70, s4;
	s0 =	smul.u32 $0xC3800, s25  }
0x56: {  	s25 =	sand.u32 $0x380, s10;
	s10 =	sand.u32 $0x1C000, s10;
	s4 =	sadd.s32 s12, s4  }
0x57: {  	p0 =	sgt.u32 s15, $0xC;
	s4 =	sadd.s32 s10, s4;
	s10 =	sld [smem:$0x7BA]  }
0x58: {  	s15 =	sld [smem:$0x7F3];
	s21 =	sshrl.u32 s21, $0x3;
	s2 =	sor.u32 s25, s2  }
0x59: {  	s0 =	sadd.s32 s6, s0;
	[dreg:$0xd] =	wrdreg s4;
	s4 =	sshll.u32 s1, $0x7  }
0x5a: {  	s25 =	sand.u32 $0x380, s4;
	s6 =	sshrl.u32 s10, $0x3;
	s10 =	rddreg [dreg:$0x2]  }
0x5b: {  	s0 =	sor.u32 s25, s0;
	s25 =	sld [smem:$0x7BB];
	s6 =	sadd.s32 s10, s6  }
0x5c: {  	s16 =	sshrl.u32 s16, $0x3;
	s21 =	sadd.s32 s10, s21;
	[dreg:$0xe] =	wrdreg s6  }
0x5d: {  	s16 =	sadd.s32 s10, s16;
	[dreg:$0x11] =	wrdreg s21  }
0x5e: {  	s2 =	sshrl.u32 s2, $0x3;
	[dreg:$0x14] =	wrdreg s16  }
0x5f: {  	s2 =	sadd.s32 s10, s2;
	s6 =	sshrl.u32 s25, $0x3;
	s25 =	sld [smem:$0x7BC]  }
0x60: {  	s22 =	sshrl.u32 s22, $0x3;
	s11 =	sshrl.u32 s11, $0x3;
	[dreg:$0x19] =	wrdreg s2  }
0x61: {  	s0 =	sshrl.u32 s0, $0x3;
	s16 =	rddreg [dreg:$0x0];
	s6 =	sadd.s32 s10, s6  }
0x62: {  	s0 =	sadd.s32 s10, s0;
	[dreg:$0xf] =	wrdreg s6;
	s6 =	sshrl.u32 s25, $0x3  }
0x63: {  	s21 =	sshrl.u32 s13, $0x3;
	[dreg:$0x1a] =	wrdreg s0;
	s6 =	sadd.s32 s10, s6  }
0x64: {  	s25 =	sshrl.u32 s19, $0x3;
	[dreg:$0x10] =	wrdreg s6;
	s6 =	sadd.s32 s10, s22  }
0x65: {  	s19 =	sshrl.u32 s14, $0x3;
	s22 =	sadd.s32 s10, s11;
	[dreg:$0x12] =	wrdreg s6  }
0x66: {  	s11 =	sadd.s32 $0x19, s5;
	s6 =	sadd.s32 s10, s25;
	[dreg:$0x17] =	wrdreg s22  }
0x67: {  	s14 =	sshll.u32 s11, $0xB;
	s2 =	sshll.u32 s11, $0x4;
	s11 =	sld [smem:$0x7C2]  }
0x68: {  	s25 =	sshrl.u32 s9, $0x3;
	s9 =	sand.u32 $0x70, s1;
	[dreg:$0x13] =	wrdreg s6  }
0x69: {  	s6 =	sadd.s32 s10, s19;
	s0 =	sadd.s32 s12, s9;
	s12 =	sld [smem:$0x7BD]  }
0x6a: {  	[dreg:$0x15] =	wrdreg s6;
	s6 =	sadd.s32 s10, s21  }
0x6b: {  	[dreg:$0x16] =	wrdreg s6;
	s6 =	sadd.s32 s10, s25;
	s10 =	sand.u32 $0x1C000, s4  }
0x6c: {  	[dreg:$0x18] =	wrdreg s6;
	s0 =	sadd.s32 s10, s0;
	s13 =	sand.u32 $0xC070, s12  }
0x6d: {  	[dreg:$0x1b] =	wrdreg s0;
	s19 =	sor.u32 $0x1000, s13  }
0x6e: {  	s0 =	rddreg [dreg:$0x3];
	s22 =	sadd.s32 s16, s13;
	s25 =	sor.u32 $0x2000, s13  }
0x6f: {  	s1 =	sor.u32 $0x3000, s13;
	s21 =	sadd.s32 s16, s19;
	[dreg:$0x1f] =	wrdreg s22  }
0x70: {  	s10 =	sadd.s32 s16, s25;
	s4 =	sadd.s32 s16, s1;
	s16 =	sld [smem:$0x7C8]  }
0x71: {  	s5 =	sadd.s32 s0, s19;
	[dreg:$0x1c] =	wrdreg s21  }
0x72: {  	s9 =	sadd.s32 s0, s13;
	[dreg:$0x1e] =	wrdreg s5  }
0x73: {  	[smem:$0x7BE] =	sst s9  }
0x74: {  	[smem:$0x7BF] =	sst s10  }
0x75: {  	s1 =	sadd.s32 s0, s1;
	[smem:$0x7C1] =	sst s4  }
0x76: {  	[smem:$0x7C3] =	sst s1  }
0x77: {  	s2 =	sor.u32 s2, s14;
	s19 =	sadd.s32 $0x2000, s0;
	s9 =	sld [smem:$0x7CD]  }
0x78: {  	s5 =	sadd.s32 s0, s25;
	s4 =	sand.u32 $0xFFFC070, s11;
	s10 =	sld [smem:$0x7CE]  }
0x79: {  	s1 =	sadd.s32 $0x1000, s0;
	[smem:$0x7C0] =	sst s5;
	s12 =	sadd.s32 s0, s4  }
0x7a: {  	s13 =	sadd.s32 s4, s1;
	s5 =	sadd.s32 $0x3000, s0;
	[smem:$0x7C4] =	sst s12  }
0x7b: {  	s14 =	sadd.s32 s4, s19;
	[smem:$0x7C5] =	sst s13;
	s4 =	sadd.s32 s4, s5  }
0x7c: {  	[smem:$0x7C7] =	sst s4;
	s4 =	sand.u32 $0xFFFC070, s16  }
0x7d: {  	[smem:$0x7C6] =	sst s14;
	s21 =	sadd.s32 s0, s4  }
0x7e: {  	s22 =	sadd.s32 s4, s1;
	[smem:$0x7C9] =	sst s21  }
0x7f: {  	s25 =	sadd.s32 s4, s19;
	s4 =	sadd.s32 s4, s5;
	[smem:$0x7CA] =	sst s22  }
0x80: {  	[smem:$0x7CC] =	sst s4;
	s4 =	sand.u32 $0xFFFC070, s9  }
0x81: {  	[smem:$0x7CB] =	sst s25;
	s11 =	sadd.s32 s0, s4  }
0x82: {  	s12 =	sadd.s32 s4, s1;
	[smem:$0x7CF] =	sst s11  }
0x83: {  	s10 =	sand.u32 $0x7E0380, s10;
	s14 =	sadd.s32 s4, s19;
	[smem:$0x7D0] =	sst s12  }
0x84: {  	s13 =	sadd.s32 $0x40000, s10;
	s4 =	sadd.s32 s4, s5;
	[smem:$0x7D1] =	sst s14  }
0x85: {  	s16 =	sshrl.u32 s13, $0x3;
	s21 =	sadd.s32 $0x48000, s10;
	[smem:$0x7D2] =	sst s4  }
0x86: {  	s22 =	sadd.s32 $0x50000, s10;
	s25 =	sadd.s32 $0x58000, s10;
	s11 =	sld [smem:$0x7D7]  }
0x87: {  	s6 =	sshrl.u32 s22, $0x3;
	s4 =	sadd.s32 s0, s16;
	s12 =	sld [smem:$0x7D8]  }
0x88: {  	s6 =	sadd.s32 s0, s6;
	[smem:$0x7D3] =	sst s4;
	s4 =	sshrl.u32 s21, $0x3  }
0x89: {  	s9 =	sshrl.u32 s25, $0x3;
	[smem:$0x7D5] =	sst s6;
	s4 =	sadd.s32 s0, s4  }
0x8a: {  	[smem:$0x7D4] =	sst s4;
	s4 =	sadd.s32 s0, s9;
	s6 =	sand.u32 $0xFFFC070, s12  }
0x8b: {  	[smem:$0x7D6] =	sst s4;
	s21 =	sadd.s32 s0, s6  }
0x8c: {  	s22 =	sadd.s32 s6, s1;
	[smem:$0x7DD] =	sst s21  }
0x8d: {  	s25 =	sadd.s32 s6, s19;
	[smem:$0x7DE] =	sst s22  }
0x8e: {  	s4 =	sand.u32 $0xFFFC070, s11;
	s9 =	sadd.s32 s6, s5;
	[smem:$0x7DF] =	sst s25  }
0x8f: {  	s13 =	sadd.s32 s0, s4;
	[smem:$0x7E0] =	sst s9  }
0x90: {  	s14 =	sadd.s32 s4, s1;
	[smem:$0x7D9] =	sst s13  }
0x91: {  	s16 =	sadd.s32 s4, s19;
	[smem:$0x7DA] =	sst s14  }
0x92: {  	s11 =	sand.u32 $0xFFFC070, s18;
	s4 =	sadd.s32 s4, s5;
	[smem:$0x7DB] =	sst s16  }
0x93: {  	s18 =	sand.u32 $0xFFFC070, s23;
	s12 =	sadd.s32 s0, s11;
	[smem:$0x7DC] =	sst s4  }
0x94: {  	s3 =	sand.u32 $0xFFFC070, s3;
	s23 =	sadd.s32 s0, s18;
	[smem:$0x7E1] =	sst s12  }
0x95: {  	s2 =	sand.u32 $0xFFFC070, s2;
	s25 =	sadd.s32 s18, s1;
	[smem:$0x7E9] =	sst s23  }
0x96: {  	s9 =	sadd.s32 s18, s19;
	s13 =	sadd.s32 s11, s1;
	[smem:$0x7EA] =	sst s25  }
0x97: {  	s14 =	sadd.s32 s11, s19;
	s4 =	sadd.s32 s11, s5;
	[smem:$0x7EB] =	sst s9  }
0x98: {  	s16 =	sand.u32 $0xFFFC070, s20;
	s11 =	sadd.s32 s18, s5;
	[smem:$0x7E2] =	sst s13  }
0x99: {  	s12 =	sand.u32 $0xFFFC070, s24;
	s18 =	sadd.s32 $0x60000, s10;
	[smem:$0x7E4] =	sst s4  }
0x9a: {  	s9 =	sadd.s32 s3, s5;
	s20 =	sadd.s32 s0, s16;
	[smem:$0x7EC] =	sst s11  }
0x9b: {  	s23 =	sadd.s32 $0x70000, s10;
	s21 =	sadd.s32 s16, s1;
	[smem:$0x7E5] =	sst s20  }
0x9c: {  	s25 =	sadd.s32 $0x78000, s10;
	s22 =	sadd.s32 s16, s19;
	[smem:$0x7E6] =	sst s21  }
0x9d: {  	s4 =	sadd.s32 s16, s5;
	s13 =	sadd.s32 s0, s12;
	[smem:$0x7E7] =	sst s22  }
0x9e: {  	s16 =	sadd.s32 s12, s19;
	s11 =	sadd.s32 s12, s5;
	[smem:$0x7E8] =	sst s4  }
0x9f: {  	s24 =	sshrl.u32 s23, $0x3;
	[smem:$0x7ED] =	sst s13;
	s21 =	sadd.s32 $0x68000, s10  }
0xa0: {  	s10 =	sadd.s32 s0, s24;
	s24 =	sadd.s32 s2, s5;
	s5 =	sld [smem:$0x7F1]  }
0xa1: {  	[smem:$0x7EF] =	sst s16;
	s13 =	sadd.s32 s0, s3;
	s20 =	sshrl.u32 s18, $0x3  }
0xa2: {  	s4 =	sshrl.u32 s25, $0x3;
	s16 =	sld [smem:$0x7F5];
	s6 =	sadd.s32 s0, s20  }
0xa3: {  	s22 =	sshrl.u32 s21, $0x3;
	s20 =	sadd.s32 s0, s4;
	p1 =	sne.s32 s5, $0x0  }
0xa4: {  	s21 =	sadd.s32 s0, s2;
	s18 =	sadd.s32 s0, s22;
	s0 =	simm.s32 @!p1 $0x0  }
0xa5: {  	s25 =	sld [smem:$0x7F7];
	s0 =	simm.s32 @p1 $0x1;
	p1 =	sne.s32 s15, $0x0  }
0xa6: {  	[smem:$0x7F2] =	sst s0;
	s0 =	simm.s32 @!p1 $0x0  }
0xa7: {  	s0 =	simm.s32 @p1 $0x1;
	p1 =	sne.s32 s16, $0x0  }
0xa8: {  	p3 =	sne.s32 s31, $0x0;
	[smem:$0x7F4] =	sst s0;
	s0 =	simm.s32 @!p1 $0x0  }
0xa9: {  	p2 =	sne.s32 s30, $0x0;
	s0 =	simm.s32 @p1 $0x1;
	p1 =	sne.s32 s25, $0x0  }
0xaa: {  	p4 =	sne.s32 s17, $0x0;
	[smem:$0x7F6] =	sst s0;
	s0 =	simm.s32 @!p1 $0x0  }
0xab: {  	s17 =	sld [smem:$0x7FC];
	s0 =	simm.s32 @p1 $0x1;
	p1 =	sne.s32 s26, $0x0  }
0xac: {  	s30 =	simm.s32 $0x2;
	[smem:$0x7F8] =	sst s0;
	s0 =	simm.s32 @!p1 $0x0  }
0xad: {  	[smem:$0x7E3] =	sst s14;
	s0 =	simm.s32 @p1 $0x1;
	p1 =	sne.s32 s28, $0x0  }
0xae: {  	s14 =	sadd.s32 s12, s1;
	[smem:$0x7F9] =	sst s0;
	s0 =	simm.s32 @!p1 $0x0  }
0xaf: {  	[smem:$0x7EE] =	sst s14;
	s0 =	simm.s32 @p1 $0x1;
	p1 =	sne.s32 s29, $0x0  }
0xb0: {  	s25 =	simm.s32 $0x0;
	[smem:$0x7FA] =	sst s0;
	s0 =	simm.s32 @!p1 $0x0  }
0xb1: {  	s31 =	simm.s32 $0x1;
	[smem:$0x7FF] =	sst s25;
	s0 =	simm.s32 @p1 $0x1  }
0xb2: {  	p5 =	sne.s32 s7, $0x0;
	s23 =	sadd.s32 s2, s19;
	[smem:$0x7FB] =	sst s0  }
0xb3: {  	s14 =	sadd.s32 s3, s19;
	s19 =	sld [smem:$0x7F0];
	_ =	strace $0x80000047  }
0xb4: {  	p6 =	sne.s32 s8, $0x0;
	s12 =	sadd.s32 s3, s1;
	s26 =	sld [smem:$0x7FD]  }
0xb5: {  	s3 =	simm.s32 $0x4;
	s4 =	simm.s32 $0x0;
	s22 =	sadd.s32 s2, s1  }
0xb6: {  	s1 =	simm.s32 $0x1D700;
	s2 =	simm.s32 $0x3;
	s28 =	simm.s32 $0x80  }
0xb7: {  	s29 =	simm.s32 $0x400;
	s0 =	simm.s32 $0x1C700;
	s26 =	smax.u32 s26, $0x1  }
.LBB2_1:
0xb8: {  	s5 =	simm.s32 @!p0 $0x80  }
0xb9: {  	s7 =	simm.s32 @!p0 $0x400;
	s8 =	simm.s32 @!p0 $0x1C700;
	s15 =	rddreg [dreg:$0x1f]  }
0xba: {  	[tilespmem:s8], [sflag:$0x5] =	stream.strided.gather @!p0 [hbm4b:s15+s5], $0x1000, s7, s5, $0x38;
	[tilespmem:$0x1E700] =	vst v63  }
0xbb: {  	s15 =	simm.s32 @!p0 $0x5  }
0xbc: {  	_ =	swait.ge @!p0 [sflag:s15], $0x1000  }
0xbd: {  	s16 =	sld [smem:$0x7BE]  }
0xbe: {  	[sflag:s15] =	ssyncset.done @!p0 $0x0  }
0xbf: {  	[sflag:s15] =	ssyncadd.s32 @!p0 $0xFFFFF000  }
0xc0: {  	[hbm4b:s16+s5] =	stream.strided.scatter @!p0 [tilespmem:s8], [sflag:$0x5], $0x1000, s7, s5, $0x38;
	[tilespmem:$0x1E700] =	vst v63  }
0xc1: {  	_ =	swait.ge @!p0 [sflag:s15], $0x1000  }
0xc2: {  	[sflag:s15] =	ssyncset.done @!p0 $0x0  }
0xc3: {  	s16 =	rddreg [dreg:$0x1c];
	[sflag:s15] =	ssyncadd.s32 @!p0 $0xFFFFF000  }
0xc4: {  	[tilespmem:s8], [sflag:$0x5] =	stream.strided.gather @!p0 [hbm4b:s16+s5], $0x1000, s7, s5, $0x38;
	[tilespmem:$0x1E700] =	vst v63  }
0xc5: {  	_ =	swait.ge @!p0 [sflag:s15], $0x1000  }
0xc6: {  	[sflag:s15] =	ssyncset.done @!p0 $0x0  }
0xc7: {  	s16 =	rddreg [dreg:$0x1e];
	[sflag:s15] =	ssyncadd.s32 @!p0 $0xFFFFF000  }
0xc8: {  	[hbm4b:s16+s5] =	stream.strided.scatter @!p0 [tilespmem:s8], [sflag:$0x5], $0x1000, s7, s5, $0x38;
	[tilespmem:$0x1E700] =	vst v63  }
0xc9: {  	_ =	swait.ge @!p0 [sflag:s15], $0x1000  }
0xca: {  	s16 =	sld [smem:$0x7BF]  }
0xcb: {  	[sflag:s15] =	ssyncset.done @!p0 $0x0  }
0xcc: {  	[sflag:s15] =	ssyncadd.s32 @!p0 $0xFFFFF000  }
0xcd: {  	[tilespmem:s8], [sflag:$0x5] =	stream.strided.gather @!p0 [hbm4b:s16+s5], $0x1000, s7, s5, $0x38;
	[tilespmem:$0x1E700] =	vst v63  }
0xce: {  	_ =	swait.ge @!p0 [sflag:s15], $0x1000  }
0xcf: {  	s16 =	sld [smem:$0x7C0]  }
0xd0: {  	[sflag:s15] =	ssyncset.done @!p0 $0x0  }
0xd1: {  	[sflag:s15] =	ssyncadd.s32 @!p0 $0xFFFFF000  }
0xd2: {  	[hbm4b:s16+s5] =	stream.strided.scatter @!p0 [tilespmem:s8], [sflag:$0x5], $0x1000, s7, s5, $0x38;
	[tilespmem:$0x1E700] =	vst v63  }
0xd3: {  	_ =	swait.ge @!p0 [sflag:s15], $0x1000  }
0xd4: {  	s16 =	sld [smem:$0x7C1]  }
0xd5: {  	[sflag:s15] =	ssyncset.done @!p0 $0x0  }
0xd6: {  	[sflag:s15] =	ssyncadd.s32 @!p0 $0xFFFFF000  }
0xd7: {  	[tilespmem:s8], [sflag:$0x5] =	stream.strided.gather @!p0 [hbm4b:s16+s5], $0x1000, s7, s5, $0x38;
	[tilespmem:$0x1E700] =	vst v63  }
0xd8: {  	_ =	swait.ge @!p0 [sflag:s15], $0x1000  }
0xd9: {  	s16 =	sld [smem:$0x7C3]  }
0xda: {  	[sflag:s15] =	ssyncset.done @!p0 $0x0  }
0xdb: {  	[sflag:s15] =	ssyncadd.s32 @!p0 $0xFFFFF000  }
0xdc: {  	[hbm4b:s16+s5] =	stream.strided.scatter @!p0 [tilespmem:s8], [sflag:$0x5], $0x1000, s7, s5, $0x38;
	[tilespmem:$0x1E700] =	vst v63  }
0xdd: {  	_ =	swait.ge @!p0 [sflag:s15], $0x1000  }
0xde: {  	[sflag:s15] =	ssyncset.done @!p0 $0x0  }
0xdf: {  	s7 =	rddreg [dreg:$0xe];
	[sflag:s15] =	ssyncadd.s32 @!p0 $0xFFFFF000  }
0xe0: {  	[tilespmem:s25], [sflag:$0x1] =	stream.strided.gather [hbm4b:s7+s28], $0x18700, s29, s28, $0x38;
	[tilespmem:$0x1E700] =	vst v63  }
0xe1: {  	s8 =	rddreg [dreg:$0x1d];
	s15 =	simm.s32 $0x18700  }
0xe2: {  	[tilespmem:s15], [sflag:$0x2] =	stream.strided.gather [hbm4b:s8+s28], $0x4000, s29, s28, $0x38;
	[tilespmem:$0x1E700] =	vst v63  }
0xe3: {  	_ =	swait.ge [sflag:s30], $0x4000  }
0xe4: {  	[sflag:s30] =	ssyncset.done $0x0  }
0xe5: {  	[sflag:s30] =	ssyncadd.s32 $0xFFFFC000  }
0xe6: {  	_ =	swait.ge [sflag:s31], $0x18700  }
0xe7: {  	[sflag:s31] =	ssyncset.done $0x0  }
0xe8: {  	s16 =	simm.s32 $0x18740;
	[sflag:s31] =	ssyncadd.s32 $0xFFFE7900  }
0xe9: {  	v0 =	vld [tilespmem:s16+$0x30]  }
0xea: {  	v1 =	vld [tilespmem:s16+$0xFFFFFFD0]  }
0xeb: {  	v2 =	vld [tilespmem:s16+$0xFFFFFFE0]  }
0xec: {  	v3 =	vld [tilespmem:s16+$0xFFFFFFF0]  }
0xed: {  	v4 =	vld [tilespmem:s16+$0x0]  }
0xee: {  	v6 =	vld [tilespmem:s16+$0x10]  }
0xef: {  	v7 =	vld [tilespmem:s16+$0x20]  }
0xf0: {  	v8 =	vld [tilespmem:s16+$0xFFFFFFC0]  }
0xf1: {  	v9 =	vld.idx.msk [tilespmem:v0+s25+$0x0], $0xffff  }
0xf2: {  	v10 =	vld.idx.msk [tilespmem:v1+s25+$0x0], $0xffff  }
0xf3: {  	v5 =	vld.idx.msk [tilespmem:v2+s25+$0x0], $0xffff  }
0xf4: {  	v3 =	vld.idx.msk [tilespmem:v3+s25+$0x0], $0xffff  }
0xf5: {  	v0 =	vld.idx.msk [tilespmem:v4+s25+$0x0], $0xffff  }
0xf6: {  	s5 =	simm.s32 $0x1C740;
	v1 =	vld.idx.msk [tilespmem:v6+s25+$0x0], $0xffff  }
0xf7: {  	v2 =	vld.idx.msk [tilespmem:v7+s25+$0x0], $0xffff;
	[tilespmem:s5+$0x30] =	vst v9  }
0xf8: {  	s7 =	simm.s32 $0x0;
	s8 =	simm.s32 $0x187C0;
	v4 =	vld.idx.msk [tilespmem:v8+s25+$0x0], $0xffff;
	[tilespmem:s5+$0xFFFFFFD0] =	vst v10  }
.LBB2_2:
0xf9: {  	v6 =	vld [tilespmem:s8+$0x30];
	s7 =	sadd.s32 $0x8, s7;
	[tilespmem:s5+$0xFFFFFFE0] =	vst v5  }
0xfa: {  	v5 =	vld [tilespmem:s8+$0xFFFFFFD0];
	p1 =	slt.u32 s7, $0xF8;
	[tilespmem:s5+$0xFFFFFFF0] =	vst v3  }
0xfb: {  	v3 =	vld [tilespmem:s8+$0xFFFFFFE0];
	[tilespmem:s5+$0x0] =	vst v0  }
0xfc: {  	v0 =	vld [tilespmem:s8+$0xFFFFFFF0];
	[tilespmem:s5+$0x10] =	vst v1  }
0xfd: {  	v1 =	vld [tilespmem:s8+$0x0];
	[tilespmem:s5+$0x20] =	vst v2  }
0xfe: {  	v2 =	vld [tilespmem:s8+$0x10];
	[tilespmem:s5+$0xFFFFFFC0] =	vst v4  }
0xff: {  	v4 =	vld [tilespmem:s8+$0x20]  }
0x100: {  	v7 =	vld [tilespmem:s8+$0xFFFFFFC0]  }
0x101: {  	v6 =	vld.idx.msk [tilespmem:v6+s25+$0x0], $0xffff  }
0x102: {  	v8 =	vld.idx.msk [tilespmem:v5+s25+$0x0], $0xffff  }
0x103: {  	v5 =	vld.idx.msk [tilespmem:v3+s25+$0x0], $0xffff  }
.Ltmp0:
0x104: {  	v3 =	vld.idx.msk [tilespmem:v0+s25+$0x0], $0xffff;
	(pc) =	sbr.rel @p1 .LBB2_2-.Ltmp0, $4  }
0x105: {  	v0 =	vld.idx.msk [tilespmem:v1+s25+$0x0], $0xffff  }
0x106: {  	s5 =	sadd.s32 $0x80, s5;
	v1 =	vld.idx.msk [tilespmem:v2+s25+$0x0], $0xffff  }
0x107: {  	v2 =	vld.idx.msk [tilespmem:v4+s25+$0x0], $0xffff;
	[tilespmem:s5+$0x30] =	vst v6  }
0x108: {  	s8 =	sadd.s32 $0x80, s8;
	v4 =	vld.idx.msk [tilespmem:v7+s25+$0x0], $0xffff;
	[tilespmem:s5+$0xFFFFFFD0] =	vst v8  }
0x109: {  	[tilespmem:s5+$0xFFFFFFE0] =	vst v5  }
0x10a: {  	[tilespmem:s5+$0xFFFFFFF0] =	vst v3  }
0x10b: {  	[tilespmem:s5+$0x0] =	vst v0  }
0x10c: {  	[tilespmem:s5+$0x10] =	vst v1  }
0x10d: {  	[tilespmem:s5+$0x20] =	vst v2  }
0x10e: {  	[tilespmem:s5+$0xFFFFFFC0] =	vst v4  }
0x10f: {  	s5 =	sld [smem:$0x7C4];
	_ =	sdelay $0x1  }
0x110: {  	s16 =	simm.s32 $0x19770  }
0x111: {  	[hbm4b:s5+s28] =	stream.strided.scatter [tilespmem:s0], [sflag:$0x3], $0x1000, s29, s28, $0x38;
	[tilespmem:$0x1E700] =	vst v63  }
0x112: {  	v0 =	vld [tilespmem:s16+$0x0]  }
0x113: {  	v1 =	vld [tilespmem:s16+$0xFFFFFFA0]  }
0x114: {  	v2 =	vld [tilespmem:s16+$0xFFFFFFB0]  }
0x115: {  	v3 =	vld [tilespmem:s16+$0xFFFFFFC0]  }
0x116: {  	v4 =	vld [tilespmem:s16+$0xFFFFFFD0]  }
0x117: {  	v6 =	vld [tilespmem:s16+$0xFFFFFFE0]  }
0x118: {  	v7 =	vld [tilespmem:s16+$0xFFFFFFF0]  }
0x119: {  	v8 =	vld [tilespmem:s16+$0xFFFFFF90]  }
0x11a: {  	v9 =	vld.idx.msk [tilespmem:v0+s25+$0x0], $0xffff  }
0x11b: {  	v10 =	vld.idx.msk [tilespmem:v1+s25+$0x0], $0xffff  }
0x11c: {  	v5 =	vld.idx.msk [tilespmem:v2+s25+$0x0], $0xffff  }
0x11d: {  	v3 =	vld.idx.msk [tilespmem:v3+s25+$0x0], $0xffff  }
0x11e: {  	v0 =	vld.idx.msk [tilespmem:v4+s25+$0x0], $0xffff  }
0x11f: {  	s5 =	simm.s32 $0x1D740;
	v1 =	vld.idx.msk [tilespmem:v6+s25+$0x0], $0xffff  }
0x120: {  	v2 =	vld.idx.msk [tilespmem:v7+s25+$0x0], $0xffff;
	[tilespmem:s5+$0x30] =	vst v9  }
0x121: {  	s7 =	simm.s32 $0x0;
	s8 =	simm.s32 $0x197F0;
	v4 =	vld.idx.msk [tilespmem:v8+s25+$0x0], $0xffff;
	[tilespmem:s5+$0xFFFFFFD0] =	vst v10  }
.LBB2_4:
0x122: {  	v6 =	vld [tilespmem:s8+$0x0];
	s7 =	sadd.s32 $0x8, s7;
	[tilespmem:s5+$0xFFFFFFE0] =	vst v5  }
0x123: {  	v5 =	vld [tilespmem:s8+$0xFFFFFFA0];
	p1 =	slt.u32 s7, $0xF8;
	[tilespmem:s5+$0xFFFFFFF0] =	vst v3  }
0x124: {  	v3 =	vld [tilespmem:s8+$0xFFFFFFB0];
	[tilespmem:s5+$0x0] =	vst v0  }
0x125: {  	v0 =	vld [tilespmem:s8+$0xFFFFFFC0];
	[tilespmem:s5+$0x10] =	vst v1  }
0x126: {  	v1 =	vld [tilespmem:s8+$0xFFFFFFD0];
	[tilespmem:s5+$0x20] =	vst v2  }
0x127: {  	v2 =	vld [tilespmem:s8+$0xFFFFFFE0];
	[tilespmem:s5+$0xFFFFFFC0] =	vst v4  }
0x128: {  	v4 =	vld [tilespmem:s8+$0xFFFFFFF0]  }
0x129: {  	v7 =	vld [tilespmem:s8+$0xFFFFFF90]  }
0x12a: {  	v6 =	vld.idx.msk [tilespmem:v6+s25+$0x0], $0xffff  }
0x12b: {  	v8 =	vld.idx.msk [tilespmem:v5+s25+$0x0], $0xffff  }
0x12c: {  	v5 =	vld.idx.msk [tilespmem:v3+s25+$0x0], $0xffff  }
.Ltmp1:
0x12d: {  	v3 =	vld.idx.msk [tilespmem:v0+s25+$0x0], $0xffff;
	(pc) =	sbr.rel @p1 .LBB2_4-.Ltmp1, $4  }
0x12e: {  	v0 =	vld.idx.msk [tilespmem:v1+s25+$0x0], $0xffff  }
0x12f: {  	s5 =	sadd.s32 $0x80, s5;
	v1 =	vld.idx.msk [tilespmem:v2+s25+$0x0], $0xffff  }
0x130: {  	v2 =	vld.idx.msk [tilespmem:v4+s25+$0x0], $0xffff;
	[tilespmem:s5+$0x30] =	vst v6  }
0x131: {  	s8 =	sadd.s32 $0x80, s8;
	v4 =	vld.idx.msk [tilespmem:v7+s25+$0x0], $0xffff;
	[tilespmem:s5+$0xFFFFFFD0] =	vst v8  }
0x132: {  	[tilespmem:s5+$0xFFFFFFE0] =	vst v5  }
0x133: {  	[tilespmem:s5+$0xFFFFFFF0] =	vst v3  }
0x134: {  	[tilespmem:s5+$0x0] =	vst v0  }
0x135: {  	[tilespmem:s5+$0x10] =	vst v1  }
0x136: {  	[tilespmem:s5+$0x20] =	vst v2  }
0x137: {  	[tilespmem:s5+$0xFFFFFFC0] =	vst v4  }
0x138: {  	s5 =	sld [smem:$0x7C5];
	_ =	sdelay $0x2  }
0x139: {  	[hbm4b:s5+s28] =	stream.strided.scatter [tilespmem:s1], [sflag:$0x4], $0x1000, s29, s28, $0x38;
	[tilespmem:$0x1E700] =	vst v63  }
0x13a: {  	_ =	swait.ge [sflag:s2], $0x1000  }
0x13b: {  	[sflag:s2] =	ssyncset.done $0x0  }
0x13c: {  	s16 =	simm.s32 $0x1A770;
	[sflag:s2] =	ssyncadd.s32 $0xFFFFF000  }
0x13d: {  	v0 =	vld [tilespmem:s16+$0x0]  }
0x13e: {  	v1 =	vld [tilespmem:s16+$0xFFFFFFA0]  }
0x13f: {  	v2 =	vld [tilespmem:s16+$0xFFFFFFB0]  }
0x140: {  	v3 =	vld [tilespmem:s16+$0xFFFFFFC0]  }
0x141: {  	v4 =	vld [tilespmem:s16+$0xFFFFFFD0]  }
0x142: {  	v6 =	vld [tilespmem:s16+$0xFFFFFFE0]  }
0x143: {  	v7 =	vld [tilespmem:s16+$0xFFFFFFF0]  }
0x144: {  	v8 =	vld [tilespmem:s16+$0xFFFFFF90]  }
0x145: {  	v9 =	vld.idx.msk [tilespmem:v0+s25+$0x0], $0xffff  }
0x146: {  	v10 =	vld.idx.msk [tilespmem:v1+s25+$0x0], $0xffff  }
0x147: {  	v5 =	vld.idx.msk [tilespmem:v2+s25+$0x0], $0xffff  }
0x148: {  	v3 =	vld.idx.msk [tilespmem:v3+s25+$0x0], $0xffff  }
0x149: {  	v0 =	vld.idx.msk [tilespmem:v4+s25+$0x0], $0xffff  }
0x14a: {  	s5 =	simm.s32 $0x1C740;
	v1 =	vld.idx.msk [tilespmem:v6+s25+$0x0], $0xffff  }
0x14b: {  	v2 =	vld.idx.msk [tilespmem:v7+s25+$0x0], $0xffff;
	[tilespmem:s5+$0x30] =	vst v9  }
0x14c: {  	s7 =	simm.s32 $0x0;
	s8 =	simm.s32 $0x1A7F0;
	v4 =	vld.idx.msk [tilespmem:v8+s25+$0x0], $0xffff;
	[tilespmem:s5+$0xFFFFFFD0] =	vst v10  }
.LBB2_6:
0x14d: {  	v6 =	vld [tilespmem:s8+$0x0];
	s7 =	sadd.s32 $0x8, s7;
	[tilespmem:s5+$0xFFFFFFE0] =	vst v5  }
0x14e: {  	v5 =	vld [tilespmem:s8+$0xFFFFFFA0];
	p1 =	slt.u32 s7, $0xF8;
	[tilespmem:s5+$0xFFFFFFF0] =	vst v3  }
0x14f: {  	v3 =	vld [tilespmem:s8+$0xFFFFFFB0];
	[tilespmem:s5+$0x0] =	vst v0  }
0x150: {  	v0 =	vld [tilespmem:s8+$0xFFFFFFC0];
	[tilespmem:s5+$0x10] =	vst v1  }
0x151: {  	v1 =	vld [tilespmem:s8+$0xFFFFFFD0];
	[tilespmem:s5+$0x20] =	vst v2  }
0x152: {  	v2 =	vld [tilespmem:s8+$0xFFFFFFE0];
	[tilespmem:s5+$0xFFFFFFC0] =	vst v4  }
0x153: {  	v4 =	vld [tilespmem:s8+$0xFFFFFFF0]  }
0x154: {  	v7 =	vld [tilespmem:s8+$0xFFFFFF90]  }
0x155: {  	v6 =	vld.idx.msk [tilespmem:v6+s25+$0x0], $0xffff  }
0x156: {  	v8 =	vld.idx.msk [tilespmem:v5+s25+$0x0], $0xffff  }
0x157: {  	v5 =	vld.idx.msk [tilespmem:v3+s25+$0x0], $0xffff  }
.Ltmp2:
0x158: {  	v3 =	vld.idx.msk [tilespmem:v0+s25+$0x0], $0xffff;
	(pc) =	sbr.rel @p1 .LBB2_6-.Ltmp2, $4  }
0x159: {  	v0 =	vld.idx.msk [tilespmem:v1+s25+$0x0], $0xffff  }
0x15a: {  	s5 =	sadd.s32 $0x80, s5;
	v1 =	vld.idx.msk [tilespmem:v2+s25+$0x0], $0xffff  }
0x15b: {  	v2 =	vld.idx.msk [tilespmem:v4+s25+$0x0], $0xffff;
	[tilespmem:s5+$0x30] =	vst v6  }
0x15c: {  	s8 =	sadd.s32 $0x80, s8;
	v4 =	vld.idx.msk [tilespmem:v7+s25+$0x0], $0xffff;
	[tilespmem:s5+$0xFFFFFFD0] =	vst v8  }
0x15d: {  	[tilespmem:s5+$0xFFFFFFE0] =	vst v5  }
0x15e: {  	[tilespmem:s5+$0xFFFFFFF0] =	vst v3  }
0x15f: {  	[tilespmem:s5+$0x0] =	vst v0  }
0x160: {  	[tilespmem:s5+$0x10] =	vst v1  }
0x161: {  	[tilespmem:s5+$0x20] =	vst v2  }
0x162: {  	[tilespmem:s5+$0xFFFFFFC0] =	vst v4  }
0x163: {  	s5 =	sld [smem:$0x7C6];
	_ =	sdelay $0x2  }
0x164: {  	[hbm4b:s5+s28] =	stream.strided.scatter [tilespmem:s0], [sflag:$0x3], $0x1000, s29, s28, $0x38;
	[tilespmem:$0x1E700] =	vst v63  }
0x165: {  	_ =	swait.ge [sflag:s3], $0x1000  }
0x166: {  	[sflag:s3] =	ssyncset.done $0x0  }
0x167: {  	s16 =	simm.s32 $0x1B770;
	[sflag:s3] =	ssyncadd.s32 $0xFFFFF000  }
0x168: {  	v0 =	vld [tilespmem:s16+$0x0]  }
0x169: {  	v1 =	vld [tilespmem:s16+$0xFFFFFFA0]  }
0x16a: {  	v2 =	vld [tilespmem:s16+$0xFFFFFFB0]  }
0x16b: {  	v3 =	vld [tilespmem:s16+$0xFFFFFFC0]  }
0x16c: {  	v4 =	vld [tilespmem:s16+$0xFFFFFFD0]  }
0x16d: {  	v6 =	vld [tilespmem:s16+$0xFFFFFFE0]  }
0x16e: {  	v7 =	vld [tilespmem:s16+$0xFFFFFFF0]  }
0x16f: {  	v8 =	vld [tilespmem:s16+$0xFFFFFF90]  }
0x170: {  	v9 =	vld.idx.msk [tilespmem:v0+s25+$0x0], $0xffff  }
0x171: {  	v10 =	vld.idx.msk [tilespmem:v1+s25+$0x0], $0xffff  }
0x172: {  	v5 =	vld.idx.msk [tilespmem:v2+s25+$0x0], $0xffff  }
0x173: {  	v3 =	vld.idx.msk [tilespmem:v3+s25+$0x0], $0xffff  }
0x174: {  	v0 =	vld.idx.msk [tilespmem:v4+s25+$0x0], $0xffff  }
0x175: {  	s5 =	simm.s32 $0x1D740;
	v1 =	vld.idx.msk [tilespmem:v6+s25+$0x0], $0xffff  }
0x176: {  	v2 =	vld.idx.msk [tilespmem:v7+s25+$0x0], $0xffff;
	[tilespmem:s5+$0x30] =	vst v9  }
0x177: {  	s7 =	simm.s32 $0x0;
	s8 =	simm.s32 $0x1B7F0;
	v4 =	vld.idx.msk [tilespmem:v8+s25+$0x0], $0xffff;
	[tilespmem:s5+$0xFFFFFFD0] =	vst v10  }
.LBB2_8:
0x178: {  	v6 =	vld [tilespmem:s8+$0x0];
	s7 =	sadd.s32 $0x8, s7;
	[tilespmem:s5+$0xFFFFFFE0] =	vst v5  }
0x179: {  	v5 =	vld [tilespmem:s8+$0xFFFFFFA0];
	p1 =	slt.u32 s7, $0xF8;
	[tilespmem:s5+$0xFFFFFFF0] =	vst v3  }
0x17a: {  	v3 =	vld [tilespmem:s8+$0xFFFFFFB0];
	[tilespmem:s5+$0x0] =	vst v0  }
0x17b: {  	v0 =	vld [tilespmem:s8+$0xFFFFFFC0];
	[tilespmem:s5+$0x10] =	vst v1  }
0x17c: {  	v1 =	vld [tilespmem:s8+$0xFFFFFFD0];
	[tilespmem:s5+$0x20] =	vst v2  }
0x17d: {  	v2 =	vld [tilespmem:s8+$0xFFFFFFE0];
	[tilespmem:s5+$0xFFFFFFC0] =	vst v4  }
0x17e: {  	v4 =	vld [tilespmem:s8+$0xFFFFFFF0]  }
0x17f: {  	v7 =	vld [tilespmem:s8+$0xFFFFFF90]  }
0x180: {  	v6 =	vld.idx.msk [tilespmem:v6+s25+$0x0], $0xffff  }
0x181: {  	v8 =	vld.idx.msk [tilespmem:v5+s25+$0x0], $0xffff  }
0x182: {  	v5 =	vld.idx.msk [tilespmem:v3+s25+$0x0], $0xffff  }
.Ltmp3:
0x183: {  	v3 =	vld.idx.msk [tilespmem:v0+s25+$0x0], $0xffff;
	(pc) =	sbr.rel @p1 .LBB2_8-.Ltmp3, $4  }
0x184: {  	v0 =	vld.idx.msk [tilespmem:v1+s25+$0x0], $0xffff  }
0x185: {  	s5 =	sadd.s32 $0x80, s5;
	v1 =	vld.idx.msk [tilespmem:v2+s25+$0x0], $0xffff  }
0x186: {  	v2 =	vld.idx.msk [tilespmem:v4+s25+$0x0], $0xffff;
	[tilespmem:s5+$0x30] =	vst v6  }
0x187: {  	s8 =	sadd.s32 $0x80, s8;
	v4 =	vld.idx.msk [tilespmem:v7+s25+$0x0], $0xffff;
	[tilespmem:s5+$0xFFFFFFD0] =	vst v8  }
0x188: {  	[tilespmem:s5+$0xFFFFFFE0] =	vst v5  }
0x189: {  	[tilespmem:s5+$0xFFFFFFF0] =	vst v3  }
0x18a: {  	[tilespmem:s5+$0x0] =	vst v0  }
0x18b: {  	[tilespmem:s5+$0x10] =	vst v1  }
0x18c: {  	[tilespmem:s5+$0x20] =	vst v2  }
0x18d: {  	[tilespmem:s5+$0xFFFFFFC0] =	vst v4  }
0x18e: {  	s5 =	sld [smem:$0x7C7]  }
0x18f: {  	s15 =	sld [smem:$0x7F2];
	_ =	sdelay $0x1  }
0x190: {  	[hbm4b:s5+s28] =	stream.strided.scatter [tilespmem:s1], [sflag:$0x4], $0x1000, s29, s28, $0x38;
	[tilespmem:$0x1E700] =	vst v63  }
0x191: {  	s8 =	rddreg [dreg:$0xf];
	p1 =	seq.s32 s15, $0x1  }
0x192: {  	[tilespmem:s25], [sflag:$0x1] =	stream.strided.gather [hbm4b:s8+s28], $0x18700, s29, s28, $0x38;
	[tilespmem:$0x1E700] =	vst v63  }
0x193: {  	s5 =	simm.s32 @!p1 $0x80;
	s7 =	simm.s32 @!p1 $0x400;
	s8 =	simm.s32 @!p1 $0x18700  }
0x194: {  	[tilespmem:s8], [sflag:$0x2] =	stream.strided.gather @!p1 [hbm4b:s17+s5], $0x4000, s7, s5, $0x38;
	[tilespmem:$0x1E700] =	vst v63  }
0x195: {  	s5 =	simm.s32 @!p1 $0x2  }
0x196: {  	_ =	swait.ge @!p1 [sflag:s5], $0x4000  }
0x197: {  	[sflag:s5] =	ssyncset.done @!p1 $0x0  }
0x198: {  	[sflag:s5] =	ssyncadd.s32 @!p1 $0xFFFFC000  }
0x199: {  	_ =	swait.ge [sflag:s31], $0x18700  }
0x19a: {  	[sflag:s31] =	ssyncset.done $0x0  }
0x19b: {  	[sflag:s31] =	ssyncadd.s32 $0xFFFE7900  }
0x19c: {  	_ =	swait.ge [sflag:s2], $0x1000  }
0x19d: {  	[sflag:s2] =	ssyncset.done $0x0  }
0x19e: {  	s16 =	simm.s32 $0x18740;
	[sflag:s2] =	ssyncadd.s32 $0xFFFFF000  }
0x19f: {  	v0 =	vld [tilespmem:s16+$0x30]  }
0x1a0: {  	v1 =	vld [tilespmem:s16+$0xFFFFFFD0]  }
0x1a1: {  	v2 =	vld [tilespmem:s16+$0xFFFFFFE0]  }
0x1a2: {  	v3 =	vld [tilespmem:s16+$0xFFFFFFF0]  }
0x1a3: {  	v4 =	vld [tilespmem:s16+$0x0]  }
0x1a4: {  	v6 =	vld [tilespmem:s16+$0x10]  }
0x1a5: {  	v7 =	vld [tilespmem:s16+$0x20]  }
0x1a6: {  	v8 =	vld [tilespmem:s16+$0xFFFFFFC0]  }
0x1a7: {  	v9 =	vld.idx.msk [tilespmem:v0+s25+$0x0], $0xffff  }
0x1a8: {  	v10 =	vld.idx.msk [tilespmem:v1+s25+$0x0], $0xffff  }
0x1a9: {  	v5 =	vld.idx.msk [tilespmem:v2+s25+$0x0], $0xffff  }
0x1aa: {  	v3 =	vld.idx.msk [tilespmem:v3+s25+$0x0], $0xffff  }
0x1ab: {  	v0 =	vld.idx.msk [tilespmem:v4+s25+$0x0], $0xffff  }
0x1ac: {  	s5 =	simm.s32 $0x1C740;
	v1 =	vld.idx.msk [tilespmem:v6+s25+$0x0], $0xffff  }
0x1ad: {  	v2 =	vld.idx.msk [tilespmem:v7+s25+$0x0], $0xffff;
	[tilespmem:s5+$0x30] =	vst v9  }
0x1ae: {  	s7 =	simm.s32 $0x0;
	s8 =	simm.s32 $0x187C0;
	v4 =	vld.idx.msk [tilespmem:v8+s25+$0x0], $0xffff;
	[tilespmem:s5+$0xFFFFFFD0] =	vst v10  }
.LBB2_10:
0x1af: {  	v6 =	vld [tilespmem:s8+$0x30];
	s7 =	sadd.s32 $0x8, s7;
	[tilespmem:s5+$0xFFFFFFE0] =	vst v5  }
0x1b0: {  	v5 =	vld [tilespmem:s8+$0xFFFFFFD0];
	p1 =	slt.u32 s7, $0xF8;
	[tilespmem:s5+$0xFFFFFFF0] =	vst v3  }
0x1b1: {  	v3 =	vld [tilespmem:s8+$0xFFFFFFE0];
	[tilespmem:s5+$0x0] =	vst v0  }
0x1b2: {  	v0 =	vld [tilespmem:s8+$0xFFFFFFF0];
	[tilespmem:s5+$0x10] =	vst v1  }
0x1b3: {  	v1 =	vld [tilespmem:s8+$0x0];
	[tilespmem:s5+$0x20] =	vst v2  }
0x1b4: {  	v2 =	vld [tilespmem:s8+$0x10];
	[tilespmem:s5+$0xFFFFFFC0] =	vst v4  }
0x1b5: {  	v4 =	vld [tilespmem:s8+$0x20]  }
0x1b6: {  	v7 =	vld [tilespmem:s8+$0xFFFFFFC0]  }
0x1b7: {  	v6 =	vld.idx.msk [tilespmem:v6+s25+$0x0], $0xffff  }
0x1b8: {  	v8 =	vld.idx.msk [tilespmem:v5+s25+$0x0], $0xffff  }
0x1b9: {  	v5 =	vld.idx.msk [tilespmem:v3+s25+$0x0], $0xffff  }
.Ltmp4:
0x1ba: {  	v3 =	vld.idx.msk [tilespmem:v0+s25+$0x0], $0xffff;
	(pc) =	sbr.rel @p1 .LBB2_10-.Ltmp4, $4  }
0x1bb: {  	v0 =	vld.idx.msk [tilespmem:v1+s25+$0x0], $0xffff  }
0x1bc: {  	s5 =	sadd.s32 $0x80, s5;
	v1 =	vld.idx.msk [tilespmem:v2+s25+$0x0], $0xffff  }
0x1bd: {  	v2 =	vld.idx.msk [tilespmem:v4+s25+$0x0], $0xffff;
	[tilespmem:s5+$0x30] =	vst v6  }
0x1be: {  	s8 =	sadd.s32 $0x80, s8;
	v4 =	vld.idx.msk [tilespmem:v7+s25+$0x0], $0xffff;
	[tilespmem:s5+$0xFFFFFFD0] =	vst v8  }
0x1bf: {  	[tilespmem:s5+$0xFFFFFFE0] =	vst v5  }
0x1c0: {  	[tilespmem:s5+$0xFFFFFFF0] =	vst v3  }
0x1c1: {  	[tilespmem:s5+$0x0] =	vst v0  }
0x1c2: {  	[tilespmem:s5+$0x10] =	vst v1  }
0x1c3: {  	[tilespmem:s5+$0x20] =	vst v2  }
0x1c4: {  	[tilespmem:s5+$0xFFFFFFC0] =	vst v4  }
0x1c5: {  	s5 =	sld [smem:$0x7C9];
	_ =	sdelay $0x2  }
0x1c6: {  	[hbm4b:s5+s28] =	stream.strided.scatter [tilespmem:s0], [sflag:$0x3], $0x1000, s29, s28, $0x38;
	[tilespmem:$0x1E700] =	vst v63  }
0x1c7: {  	_ =	swait.ge [sflag:s3], $0x1000  }
0x1c8: {  	[sflag:s3] =	ssyncset.done $0x0  }
0x1c9: {  	s16 =	simm.s32 $0x19770;
	[sflag:s3] =	ssyncadd.s32 $0xFFFFF000  }
0x1ca: {  	v0 =	vld [tilespmem:s16+$0x0]  }
0x1cb: {  	v1 =	vld [tilespmem:s16+$0xFFFFFFA0]  }
0x1cc: {  	v2 =	vld [tilespmem:s16+$0xFFFFFFB0]  }
0x1cd: {  	v3 =	vld [tilespmem:s16+$0xFFFFFFC0]  }
0x1ce: {  	v4 =	vld [tilespmem:s16+$0xFFFFFFD0]  }
0x1cf: {  	v6 =	vld [tilespmem:s16+$0xFFFFFFE0]  }
0x1d0: {  	v7 =	vld [tilespmem:s16+$0xFFFFFFF0]  }
0x1d1: {  	v8 =	vld [tilespmem:s16+$0xFFFFFF90]  }
0x1d2: {  	v9 =	vld.idx.msk [tilespmem:v0+s25+$0x0], $0xffff  }
0x1d3: {  	v10 =	vld.idx.msk [tilespmem:v1+s25+$0x0], $0xffff  }
0x1d4: {  	v5 =	vld.idx.msk [tilespmem:v2+s25+$0x0], $0xffff  }
0x1d5: {  	v3 =	vld.idx.msk [tilespmem:v3+s25+$0x0], $0xffff  }
0x1d6: {  	v0 =	vld.idx.msk [tilespmem:v4+s25+$0x0], $0xffff  }
0x1d7: {  	s5 =	simm.s32 $0x1D740;
	v1 =	vld.idx.msk [tilespmem:v6+s25+$0x0], $0xffff  }
0x1d8: {  	v2 =	vld.idx.msk [tilespmem:v7+s25+$0x0], $0xffff;
	[tilespmem:s5+$0x30] =	vst v9  }
0x1d9: {  	s7 =	simm.s32 $0x0;
	s8 =	simm.s32 $0x197F0;
	v4 =	vld.idx.msk [tilespmem:v8+s25+$0x0], $0xffff;
	[tilespmem:s5+$0xFFFFFFD0] =	vst v10  }
.LBB2_12:
0x1da: {  	v6 =	vld [tilespmem:s8+$0x0];
	s7 =	sadd.s32 $0x8, s7;
	[tilespmem:s5+$0xFFFFFFE0] =	vst v5  }
0x1db: {  	v5 =	vld [tilespmem:s8+$0xFFFFFFA0];
	p1 =	slt.u32 s7, $0xF8;
	[tilespmem:s5+$0xFFFFFFF0] =	vst v3  }
0x1dc: {  	v3 =	vld [tilespmem:s8+$0xFFFFFFB0];
	[tilespmem:s5+$0x0] =	vst v0  }
0x1dd: {  	v0 =	vld [tilespmem:s8+$0xFFFFFFC0];
	[tilespmem:s5+$0x10] =	vst v1  }
0x1de: {  	v1 =	vld [tilespmem:s8+$0xFFFFFFD0];
	[tilespmem:s5+$0x20] =	vst v2  }
0x1df: {  	v2 =	vld [tilespmem:s8+$0xFFFFFFE0];
	[tilespmem:s5+$0xFFFFFFC0] =	vst v4  }
0x1e0: {  	v4 =	vld [tilespmem:s8+$0xFFFFFFF0]  }
0x1e1: {  	v7 =	vld [tilespmem:s8+$0xFFFFFF90]  }
0x1e2: {  	v6 =	vld.idx.msk [tilespmem:v6+s25+$0x0], $0xffff  }
0x1e3: {  	v8 =	vld.idx.msk [tilespmem:v5+s25+$0x0], $0xffff  }
0x1e4: {  	v5 =	vld.idx.msk [tilespmem:v3+s25+$0x0], $0xffff  }
.Ltmp5:
0x1e5: {  	v3 =	vld.idx.msk [tilespmem:v0+s25+$0x0], $0xffff;
	(pc) =	sbr.rel @p1 .LBB2_12-.Ltmp5, $4  }
0x1e6: {  	v0 =	vld.idx.msk [tilespmem:v1+s25+$0x0], $0xffff  }
0x1e7: {  	s5 =	sadd.s32 $0x80, s5;
	v1 =	vld.idx.msk [tilespmem:v2+s25+$0x0], $0xffff  }
0x1e8: {  	v2 =	vld.idx.msk [tilespmem:v4+s25+$0x0], $0xffff;
	[tilespmem:s5+$0x30] =	vst v6  }
0x1e9: {  	s8 =	sadd.s32 $0x80, s8;
	v4 =	vld.idx.msk [tilespmem:v7+s25+$0x0], $0xffff;
	[tilespmem:s5+$0xFFFFFFD0] =	vst v8  }
0x1ea: {  	[tilespmem:s5+$0xFFFFFFE0] =	vst v5  }
0x1eb: {  	[tilespmem:s5+$0xFFFFFFF0] =	vst v3  }
0x1ec: {  	[tilespmem:s5+$0x0] =	vst v0  }
0x1ed: {  	[tilespmem:s5+$0x10] =	vst v1  }
0x1ee: {  	[tilespmem:s5+$0x20] =	vst v2  }
0x1ef: {  	[tilespmem:s5+$0xFFFFFFC0] =	vst v4  }
0x1f0: {  	s5 =	sld [smem:$0x7CA];
	_ =	sdelay $0x2  }
0x1f1: {  	[hbm4b:s5+s28] =	stream.strided.scatter [tilespmem:s1], [sflag:$0x4], $0x1000, s29, s28, $0x38;
	[tilespmem:$0x1E700] =	vst v63  }
0x1f2: {  	_ =	swait.ge [sflag:s2], $0x1000  }
0x1f3: {  	[sflag:s2] =	ssyncset.done $0x0  }
0x1f4: {  	s16 =	simm.s32 $0x1A770;
	[sflag:s2] =	ssyncadd.s32 $0xFFFFF000  }
0x1f5: {  	v0 =	vld [tilespmem:s16+$0x0]  }
0x1f6: {  	v1 =	vld [tilespmem:s16+$0xFFFFFFA0]  }
0x1f7: {  	v2 =	vld [tilespmem:s16+$0xFFFFFFB0]  }
0x1f8: {  	v3 =	vld [tilespmem:s16+$0xFFFFFFC0]  }
0x1f9: {  	v4 =	vld [tilespmem:s16+$0xFFFFFFD0]  }
0x1fa: {  	v6 =	vld [tilespmem:s16+$0xFFFFFFE0]  }
0x1fb: {  	v7 =	vld [tilespmem:s16+$0xFFFFFFF0]  }
0x1fc: {  	v8 =	vld [tilespmem:s16+$0xFFFFFF90]  }
0x1fd: {  	v9 =	vld.idx.msk [tilespmem:v0+s25+$0x0], $0xffff  }
0x1fe: {  	v10 =	vld.idx.msk [tilespmem:v1+s25+$0x0], $0xffff  }
0x1ff: {  	v5 =	vld.idx.msk [tilespmem:v2+s25+$0x0], $0xffff  }
0x200: {  	v3 =	vld.idx.msk [tilespmem:v3+s25+$0x0], $0xffff  }
0x201: {  	v0 =	vld.idx.msk [tilespmem:v4+s25+$0x0], $0xffff  }
0x202: {  	s5 =	simm.s32 $0x1C740;
	v1 =	vld.idx.msk [tilespmem:v6+s25+$0x0], $0xffff  }
0x203: {  	v2 =	vld.idx.msk [tilespmem:v7+s25+$0x0], $0xffff;
	[tilespmem:s5+$0x30] =	vst v9  }
0x204: {  	s7 =	simm.s32 $0x0;
	s8 =	simm.s32 $0x1A7F0;
	v4 =	vld.idx.msk [tilespmem:v8+s25+$0x0], $0xffff;
	[tilespmem:s5+$0xFFFFFFD0] =	vst v10  }
.LBB2_14:
0x205: {  	v6 =	vld [tilespmem:s8+$0x0];
	s7 =	sadd.s32 $0x8, s7;
	[tilespmem:s5+$0xFFFFFFE0] =	vst v5  }
0x206: {  	v5 =	vld [tilespmem:s8+$0xFFFFFFA0];
	p1 =	slt.u32 s7, $0xF8;
	[tilespmem:s5+$0xFFFFFFF0] =	vst v3  }
0x207: {  	v3 =	vld [tilespmem:s8+$0xFFFFFFB0];
	[tilespmem:s5+$0x0] =	vst v0  }
0x208: {  	v0 =	vld [tilespmem:s8+$0xFFFFFFC0];
	[tilespmem:s5+$0x10] =	vst v1  }
0x209: {  	v1 =	vld [tilespmem:s8+$0xFFFFFFD0];
	[tilespmem:s5+$0x20] =	vst v2  }
0x20a: {  	v2 =	vld [tilespmem:s8+$0xFFFFFFE0];
	[tilespmem:s5+$0xFFFFFFC0] =	vst v4  }
0x20b: {  	v4 =	vld [tilespmem:s8+$0xFFFFFFF0]  }
0x20c: {  	v7 =	vld [tilespmem:s8+$0xFFFFFF90]  }
0x20d: {  	v6 =	vld.idx.msk [tilespmem:v6+s25+$0x0], $0xffff  }
0x20e: {  	v8 =	vld.idx.msk [tilespmem:v5+s25+$0x0], $0xffff  }
0x20f: {  	v5 =	vld.idx.msk [tilespmem:v3+s25+$0x0], $0xffff  }
.Ltmp6:
0x210: {  	v3 =	vld.idx.msk [tilespmem:v0+s25+$0x0], $0xffff;
	(pc) =	sbr.rel @p1 .LBB2_14-.Ltmp6, $4  }
0x211: {  	v0 =	vld.idx.msk [tilespmem:v1+s25+$0x0], $0xffff  }
0x212: {  	s5 =	sadd.s32 $0x80, s5;
	v1 =	vld.idx.msk [tilespmem:v2+s25+$0x0], $0xffff  }
0x213: {  	v2 =	vld.idx.msk [tilespmem:v4+s25+$0x0], $0xffff;
	[tilespmem:s5+$0x30] =	vst v6  }
0x214: {  	s8 =	sadd.s32 $0x80, s8;
	v4 =	vld.idx.msk [tilespmem:v7+s25+$0x0], $0xffff;
	[tilespmem:s5+$0xFFFFFFD0] =	vst v8  }
0x215: {  	[tilespmem:s5+$0xFFFFFFE0] =	vst v5  }
0x216: {  	[tilespmem:s5+$0xFFFFFFF0] =	vst v3  }
0x217: {  	[tilespmem:s5+$0x0] =	vst v0  }
0x218: {  	[tilespmem:s5+$0x10] =	vst v1  }
0x219: {  	[tilespmem:s5+$0x20] =	vst v2  }
0x21a: {  	[tilespmem:s5+$0xFFFFFFC0] =	vst v4  }
0x21b: {  	s5 =	sld [smem:$0x7CB];
	_ =	sdelay $0x2  }
0x21c: {  	[hbm4b:s5+s28] =	stream.strided.scatter [tilespmem:s0], [sflag:$0x3], $0x1000, s29, s28, $0x38;
	[tilespmem:$0x1E700] =	vst v63  }
0x21d: {  	_ =	swait.ge [sflag:s3], $0x1000  }
0x21e: {  	[sflag:s3] =	ssyncset.done $0x0  }
0x21f: {  	s16 =	simm.s32 $0x1B770;
	[sflag:s3] =	ssyncadd.s32 $0xFFFFF000  }
0x220: {  	v0 =	vld [tilespmem:s16+$0x0]  }
0x221: {  	v1 =	vld [tilespmem:s16+$0xFFFFFFA0]  }
0x222: {  	v2 =	vld [tilespmem:s16+$0xFFFFFFB0]  }
0x223: {  	v3 =	vld [tilespmem:s16+$0xFFFFFFC0]  }
0x224: {  	v4 =	vld [tilespmem:s16+$0xFFFFFFD0]  }
0x225: {  	v6 =	vld [tilespmem:s16+$0xFFFFFFE0]  }
0x226: {  	v7 =	vld [tilespmem:s16+$0xFFFFFFF0]  }
0x227: {  	v8 =	vld [tilespmem:s16+$0xFFFFFF90]  }
0x228: {  	v9 =	vld.idx.msk [tilespmem:v0+s25+$0x0], $0xffff  }
0x229: {  	v10 =	vld.idx.msk [tilespmem:v1+s25+$0x0], $0xffff  }
0x22a: {  	v5 =	vld.idx.msk [tilespmem:v2+s25+$0x0], $0xffff  }
0x22b: {  	v3 =	vld.idx.msk [tilespmem:v3+s25+$0x0], $0xffff  }
0x22c: {  	v0 =	vld.idx.msk [tilespmem:v4+s25+$0x0], $0xffff  }
0x22d: {  	s5 =	simm.s32 $0x1D740;
	v1 =	vld.idx.msk [tilespmem:v6+s25+$0x0], $0xffff  }
0x22e: {  	v2 =	vld.idx.msk [tilespmem:v7+s25+$0x0], $0xffff;
	[tilespmem:s5+$0x30] =	vst v9  }
0x22f: {  	s7 =	simm.s32 $0x0;
	s8 =	simm.s32 $0x1B7F0;
	v4 =	vld.idx.msk [tilespmem:v8+s25+$0x0], $0xffff;
	[tilespmem:s5+$0xFFFFFFD0] =	vst v10  }
.LBB2_16:
0x230: {  	v6 =	vld [tilespmem:s8+$0x0];
	s7 =	sadd.s32 $0x8, s7;
	[tilespmem:s5+$0xFFFFFFE0] =	vst v5  }
0x231: {  	v5 =	vld [tilespmem:s8+$0xFFFFFFA0];
	p1 =	slt.u32 s7, $0xF8;
	[tilespmem:s5+$0xFFFFFFF0] =	vst v3  }
0x232: {  	v3 =	vld [tilespmem:s8+$0xFFFFFFB0];
	[tilespmem:s5+$0x0] =	vst v0  }
0x233: {  	v0 =	vld [tilespmem:s8+$0xFFFFFFC0];
	[tilespmem:s5+$0x10] =	vst v1  }
0x234: {  	v1 =	vld [tilespmem:s8+$0xFFFFFFD0];
	[tilespmem:s5+$0x20] =	vst v2  }
0x235: {  	v2 =	vld [tilespmem:s8+$0xFFFFFFE0];
	[tilespmem:s5+$0xFFFFFFC0] =	vst v4  }
0x236: {  	v4 =	vld [tilespmem:s8+$0xFFFFFFF0]  }
0x237: {  	v7 =	vld [tilespmem:s8+$0xFFFFFF90]  }
0x238: {  	v6 =	vld.idx.msk [tilespmem:v6+s25+$0x0], $0xffff  }
0x239: {  	v8 =	vld.idx.msk [tilespmem:v5+s25+$0x0], $0xffff  }
0x23a: {  	v5 =	vld.idx.msk [tilespmem:v3+s25+$0x0], $0xffff  }
.Ltmp7:
0x23b: {  	v3 =	vld.idx.msk [tilespmem:v0+s25+$0x0], $0xffff;
	(pc) =	sbr.rel @p1 .LBB2_16-.Ltmp7, $4  }
0x23c: {  	v0 =	vld.idx.msk [tilespmem:v1+s25+$0x0], $0xffff  }
0x23d: {  	s5 =	sadd.s32 $0x80, s5;
	v1 =	vld.idx.msk [tilespmem:v2+s25+$0x0], $0xffff  }
0x23e: {  	v2 =	vld.idx.msk [tilespmem:v4+s25+$0x0], $0xffff;
	[tilespmem:s5+$0x30] =	vst v6  }
0x23f: {  	s8 =	sadd.s32 $0x80, s8;
	v4 =	vld.idx.msk [tilespmem:v7+s25+$0x0], $0xffff;
	[tilespmem:s5+$0xFFFFFFD0] =	vst v8  }
0x240: {  	[tilespmem:s5+$0xFFFFFFE0] =	vst v5  }
0x241: {  	[tilespmem:s5+$0xFFFFFFF0] =	vst v3  }
0x242: {  	[tilespmem:s5+$0x0] =	vst v0  }
0x243: {  	[tilespmem:s5+$0x10] =	vst v1  }
0x244: {  	[tilespmem:s5+$0x20] =	vst v2  }
0x245: {  	[tilespmem:s5+$0xFFFFFFC0] =	vst v4  }
0x246: {  	s5 =	sld [smem:$0x7CC]  }
0x247: {  	s15 =	sld [smem:$0x7F4];
	_ =	sdelay $0x1  }
0x248: {  	[hbm4b:s5+s28] =	stream.strided.scatter [tilespmem:s1], [sflag:$0x4], $0x1000, s29, s28, $0x38;
	[tilespmem:$0x1E700] =	vst v63  }
0x249: {  	s8 =	rddreg [dreg:$0x10];
	p1 =	seq.s32 s15, $0x1  }
0x24a: {  	[tilespmem:s25], [sflag:$0x1] =	stream.strided.gather [hbm4b:s8+s28], $0x18700, s29, s28, $0x38;
	[tilespmem:$0x1E700] =	vst v63  }
0x24b: {  	s5 =	simm.s32 @!p1 $0x80;
	s7 =	simm.s32 @!p1 $0x400;
	s8 =	simm.s32 @!p1 $0x18700  }
0x24c: {  	[tilespmem:s8], [sflag:$0x2] =	stream.strided.gather @!p1 [hbm4b:s19+s5], $0x4000, s7, s5, $0x38;
	[tilespmem:$0x1E700] =	vst v63  }
0x24d: {  	s5 =	simm.s32 @!p1 $0x2  }
0x24e: {  	_ =	swait.ge @!p1 [sflag:s5], $0x4000  }
0x24f: {  	[sflag:s5] =	ssyncset.done @!p1 $0x0  }
0x250: {  	[sflag:s5] =	ssyncadd.s32 @!p1 $0xFFFFC000  }
0x251: {  	_ =	swait.ge [sflag:s31], $0x18700  }
0x252: {  	[sflag:s31] =	ssyncset.done $0x0  }
0x253: {  	[sflag:s31] =	ssyncadd.s32 $0xFFFE7900  }
0x254: {  	_ =	swait.ge [sflag:s2], $0x1000  }
0x255: {  	[sflag:s2] =	ssyncset.done $0x0  }
0x256: {  	s16 =	simm.s32 $0x18740;
	[sflag:s2] =	ssyncadd.s32 $0xFFFFF000  }
0x257: {  	v0 =	vld [tilespmem:s16+$0x30]  }
0x258: {  	v1 =	vld [tilespmem:s16+$0xFFFFFFD0]  }
0x259: {  	v2 =	vld [tilespmem:s16+$0xFFFFFFE0]  }
0x25a: {  	v3 =	vld [tilespmem:s16+$0xFFFFFFF0]  }
0x25b: {  	v4 =	vld [tilespmem:s16+$0x0]  }
0x25c: {  	v6 =	vld [tilespmem:s16+$0x10]  }
0x25d: {  	v7 =	vld [tilespmem:s16+$0x20]  }
0x25e: {  	v8 =	vld [tilespmem:s16+$0xFFFFFFC0]  }
0x25f: {  	v9 =	vld.idx.msk [tilespmem:v0+s25+$0x0], $0xffff  }
0x260: {  	v10 =	vld.idx.msk [tilespmem:v1+s25+$0x0], $0xffff  }
0x261: {  	v5 =	vld.idx.msk [tilespmem:v2+s25+$0x0], $0xffff  }
0x262: {  	v3 =	vld.idx.msk [tilespmem:v3+s25+$0x0], $0xffff  }
0x263: {  	v0 =	vld.idx.msk [tilespmem:v4+s25+$0x0], $0xffff  }
0x264: {  	s5 =	simm.s32 $0x1C740;
	v1 =	vld.idx.msk [tilespmem:v6+s25+$0x0], $0xffff  }
0x265: {  	v2 =	vld.idx.msk [tilespmem:v7+s25+$0x0], $0xffff;
	[tilespmem:s5+$0x30] =	vst v9  }
0x266: {  	s7 =	simm.s32 $0x0;
	s8 =	simm.s32 $0x187C0;
	v4 =	vld.idx.msk [tilespmem:v8+s25+$0x0], $0xffff;
	[tilespmem:s5+$0xFFFFFFD0] =	vst v10  }
.LBB2_18:
0x267: {  	v6 =	vld [tilespmem:s8+$0x30];
	s7 =	sadd.s32 $0x8, s7;
	[tilespmem:s5+$0xFFFFFFE0] =	vst v5  }
0x268: {  	v5 =	vld [tilespmem:s8+$0xFFFFFFD0];
	p1 =	slt.u32 s7, $0xF8;
	[tilespmem:s5+$0xFFFFFFF0] =	vst v3  }
0x269: {  	v3 =	vld [tilespmem:s8+$0xFFFFFFE0];
	[tilespmem:s5+$0x0] =	vst v0  }
0x26a: {  	v0 =	vld [tilespmem:s8+$0xFFFFFFF0];
	[tilespmem:s5+$0x10] =	vst v1  }
0x26b: {  	v1 =	vld [tilespmem:s8+$0x0];
	[tilespmem:s5+$0x20] =	vst v2  }
0x26c: {  	v2 =	vld [tilespmem:s8+$0x10];
	[tilespmem:s5+$0xFFFFFFC0] =	vst v4  }
0x26d: {  	v4 =	vld [tilespmem:s8+$0x20]  }
0x26e: {  	v7 =	vld [tilespmem:s8+$0xFFFFFFC0]  }
0x26f: {  	v6 =	vld.idx.msk [tilespmem:v6+s25+$0x0], $0xffff  }
0x270: {  	v8 =	vld.idx.msk [tilespmem:v5+s25+$0x0], $0xffff  }
0x271: {  	v5 =	vld.idx.msk [tilespmem:v3+s25+$0x0], $0xffff  }
.Ltmp8:
0x272: {  	v3 =	vld.idx.msk [tilespmem:v0+s25+$0x0], $0xffff;
	(pc) =	sbr.rel @p1 .LBB2_18-.Ltmp8, $4  }
0x273: {  	v0 =	vld.idx.msk [tilespmem:v1+s25+$0x0], $0xffff  }
0x274: {  	s5 =	sadd.s32 $0x80, s5;
	v1 =	vld.idx.msk [tilespmem:v2+s25+$0x0], $0xffff  }
0x275: {  	v2 =	vld.idx.msk [tilespmem:v4+s25+$0x0], $0xffff;
	[tilespmem:s5+$0x30] =	vst v6  }
0x276: {  	s8 =	sadd.s32 $0x80, s8;
	v4 =	vld.idx.msk [tilespmem:v7+s25+$0x0], $0xffff;
	[tilespmem:s5+$0xFFFFFFD0] =	vst v8  }
0x277: {  	[tilespmem:s5+$0xFFFFFFE0] =	vst v5  }
0x278: {  	[tilespmem:s5+$0xFFFFFFF0] =	vst v3  }
0x279: {  	[tilespmem:s5+$0x0] =	vst v0  }
0x27a: {  	[tilespmem:s5+$0x10] =	vst v1  }
0x27b: {  	[tilespmem:s5+$0x20] =	vst v2  }
0x27c: {  	[tilespmem:s5+$0xFFFFFFC0] =	vst v4  }
0x27d: {  	s5 =	sld [smem:$0x7CF];
	_ =	sdelay $0x2  }
0x27e: {  	[hbm4b:s5+s28] =	stream.strided.scatter [tilespmem:s0], [sflag:$0x3], $0x1000, s29, s28, $0x38;
	[tilespmem:$0x1E700] =	vst v63  }
0x27f: {  	_ =	swait.ge [sflag:s3], $0x1000  }
0x280: {  	[sflag:s3] =	ssyncset.done $0x0  }
0x281: {  	s16 =	simm.s32 $0x19770;
	[sflag:s3] =	ssyncadd.s32 $0xFFFFF000  }
0x282: {  	v0 =	vld [tilespmem:s16+$0x0]  }
0x283: {  	v1 =	vld [tilespmem:s16+$0xFFFFFFA0]  }
0x284: {  	v2 =	vld [tilespmem:s16+$0xFFFFFFB0]  }
0x285: {  	v3 =	vld [tilespmem:s16+$0xFFFFFFC0]  }
0x286: {  	v4 =	vld [tilespmem:s16+$0xFFFFFFD0]  }
0x287: {  	v6 =	vld [tilespmem:s16+$0xFFFFFFE0]  }
0x288: {  	v7 =	vld [tilespmem:s16+$0xFFFFFFF0]  }
0x289: {  	v8 =	vld [tilespmem:s16+$0xFFFFFF90]  }
0x28a: {  	v9 =	vld.idx.msk [tilespmem:v0+s25+$0x0], $0xffff  }
0x28b: {  	v10 =	vld.idx.msk [tilespmem:v1+s25+$0x0], $0xffff  }
0x28c: {  	v5 =	vld.idx.msk [tilespmem:v2+s25+$0x0], $0xffff  }
0x28d: {  	v3 =	vld.idx.msk [tilespmem:v3+s25+$0x0], $0xffff  }
0x28e: {  	v0 =	vld.idx.msk [tilespmem:v4+s25+$0x0], $0xffff  }
0x28f: {  	s5 =	simm.s32 $0x1D740;
	v1 =	vld.idx.msk [tilespmem:v6+s25+$0x0], $0xffff  }
0x290: {  	v2 =	vld.idx.msk [tilespmem:v7+s25+$0x0], $0xffff;
	[tilespmem:s5+$0x30] =	vst v9  }
0x291: {  	s7 =	simm.s32 $0x0;
	s8 =	simm.s32 $0x197F0;
	v4 =	vld.idx.msk [tilespmem:v8+s25+$0x0], $0xffff;
	[tilespmem:s5+$0xFFFFFFD0] =	vst v10  }
.LBB2_20:
0x292: {  	v6 =	vld [tilespmem:s8+$0x0];
	s7 =	sadd.s32 $0x8, s7;
	[tilespmem:s5+$0xFFFFFFE0] =	vst v5  }
0x293: {  	v5 =	vld [tilespmem:s8+$0xFFFFFFA0];
	p1 =	slt.u32 s7, $0xF8;
	[tilespmem:s5+$0xFFFFFFF0] =	vst v3  }
0x294: {  	v3 =	vld [tilespmem:s8+$0xFFFFFFB0];
	[tilespmem:s5+$0x0] =	vst v0  }
0x295: {  	v0 =	vld [tilespmem:s8+$0xFFFFFFC0];
	[tilespmem:s5+$0x10] =	vst v1  }
0x296: {  	v1 =	vld [tilespmem:s8+$0xFFFFFFD0];
	[tilespmem:s5+$0x20] =	vst v2  }
0x297: {  	v2 =	vld [tilespmem:s8+$0xFFFFFFE0];
	[tilespmem:s5+$0xFFFFFFC0] =	vst v4  }
0x298: {  	v4 =	vld [tilespmem:s8+$0xFFFFFFF0]  }
0x299: {  	v7 =	vld [tilespmem:s8+$0xFFFFFF90]  }
0x29a: {  	v6 =	vld.idx.msk [tilespmem:v6+s25+$0x0], $0xffff  }
0x29b: {  	v8 =	vld.idx.msk [tilespmem:v5+s25+$0x0], $0xffff  }
0x29c: {  	v5 =	vld.idx.msk [tilespmem:v3+s25+$0x0], $0xffff  }
.Ltmp9:
0x29d: {  	v3 =	vld.idx.msk [tilespmem:v0+s25+$0x0], $0xffff;
	(pc) =	sbr.rel @p1 .LBB2_20-.Ltmp9, $4  }
0x29e: {  	v0 =	vld.idx.msk [tilespmem:v1+s25+$0x0], $0xffff  }
0x29f: {  	s5 =	sadd.s32 $0x80, s5;
	v1 =	vld.idx.msk [tilespmem:v2+s25+$0x0], $0xffff  }
0x2a0: {  	v2 =	vld.idx.msk [tilespmem:v4+s25+$0x0], $0xffff;
	[tilespmem:s5+$0x30] =	vst v6  }
0x2a1: {  	s8 =	sadd.s32 $0x80, s8;
	v4 =	vld.idx.msk [tilespmem:v7+s25+$0x0], $0xffff;
	[tilespmem:s5+$0xFFFFFFD0] =	vst v8  }
0x2a2: {  	[tilespmem:s5+$0xFFFFFFE0] =	vst v5  }
0x2a3: {  	[tilespmem:s5+$0xFFFFFFF0] =	vst v3  }
0x2a4: {  	[tilespmem:s5+$0x0] =	vst v0  }
0x2a5: {  	[tilespmem:s5+$0x10] =	vst v1  }
0x2a6: {  	[tilespmem:s5+$0x20] =	vst v2  }
0x2a7: {  	[tilespmem:s5+$0xFFFFFFC0] =	vst v4  }
0x2a8: {  	s5 =	sld [smem:$0x7D0];
	_ =	sdelay $0x2  }
0x2a9: {  	[hbm4b:s5+s28] =	stream.strided.scatter [tilespmem:s1], [sflag:$0x4], $0x1000, s29, s28, $0x38;
	[tilespmem:$0x1E700] =	vst v63  }
0x2aa: {  	_ =	swait.ge [sflag:s2], $0x1000  }
0x2ab: {  	[sflag:s2] =	ssyncset.done $0x0  }
0x2ac: {  	s16 =	simm.s32 $0x1A770;
	[sflag:s2] =	ssyncadd.s32 $0xFFFFF000  }
0x2ad: {  	v0 =	vld [tilespmem:s16+$0x0]  }
0x2ae: {  	v1 =	vld [tilespmem:s16+$0xFFFFFFA0]  }
0x2af: {  	v2 =	vld [tilespmem:s16+$0xFFFFFFB0]  }
0x2b0: {  	v3 =	vld [tilespmem:s16+$0xFFFFFFC0]  }
0x2b1: {  	v4 =	vld [tilespmem:s16+$0xFFFFFFD0]  }
0x2b2: {  	v6 =	vld [tilespmem:s16+$0xFFFFFFE0]  }
0x2b3: {  	v7 =	vld [tilespmem:s16+$0xFFFFFFF0]  }
0x2b4: {  	v8 =	vld [tilespmem:s16+$0xFFFFFF90]  }
0x2b5: {  	v9 =	vld.idx.msk [tilespmem:v0+s25+$0x0], $0xffff  }
0x2b6: {  	v10 =	vld.idx.msk [tilespmem:v1+s25+$0x0], $0xffff  }
0x2b7: {  	v5 =	vld.idx.msk [tilespmem:v2+s25+$0x0], $0xffff  }
0x2b8: {  	v3 =	vld.idx.msk [tilespmem:v3+s25+$0x0], $0xffff  }
0x2b9: {  	v0 =	vld.idx.msk [tilespmem:v4+s25+$0x0], $0xffff  }
0x2ba: {  	s5 =	simm.s32 $0x1C740;
	v1 =	vld.idx.msk [tilespmem:v6+s25+$0x0], $0xffff  }
0x2bb: {  	v2 =	vld.idx.msk [tilespmem:v7+s25+$0x0], $0xffff;
	[tilespmem:s5+$0x30] =	vst v9  }
0x2bc: {  	s7 =	simm.s32 $0x0;
	s8 =	simm.s32 $0x1A7F0;
	v4 =	vld.idx.msk [tilespmem:v8+s25+$0x0], $0xffff;
	[tilespmem:s5+$0xFFFFFFD0] =	vst v10  }
.LBB2_22:
0x2bd: {  	v6 =	vld [tilespmem:s8+$0x0];
	s7 =	sadd.s32 $0x8, s7;
	[tilespmem:s5+$0xFFFFFFE0] =	vst v5  }
0x2be: {  	v5 =	vld [tilespmem:s8+$0xFFFFFFA0];
	p1 =	slt.u32 s7, $0xF8;
	[tilespmem:s5+$0xFFFFFFF0] =	vst v3  }
0x2bf: {  	v3 =	vld [tilespmem:s8+$0xFFFFFFB0];
	[tilespmem:s5+$0x0] =	vst v0  }
0x2c0: {  	v0 =	vld [tilespmem:s8+$0xFFFFFFC0];
	[tilespmem:s5+$0x10] =	vst v1  }
0x2c1: {  	v1 =	vld [tilespmem:s8+$0xFFFFFFD0];
	[tilespmem:s5+$0x20] =	vst v2  }
0x2c2: {  	v2 =	vld [tilespmem:s8+$0xFFFFFFE0];
	[tilespmem:s5+$0xFFFFFFC0] =	vst v4  }
0x2c3: {  	v4 =	vld [tilespmem:s8+$0xFFFFFFF0]  }
0x2c4: {  	v7 =	vld [tilespmem:s8+$0xFFFFFF90]  }
0x2c5: {  	v6 =	vld.idx.msk [tilespmem:v6+s25+$0x0], $0xffff  }
0x2c6: {  	v8 =	vld.idx.msk [tilespmem:v5+s25+$0x0], $0xffff  }
0x2c7: {  	v5 =	vld.idx.msk [tilespmem:v3+s25+$0x0], $0xffff  }
.Ltmp10:
0x2c8: {  	v3 =	vld.idx.msk [tilespmem:v0+s25+$0x0], $0xffff;
	(pc) =	sbr.rel @p1 .LBB2_22-.Ltmp10, $4  }
0x2c9: {  	v0 =	vld.idx.msk [tilespmem:v1+s25+$0x0], $0xffff  }
0x2ca: {  	s5 =	sadd.s32 $0x80, s5;
	v1 =	vld.idx.msk [tilespmem:v2+s25+$0x0], $0xffff  }
0x2cb: {  	v2 =	vld.idx.msk [tilespmem:v4+s25+$0x0], $0xffff;
	[tilespmem:s5+$0x30] =	vst v6  }
0x2cc: {  	s8 =	sadd.s32 $0x80, s8;
	v4 =	vld.idx.msk [tilespmem:v7+s25+$0x0], $0xffff;
	[tilespmem:s5+$0xFFFFFFD0] =	vst v8  }
0x2cd: {  	[tilespmem:s5+$0xFFFFFFE0] =	vst v5  }
0x2ce: {  	[tilespmem:s5+$0xFFFFFFF0] =	vst v3  }
0x2cf: {  	[tilespmem:s5+$0x0] =	vst v0  }
0x2d0: {  	[tilespmem:s5+$0x10] =	vst v1  }
0x2d1: {  	[tilespmem:s5+$0x20] =	vst v2  }
0x2d2: {  	[tilespmem:s5+$0xFFFFFFC0] =	vst v4  }
0x2d3: {  	s5 =	sld [smem:$0x7D1];
	_ =	sdelay $0x2  }
0x2d4: {  	[hbm4b:s5+s28] =	stream.strided.scatter [tilespmem:s0], [sflag:$0x3], $0x1000, s29, s28, $0x38;
	[tilespmem:$0x1E700] =	vst v63  }
0x2d5: {  	_ =	swait.ge [sflag:s3], $0x1000  }
0x2d6: {  	[sflag:s3] =	ssyncset.done $0x0  }
0x2d7: {  	s16 =	simm.s32 $0x1B770;
	[sflag:s3] =	ssyncadd.s32 $0xFFFFF000  }
0x2d8: {  	v0 =	vld [tilespmem:s16+$0x0]  }
0x2d9: {  	v1 =	vld [tilespmem:s16+$0xFFFFFFA0]  }
0x2da: {  	v2 =	vld [tilespmem:s16+$0xFFFFFFB0]  }
0x2db: {  	v3 =	vld [tilespmem:s16+$0xFFFFFFC0]  }
0x2dc: {  	v4 =	vld [tilespmem:s16+$0xFFFFFFD0]  }
0x2dd: {  	v6 =	vld [tilespmem:s16+$0xFFFFFFE0]  }
0x2de: {  	v7 =	vld [tilespmem:s16+$0xFFFFFFF0]  }
0x2df: {  	v8 =	vld [tilespmem:s16+$0xFFFFFF90]  }
0x2e0: {  	v9 =	vld.idx.msk [tilespmem:v0+s25+$0x0], $0xffff  }
0x2e1: {  	v10 =	vld.idx.msk [tilespmem:v1+s25+$0x0], $0xffff  }
0x2e2: {  	v5 =	vld.idx.msk [tilespmem:v2+s25+$0x0], $0xffff  }
0x2e3: {  	v3 =	vld.idx.msk [tilespmem:v3+s25+$0x0], $0xffff  }
0x2e4: {  	v0 =	vld.idx.msk [tilespmem:v4+s25+$0x0], $0xffff  }
0x2e5: {  	s5 =	simm.s32 $0x1D740;
	v1 =	vld.idx.msk [tilespmem:v6+s25+$0x0], $0xffff  }
0x2e6: {  	v2 =	vld.idx.msk [tilespmem:v7+s25+$0x0], $0xffff;
	[tilespmem:s5+$0x30] =	vst v9  }
0x2e7: {  	s7 =	simm.s32 $0x0;
	s8 =	simm.s32 $0x1B7F0;
	v4 =	vld.idx.msk [tilespmem:v8+s25+$0x0], $0xffff;
	[tilespmem:s5+$0xFFFFFFD0] =	vst v10  }
.LBB2_24:
0x2e8: {  	v6 =	vld [tilespmem:s8+$0x0];
	s7 =	sadd.s32 $0x8, s7;
	[tilespmem:s5+$0xFFFFFFE0] =	vst v5  }
0x2e9: {  	v5 =	vld [tilespmem:s8+$0xFFFFFFA0];
	p1 =	slt.u32 s7, $0xF8;
	[tilespmem:s5+$0xFFFFFFF0] =	vst v3  }
0x2ea: {  	v3 =	vld [tilespmem:s8+$0xFFFFFFB0];
	[tilespmem:s5+$0x0] =	vst v0  }
0x2eb: {  	v0 =	vld [tilespmem:s8+$0xFFFFFFC0];
	[tilespmem:s5+$0x10] =	vst v1  }
0x2ec: {  	v1 =	vld [tilespmem:s8+$0xFFFFFFD0];
	[tilespmem:s5+$0x20] =	vst v2  }
0x2ed: {  	v2 =	vld [tilespmem:s8+$0xFFFFFFE0];
	[tilespmem:s5+$0xFFFFFFC0] =	vst v4  }
0x2ee: {  	v4 =	vld [tilespmem:s8+$0xFFFFFFF0]  }
0x2ef: {  	v7 =	vld [tilespmem:s8+$0xFFFFFF90]  }
0x2f0: {  	v6 =	vld.idx.msk [tilespmem:v6+s25+$0x0], $0xffff  }
0x2f1: {  	v8 =	vld.idx.msk [tilespmem:v5+s25+$0x0], $0xffff  }
0x2f2: {  	v5 =	vld.idx.msk [tilespmem:v3+s25+$0x0], $0xffff  }
.Ltmp11:
0x2f3: {  	v3 =	vld.idx.msk [tilespmem:v0+s25+$0x0], $0xffff;
	(pc) =	sbr.rel @p1 .LBB2_24-.Ltmp11, $4  }
0x2f4: {  	v0 =	vld.idx.msk [tilespmem:v1+s25+$0x0], $0xffff  }
0x2f5: {  	s5 =	sadd.s32 $0x80, s5;
	v1 =	vld.idx.msk [tilespmem:v2+s25+$0x0], $0xffff  }
0x2f6: {  	v2 =	vld.idx.msk [tilespmem:v4+s25+$0x0], $0xffff;
	[tilespmem:s5+$0x30] =	vst v6  }
0x2f7: {  	s8 =	sadd.s32 $0x80, s8;
	v4 =	vld.idx.msk [tilespmem:v7+s25+$0x0], $0xffff;
	[tilespmem:s5+$0xFFFFFFD0] =	vst v8  }
0x2f8: {  	[tilespmem:s5+$0xFFFFFFE0] =	vst v5  }
0x2f9: {  	[tilespmem:s5+$0xFFFFFFF0] =	vst v3  }
0x2fa: {  	[tilespmem:s5+$0x0] =	vst v0  }
0x2fb: {  	[tilespmem:s5+$0x10] =	vst v1  }
0x2fc: {  	[tilespmem:s5+$0x20] =	vst v2  }
0x2fd: {  	[tilespmem:s5+$0xFFFFFFC0] =	vst v4  }
0x2fe: {  	s5 =	sld [smem:$0x7D2]  }
0x2ff: {  	s15 =	sld [smem:$0x7F6]  }
0x300: {  	s8 =	rddreg [dreg:$0x11]  }
0x301: {  	[hbm4b:s5+s28] =	stream.strided.scatter [tilespmem:s1], [sflag:$0x4], $0x1000, s29, s28, $0x38;
	[tilespmem:$0x1E700] =	vst v63  }
0x302: {  	p1 =	seq.s32 s15, $0x1;
	s15 =	rddreg [dreg:$0x5]  }
0x303: {  	[tilespmem:s25], [sflag:$0x1] =	stream.strided.gather [hbm4b:s8+s28], $0x18700, s29, s28, $0x38;
	[tilespmem:$0x1E700] =	vst v63  }
0x304: {  	s5 =	simm.s32 @!p1 $0x80;
	s7 =	simm.s32 @!p1 $0x400;
	s8 =	simm.s32 @!p1 $0x18700  }
0x305: {  	[tilespmem:s8], [sflag:$0x2] =	stream.strided.gather @!p1 [hbm4b:s15+s5], $0x4000, s7, s5, $0x38;
	[tilespmem:$0x1E700] =	vst v63  }
0x306: {  	s5 =	simm.s32 @!p1 $0x2  }
0x307: {  	_ =	swait.ge @!p1 [sflag:s5], $0x4000  }
0x308: {  	[sflag:s5] =	ssyncset.done @!p1 $0x0  }
0x309: {  	[sflag:s5] =	ssyncadd.s32 @!p1 $0xFFFFC000  }
0x30a: {  	_ =	swait.ge [sflag:s31], $0x18700  }
0x30b: {  	[sflag:s31] =	ssyncset.done $0x0  }
0x30c: {  	[sflag:s31] =	ssyncadd.s32 $0xFFFE7900  }
0x30d: {  	_ =	swait.ge [sflag:s2], $0x1000  }
0x30e: {  	[sflag:s2] =	ssyncset.done $0x0  }
0x30f: {  	s16 =	simm.s32 $0x18740;
	[sflag:s2] =	ssyncadd.s32 $0xFFFFF000  }
0x310: {  	v0 =	vld [tilespmem:s16+$0x30]  }
0x311: {  	v1 =	vld [tilespmem:s16+$0xFFFFFFD0]  }
0x312: {  	v2 =	vld [tilespmem:s16+$0xFFFFFFE0]  }
0x313: {  	v3 =	vld [tilespmem:s16+$0xFFFFFFF0]  }
0x314: {  	v4 =	vld [tilespmem:s16+$0x0]  }
0x315: {  	v6 =	vld [tilespmem:s16+$0x10]  }
0x316: {  	v7 =	vld [tilespmem:s16+$0x20]  }
0x317: {  	v8 =	vld [tilespmem:s16+$0xFFFFFFC0]  }
0x318: {  	v9 =	vld.idx.msk [tilespmem:v0+s25+$0x0], $0xffff  }
0x319: {  	v10 =	vld.idx.msk [tilespmem:v1+s25+$0x0], $0xffff  }
0x31a: {  	v5 =	vld.idx.msk [tilespmem:v2+s25+$0x0], $0xffff  }
0x31b: {  	v3 =	vld.idx.msk [tilespmem:v3+s25+$0x0], $0xffff  }
0x31c: {  	v0 =	vld.idx.msk [tilespmem:v4+s25+$0x0], $0xffff  }
0x31d: {  	s5 =	simm.s32 $0x1C740;
	v1 =	vld.idx.msk [tilespmem:v6+s25+$0x0], $0xffff  }
0x31e: {  	v2 =	vld.idx.msk [tilespmem:v7+s25+$0x0], $0xffff;
	[tilespmem:s5+$0x30] =	vst v9  }
0x31f: {  	s7 =	simm.s32 $0x0;
	s8 =	simm.s32 $0x187C0;
	v4 =	vld.idx.msk [tilespmem:v8+s25+$0x0], $0xffff;
	[tilespmem:s5+$0xFFFFFFD0] =	vst v10  }
.LBB2_26:
0x320: {  	v6 =	vld [tilespmem:s8+$0x30];
	s7 =	sadd.s32 $0x8, s7;
	[tilespmem:s5+$0xFFFFFFE0] =	vst v5  }
0x321: {  	v5 =	vld [tilespmem:s8+$0xFFFFFFD0];
	p1 =	slt.u32 s7, $0xF8;
	[tilespmem:s5+$0xFFFFFFF0] =	vst v3  }
0x322: {  	v3 =	vld [tilespmem:s8+$0xFFFFFFE0];
	[tilespmem:s5+$0x0] =	vst v0  }
0x323: {  	v0 =	vld [tilespmem:s8+$0xFFFFFFF0];
	[tilespmem:s5+$0x10] =	vst v1  }
0x324: {  	v1 =	vld [tilespmem:s8+$0x0];
	[tilespmem:s5+$0x20] =	vst v2  }
0x325: {  	v2 =	vld [tilespmem:s8+$0x10];
	[tilespmem:s5+$0xFFFFFFC0] =	vst v4  }
0x326: {  	v4 =	vld [tilespmem:s8+$0x20]  }
0x327: {  	v7 =	vld [tilespmem:s8+$0xFFFFFFC0]  }
0x328: {  	v6 =	vld.idx.msk [tilespmem:v6+s25+$0x0], $0xffff  }
0x329: {  	v8 =	vld.idx.msk [tilespmem:v5+s25+$0x0], $0xffff  }
0x32a: {  	v5 =	vld.idx.msk [tilespmem:v3+s25+$0x0], $0xffff  }
.Ltmp12:
0x32b: {  	v3 =	vld.idx.msk [tilespmem:v0+s25+$0x0], $0xffff;
	(pc) =	sbr.rel @p1 .LBB2_26-.Ltmp12, $4  }
0x32c: {  	v0 =	vld.idx.msk [tilespmem:v1+s25+$0x0], $0xffff  }
0x32d: {  	s5 =	sadd.s32 $0x80, s5;
	v1 =	vld.idx.msk [tilespmem:v2+s25+$0x0], $0xffff  }
0x32e: {  	v2 =	vld.idx.msk [tilespmem:v4+s25+$0x0], $0xffff;
	[tilespmem:s5+$0x30] =	vst v6  }
0x32f: {  	s8 =	sadd.s32 $0x80, s8;
	v4 =	vld.idx.msk [tilespmem:v7+s25+$0x0], $0xffff;
	[tilespmem:s5+$0xFFFFFFD0] =	vst v8  }
0x330: {  	[tilespmem:s5+$0xFFFFFFE0] =	vst v5  }
0x331: {  	[tilespmem:s5+$0xFFFFFFF0] =	vst v3  }
0x332: {  	[tilespmem:s5+$0x0] =	vst v0  }
0x333: {  	[tilespmem:s5+$0x10] =	vst v1  }
0x334: {  	[tilespmem:s5+$0x20] =	vst v2  }
0x335: {  	[tilespmem:s5+$0xFFFFFFC0] =	vst v4  }
0x336: {  	s5 =	sld [smem:$0x7D3];
	_ =	sdelay $0x2  }
0x337: {  	[hbm4b:s5+s28] =	stream.strided.scatter [tilespmem:s0], [sflag:$0x3], $0x1000, s29, s28, $0x38;
	[tilespmem:$0x1E700] =	vst v63  }
0x338: {  	_ =	swait.ge [sflag:s3], $0x1000  }
0x339: {  	[sflag:s3] =	ssyncset.done $0x0  }
0x33a: {  	s16 =	simm.s32 $0x19770;
	[sflag:s3] =	ssyncadd.s32 $0xFFFFF000  }
0x33b: {  	v0 =	vld [tilespmem:s16+$0x0]  }
0x33c: {  	v1 =	vld [tilespmem:s16+$0xFFFFFFA0]  }
0x33d: {  	v2 =	vld [tilespmem:s16+$0xFFFFFFB0]  }
0x33e: {  	v3 =	vld [tilespmem:s16+$0xFFFFFFC0]  }
0x33f: {  	v4 =	vld [tilespmem:s16+$0xFFFFFFD0]  }
0x340: {  	v6 =	vld [tilespmem:s16+$0xFFFFFFE0]  }
0x341: {  	v7 =	vld [tilespmem:s16+$0xFFFFFFF0]  }
0x342: {  	v8 =	vld [tilespmem:s16+$0xFFFFFF90]  }
0x343: {  	v9 =	vld.idx.msk [tilespmem:v0+s25+$0x0], $0xffff  }
0x344: {  	v10 =	vld.idx.msk [tilespmem:v1+s25+$0x0], $0xffff  }
0x345: {  	v5 =	vld.idx.msk [tilespmem:v2+s25+$0x0], $0xffff  }
0x346: {  	v3 =	vld.idx.msk [tilespmem:v3+s25+$0x0], $0xffff  }
0x347: {  	v0 =	vld.idx.msk [tilespmem:v4+s25+$0x0], $0xffff  }
0x348: {  	s5 =	simm.s32 $0x1D740;
	v1 =	vld.idx.msk [tilespmem:v6+s25+$0x0], $0xffff  }
0x349: {  	v2 =	vld.idx.msk [tilespmem:v7+s25+$0x0], $0xffff;
	[tilespmem:s5+$0x30] =	vst v9  }
0x34a: {  	s7 =	simm.s32 $0x0;
	s8 =	simm.s32 $0x197F0;
	v4 =	vld.idx.msk [tilespmem:v8+s25+$0x0], $0xffff;
	[tilespmem:s5+$0xFFFFFFD0] =	vst v10  }
.LBB2_28:
0x34b: {  	v6 =	vld [tilespmem:s8+$0x0];
	s7 =	sadd.s32 $0x8, s7;
	[tilespmem:s5+$0xFFFFFFE0] =	vst v5  }
0x34c: {  	v5 =	vld [tilespmem:s8+$0xFFFFFFA0];
	p1 =	slt.u32 s7, $0xF8;
	[tilespmem:s5+$0xFFFFFFF0] =	vst v3  }
0x34d: {  	v3 =	vld [tilespmem:s8+$0xFFFFFFB0];
	[tilespmem:s5+$0x0] =	vst v0  }
0x34e: {  	v0 =	vld [tilespmem:s8+$0xFFFFFFC0];
	[tilespmem:s5+$0x10] =	vst v1  }
0x34f: {  	v1 =	vld [tilespmem:s8+$0xFFFFFFD0];
	[tilespmem:s5+$0x20] =	vst v2  }
0x350: {  	v2 =	vld [tilespmem:s8+$0xFFFFFFE0];
	[tilespmem:s5+$0xFFFFFFC0] =	vst v4  }
0x351: {  	v4 =	vld [tilespmem:s8+$0xFFFFFFF0]  }
0x352: {  	v7 =	vld [tilespmem:s8+$0xFFFFFF90]  }
0x353: {  	v6 =	vld.idx.msk [tilespmem:v6+s25+$0x0], $0xffff  }
0x354: {  	v8 =	vld.idx.msk [tilespmem:v5+s25+$0x0], $0xffff  }
0x355: {  	v5 =	vld.idx.msk [tilespmem:v3+s25+$0x0], $0xffff  }
.Ltmp13:
0x356: {  	v3 =	vld.idx.msk [tilespmem:v0+s25+$0x0], $0xffff;
	(pc) =	sbr.rel @p1 .LBB2_28-.Ltmp13, $4  }
0x357: {  	v0 =	vld.idx.msk [tilespmem:v1+s25+$0x0], $0xffff  }
0x358: {  	s5 =	sadd.s32 $0x80, s5;
	v1 =	vld.idx.msk [tilespmem:v2+s25+$0x0], $0xffff  }
0x359: {  	v2 =	vld.idx.msk [tilespmem:v4+s25+$0x0], $0xffff;
	[tilespmem:s5+$0x30] =	vst v6  }
0x35a: {  	s8 =	sadd.s32 $0x80, s8;
	v4 =	vld.idx.msk [tilespmem:v7+s25+$0x0], $0xffff;
	[tilespmem:s5+$0xFFFFFFD0] =	vst v8  }
0x35b: {  	[tilespmem:s5+$0xFFFFFFE0] =	vst v5  }
0x35c: {  	[tilespmem:s5+$0xFFFFFFF0] =	vst v3  }
0x35d: {  	[tilespmem:s5+$0x0] =	vst v0  }
0x35e: {  	[tilespmem:s5+$0x10] =	vst v1  }
0x35f: {  	[tilespmem:s5+$0x20] =	vst v2  }
0x360: {  	[tilespmem:s5+$0xFFFFFFC0] =	vst v4  }
0x361: {  	s5 =	sld [smem:$0x7D4];
	_ =	sdelay $0x2  }
0x362: {  	[hbm4b:s5+s28] =	stream.strided.scatter [tilespmem:s1], [sflag:$0x4], $0x1000, s29, s28, $0x38;
	[tilespmem:$0x1E700] =	vst v63  }
0x363: {  	_ =	swait.ge [sflag:s2], $0x1000  }
0x364: {  	[sflag:s2] =	ssyncset.done $0x0  }
0x365: {  	s16 =	simm.s32 $0x1A770;
	[sflag:s2] =	ssyncadd.s32 $0xFFFFF000  }
0x366: {  	v0 =	vld [tilespmem:s16+$0x0]  }
0x367: {  	v1 =	vld [tilespmem:s16+$0xFFFFFFA0]  }
0x368: {  	v2 =	vld [tilespmem:s16+$0xFFFFFFB0]  }
0x369: {  	v3 =	vld [tilespmem:s16+$0xFFFFFFC0]  }
0x36a: {  	v4 =	vld [tilespmem:s16+$0xFFFFFFD0]  }
0x36b: {  	v6 =	vld [tilespmem:s16+$0xFFFFFFE0]  }
0x36c: {  	v7 =	vld [tilespmem:s16+$0xFFFFFFF0]  }
0x36d: {  	v8 =	vld [tilespmem:s16+$0xFFFFFF90]  }
0x36e: {  	v9 =	vld.idx.msk [tilespmem:v0+s25+$0x0], $0xffff  }
0x36f: {  	v10 =	vld.idx.msk [tilespmem:v1+s25+$0x0], $0xffff  }
0x370: {  	v5 =	vld.idx.msk [tilespmem:v2+s25+$0x0], $0xffff  }
0x371: {  	v3 =	vld.idx.msk [tilespmem:v3+s25+$0x0], $0xffff  }
0x372: {  	v0 =	vld.idx.msk [tilespmem:v4+s25+$0x0], $0xffff  }
0x373: {  	s5 =	simm.s32 $0x1C740;
	v1 =	vld.idx.msk [tilespmem:v6+s25+$0x0], $0xffff  }
0x374: {  	v2 =	vld.idx.msk [tilespmem:v7+s25+$0x0], $0xffff;
	[tilespmem:s5+$0x30] =	vst v9  }
0x375: {  	s7 =	simm.s32 $0x0;
	s8 =	simm.s32 $0x1A7F0;
	v4 =	vld.idx.msk [tilespmem:v8+s25+$0x0], $0xffff;
	[tilespmem:s5+$0xFFFFFFD0] =	vst v10  }
.LBB2_30:
0x376: {  	v6 =	vld [tilespmem:s8+$0x0];
	s7 =	sadd.s32 $0x8, s7;
	[tilespmem:s5+$0xFFFFFFE0] =	vst v5  }
0x377: {  	v5 =	vld [tilespmem:s8+$0xFFFFFFA0];
	p1 =	slt.u32 s7, $0xF8;
	[tilespmem:s5+$0xFFFFFFF0] =	vst v3  }
0x378: {  	v3 =	vld [tilespmem:s8+$0xFFFFFFB0];
	[tilespmem:s5+$0x0] =	vst v0  }
0x379: {  	v0 =	vld [tilespmem:s8+$0xFFFFFFC0];
	[tilespmem:s5+$0x10] =	vst v1  }
0x37a: {  	v1 =	vld [tilespmem:s8+$0xFFFFFFD0];
	[tilespmem:s5+$0x20] =	vst v2  }
0x37b: {  	v2 =	vld [tilespmem:s8+$0xFFFFFFE0];
	[tilespmem:s5+$0xFFFFFFC0] =	vst v4  }
0x37c: {  	v4 =	vld [tilespmem:s8+$0xFFFFFFF0]  }
0x37d: {  	v7 =	vld [tilespmem:s8+$0xFFFFFF90]  }
0x37e: {  	v6 =	vld.idx.msk [tilespmem:v6+s25+$0x0], $0xffff  }
0x37f: {  	v8 =	vld.idx.msk [tilespmem:v5+s25+$0x0], $0xffff  }
0x380: {  	v5 =	vld.idx.msk [tilespmem:v3+s25+$0x0], $0xffff  }
.Ltmp14:
0x381: {  	v3 =	vld.idx.msk [tilespmem:v0+s25+$0x0], $0xffff;
	(pc) =	sbr.rel @p1 .LBB2_30-.Ltmp14, $4  }
0x382: {  	v0 =	vld.idx.msk [tilespmem:v1+s25+$0x0], $0xffff  }
0x383: {  	s5 =	sadd.s32 $0x80, s5;
	v1 =	vld.idx.msk [tilespmem:v2+s25+$0x0], $0xffff  }
0x384: {  	v2 =	vld.idx.msk [tilespmem:v4+s25+$0x0], $0xffff;
	[tilespmem:s5+$0x30] =	vst v6  }
0x385: {  	s8 =	sadd.s32 $0x80, s8;
	v4 =	vld.idx.msk [tilespmem:v7+s25+$0x0], $0xffff;
	[tilespmem:s5+$0xFFFFFFD0] =	vst v8  }
0x386: {  	[tilespmem:s5+$0xFFFFFFE0] =	vst v5  }
0x387: {  	[tilespmem:s5+$0xFFFFFFF0] =	vst v3  }
0x388: {  	[tilespmem:s5+$0x0] =	vst v0  }
0x389: {  	[tilespmem:s5+$0x10] =	vst v1  }
0x38a: {  	[tilespmem:s5+$0x20] =	vst v2  }
0x38b: {  	[tilespmem:s5+$0xFFFFFFC0] =	vst v4  }
0x38c: {  	s5 =	sld [smem:$0x7D5];
	_ =	sdelay $0x2  }
0x38d: {  	[hbm4b:s5+s28] =	stream.strided.scatter [tilespmem:s0], [sflag:$0x3], $0x1000, s29, s28, $0x38;
	[tilespmem:$0x1E700] =	vst v63  }
0x38e: {  	_ =	swait.ge [sflag:s3], $0x1000  }
0x38f: {  	[sflag:s3] =	ssyncset.done $0x0  }
0x390: {  	s16 =	simm.s32 $0x1B770;
	[sflag:s3] =	ssyncadd.s32 $0xFFFFF000  }
0x391: {  	v0 =	vld [tilespmem:s16+$0x0]  }
0x392: {  	v1 =	vld [tilespmem:s16+$0xFFFFFFA0]  }
0x393: {  	v2 =	vld [tilespmem:s16+$0xFFFFFFB0]  }
0x394: {  	v3 =	vld [tilespmem:s16+$0xFFFFFFC0]  }
0x395: {  	v4 =	vld [tilespmem:s16+$0xFFFFFFD0]  }
0x396: {  	v6 =	vld [tilespmem:s16+$0xFFFFFFE0]  }
0x397: {  	v7 =	vld [tilespmem:s16+$0xFFFFFFF0]  }
0x398: {  	v8 =	vld [tilespmem:s16+$0xFFFFFF90]  }
0x399: {  	v9 =	vld.idx.msk [tilespmem:v0+s25+$0x0], $0xffff  }
0x39a: {  	v10 =	vld.idx.msk [tilespmem:v1+s25+$0x0], $0xffff  }
0x39b: {  	v5 =	vld.idx.msk [tilespmem:v2+s25+$0x0], $0xffff  }
0x39c: {  	v3 =	vld.idx.msk [tilespmem:v3+s25+$0x0], $0xffff  }
0x39d: {  	v0 =	vld.idx.msk [tilespmem:v4+s25+$0x0], $0xffff  }
0x39e: {  	s5 =	simm.s32 $0x1D740;
	v1 =	vld.idx.msk [tilespmem:v6+s25+$0x0], $0xffff  }
0x39f: {  	v2 =	vld.idx.msk [tilespmem:v7+s25+$0x0], $0xffff;
	[tilespmem:s5+$0x30] =	vst v9  }
0x3a0: {  	s7 =	simm.s32 $0x0;
	s8 =	simm.s32 $0x1B7F0;
	v4 =	vld.idx.msk [tilespmem:v8+s25+$0x0], $0xffff;
	[tilespmem:s5+$0xFFFFFFD0] =	vst v10  }
.LBB2_32:
0x3a1: {  	v6 =	vld [tilespmem:s8+$0x0];
	s7 =	sadd.s32 $0x8, s7;
	[tilespmem:s5+$0xFFFFFFE0] =	vst v5  }
0x3a2: {  	v5 =	vld [tilespmem:s8+$0xFFFFFFA0];
	p1 =	slt.u32 s7, $0xF8;
	[tilespmem:s5+$0xFFFFFFF0] =	vst v3  }
0x3a3: {  	v3 =	vld [tilespmem:s8+$0xFFFFFFB0];
	[tilespmem:s5+$0x0] =	vst v0  }
0x3a4: {  	v0 =	vld [tilespmem:s8+$0xFFFFFFC0];
	[tilespmem:s5+$0x10] =	vst v1  }
0x3a5: {  	v1 =	vld [tilespmem:s8+$0xFFFFFFD0];
	[tilespmem:s5+$0x20] =	vst v2  }
0x3a6: {  	v2 =	vld [tilespmem:s8+$0xFFFFFFE0];
	[tilespmem:s5+$0xFFFFFFC0] =	vst v4  }
0x3a7: {  	v4 =	vld [tilespmem:s8+$0xFFFFFFF0]  }
0x3a8: {  	v7 =	vld [tilespmem:s8+$0xFFFFFF90]  }
0x3a9: {  	v6 =	vld.idx.msk [tilespmem:v6+s25+$0x0], $0xffff  }
0x3aa: {  	v8 =	vld.idx.msk [tilespmem:v5+s25+$0x0], $0xffff  }
0x3ab: {  	v5 =	vld.idx.msk [tilespmem:v3+s25+$0x0], $0xffff  }
.Ltmp15:
0x3ac: {  	v3 =	vld.idx.msk [tilespmem:v0+s25+$0x0], $0xffff;
	(pc) =	sbr.rel @p1 .LBB2_32-.Ltmp15, $4  }
0x3ad: {  	v0 =	vld.idx.msk [tilespmem:v1+s25+$0x0], $0xffff  }
0x3ae: {  	s5 =	sadd.s32 $0x80, s5;
	v1 =	vld.idx.msk [tilespmem:v2+s25+$0x0], $0xffff  }
0x3af: {  	v2 =	vld.idx.msk [tilespmem:v4+s25+$0x0], $0xffff;
	[tilespmem:s5+$0x30] =	vst v6  }
0x3b0: {  	s8 =	sadd.s32 $0x80, s8;
	v4 =	vld.idx.msk [tilespmem:v7+s25+$0x0], $0xffff;
	[tilespmem:s5+$0xFFFFFFD0] =	vst v8  }
0x3b1: {  	[tilespmem:s5+$0xFFFFFFE0] =	vst v5  }
0x3b2: {  	[tilespmem:s5+$0xFFFFFFF0] =	vst v3  }
0x3b3: {  	[tilespmem:s5+$0x0] =	vst v0  }
0x3b4: {  	[tilespmem:s5+$0x10] =	vst v1  }
0x3b5: {  	[tilespmem:s5+$0x20] =	vst v2  }
0x3b6: {  	[tilespmem:s5+$0xFFFFFFC0] =	vst v4  }
0x3b7: {  	s5 =	sld [smem:$0x7D6]  }
0x3b8: {  	s15 =	sld [smem:$0x7F8]  }
0x3b9: {  	s8 =	rddreg [dreg:$0x12]  }
0x3ba: {  	[hbm4b:s5+s28] =	stream.strided.scatter [tilespmem:s1], [sflag:$0x4], $0x1000, s29, s28, $0x38;
	[tilespmem:$0x1E700] =	vst v63  }
0x3bb: {  	p1 =	seq.s32 s15, $0x1;
	s15 =	rddreg [dreg:$0x6]  }
0x3bc: {  	[tilespmem:s25], [sflag:$0x1] =	stream.strided.gather [hbm4b:s8+s28], $0x18700, s29, s28, $0x38;
	[tilespmem:$0x1E700] =	vst v63  }
0x3bd: {  	s5 =	simm.s32 @!p1 $0x80;
	s7 =	simm.s32 @!p1 $0x400;
	s8 =	simm.s32 @!p1 $0x18700  }
0x3be: {  	[tilespmem:s8], [sflag:$0x2] =	stream.strided.gather @!p1 [hbm4b:s15+s5], $0x4000, s7, s5, $0x38;
	[tilespmem:$0x1E700] =	vst v63  }
0x3bf: {  	s5 =	simm.s32 @!p1 $0x2  }
0x3c0: {  	_ =	swait.ge @!p1 [sflag:s5], $0x4000  }
0x3c1: {  	[sflag:s5] =	ssyncset.done @!p1 $0x0  }
0x3c2: {  	[sflag:s5] =	ssyncadd.s32 @!p1 $0xFFFFC000  }
0x3c3: {  	_ =	swait.ge [sflag:s31], $0x18700  }
0x3c4: {  	[sflag:s31] =	ssyncset.done $0x0  }
0x3c5: {  	[sflag:s31] =	ssyncadd.s32 $0xFFFE7900  }
0x3c6: {  	_ =	swait.ge [sflag:s2], $0x1000  }
0x3c7: {  	[sflag:s2] =	ssyncset.done $0x0  }
0x3c8: {  	s16 =	simm.s32 $0x18740;
	[sflag:s2] =	ssyncadd.s32 $0xFFFFF000  }
0x3c9: {  	v0 =	vld [tilespmem:s16+$0x30]  }
0x3ca: {  	v1 =	vld [tilespmem:s16+$0xFFFFFFD0]  }
0x3cb: {  	v2 =	vld [tilespmem:s16+$0xFFFFFFE0]  }
0x3cc: {  	v3 =	vld [tilespmem:s16+$0xFFFFFFF0]  }
0x3cd: {  	v4 =	vld [tilespmem:s16+$0x0]  }
0x3ce: {  	v6 =	vld [tilespmem:s16+$0x10]  }
0x3cf: {  	v7 =	vld [tilespmem:s16+$0x20]  }
0x3d0: {  	v8 =	vld [tilespmem:s16+$0xFFFFFFC0]  }
0x3d1: {  	v9 =	vld.idx.msk [tilespmem:v0+s25+$0x0], $0xffff  }
0x3d2: {  	v10 =	vld.idx.msk [tilespmem:v1+s25+$0x0], $0xffff  }
0x3d3: {  	v5 =	vld.idx.msk [tilespmem:v2+s25+$0x0], $0xffff  }
0x3d4: {  	v3 =	vld.idx.msk [tilespmem:v3+s25+$0x0], $0xffff  }
0x3d5: {  	v0 =	vld.idx.msk [tilespmem:v4+s25+$0x0], $0xffff  }
0x3d6: {  	s5 =	simm.s32 $0x1C740;
	v1 =	vld.idx.msk [tilespmem:v6+s25+$0x0], $0xffff  }
0x3d7: {  	v2 =	vld.idx.msk [tilespmem:v7+s25+$0x0], $0xffff;
	[tilespmem:s5+$0x30] =	vst v9  }
0x3d8: {  	s7 =	simm.s32 $0x0;
	s8 =	simm.s32 $0x187C0;
	v4 =	vld.idx.msk [tilespmem:v8+s25+$0x0], $0xffff;
	[tilespmem:s5+$0xFFFFFFD0] =	vst v10  }
.LBB2_34:
0x3d9: {  	v6 =	vld [tilespmem:s8+$0x30];
	s7 =	sadd.s32 $0x8, s7;
	[tilespmem:s5+$0xFFFFFFE0] =	vst v5  }
0x3da: {  	v5 =	vld [tilespmem:s8+$0xFFFFFFD0];
	p1 =	slt.u32 s7, $0xF8;
	[tilespmem:s5+$0xFFFFFFF0] =	vst v3  }
0x3db: {  	v3 =	vld [tilespmem:s8+$0xFFFFFFE0];
	[tilespmem:s5+$0x0] =	vst v0  }
0x3dc: {  	v0 =	vld [tilespmem:s8+$0xFFFFFFF0];
	[tilespmem:s5+$0x10] =	vst v1  }
0x3dd: {  	v1 =	vld [tilespmem:s8+$0x0];
	[tilespmem:s5+$0x20] =	vst v2  }
0x3de: {  	v2 =	vld [tilespmem:s8+$0x10];
	[tilespmem:s5+$0xFFFFFFC0] =	vst v4  }
0x3df: {  	v4 =	vld [tilespmem:s8+$0x20]  }
0x3e0: {  	v7 =	vld [tilespmem:s8+$0xFFFFFFC0]  }
0x3e1: {  	v6 =	vld.idx.msk [tilespmem:v6+s25+$0x0], $0xffff  }
0x3e2: {  	v8 =	vld.idx.msk [tilespmem:v5+s25+$0x0], $0xffff  }
0x3e3: {  	v5 =	vld.idx.msk [tilespmem:v3+s25+$0x0], $0xffff  }
.Ltmp16:
0x3e4: {  	v3 =	vld.idx.msk [tilespmem:v0+s25+$0x0], $0xffff;
	(pc) =	sbr.rel @p1 .LBB2_34-.Ltmp16, $4  }
0x3e5: {  	v0 =	vld.idx.msk [tilespmem:v1+s25+$0x0], $0xffff  }
0x3e6: {  	s5 =	sadd.s32 $0x80, s5;
	v1 =	vld.idx.msk [tilespmem:v2+s25+$0x0], $0xffff  }
0x3e7: {  	v2 =	vld.idx.msk [tilespmem:v4+s25+$0x0], $0xffff;
	[tilespmem:s5+$0x30] =	vst v6  }
0x3e8: {  	s8 =	sadd.s32 $0x80, s8;
	v4 =	vld.idx.msk [tilespmem:v7+s25+$0x0], $0xffff;
	[tilespmem:s5+$0xFFFFFFD0] =	vst v8  }
0x3e9: {  	[tilespmem:s5+$0xFFFFFFE0] =	vst v5  }
0x3ea: {  	[tilespmem:s5+$0xFFFFFFF0] =	vst v3  }
0x3eb: {  	[tilespmem:s5+$0x0] =	vst v0  }
0x3ec: {  	[tilespmem:s5+$0x10] =	vst v1  }
0x3ed: {  	[tilespmem:s5+$0x20] =	vst v2  }
0x3ee: {  	[tilespmem:s5+$0xFFFFFFC0] =	vst v4  }
0x3ef: {  	s5 =	sld [smem:$0x7D9];
	_ =	sdelay $0x2  }
0x3f0: {  	[hbm4b:s5+s28] =	stream.strided.scatter [tilespmem:s0], [sflag:$0x3], $0x1000, s29, s28, $0x38;
	[tilespmem:$0x1E700] =	vst v63  }
0x3f1: {  	_ =	swait.ge [sflag:s3], $0x1000  }
0x3f2: {  	[sflag:s3] =	ssyncset.done $0x0  }
0x3f3: {  	s16 =	simm.s32 $0x19770;
	[sflag:s3] =	ssyncadd.s32 $0xFFFFF000  }
0x3f4: {  	v0 =	vld [tilespmem:s16+$0x0]  }
0x3f5: {  	v1 =	vld [tilespmem:s16+$0xFFFFFFA0]  }
0x3f6: {  	v2 =	vld [tilespmem:s16+$0xFFFFFFB0]  }
0x3f7: {  	v3 =	vld [tilespmem:s16+$0xFFFFFFC0]  }
0x3f8: {  	v4 =	vld [tilespmem:s16+$0xFFFFFFD0]  }
0x3f9: {  	v6 =	vld [tilespmem:s16+$0xFFFFFFE0]  }
0x3fa: {  	v7 =	vld [tilespmem:s16+$0xFFFFFFF0]  }
0x3fb: {  	v8 =	vld [tilespmem:s16+$0xFFFFFF90]  }
0x3fc: {  	v9 =	vld.idx.msk [tilespmem:v0+s25+$0x0], $0xffff  }
0x3fd: {  	v10 =	vld.idx.msk [tilespmem:v1+s25+$0x0], $0xffff  }
0x3fe: {  	v5 =	vld.idx.msk [tilespmem:v2+s25+$0x0], $0xffff  }
0x3ff: {  	v3 =	vld.idx.msk [tilespmem:v3+s25+$0x0], $0xffff  }
0x400: {  	v0 =	vld.idx.msk [tilespmem:v4+s25+$0x0], $0xffff  }
0x401: {  	s5 =	simm.s32 $0x1D740;
	v1 =	vld.idx.msk [tilespmem:v6+s25+$0x0], $0xffff  }
0x402: {  	v2 =	vld.idx.msk [tilespmem:v7+s25+$0x0], $0xffff;
	[tilespmem:s5+$0x30] =	vst v9  }
0x403: {  	s7 =	simm.s32 $0x0;
	s8 =	simm.s32 $0x197F0;
	v4 =	vld.idx.msk [tilespmem:v8+s25+$0x0], $0xffff;
	[tilespmem:s5+$0xFFFFFFD0] =	vst v10  }
.LBB2_36:
0x404: {  	v6 =	vld [tilespmem:s8+$0x0];
	s7 =	sadd.s32 $0x8, s7;
	[tilespmem:s5+$0xFFFFFFE0] =	vst v5  }
0x405: {  	v5 =	vld [tilespmem:s8+$0xFFFFFFA0];
	p1 =	slt.u32 s7, $0xF8;
	[tilespmem:s5+$0xFFFFFFF0] =	vst v3  }
0x406: {  	v3 =	vld [tilespmem:s8+$0xFFFFFFB0];
	[tilespmem:s5+$0x0] =	vst v0  }
0x407: {  	v0 =	vld [tilespmem:s8+$0xFFFFFFC0];
	[tilespmem:s5+$0x10] =	vst v1  }
0x408: {  	v1 =	vld [tilespmem:s8+$0xFFFFFFD0];
	[tilespmem:s5+$0x20] =	vst v2  }
0x409: {  	v2 =	vld [tilespmem:s8+$0xFFFFFFE0];
	[tilespmem:s5+$0xFFFFFFC0] =	vst v4  }
0x40a: {  	v4 =	vld [tilespmem:s8+$0xFFFFFFF0]  }
0x40b: {  	v7 =	vld [tilespmem:s8+$0xFFFFFF90]  }
0x40c: {  	v6 =	vld.idx.msk [tilespmem:v6+s25+$0x0], $0xffff  }
0x40d: {  	v8 =	vld.idx.msk [tilespmem:v5+s25+$0x0], $0xffff  }
0x40e: {  	v5 =	vld.idx.msk [tilespmem:v3+s25+$0x0], $0xffff  }
.Ltmp17:
0x40f: {  	v3 =	vld.idx.msk [tilespmem:v0+s25+$0x0], $0xffff;
	(pc) =	sbr.rel @p1 .LBB2_36-.Ltmp17, $4  }
0x410: {  	v0 =	vld.idx.msk [tilespmem:v1+s25+$0x0], $0xffff  }
0x411: {  	s5 =	sadd.s32 $0x80, s5;
	v1 =	vld.idx.msk [tilespmem:v2+s25+$0x0], $0xffff  }
0x412: {  	v2 =	vld.idx.msk [tilespmem:v4+s25+$0x0], $0xffff;
	[tilespmem:s5+$0x30] =	vst v6  }
0x413: {  	s8 =	sadd.s32 $0x80, s8;
	v4 =	vld.idx.msk [tilespmem:v7+s25+$0x0], $0xffff;
	[tilespmem:s5+$0xFFFFFFD0] =	vst v8  }
0x414: {  	[tilespmem:s5+$0xFFFFFFE0] =	vst v5  }
0x415: {  	[tilespmem:s5+$0xFFFFFFF0] =	vst v3  }
0x416: {  	[tilespmem:s5+$0x0] =	vst v0  }
0x417: {  	[tilespmem:s5+$0x10] =	vst v1  }
0x418: {  	[tilespmem:s5+$0x20] =	vst v2  }
0x419: {  	[tilespmem:s5+$0xFFFFFFC0] =	vst v4  }
0x41a: {  	s5 =	sld [smem:$0x7DA];
	_ =	sdelay $0x2  }
0x41b: {  	[hbm4b:s5+s28] =	stream.strided.scatter [tilespmem:s1], [sflag:$0x4], $0x1000, s29, s28, $0x38;
	[tilespmem:$0x1E700] =	vst v63  }
0x41c: {  	_ =	swait.ge [sflag:s2], $0x1000  }
0x41d: {  	[sflag:s2] =	ssyncset.done $0x0  }
0x41e: {  	s16 =	simm.s32 $0x1A770;
	[sflag:s2] =	ssyncadd.s32 $0xFFFFF000  }
0x41f: {  	v0 =	vld [tilespmem:s16+$0x0]  }
0x420: {  	v1 =	vld [tilespmem:s16+$0xFFFFFFA0]  }
0x421: {  	v2 =	vld [tilespmem:s16+$0xFFFFFFB0]  }
0x422: {  	v3 =	vld [tilespmem:s16+$0xFFFFFFC0]  }
0x423: {  	v4 =	vld [tilespmem:s16+$0xFFFFFFD0]  }
0x424: {  	v6 =	vld [tilespmem:s16+$0xFFFFFFE0]  }
0x425: {  	v7 =	vld [tilespmem:s16+$0xFFFFFFF0]  }
0x426: {  	v8 =	vld [tilespmem:s16+$0xFFFFFF90]  }
0x427: {  	v9 =	vld.idx.msk [tilespmem:v0+s25+$0x0], $0xffff  }
0x428: {  	v10 =	vld.idx.msk [tilespmem:v1+s25+$0x0], $0xffff  }
0x429: {  	v5 =	vld.idx.msk [tilespmem:v2+s25+$0x0], $0xffff  }
0x42a: {  	v3 =	vld.idx.msk [tilespmem:v3+s25+$0x0], $0xffff  }
0x42b: {  	v0 =	vld.idx.msk [tilespmem:v4+s25+$0x0], $0xffff  }
0x42c: {  	s5 =	simm.s32 $0x1C740;
	v1 =	vld.idx.msk [tilespmem:v6+s25+$0x0], $0xffff  }
0x42d: {  	v2 =	vld.idx.msk [tilespmem:v7+s25+$0x0], $0xffff;
	[tilespmem:s5+$0x30] =	vst v9  }
0x42e: {  	s7 =	simm.s32 $0x0;
	s8 =	simm.s32 $0x1A7F0;
	v4 =	vld.idx.msk [tilespmem:v8+s25+$0x0], $0xffff;
	[tilespmem:s5+$0xFFFFFFD0] =	vst v10  }
.LBB2_38:
0x42f: {  	v6 =	vld [tilespmem:s8+$0x0];
	s7 =	sadd.s32 $0x8, s7;
	[tilespmem:s5+$0xFFFFFFE0] =	vst v5  }
0x430: {  	v5 =	vld [tilespmem:s8+$0xFFFFFFA0];
	p1 =	slt.u32 s7, $0xF8;
	[tilespmem:s5+$0xFFFFFFF0] =	vst v3  }
0x431: {  	v3 =	vld [tilespmem:s8+$0xFFFFFFB0];
	[tilespmem:s5+$0x0] =	vst v0  }
0x432: {  	v0 =	vld [tilespmem:s8+$0xFFFFFFC0];
	[tilespmem:s5+$0x10] =	vst v1  }
0x433: {  	v1 =	vld [tilespmem:s8+$0xFFFFFFD0];
	[tilespmem:s5+$0x20] =	vst v2  }
0x434: {  	v2 =	vld [tilespmem:s8+$0xFFFFFFE0];
	[tilespmem:s5+$0xFFFFFFC0] =	vst v4  }
0x435: {  	v4 =	vld [tilespmem:s8+$0xFFFFFFF0]  }
0x436: {  	v7 =	vld [tilespmem:s8+$0xFFFFFF90]  }
0x437: {  	v6 =	vld.idx.msk [tilespmem:v6+s25+$0x0], $0xffff  }
0x438: {  	v8 =	vld.idx.msk [tilespmem:v5+s25+$0x0], $0xffff  }
0x439: {  	v5 =	vld.idx.msk [tilespmem:v3+s25+$0x0], $0xffff  }
.Ltmp18:
0x43a: {  	v3 =	vld.idx.msk [tilespmem:v0+s25+$0x0], $0xffff;
	(pc) =	sbr.rel @p1 .LBB2_38-.Ltmp18, $4  }
0x43b: {  	v0 =	vld.idx.msk [tilespmem:v1+s25+$0x0], $0xffff  }
0x43c: {  	s5 =	sadd.s32 $0x80, s5;
	v1 =	vld.idx.msk [tilespmem:v2+s25+$0x0], $0xffff  }
0x43d: {  	v2 =	vld.idx.msk [tilespmem:v4+s25+$0x0], $0xffff;
	[tilespmem:s5+$0x30] =	vst v6  }
0x43e: {  	s8 =	sadd.s32 $0x80, s8;
	v4 =	vld.idx.msk [tilespmem:v7+s25+$0x0], $0xffff;
	[tilespmem:s5+$0xFFFFFFD0] =	vst v8  }
0x43f: {  	[tilespmem:s5+$0xFFFFFFE0] =	vst v5  }
0x440: {  	[tilespmem:s5+$0xFFFFFFF0] =	vst v3  }
0x441: {  	[tilespmem:s5+$0x0] =	vst v0  }
0x442: {  	[tilespmem:s5+$0x10] =	vst v1  }
0x443: {  	[tilespmem:s5+$0x20] =	vst v2  }
0x444: {  	[tilespmem:s5+$0xFFFFFFC0] =	vst v4  }
0x445: {  	s5 =	sld [smem:$0x7DB];
	_ =	sdelay $0x2  }
0x446: {  	[hbm4b:s5+s28] =	stream.strided.scatter [tilespmem:s0], [sflag:$0x3], $0x1000, s29, s28, $0x38;
	[tilespmem:$0x1E700] =	vst v63  }
0x447: {  	_ =	swait.ge [sflag:s3], $0x1000  }
0x448: {  	[sflag:s3] =	ssyncset.done $0x0  }
0x449: {  	s16 =	simm.s32 $0x1B770;
	[sflag:s3] =	ssyncadd.s32 $0xFFFFF000  }
0x44a: {  	v0 =	vld [tilespmem:s16+$0x0]  }
0x44b: {  	v1 =	vld [tilespmem:s16+$0xFFFFFFA0]  }
0x44c: {  	v2 =	vld [tilespmem:s16+$0xFFFFFFB0]  }
0x44d: {  	v3 =	vld [tilespmem:s16+$0xFFFFFFC0]  }
0x44e: {  	v4 =	vld [tilespmem:s16+$0xFFFFFFD0]  }
0x44f: {  	v6 =	vld [tilespmem:s16+$0xFFFFFFE0]  }
0x450: {  	v7 =	vld [tilespmem:s16+$0xFFFFFFF0]  }
0x451: {  	v8 =	vld [tilespmem:s16+$0xFFFFFF90]  }
0x452: {  	v9 =	vld.idx.msk [tilespmem:v0+s25+$0x0], $0xffff  }
0x453: {  	v10 =	vld.idx.msk [tilespmem:v1+s25+$0x0], $0xffff  }
0x454: {  	v5 =	vld.idx.msk [tilespmem:v2+s25+$0x0], $0xffff  }
0x455: {  	v3 =	vld.idx.msk [tilespmem:v3+s25+$0x0], $0xffff  }
0x456: {  	v0 =	vld.idx.msk [tilespmem:v4+s25+$0x0], $0xffff  }
0x457: {  	s5 =	simm.s32 $0x1D740;
	v1 =	vld.idx.msk [tilespmem:v6+s25+$0x0], $0xffff  }
0x458: {  	v2 =	vld.idx.msk [tilespmem:v7+s25+$0x0], $0xffff;
	[tilespmem:s5+$0x30] =	vst v9  }
0x459: {  	s7 =	simm.s32 $0x0;
	s8 =	simm.s32 $0x1B7F0;
	v4 =	vld.idx.msk [tilespmem:v8+s25+$0x0], $0xffff;
	[tilespmem:s5+$0xFFFFFFD0] =	vst v10  }
.LBB2_40:
0x45a: {  	v6 =	vld [tilespmem:s8+$0x0];
	s7 =	sadd.s32 $0x8, s7;
	[tilespmem:s5+$0xFFFFFFE0] =	vst v5  }
0x45b: {  	v5 =	vld [tilespmem:s8+$0xFFFFFFA0];
	p1 =	slt.u32 s7, $0xF8;
	[tilespmem:s5+$0xFFFFFFF0] =	vst v3  }
0x45c: {  	v3 =	vld [tilespmem:s8+$0xFFFFFFB0];
	[tilespmem:s5+$0x0] =	vst v0  }
0x45d: {  	v0 =	vld [tilespmem:s8+$0xFFFFFFC0];
	[tilespmem:s5+$0x10] =	vst v1  }
0x45e: {  	v1 =	vld [tilespmem:s8+$0xFFFFFFD0];
	[tilespmem:s5+$0x20] =	vst v2  }
0x45f: {  	v2 =	vld [tilespmem:s8+$0xFFFFFFE0];
	[tilespmem:s5+$0xFFFFFFC0] =	vst v4  }
0x460: {  	v4 =	vld [tilespmem:s8+$0xFFFFFFF0]  }
0x461: {  	v7 =	vld [tilespmem:s8+$0xFFFFFF90]  }
0x462: {  	v6 =	vld.idx.msk [tilespmem:v6+s25+$0x0], $0xffff  }
0x463: {  	v8 =	vld.idx.msk [tilespmem:v5+s25+$0x0], $0xffff  }
0x464: {  	v5 =	vld.idx.msk [tilespmem:v3+s25+$0x0], $0xffff  }
.Ltmp19:
0x465: {  	v3 =	vld.idx.msk [tilespmem:v0+s25+$0x0], $0xffff;
	(pc) =	sbr.rel @p1 .LBB2_40-.Ltmp19, $4  }
0x466: {  	v0 =	vld.idx.msk [tilespmem:v1+s25+$0x0], $0xffff  }
0x467: {  	s5 =	sadd.s32 $0x80, s5;
	v1 =	vld.idx.msk [tilespmem:v2+s25+$0x0], $0xffff  }
0x468: {  	v2 =	vld.idx.msk [tilespmem:v4+s25+$0x0], $0xffff;
	[tilespmem:s5+$0x30] =	vst v6  }
0x469: {  	s8 =	sadd.s32 $0x80, s8;
	v4 =	vld.idx.msk [tilespmem:v7+s25+$0x0], $0xffff;
	[tilespmem:s5+$0xFFFFFFD0] =	vst v8  }
0x46a: {  	[tilespmem:s5+$0xFFFFFFE0] =	vst v5  }
0x46b: {  	[tilespmem:s5+$0xFFFFFFF0] =	vst v3  }
0x46c: {  	[tilespmem:s5+$0x0] =	vst v0  }
0x46d: {  	[tilespmem:s5+$0x10] =	vst v1  }
0x46e: {  	[tilespmem:s5+$0x20] =	vst v2  }
0x46f: {  	[tilespmem:s5+$0xFFFFFFC0] =	vst v4  }
0x470: {  	s5 =	sld [smem:$0x7DC]  }
0x471: {  	s15 =	sld [smem:$0x7F9]  }
0x472: {  	s8 =	rddreg [dreg:$0x13]  }
0x473: {  	[hbm4b:s5+s28] =	stream.strided.scatter [tilespmem:s1], [sflag:$0x4], $0x1000, s29, s28, $0x38;
	[tilespmem:$0x1E700] =	vst v63  }
0x474: {  	p1 =	seq.s32 s15, $0x1;
	s15 =	rddreg [dreg:$0x7]  }
0x475: {  	[tilespmem:s25], [sflag:$0x1] =	stream.strided.gather [hbm4b:s8+s28], $0x18700, s29, s28, $0x38;
	[tilespmem:$0x1E700] =	vst v63  }
0x476: {  	s5 =	simm.s32 @!p1 $0x80;
	s7 =	simm.s32 @!p1 $0x400;
	s8 =	simm.s32 @!p1 $0x18700  }
0x477: {  	[tilespmem:s8], [sflag:$0x2] =	stream.strided.gather @!p1 [hbm4b:s15+s5], $0x4000, s7, s5, $0x38;
	[tilespmem:$0x1E700] =	vst v63  }
0x478: {  	s5 =	simm.s32 @!p1 $0x2  }
0x479: {  	_ =	swait.ge @!p1 [sflag:s5], $0x4000  }
0x47a: {  	[sflag:s5] =	ssyncset.done @!p1 $0x0  }
0x47b: {  	[sflag:s5] =	ssyncadd.s32 @!p1 $0xFFFFC000  }
0x47c: {  	_ =	swait.ge [sflag:s31], $0x18700  }
0x47d: {  	[sflag:s31] =	ssyncset.done $0x0  }
0x47e: {  	[sflag:s31] =	ssyncadd.s32 $0xFFFE7900  }
0x47f: {  	_ =	swait.ge [sflag:s2], $0x1000  }
0x480: {  	[sflag:s2] =	ssyncset.done $0x0  }
0x481: {  	s16 =	simm.s32 $0x18740;
	[sflag:s2] =	ssyncadd.s32 $0xFFFFF000  }
0x482: {  	v0 =	vld [tilespmem:s16+$0x30]  }
0x483: {  	v1 =	vld [tilespmem:s16+$0xFFFFFFD0]  }
0x484: {  	v2 =	vld [tilespmem:s16+$0xFFFFFFE0]  }
0x485: {  	v3 =	vld [tilespmem:s16+$0xFFFFFFF0]  }
0x486: {  	v4 =	vld [tilespmem:s16+$0x0]  }
0x487: {  	v6 =	vld [tilespmem:s16+$0x10]  }
0x488: {  	v7 =	vld [tilespmem:s16+$0x20]  }
0x489: {  	v8 =	vld [tilespmem:s16+$0xFFFFFFC0]  }
0x48a: {  	v9 =	vld.idx.msk [tilespmem:v0+s25+$0x0], $0xffff  }
0x48b: {  	v10 =	vld.idx.msk [tilespmem:v1+s25+$0x0], $0xffff  }
0x48c: {  	v5 =	vld.idx.msk [tilespmem:v2+s25+$0x0], $0xffff  }
0x48d: {  	v3 =	vld.idx.msk [tilespmem:v3+s25+$0x0], $0xffff  }
0x48e: {  	v0 =	vld.idx.msk [tilespmem:v4+s25+$0x0], $0xffff  }
0x48f: {  	s5 =	simm.s32 $0x1C740;
	v1 =	vld.idx.msk [tilespmem:v6+s25+$0x0], $0xffff  }
0x490: {  	v2 =	vld.idx.msk [tilespmem:v7+s25+$0x0], $0xffff;
	[tilespmem:s5+$0x30] =	vst v9  }
0x491: {  	s7 =	simm.s32 $0x0;
	s8 =	simm.s32 $0x187C0;
	v4 =	vld.idx.msk [tilespmem:v8+s25+$0x0], $0xffff;
	[tilespmem:s5+$0xFFFFFFD0] =	vst v10  }
.LBB2_42:
0x492: {  	v6 =	vld [tilespmem:s8+$0x30];
	s7 =	sadd.s32 $0x8, s7;
	[tilespmem:s5+$0xFFFFFFE0] =	vst v5  }
0x493: {  	v5 =	vld [tilespmem:s8+$0xFFFFFFD0];
	p1 =	slt.u32 s7, $0xF8;
	[tilespmem:s5+$0xFFFFFFF0] =	vst v3  }
0x494: {  	v3 =	vld [tilespmem:s8+$0xFFFFFFE0];
	[tilespmem:s5+$0x0] =	vst v0  }
0x495: {  	v0 =	vld [tilespmem:s8+$0xFFFFFFF0];
	[tilespmem:s5+$0x10] =	vst v1  }
0x496: {  	v1 =	vld [tilespmem:s8+$0x0];
	[tilespmem:s5+$0x20] =	vst v2  }
0x497: {  	v2 =	vld [tilespmem:s8+$0x10];
	[tilespmem:s5+$0xFFFFFFC0] =	vst v4  }
0x498: {  	v4 =	vld [tilespmem:s8+$0x20]  }
0x499: {  	v7 =	vld [tilespmem:s8+$0xFFFFFFC0]  }
0x49a: {  	v6 =	vld.idx.msk [tilespmem:v6+s25+$0x0], $0xffff  }
0x49b: {  	v8 =	vld.idx.msk [tilespmem:v5+s25+$0x0], $0xffff  }
0x49c: {  	v5 =	vld.idx.msk [tilespmem:v3+s25+$0x0], $0xffff  }
.Ltmp20:
0x49d: {  	v3 =	vld.idx.msk [tilespmem:v0+s25+$0x0], $0xffff;
	(pc) =	sbr.rel @p1 .LBB2_42-.Ltmp20, $4  }
0x49e: {  	v0 =	vld.idx.msk [tilespmem:v1+s25+$0x0], $0xffff  }
0x49f: {  	s5 =	sadd.s32 $0x80, s5;
	v1 =	vld.idx.msk [tilespmem:v2+s25+$0x0], $0xffff  }
0x4a0: {  	v2 =	vld.idx.msk [tilespmem:v4+s25+$0x0], $0xffff;
	[tilespmem:s5+$0x30] =	vst v6  }
0x4a1: {  	s8 =	sadd.s32 $0x80, s8;
	v4 =	vld.idx.msk [tilespmem:v7+s25+$0x0], $0xffff;
	[tilespmem:s5+$0xFFFFFFD0] =	vst v8  }
0x4a2: {  	[tilespmem:s5+$0xFFFFFFE0] =	vst v5  }
0x4a3: {  	[tilespmem:s5+$0xFFFFFFF0] =	vst v3  }
0x4a4: {  	[tilespmem:s5+$0x0] =	vst v0  }
0x4a5: {  	[tilespmem:s5+$0x10] =	vst v1  }
0x4a6: {  	[tilespmem:s5+$0x20] =	vst v2  }
0x4a7: {  	[tilespmem:s5+$0xFFFFFFC0] =	vst v4  }
0x4a8: {  	s5 =	sld [smem:$0x7DD];
	_ =	sdelay $0x2  }
0x4a9: {  	[hbm4b:s5+s28] =	stream.strided.scatter [tilespmem:s0], [sflag:$0x3], $0x1000, s29, s28, $0x38;
	[tilespmem:$0x1E700] =	vst v63  }
0x4aa: {  	_ =	swait.ge [sflag:s3], $0x1000  }
0x4ab: {  	[sflag:s3] =	ssyncset.done $0x0  }
0x4ac: {  	s16 =	simm.s32 $0x19770;
	[sflag:s3] =	ssyncadd.s32 $0xFFFFF000  }
0x4ad: {  	v0 =	vld [tilespmem:s16+$0x0]  }
0x4ae: {  	v1 =	vld [tilespmem:s16+$0xFFFFFFA0]  }
0x4af: {  	v2 =	vld [tilespmem:s16+$0xFFFFFFB0]  }
0x4b0: {  	v3 =	vld [tilespmem:s16+$0xFFFFFFC0]  }
0x4b1: {  	v4 =	vld [tilespmem:s16+$0xFFFFFFD0]  }
0x4b2: {  	v6 =	vld [tilespmem:s16+$0xFFFFFFE0]  }
0x4b3: {  	v7 =	vld [tilespmem:s16+$0xFFFFFFF0]  }
0x4b4: {  	v8 =	vld [tilespmem:s16+$0xFFFFFF90]  }
0x4b5: {  	v9 =	vld.idx.msk [tilespmem:v0+s25+$0x0], $0xffff  }
0x4b6: {  	v10 =	vld.idx.msk [tilespmem:v1+s25+$0x0], $0xffff  }
0x4b7: {  	v5 =	vld.idx.msk [tilespmem:v2+s25+$0x0], $0xffff  }
0x4b8: {  	v3 =	vld.idx.msk [tilespmem:v3+s25+$0x0], $0xffff  }
0x4b9: {  	v0 =	vld.idx.msk [tilespmem:v4+s25+$0x0], $0xffff  }
0x4ba: {  	s5 =	simm.s32 $0x1D740;
	v1 =	vld.idx.msk [tilespmem:v6+s25+$0x0], $0xffff  }
0x4bb: {  	v2 =	vld.idx.msk [tilespmem:v7+s25+$0x0], $0xffff;
	[tilespmem:s5+$0x30] =	vst v9  }
0x4bc: {  	s7 =	simm.s32 $0x0;
	s8 =	simm.s32 $0x197F0;
	v4 =	vld.idx.msk [tilespmem:v8+s25+$0x0], $0xffff;
	[tilespmem:s5+$0xFFFFFFD0] =	vst v10  }
.LBB2_44:
0x4bd: {  	v6 =	vld [tilespmem:s8+$0x0];
	s7 =	sadd.s32 $0x8, s7;
	[tilespmem:s5+$0xFFFFFFE0] =	vst v5  }
0x4be: {  	v5 =	vld [tilespmem:s8+$0xFFFFFFA0];
	p1 =	slt.u32 s7, $0xF8;
	[tilespmem:s5+$0xFFFFFFF0] =	vst v3  }
0x4bf: {  	v3 =	vld [tilespmem:s8+$0xFFFFFFB0];
	[tilespmem:s5+$0x0] =	vst v0  }
0x4c0: {  	v0 =	vld [tilespmem:s8+$0xFFFFFFC0];
	[tilespmem:s5+$0x10] =	vst v1  }
0x4c1: {  	v1 =	vld [tilespmem:s8+$0xFFFFFFD0];
	[tilespmem:s5+$0x20] =	vst v2  }
0x4c2: {  	v2 =	vld [tilespmem:s8+$0xFFFFFFE0];
	[tilespmem:s5+$0xFFFFFFC0] =	vst v4  }
0x4c3: {  	v4 =	vld [tilespmem:s8+$0xFFFFFFF0]  }
0x4c4: {  	v7 =	vld [tilespmem:s8+$0xFFFFFF90]  }
0x4c5: {  	v6 =	vld.idx.msk [tilespmem:v6+s25+$0x0], $0xffff  }
0x4c6: {  	v8 =	vld.idx.msk [tilespmem:v5+s25+$0x0], $0xffff  }
0x4c7: {  	v5 =	vld.idx.msk [tilespmem:v3+s25+$0x0], $0xffff  }
.Ltmp21:
0x4c8: {  	v3 =	vld.idx.msk [tilespmem:v0+s25+$0x0], $0xffff;
	(pc) =	sbr.rel @p1 .LBB2_44-.Ltmp21, $4  }
0x4c9: {  	v0 =	vld.idx.msk [tilespmem:v1+s25+$0x0], $0xffff  }
0x4ca: {  	s5 =	sadd.s32 $0x80, s5;
	v1 =	vld.idx.msk [tilespmem:v2+s25+$0x0], $0xffff  }
0x4cb: {  	v2 =	vld.idx.msk [tilespmem:v4+s25+$0x0], $0xffff;
	[tilespmem:s5+$0x30] =	vst v6  }
0x4cc: {  	s8 =	sadd.s32 $0x80, s8;
	v4 =	vld.idx.msk [tilespmem:v7+s25+$0x0], $0xffff;
	[tilespmem:s5+$0xFFFFFFD0] =	vst v8  }
0x4cd: {  	[tilespmem:s5+$0xFFFFFFE0] =	vst v5  }
0x4ce: {  	[tilespmem:s5+$0xFFFFFFF0] =	vst v3  }
0x4cf: {  	[tilespmem:s5+$0x0] =	vst v0  }
0x4d0: {  	[tilespmem:s5+$0x10] =	vst v1  }
0x4d1: {  	[tilespmem:s5+$0x20] =	vst v2  }
0x4d2: {  	[tilespmem:s5+$0xFFFFFFC0] =	vst v4  }
0x4d3: {  	s5 =	sld [smem:$0x7DE];
	_ =	sdelay $0x2  }
0x4d4: {  	[hbm4b:s5+s28] =	stream.strided.scatter [tilespmem:s1], [sflag:$0x4], $0x1000, s29, s28, $0x38;
	[tilespmem:$0x1E700] =	vst v63  }
0x4d5: {  	_ =	swait.ge [sflag:s2], $0x1000  }
0x4d6: {  	[sflag:s2] =	ssyncset.done $0x0  }
0x4d7: {  	s16 =	simm.s32 $0x1A770;
	[sflag:s2] =	ssyncadd.s32 $0xFFFFF000  }
0x4d8: {  	v0 =	vld [tilespmem:s16+$0x0]  }
0x4d9: {  	v1 =	vld [tilespmem:s16+$0xFFFFFFA0]  }
0x4da: {  	v2 =	vld [tilespmem:s16+$0xFFFFFFB0]  }
0x4db: {  	v3 =	vld [tilespmem:s16+$0xFFFFFFC0]  }
0x4dc: {  	v4 =	vld [tilespmem:s16+$0xFFFFFFD0]  }
0x4dd: {  	v6 =	vld [tilespmem:s16+$0xFFFFFFE0]  }
0x4de: {  	v7 =	vld [tilespmem:s16+$0xFFFFFFF0]  }
0x4df: {  	v8 =	vld [tilespmem:s16+$0xFFFFFF90]  }
0x4e0: {  	v9 =	vld.idx.msk [tilespmem:v0+s25+$0x0], $0xffff  }
0x4e1: {  	v10 =	vld.idx.msk [tilespmem:v1+s25+$0x0], $0xffff  }
0x4e2: {  	v5 =	vld.idx.msk [tilespmem:v2+s25+$0x0], $0xffff  }
0x4e3: {  	v3 =	vld.idx.msk [tilespmem:v3+s25+$0x0], $0xffff  }
0x4e4: {  	v0 =	vld.idx.msk [tilespmem:v4+s25+$0x0], $0xffff  }
0x4e5: {  	s5 =	simm.s32 $0x1C740;
	v1 =	vld.idx.msk [tilespmem:v6+s25+$0x0], $0xffff  }
0x4e6: {  	v2 =	vld.idx.msk [tilespmem:v7+s25+$0x0], $0xffff;
	[tilespmem:s5+$0x30] =	vst v9  }
0x4e7: {  	s7 =	simm.s32 $0x0;
	s8 =	simm.s32 $0x1A7F0;
	v4 =	vld.idx.msk [tilespmem:v8+s25+$0x0], $0xffff;
	[tilespmem:s5+$0xFFFFFFD0] =	vst v10  }
.LBB2_46:
0x4e8: {  	v6 =	vld [tilespmem:s8+$0x0];
	s7 =	sadd.s32 $0x8, s7;
	[tilespmem:s5+$0xFFFFFFE0] =	vst v5  }
0x4e9: {  	v5 =	vld [tilespmem:s8+$0xFFFFFFA0];
	p1 =	slt.u32 s7, $0xF8;
	[tilespmem:s5+$0xFFFFFFF0] =	vst v3  }
0x4ea: {  	v3 =	vld [tilespmem:s8+$0xFFFFFFB0];
	[tilespmem:s5+$0x0] =	vst v0  }
0x4eb: {  	v0 =	vld [tilespmem:s8+$0xFFFFFFC0];
	[tilespmem:s5+$0x10] =	vst v1  }
0x4ec: {  	v1 =	vld [tilespmem:s8+$0xFFFFFFD0];
	[tilespmem:s5+$0x20] =	vst v2  }
0x4ed: {  	v2 =	vld [tilespmem:s8+$0xFFFFFFE0];
	[tilespmem:s5+$0xFFFFFFC0] =	vst v4  }
0x4ee: {  	v4 =	vld [tilespmem:s8+$0xFFFFFFF0]  }
0x4ef: {  	v7 =	vld [tilespmem:s8+$0xFFFFFF90]  }
0x4f0: {  	v6 =	vld.idx.msk [tilespmem:v6+s25+$0x0], $0xffff  }
0x4f1: {  	v8 =	vld.idx.msk [tilespmem:v5+s25+$0x0], $0xffff  }
0x4f2: {  	v5 =	vld.idx.msk [tilespmem:v3+s25+$0x0], $0xffff  }
.Ltmp22:
0x4f3: {  	v3 =	vld.idx.msk [tilespmem:v0+s25+$0x0], $0xffff;
	(pc) =	sbr.rel @p1 .LBB2_46-.Ltmp22, $4  }
0x4f4: {  	v0 =	vld.idx.msk [tilespmem:v1+s25+$0x0], $0xffff  }
0x4f5: {  	s5 =	sadd.s32 $0x80, s5;
	v1 =	vld.idx.msk [tilespmem:v2+s25+$0x0], $0xffff  }
0x4f6: {  	v2 =	vld.idx.msk [tilespmem:v4+s25+$0x0], $0xffff;
	[tilespmem:s5+$0x30] =	vst v6  }
0x4f7: {  	s8 =	sadd.s32 $0x80, s8;
	v4 =	vld.idx.msk [tilespmem:v7+s25+$0x0], $0xffff;
	[tilespmem:s5+$0xFFFFFFD0] =	vst v8  }
0x4f8: {  	[tilespmem:s5+$0xFFFFFFE0] =	vst v5  }
0x4f9: {  	[tilespmem:s5+$0xFFFFFFF0] =	vst v3  }
0x4fa: {  	[tilespmem:s5+$0x0] =	vst v0  }
0x4fb: {  	[tilespmem:s5+$0x10] =	vst v1  }
0x4fc: {  	[tilespmem:s5+$0x20] =	vst v2  }
0x4fd: {  	[tilespmem:s5+$0xFFFFFFC0] =	vst v4  }
0x4fe: {  	s5 =	sld [smem:$0x7DF];
	_ =	sdelay $0x2  }
0x4ff: {  	[hbm4b:s5+s28] =	stream.strided.scatter [tilespmem:s0], [sflag:$0x3], $0x1000, s29, s28, $0x38;
	[tilespmem:$0x1E700] =	vst v63  }
0x500: {  	_ =	swait.ge [sflag:s3], $0x1000  }
0x501: {  	[sflag:s3] =	ssyncset.done $0x0  }
0x502: {  	s16 =	simm.s32 $0x1B770;
	[sflag:s3] =	ssyncadd.s32 $0xFFFFF000  }
0x503: {  	v0 =	vld [tilespmem:s16+$0x0]  }
0x504: {  	v1 =	vld [tilespmem:s16+$0xFFFFFFA0]  }
0x505: {  	v2 =	vld [tilespmem:s16+$0xFFFFFFB0]  }
0x506: {  	v3 =	vld [tilespmem:s16+$0xFFFFFFC0]  }
0x507: {  	v4 =	vld [tilespmem:s16+$0xFFFFFFD0]  }
0x508: {  	v6 =	vld [tilespmem:s16+$0xFFFFFFE0]  }
0x509: {  	v7 =	vld [tilespmem:s16+$0xFFFFFFF0]  }
0x50a: {  	v8 =	vld [tilespmem:s16+$0xFFFFFF90]  }
0x50b: {  	v9 =	vld.idx.msk [tilespmem:v0+s25+$0x0], $0xffff  }
0x50c: {  	v10 =	vld.idx.msk [tilespmem:v1+s25+$0x0], $0xffff  }
0x50d: {  	v5 =	vld.idx.msk [tilespmem:v2+s25+$0x0], $0xffff  }
0x50e: {  	v3 =	vld.idx.msk [tilespmem:v3+s25+$0x0], $0xffff  }
0x50f: {  	v0 =	vld.idx.msk [tilespmem:v4+s25+$0x0], $0xffff  }
0x510: {  	s5 =	simm.s32 $0x1D740;
	v1 =	vld.idx.msk [tilespmem:v6+s25+$0x0], $0xffff  }
0x511: {  	v2 =	vld.idx.msk [tilespmem:v7+s25+$0x0], $0xffff;
	[tilespmem:s5+$0x30] =	vst v9  }
0x512: {  	s7 =	simm.s32 $0x0;
	s8 =	simm.s32 $0x1B7F0;
	v4 =	vld.idx.msk [tilespmem:v8+s25+$0x0], $0xffff;
	[tilespmem:s5+$0xFFFFFFD0] =	vst v10  }
.LBB2_48:
0x513: {  	v6 =	vld [tilespmem:s8+$0x0];
	s7 =	sadd.s32 $0x8, s7;
	[tilespmem:s5+$0xFFFFFFE0] =	vst v5  }
0x514: {  	v5 =	vld [tilespmem:s8+$0xFFFFFFA0];
	p1 =	slt.u32 s7, $0xF8;
	[tilespmem:s5+$0xFFFFFFF0] =	vst v3  }
0x515: {  	v3 =	vld [tilespmem:s8+$0xFFFFFFB0];
	[tilespmem:s5+$0x0] =	vst v0  }
0x516: {  	v0 =	vld [tilespmem:s8+$0xFFFFFFC0];
	[tilespmem:s5+$0x10] =	vst v1  }
0x517: {  	v1 =	vld [tilespmem:s8+$0xFFFFFFD0];
	[tilespmem:s5+$0x20] =	vst v2  }
0x518: {  	v2 =	vld [tilespmem:s8+$0xFFFFFFE0];
	[tilespmem:s5+$0xFFFFFFC0] =	vst v4  }
0x519: {  	v4 =	vld [tilespmem:s8+$0xFFFFFFF0]  }
0x51a: {  	v7 =	vld [tilespmem:s8+$0xFFFFFF90]  }
0x51b: {  	v6 =	vld.idx.msk [tilespmem:v6+s25+$0x0], $0xffff  }
0x51c: {  	v8 =	vld.idx.msk [tilespmem:v5+s25+$0x0], $0xffff  }
0x51d: {  	v5 =	vld.idx.msk [tilespmem:v3+s25+$0x0], $0xffff  }
.Ltmp23:
0x51e: {  	v3 =	vld.idx.msk [tilespmem:v0+s25+$0x0], $0xffff;
	(pc) =	sbr.rel @p1 .LBB2_48-.Ltmp23, $4  }
0x51f: {  	v0 =	vld.idx.msk [tilespmem:v1+s25+$0x0], $0xffff  }
0x520: {  	s5 =	sadd.s32 $0x80, s5;
	v1 =	vld.idx.msk [tilespmem:v2+s25+$0x0], $0xffff  }
0x521: {  	v2 =	vld.idx.msk [tilespmem:v4+s25+$0x0], $0xffff;
	[tilespmem:s5+$0x30] =	vst v6  }
0x522: {  	s8 =	sadd.s32 $0x80, s8;
	v4 =	vld.idx.msk [tilespmem:v7+s25+$0x0], $0xffff;
	[tilespmem:s5+$0xFFFFFFD0] =	vst v8  }
0x523: {  	[tilespmem:s5+$0xFFFFFFE0] =	vst v5  }
0x524: {  	[tilespmem:s5+$0xFFFFFFF0] =	vst v3  }
0x525: {  	[tilespmem:s5+$0x0] =	vst v0  }
0x526: {  	[tilespmem:s5+$0x10] =	vst v1  }
0x527: {  	[tilespmem:s5+$0x20] =	vst v2  }
0x528: {  	[tilespmem:s5+$0xFFFFFFC0] =	vst v4  }
0x529: {  	s5 =	sld [smem:$0x7E0]  }
0x52a: {  	s15 =	sld [smem:$0x7FA]  }
0x52b: {  	s8 =	rddreg [dreg:$0x14]  }
0x52c: {  	[hbm4b:s5+s28] =	stream.strided.scatter [tilespmem:s1], [sflag:$0x4], $0x1000, s29, s28, $0x38;
	[tilespmem:$0x1E700] =	vst v63  }
0x52d: {  	p1 =	seq.s32 s15, $0x1;
	s15 =	rddreg [dreg:$0x8]  }
0x52e: {  	[tilespmem:s25], [sflag:$0x1] =	stream.strided.gather [hbm4b:s8+s28], $0x18700, s29, s28, $0x38;
	[tilespmem:$0x1E700] =	vst v63  }
0x52f: {  	s5 =	simm.s32 @!p1 $0x80;
	s7 =	simm.s32 @!p1 $0x400;
	s8 =	simm.s32 @!p1 $0x18700  }
0x530: {  	[tilespmem:s8], [sflag:$0x2] =	stream.strided.gather @!p1 [hbm4b:s15+s5], $0x4000, s7, s5, $0x38;
	[tilespmem:$0x1E700] =	vst v63  }
0x531: {  	s5 =	simm.s32 @!p1 $0x2  }
0x532: {  	_ =	swait.ge @!p1 [sflag:s5], $0x4000  }
0x533: {  	[sflag:s5] =	ssyncset.done @!p1 $0x0  }
0x534: {  	[sflag:s5] =	ssyncadd.s32 @!p1 $0xFFFFC000  }
0x535: {  	_ =	swait.ge [sflag:s31], $0x18700  }
0x536: {  	[sflag:s31] =	ssyncset.done $0x0  }
0x537: {  	[sflag:s31] =	ssyncadd.s32 $0xFFFE7900  }
0x538: {  	_ =	swait.ge [sflag:s2], $0x1000  }
0x539: {  	[sflag:s2] =	ssyncset.done $0x0  }
0x53a: {  	s16 =	simm.s32 $0x18740;
	[sflag:s2] =	ssyncadd.s32 $0xFFFFF000  }
0x53b: {  	v0 =	vld [tilespmem:s16+$0x30]  }
0x53c: {  	v1 =	vld [tilespmem:s16+$0xFFFFFFD0]  }
0x53d: {  	v2 =	vld [tilespmem:s16+$0xFFFFFFE0]  }
0x53e: {  	v3 =	vld [tilespmem:s16+$0xFFFFFFF0]  }
0x53f: {  	v4 =	vld [tilespmem:s16+$0x0]  }
0x540: {  	v6 =	vld [tilespmem:s16+$0x10]  }
0x541: {  	v7 =	vld [tilespmem:s16+$0x20]  }
0x542: {  	v8 =	vld [tilespmem:s16+$0xFFFFFFC0]  }
0x543: {  	v9 =	vld.idx.msk [tilespmem:v0+s25+$0x0], $0xffff  }
0x544: {  	v10 =	vld.idx.msk [tilespmem:v1+s25+$0x0], $0xffff  }
0x545: {  	v5 =	vld.idx.msk [tilespmem:v2+s25+$0x0], $0xffff  }
0x546: {  	v3 =	vld.idx.msk [tilespmem:v3+s25+$0x0], $0xffff  }
0x547: {  	v0 =	vld.idx.msk [tilespmem:v4+s25+$0x0], $0xffff  }
0x548: {  	s5 =	simm.s32 $0x1C740;
	v1 =	vld.idx.msk [tilespmem:v6+s25+$0x0], $0xffff  }
0x549: {  	v2 =	vld.idx.msk [tilespmem:v7+s25+$0x0], $0xffff;
	[tilespmem:s5+$0x30] =	vst v9  }
0x54a: {  	s7 =	simm.s32 $0x0;
	s8 =	simm.s32 $0x187C0;
	v4 =	vld.idx.msk [tilespmem:v8+s25+$0x0], $0xffff;
	[tilespmem:s5+$0xFFFFFFD0] =	vst v10  }
.LBB2_50:
0x54b: {  	v6 =	vld [tilespmem:s8+$0x30];
	s7 =	sadd.s32 $0x8, s7;
	[tilespmem:s5+$0xFFFFFFE0] =	vst v5  }
0x54c: {  	v5 =	vld [tilespmem:s8+$0xFFFFFFD0];
	p1 =	slt.u32 s7, $0xF8;
	[tilespmem:s5+$0xFFFFFFF0] =	vst v3  }
0x54d: {  	v3 =	vld [tilespmem:s8+$0xFFFFFFE0];
	[tilespmem:s5+$0x0] =	vst v0  }
0x54e: {  	v0 =	vld [tilespmem:s8+$0xFFFFFFF0];
	[tilespmem:s5+$0x10] =	vst v1  }
0x54f: {  	v1 =	vld [tilespmem:s8+$0x0];
	[tilespmem:s5+$0x20] =	vst v2  }
0x550: {  	v2 =	vld [tilespmem:s8+$0x10];
	[tilespmem:s5+$0xFFFFFFC0] =	vst v4  }
0x551: {  	v4 =	vld [tilespmem:s8+$0x20]  }
0x552: {  	v7 =	vld [tilespmem:s8+$0xFFFFFFC0]  }
0x553: {  	v6 =	vld.idx.msk [tilespmem:v6+s25+$0x0], $0xffff  }
0x554: {  	v8 =	vld.idx.msk [tilespmem:v5+s25+$0x0], $0xffff  }
0x555: {  	v5 =	vld.idx.msk [tilespmem:v3+s25+$0x0], $0xffff  }
.Ltmp24:
0x556: {  	v3 =	vld.idx.msk [tilespmem:v0+s25+$0x0], $0xffff;
	(pc) =	sbr.rel @p1 .LBB2_50-.Ltmp24, $4  }
0x557: {  	v0 =	vld.idx.msk [tilespmem:v1+s25+$0x0], $0xffff  }
0x558: {  	s5 =	sadd.s32 $0x80, s5;
	v1 =	vld.idx.msk [tilespmem:v2+s25+$0x0], $0xffff  }
0x559: {  	v2 =	vld.idx.msk [tilespmem:v4+s25+$0x0], $0xffff;
	[tilespmem:s5+$0x30] =	vst v6  }
0x55a: {  	s8 =	sadd.s32 $0x80, s8;
	v4 =	vld.idx.msk [tilespmem:v7+s25+$0x0], $0xffff;
	[tilespmem:s5+$0xFFFFFFD0] =	vst v8  }
0x55b: {  	[tilespmem:s5+$0xFFFFFFE0] =	vst v5  }
0x55c: {  	[tilespmem:s5+$0xFFFFFFF0] =	vst v3  }
0x55d: {  	[tilespmem:s5+$0x0] =	vst v0  }
0x55e: {  	[tilespmem:s5+$0x10] =	vst v1  }
0x55f: {  	[tilespmem:s5+$0x20] =	vst v2  }
0x560: {  	[tilespmem:s5+$0xFFFFFFC0] =	vst v4  }
0x561: {  	s5 =	sld [smem:$0x7E1];
	_ =	sdelay $0x2  }
0x562: {  	[hbm4b:s5+s28] =	stream.strided.scatter [tilespmem:s0], [sflag:$0x3], $0x1000, s29, s28, $0x38;
	[tilespmem:$0x1E700] =	vst v63  }
0x563: {  	_ =	swait.ge [sflag:s3], $0x1000  }
0x564: {  	[sflag:s3] =	ssyncset.done $0x0  }
0x565: {  	s16 =	simm.s32 $0x19770;
	[sflag:s3] =	ssyncadd.s32 $0xFFFFF000  }
0x566: {  	v0 =	vld [tilespmem:s16+$0x0]  }
0x567: {  	v1 =	vld [tilespmem:s16+$0xFFFFFFA0]  }
0x568: {  	v2 =	vld [tilespmem:s16+$0xFFFFFFB0]  }
0x569: {  	v3 =	vld [tilespmem:s16+$0xFFFFFFC0]  }
0x56a: {  	v4 =	vld [tilespmem:s16+$0xFFFFFFD0]  }
0x56b: {  	v6 =	vld [tilespmem:s16+$0xFFFFFFE0]  }
0x56c: {  	v7 =	vld [tilespmem:s16+$0xFFFFFFF0]  }
0x56d: {  	v8 =	vld [tilespmem:s16+$0xFFFFFF90]  }
0x56e: {  	v9 =	vld.idx.msk [tilespmem:v0+s25+$0x0], $0xffff  }
0x56f: {  	v10 =	vld.idx.msk [tilespmem:v1+s25+$0x0], $0xffff  }
0x570: {  	v5 =	vld.idx.msk [tilespmem:v2+s25+$0x0], $0xffff  }
0x571: {  	v3 =	vld.idx.msk [tilespmem:v3+s25+$0x0], $0xffff  }
0x572: {  	v0 =	vld.idx.msk [tilespmem:v4+s25+$0x0], $0xffff  }
0x573: {  	s5 =	simm.s32 $0x1D740;
	v1 =	vld.idx.msk [tilespmem:v6+s25+$0x0], $0xffff  }
0x574: {  	v2 =	vld.idx.msk [tilespmem:v7+s25+$0x0], $0xffff;
	[tilespmem:s5+$0x30] =	vst v9  }
0x575: {  	s7 =	simm.s32 $0x0;
	s8 =	simm.s32 $0x197F0;
	v4 =	vld.idx.msk [tilespmem:v8+s25+$0x0], $0xffff;
	[tilespmem:s5+$0xFFFFFFD0] =	vst v10  }
.LBB2_52:
0x576: {  	v6 =	vld [tilespmem:s8+$0x0];
	s7 =	sadd.s32 $0x8, s7;
	[tilespmem:s5+$0xFFFFFFE0] =	vst v5  }
0x577: {  	v5 =	vld [tilespmem:s8+$0xFFFFFFA0];
	p1 =	slt.u32 s7, $0xF8;
	[tilespmem:s5+$0xFFFFFFF0] =	vst v3  }
0x578: {  	v3 =	vld [tilespmem:s8+$0xFFFFFFB0];
	[tilespmem:s5+$0x0] =	vst v0  }
0x579: {  	v0 =	vld [tilespmem:s8+$0xFFFFFFC0];
	[tilespmem:s5+$0x10] =	vst v1  }
0x57a: {  	v1 =	vld [tilespmem:s8+$0xFFFFFFD0];
	[tilespmem:s5+$0x20] =	vst v2  }
0x57b: {  	v2 =	vld [tilespmem:s8+$0xFFFFFFE0];
	[tilespmem:s5+$0xFFFFFFC0] =	vst v4  }
0x57c: {  	v4 =	vld [tilespmem:s8+$0xFFFFFFF0]  }
0x57d: {  	v7 =	vld [tilespmem:s8+$0xFFFFFF90]  }
0x57e: {  	v6 =	vld.idx.msk [tilespmem:v6+s25+$0x0], $0xffff  }
0x57f: {  	v8 =	vld.idx.msk [tilespmem:v5+s25+$0x0], $0xffff  }
0x580: {  	v5 =	vld.idx.msk [tilespmem:v3+s25+$0x0], $0xffff  }
.Ltmp25:
0x581: {  	v3 =	vld.idx.msk [tilespmem:v0+s25+$0x0], $0xffff;
	(pc) =	sbr.rel @p1 .LBB2_52-.Ltmp25, $4  }
0x582: {  	v0 =	vld.idx.msk [tilespmem:v1+s25+$0x0], $0xffff  }
0x583: {  	s5 =	sadd.s32 $0x80, s5;
	v1 =	vld.idx.msk [tilespmem:v2+s25+$0x0], $0xffff  }
0x584: {  	v2 =	vld.idx.msk [tilespmem:v4+s25+$0x0], $0xffff;
	[tilespmem:s5+$0x30] =	vst v6  }
0x585: {  	s8 =	sadd.s32 $0x80, s8;
	v4 =	vld.idx.msk [tilespmem:v7+s25+$0x0], $0xffff;
	[tilespmem:s5+$0xFFFFFFD0] =	vst v8  }
0x586: {  	[tilespmem:s5+$0xFFFFFFE0] =	vst v5  }
0x587: {  	[tilespmem:s5+$0xFFFFFFF0] =	vst v3  }
0x588: {  	[tilespmem:s5+$0x0] =	vst v0  }
0x589: {  	[tilespmem:s5+$0x10] =	vst v1  }
0x58a: {  	[tilespmem:s5+$0x20] =	vst v2  }
0x58b: {  	[tilespmem:s5+$0xFFFFFFC0] =	vst v4  }
0x58c: {  	s5 =	sld [smem:$0x7E2];
	_ =	sdelay $0x2  }
0x58d: {  	[hbm4b:s5+s28] =	stream.strided.scatter [tilespmem:s1], [sflag:$0x4], $0x1000, s29, s28, $0x38;
	[tilespmem:$0x1E700] =	vst v63  }
0x58e: {  	_ =	swait.ge [sflag:s2], $0x1000  }
0x58f: {  	[sflag:s2] =	ssyncset.done $0x0  }
0x590: {  	s16 =	simm.s32 $0x1A770;
	[sflag:s2] =	ssyncadd.s32 $0xFFFFF000  }
0x591: {  	v0 =	vld [tilespmem:s16+$0x0]  }
0x592: {  	v1 =	vld [tilespmem:s16+$0xFFFFFFA0]  }
0x593: {  	v2 =	vld [tilespmem:s16+$0xFFFFFFB0]  }
0x594: {  	v3 =	vld [tilespmem:s16+$0xFFFFFFC0]  }
0x595: {  	v4 =	vld [tilespmem:s16+$0xFFFFFFD0]  }
0x596: {  	v6 =	vld [tilespmem:s16+$0xFFFFFFE0]  }
0x597: {  	v7 =	vld [tilespmem:s16+$0xFFFFFFF0]  }
0x598: {  	v8 =	vld [tilespmem:s16+$0xFFFFFF90]  }
0x599: {  	v9 =	vld.idx.msk [tilespmem:v0+s25+$0x0], $0xffff  }
0x59a: {  	v10 =	vld.idx.msk [tilespmem:v1+s25+$0x0], $0xffff  }
0x59b: {  	v5 =	vld.idx.msk [tilespmem:v2+s25+$0x0], $0xffff  }
0x59c: {  	v3 =	vld.idx.msk [tilespmem:v3+s25+$0x0], $0xffff  }
0x59d: {  	v0 =	vld.idx.msk [tilespmem:v4+s25+$0x0], $0xffff  }
0x59e: {  	s5 =	simm.s32 $0x1C740;
	v1 =	vld.idx.msk [tilespmem:v6+s25+$0x0], $0xffff  }
0x59f: {  	v2 =	vld.idx.msk [tilespmem:v7+s25+$0x0], $0xffff;
	[tilespmem:s5+$0x30] =	vst v9  }
0x5a0: {  	s7 =	simm.s32 $0x0;
	s8 =	simm.s32 $0x1A7F0;
	v4 =	vld.idx.msk [tilespmem:v8+s25+$0x0], $0xffff;
	[tilespmem:s5+$0xFFFFFFD0] =	vst v10  }
.LBB2_54:
0x5a1: {  	v6 =	vld [tilespmem:s8+$0x0];
	s7 =	sadd.s32 $0x8, s7;
	[tilespmem:s5+$0xFFFFFFE0] =	vst v5  }
0x5a2: {  	v5 =	vld [tilespmem:s8+$0xFFFFFFA0];
	p1 =	slt.u32 s7, $0xF8;
	[tilespmem:s5+$0xFFFFFFF0] =	vst v3  }
0x5a3: {  	v3 =	vld [tilespmem:s8+$0xFFFFFFB0];
	[tilespmem:s5+$0x0] =	vst v0  }
0x5a4: {  	v0 =	vld [tilespmem:s8+$0xFFFFFFC0];
	[tilespmem:s5+$0x10] =	vst v1  }
0x5a5: {  	v1 =	vld [tilespmem:s8+$0xFFFFFFD0];
	[tilespmem:s5+$0x20] =	vst v2  }
0x5a6: {  	v2 =	vld [tilespmem:s8+$0xFFFFFFE0];
	[tilespmem:s5+$0xFFFFFFC0] =	vst v4  }
0x5a7: {  	v4 =	vld [tilespmem:s8+$0xFFFFFFF0]  }
0x5a8: {  	v7 =	vld [tilespmem:s8+$0xFFFFFF90]  }
0x5a9: {  	v6 =	vld.idx.msk [tilespmem:v6+s25+$0x0], $0xffff  }
0x5aa: {  	v8 =	vld.idx.msk [tilespmem:v5+s25+$0x0], $0xffff  }
0x5ab: {  	v5 =	vld.idx.msk [tilespmem:v3+s25+$0x0], $0xffff  }
.Ltmp26:
0x5ac: {  	v3 =	vld.idx.msk [tilespmem:v0+s25+$0x0], $0xffff;
	(pc) =	sbr.rel @p1 .LBB2_54-.Ltmp26, $4  }
0x5ad: {  	v0 =	vld.idx.msk [tilespmem:v1+s25+$0x0], $0xffff  }
0x5ae: {  	s5 =	sadd.s32 $0x80, s5;
	v1 =	vld.idx.msk [tilespmem:v2+s25+$0x0], $0xffff  }
0x5af: {  	v2 =	vld.idx.msk [tilespmem:v4+s25+$0x0], $0xffff;
	[tilespmem:s5+$0x30] =	vst v6  }
0x5b0: {  	s8 =	sadd.s32 $0x80, s8;
	v4 =	vld.idx.msk [tilespmem:v7+s25+$0x0], $0xffff;
	[tilespmem:s5+$0xFFFFFFD0] =	vst v8  }
0x5b1: {  	[tilespmem:s5+$0xFFFFFFE0] =	vst v5  }
0x5b2: {  	[tilespmem:s5+$0xFFFFFFF0] =	vst v3  }
0x5b3: {  	[tilespmem:s5+$0x0] =	vst v0  }
0x5b4: {  	[tilespmem:s5+$0x10] =	vst v1  }
0x5b5: {  	[tilespmem:s5+$0x20] =	vst v2  }
0x5b6: {  	[tilespmem:s5+$0xFFFFFFC0] =	vst v4  }
0x5b7: {  	s5 =	sld [smem:$0x7E3];
	_ =	sdelay $0x2  }
0x5b8: {  	[hbm4b:s5+s28] =	stream.strided.scatter [tilespmem:s0], [sflag:$0x3], $0x1000, s29, s28, $0x38;
	[tilespmem:$0x1E700] =	vst v63  }
0x5b9: {  	_ =	swait.ge [sflag:s3], $0x1000  }
0x5ba: {  	[sflag:s3] =	ssyncset.done $0x0  }
0x5bb: {  	s16 =	simm.s32 $0x1B770;
	[sflag:s3] =	ssyncadd.s32 $0xFFFFF000  }
0x5bc: {  	v0 =	vld [tilespmem:s16+$0x0]  }
0x5bd: {  	v1 =	vld [tilespmem:s16+$0xFFFFFFA0]  }
0x5be: {  	v2 =	vld [tilespmem:s16+$0xFFFFFFB0]  }
0x5bf: {  	v3 =	vld [tilespmem:s16+$0xFFFFFFC0]  }
0x5c0: {  	v4 =	vld [tilespmem:s16+$0xFFFFFFD0]  }
0x5c1: {  	v6 =	vld [tilespmem:s16+$0xFFFFFFE0]  }
0x5c2: {  	v7 =	vld [tilespmem:s16+$0xFFFFFFF0]  }
0x5c3: {  	v8 =	vld [tilespmem:s16+$0xFFFFFF90]  }
0x5c4: {  	v9 =	vld.idx.msk [tilespmem:v0+s25+$0x0], $0xffff  }
0x5c5: {  	v10 =	vld.idx.msk [tilespmem:v1+s25+$0x0], $0xffff  }
0x5c6: {  	v5 =	vld.idx.msk [tilespmem:v2+s25+$0x0], $0xffff  }
0x5c7: {  	v3 =	vld.idx.msk [tilespmem:v3+s25+$0x0], $0xffff  }
0x5c8: {  	v0 =	vld.idx.msk [tilespmem:v4+s25+$0x0], $0xffff  }
0x5c9: {  	s5 =	simm.s32 $0x1D740;
	v1 =	vld.idx.msk [tilespmem:v6+s25+$0x0], $0xffff  }
0x5ca: {  	v2 =	vld.idx.msk [tilespmem:v7+s25+$0x0], $0xffff;
	[tilespmem:s5+$0x30] =	vst v9  }
0x5cb: {  	s7 =	simm.s32 $0x0;
	s8 =	simm.s32 $0x1B7F0;
	v4 =	vld.idx.msk [tilespmem:v8+s25+$0x0], $0xffff;
	[tilespmem:s5+$0xFFFFFFD0] =	vst v10  }
.LBB2_56:
0x5cc: {  	v6 =	vld [tilespmem:s8+$0x0];
	s7 =	sadd.s32 $0x8, s7;
	[tilespmem:s5+$0xFFFFFFE0] =	vst v5  }
0x5cd: {  	v5 =	vld [tilespmem:s8+$0xFFFFFFA0];
	p1 =	slt.u32 s7, $0xF8;
	[tilespmem:s5+$0xFFFFFFF0] =	vst v3  }
0x5ce: {  	v3 =	vld [tilespmem:s8+$0xFFFFFFB0];
	[tilespmem:s5+$0x0] =	vst v0  }
0x5cf: {  	v0 =	vld [tilespmem:s8+$0xFFFFFFC0];
	[tilespmem:s5+$0x10] =	vst v1  }
0x5d0: {  	v1 =	vld [tilespmem:s8+$0xFFFFFFD0];
	[tilespmem:s5+$0x20] =	vst v2  }
0x5d1: {  	v2 =	vld [tilespmem:s8+$0xFFFFFFE0];
	[tilespmem:s5+$0xFFFFFFC0] =	vst v4  }
0x5d2: {  	v4 =	vld [tilespmem:s8+$0xFFFFFFF0]  }
0x5d3: {  	v7 =	vld [tilespmem:s8+$0xFFFFFF90]  }
0x5d4: {  	v6 =	vld.idx.msk [tilespmem:v6+s25+$0x0], $0xffff  }
0x5d5: {  	v8 =	vld.idx.msk [tilespmem:v5+s25+$0x0], $0xffff  }
0x5d6: {  	v5 =	vld.idx.msk [tilespmem:v3+s25+$0x0], $0xffff  }
.Ltmp27:
0x5d7: {  	v3 =	vld.idx.msk [tilespmem:v0+s25+$0x0], $0xffff;
	(pc) =	sbr.rel @p1 .LBB2_56-.Ltmp27, $4  }
0x5d8: {  	v0 =	vld.idx.msk [tilespmem:v1+s25+$0x0], $0xffff  }
0x5d9: {  	s5 =	sadd.s32 $0x80, s5;
	v1 =	vld.idx.msk [tilespmem:v2+s25+$0x0], $0xffff  }
0x5da: {  	v2 =	vld.idx.msk [tilespmem:v4+s25+$0x0], $0xffff;
	[tilespmem:s5+$0x30] =	vst v6  }
0x5db: {  	s8 =	sadd.s32 $0x80, s8;
	v4 =	vld.idx.msk [tilespmem:v7+s25+$0x0], $0xffff;
	[tilespmem:s5+$0xFFFFFFD0] =	vst v8  }
0x5dc: {  	[tilespmem:s5+$0xFFFFFFE0] =	vst v5  }
0x5dd: {  	[tilespmem:s5+$0xFFFFFFF0] =	vst v3  }
0x5de: {  	[tilespmem:s5+$0x0] =	vst v0  }
0x5df: {  	[tilespmem:s5+$0x10] =	vst v1  }
0x5e0: {  	[tilespmem:s5+$0x20] =	vst v2  }
0x5e1: {  	[tilespmem:s5+$0xFFFFFFC0] =	vst v4  }
0x5e2: {  	s5 =	sld [smem:$0x7E4]  }
0x5e3: {  	s15 =	sld [smem:$0x7FB]  }
0x5e4: {  	s8 =	rddreg [dreg:$0x15]  }
0x5e5: {  	[hbm4b:s5+s28] =	stream.strided.scatter [tilespmem:s1], [sflag:$0x4], $0x1000, s29, s28, $0x38;
	[tilespmem:$0x1E700] =	vst v63  }
0x5e6: {  	p1 =	seq.s32 s15, $0x1;
	s15 =	rddreg [dreg:$0x9]  }
0x5e7: {  	[tilespmem:s25], [sflag:$0x1] =	stream.strided.gather [hbm4b:s8+s28], $0x18700, s29, s28, $0x38;
	[tilespmem:$0x1E700] =	vst v63  }
0x5e8: {  	s5 =	simm.s32 @!p1 $0x80;
	s7 =	simm.s32 @!p1 $0x400;
	s8 =	simm.s32 @!p1 $0x18700  }
0x5e9: {  	[tilespmem:s8], [sflag:$0x2] =	stream.strided.gather @!p1 [hbm4b:s15+s5], $0x4000, s7, s5, $0x38;
	[tilespmem:$0x1E700] =	vst v63  }
0x5ea: {  	s5 =	simm.s32 @!p1 $0x2  }
0x5eb: {  	_ =	swait.ge @!p1 [sflag:s5], $0x4000  }
0x5ec: {  	[sflag:s5] =	ssyncset.done @!p1 $0x0  }
0x5ed: {  	[sflag:s5] =	ssyncadd.s32 @!p1 $0xFFFFC000  }
0x5ee: {  	_ =	swait.ge [sflag:s31], $0x18700  }
0x5ef: {  	[sflag:s31] =	ssyncset.done $0x0  }
0x5f0: {  	[sflag:s31] =	ssyncadd.s32 $0xFFFE7900  }
0x5f1: {  	_ =	swait.ge [sflag:s2], $0x1000  }
0x5f2: {  	[sflag:s2] =	ssyncset.done $0x0  }
0x5f3: {  	s16 =	simm.s32 $0x18740;
	[sflag:s2] =	ssyncadd.s32 $0xFFFFF000  }
0x5f4: {  	v0 =	vld [tilespmem:s16+$0x30]  }
0x5f5: {  	v1 =	vld [tilespmem:s16+$0xFFFFFFD0]  }
0x5f6: {  	v2 =	vld [tilespmem:s16+$0xFFFFFFE0]  }
0x5f7: {  	v3 =	vld [tilespmem:s16+$0xFFFFFFF0]  }
0x5f8: {  	v4 =	vld [tilespmem:s16+$0x0]  }
0x5f9: {  	v6 =	vld [tilespmem:s16+$0x10]  }
0x5fa: {  	v7 =	vld [tilespmem:s16+$0x20]  }
0x5fb: {  	v8 =	vld [tilespmem:s16+$0xFFFFFFC0]  }
0x5fc: {  	v9 =	vld.idx.msk [tilespmem:v0+s25+$0x0], $0xffff  }
0x5fd: {  	v10 =	vld.idx.msk [tilespmem:v1+s25+$0x0], $0xffff  }
0x5fe: {  	v5 =	vld.idx.msk [tilespmem:v2+s25+$0x0], $0xffff  }
0x5ff: {  	v3 =	vld.idx.msk [tilespmem:v3+s25+$0x0], $0xffff  }
0x600: {  	v0 =	vld.idx.msk [tilespmem:v4+s25+$0x0], $0xffff  }
0x601: {  	s5 =	simm.s32 $0x1C740;
	v1 =	vld.idx.msk [tilespmem:v6+s25+$0x0], $0xffff  }
0x602: {  	v2 =	vld.idx.msk [tilespmem:v7+s25+$0x0], $0xffff;
	[tilespmem:s5+$0x30] =	vst v9  }
0x603: {  	s7 =	simm.s32 $0x0;
	s8 =	simm.s32 $0x187C0;
	v4 =	vld.idx.msk [tilespmem:v8+s25+$0x0], $0xffff;
	[tilespmem:s5+$0xFFFFFFD0] =	vst v10  }
.LBB2_58:
0x604: {  	v6 =	vld [tilespmem:s8+$0x30];
	s7 =	sadd.s32 $0x8, s7;
	[tilespmem:s5+$0xFFFFFFE0] =	vst v5  }
0x605: {  	v5 =	vld [tilespmem:s8+$0xFFFFFFD0];
	p1 =	slt.u32 s7, $0xF8;
	[tilespmem:s5+$0xFFFFFFF0] =	vst v3  }
0x606: {  	v3 =	vld [tilespmem:s8+$0xFFFFFFE0];
	[tilespmem:s5+$0x0] =	vst v0  }
0x607: {  	v0 =	vld [tilespmem:s8+$0xFFFFFFF0];
	[tilespmem:s5+$0x10] =	vst v1  }
0x608: {  	v1 =	vld [tilespmem:s8+$0x0];
	[tilespmem:s5+$0x20] =	vst v2  }
0x609: {  	v2 =	vld [tilespmem:s8+$0x10];
	[tilespmem:s5+$0xFFFFFFC0] =	vst v4  }
0x60a: {  	v4 =	vld [tilespmem:s8+$0x20]  }
0x60b: {  	v7 =	vld [tilespmem:s8+$0xFFFFFFC0]  }
0x60c: {  	v6 =	vld.idx.msk [tilespmem:v6+s25+$0x0], $0xffff  }
0x60d: {  	v8 =	vld.idx.msk [tilespmem:v5+s25+$0x0], $0xffff  }
0x60e: {  	v5 =	vld.idx.msk [tilespmem:v3+s25+$0x0], $0xffff  }
.Ltmp28:
0x60f: {  	v3 =	vld.idx.msk [tilespmem:v0+s25+$0x0], $0xffff;
	(pc) =	sbr.rel @p1 .LBB2_58-.Ltmp28, $4  }
0x610: {  	v0 =	vld.idx.msk [tilespmem:v1+s25+$0x0], $0xffff  }
0x611: {  	s5 =	sadd.s32 $0x80, s5;
	v1 =	vld.idx.msk [tilespmem:v2+s25+$0x0], $0xffff  }
0x612: {  	v2 =	vld.idx.msk [tilespmem:v4+s25+$0x0], $0xffff;
	[tilespmem:s5+$0x30] =	vst v6  }
0x613: {  	s8 =	sadd.s32 $0x80, s8;
	v4 =	vld.idx.msk [tilespmem:v7+s25+$0x0], $0xffff;
	[tilespmem:s5+$0xFFFFFFD0] =	vst v8  }
0x614: {  	[tilespmem:s5+$0xFFFFFFE0] =	vst v5  }
0x615: {  	[tilespmem:s5+$0xFFFFFFF0] =	vst v3  }
0x616: {  	[tilespmem:s5+$0x0] =	vst v0  }
0x617: {  	[tilespmem:s5+$0x10] =	vst v1  }
0x618: {  	[tilespmem:s5+$0x20] =	vst v2  }
0x619: {  	[tilespmem:s5+$0xFFFFFFC0] =	vst v4  }
0x61a: {  	s5 =	sld [smem:$0x7E5];
	_ =	sdelay $0x2  }
0x61b: {  	[hbm4b:s5+s28] =	stream.strided.scatter [tilespmem:s0], [sflag:$0x3], $0x1000, s29, s28, $0x38;
	[tilespmem:$0x1E700] =	vst v63  }
0x61c: {  	_ =	swait.ge [sflag:s3], $0x1000  }
0x61d: {  	[sflag:s3] =	ssyncset.done $0x0  }
0x61e: {  	s16 =	simm.s32 $0x19770;
	[sflag:s3] =	ssyncadd.s32 $0xFFFFF000  }
0x61f: {  	v0 =	vld [tilespmem:s16+$0x0]  }
0x620: {  	v1 =	vld [tilespmem:s16+$0xFFFFFFA0]  }
0x621: {  	v2 =	vld [tilespmem:s16+$0xFFFFFFB0]  }
0x622: {  	v3 =	vld [tilespmem:s16+$0xFFFFFFC0]  }
0x623: {  	v4 =	vld [tilespmem:s16+$0xFFFFFFD0]  }
0x624: {  	v6 =	vld [tilespmem:s16+$0xFFFFFFE0]  }
0x625: {  	v7 =	vld [tilespmem:s16+$0xFFFFFFF0]  }
0x626: {  	v8 =	vld [tilespmem:s16+$0xFFFFFF90]  }
0x627: {  	v9 =	vld.idx.msk [tilespmem:v0+s25+$0x0], $0xffff  }
0x628: {  	v10 =	vld.idx.msk [tilespmem:v1+s25+$0x0], $0xffff  }
0x629: {  	v5 =	vld.idx.msk [tilespmem:v2+s25+$0x0], $0xffff  }
0x62a: {  	v3 =	vld.idx.msk [tilespmem:v3+s25+$0x0], $0xffff  }
0x62b: {  	v0 =	vld.idx.msk [tilespmem:v4+s25+$0x0], $0xffff  }
0x62c: {  	s5 =	simm.s32 $0x1D740;
	v1 =	vld.idx.msk [tilespmem:v6+s25+$0x0], $0xffff  }
0x62d: {  	v2 =	vld.idx.msk [tilespmem:v7+s25+$0x0], $0xffff;
	[tilespmem:s5+$0x30] =	vst v9  }
0x62e: {  	s7 =	simm.s32 $0x0;
	s8 =	simm.s32 $0x197F0;
	v4 =	vld.idx.msk [tilespmem:v8+s25+$0x0], $0xffff;
	[tilespmem:s5+$0xFFFFFFD0] =	vst v10  }
.LBB2_60:
0x62f: {  	v6 =	vld [tilespmem:s8+$0x0];
	s7 =	sadd.s32 $0x8, s7;
	[tilespmem:s5+$0xFFFFFFE0] =	vst v5  }
0x630: {  	v5 =	vld [tilespmem:s8+$0xFFFFFFA0];
	p1 =	slt.u32 s7, $0xF8;
	[tilespmem:s5+$0xFFFFFFF0] =	vst v3  }
0x631: {  	v3 =	vld [tilespmem:s8+$0xFFFFFFB0];
	[tilespmem:s5+$0x0] =	vst v0  }
0x632: {  	v0 =	vld [tilespmem:s8+$0xFFFFFFC0];
	[tilespmem:s5+$0x10] =	vst v1  }
0x633: {  	v1 =	vld [tilespmem:s8+$0xFFFFFFD0];
	[tilespmem:s5+$0x20] =	vst v2  }
0x634: {  	v2 =	vld [tilespmem:s8+$0xFFFFFFE0];
	[tilespmem:s5+$0xFFFFFFC0] =	vst v4  }
0x635: {  	v4 =	vld [tilespmem:s8+$0xFFFFFFF0]  }
0x636: {  	v7 =	vld [tilespmem:s8+$0xFFFFFF90]  }
0x637: {  	v6 =	vld.idx.msk [tilespmem:v6+s25+$0x0], $0xffff  }
0x638: {  	v8 =	vld.idx.msk [tilespmem:v5+s25+$0x0], $0xffff  }
0x639: {  	v5 =	vld.idx.msk [tilespmem:v3+s25+$0x0], $0xffff  }
.Ltmp29:
0x63a: {  	v3 =	vld.idx.msk [tilespmem:v0+s25+$0x0], $0xffff;
	(pc) =	sbr.rel @p1 .LBB2_60-.Ltmp29, $4  }
0x63b: {  	v0 =	vld.idx.msk [tilespmem:v1+s25+$0x0], $0xffff  }
0x63c: {  	s5 =	sadd.s32 $0x80, s5;
	v1 =	vld.idx.msk [tilespmem:v2+s25+$0x0], $0xffff  }
0x63d: {  	v2 =	vld.idx.msk [tilespmem:v4+s25+$0x0], $0xffff;
	[tilespmem:s5+$0x30] =	vst v6  }
0x63e: {  	s8 =	sadd.s32 $0x80, s8;
	v4 =	vld.idx.msk [tilespmem:v7+s25+$0x0], $0xffff;
	[tilespmem:s5+$0xFFFFFFD0] =	vst v8  }
0x63f: {  	[tilespmem:s5+$0xFFFFFFE0] =	vst v5  }
0x640: {  	[tilespmem:s5+$0xFFFFFFF0] =	vst v3  }
0x641: {  	[tilespmem:s5+$0x0] =	vst v0  }
0x642: {  	[tilespmem:s5+$0x10] =	vst v1  }
0x643: {  	[tilespmem:s5+$0x20] =	vst v2  }
0x644: {  	[tilespmem:s5+$0xFFFFFFC0] =	vst v4  }
0x645: {  	s5 =	sld [smem:$0x7E6];
	_ =	sdelay $0x2  }
0x646: {  	[hbm4b:s5+s28] =	stream.strided.scatter [tilespmem:s1], [sflag:$0x4], $0x1000, s29, s28, $0x38;
	[tilespmem:$0x1E700] =	vst v63  }
0x647: {  	_ =	swait.ge [sflag:s2], $0x1000  }
0x648: {  	[sflag:s2] =	ssyncset.done $0x0  }
0x649: {  	s16 =	simm.s32 $0x1A770;
	[sflag:s2] =	ssyncadd.s32 $0xFFFFF000  }
0x64a: {  	v0 =	vld [tilespmem:s16+$0x0]  }
0x64b: {  	v1 =	vld [tilespmem:s16+$0xFFFFFFA0]  }
0x64c: {  	v2 =	vld [tilespmem:s16+$0xFFFFFFB0]  }
0x64d: {  	v3 =	vld [tilespmem:s16+$0xFFFFFFC0]  }
0x64e: {  	v4 =	vld [tilespmem:s16+$0xFFFFFFD0]  }
0x64f: {  	v6 =	vld [tilespmem:s16+$0xFFFFFFE0]  }
0x650: {  	v7 =	vld [tilespmem:s16+$0xFFFFFFF0]  }
0x651: {  	v8 =	vld [tilespmem:s16+$0xFFFFFF90]  }
0x652: {  	v9 =	vld.idx.msk [tilespmem:v0+s25+$0x0], $0xffff  }
0x653: {  	v10 =	vld.idx.msk [tilespmem:v1+s25+$0x0], $0xffff  }
0x654: {  	v5 =	vld.idx.msk [tilespmem:v2+s25+$0x0], $0xffff  }
0x655: {  	v3 =	vld.idx.msk [tilespmem:v3+s25+$0x0], $0xffff  }
0x656: {  	v0 =	vld.idx.msk [tilespmem:v4+s25+$0x0], $0xffff  }
0x657: {  	s5 =	simm.s32 $0x1C740;
	v1 =	vld.idx.msk [tilespmem:v6+s25+$0x0], $0xffff  }
0x658: {  	v2 =	vld.idx.msk [tilespmem:v7+s25+$0x0], $0xffff;
	[tilespmem:s5+$0x30] =	vst v9  }
0x659: {  	s7 =	simm.s32 $0x0;
	s8 =	simm.s32 $0x1A7F0;
	v4 =	vld.idx.msk [tilespmem:v8+s25+$0x0], $0xffff;
	[tilespmem:s5+$0xFFFFFFD0] =	vst v10  }
.LBB2_62:
0x65a: {  	v6 =	vld [tilespmem:s8+$0x0];
	s7 =	sadd.s32 $0x8, s7;
	[tilespmem:s5+$0xFFFFFFE0] =	vst v5  }
0x65b: {  	v5 =	vld [tilespmem:s8+$0xFFFFFFA0];
	p1 =	slt.u32 s7, $0xF8;
	[tilespmem:s5+$0xFFFFFFF0] =	vst v3  }
0x65c: {  	v3 =	vld [tilespmem:s8+$0xFFFFFFB0];
	[tilespmem:s5+$0x0] =	vst v0  }
0x65d: {  	v0 =	vld [tilespmem:s8+$0xFFFFFFC0];
	[tilespmem:s5+$0x10] =	vst v1  }
0x65e: {  	v1 =	vld [tilespmem:s8+$0xFFFFFFD0];
	[tilespmem:s5+$0x20] =	vst v2  }
0x65f: {  	v2 =	vld [tilespmem:s8+$0xFFFFFFE0];
	[tilespmem:s5+$0xFFFFFFC0] =	vst v4  }
0x660: {  	v4 =	vld [tilespmem:s8+$0xFFFFFFF0]  }
0x661: {  	v7 =	vld [tilespmem:s8+$0xFFFFFF90]  }
0x662: {  	v6 =	vld.idx.msk [tilespmem:v6+s25+$0x0], $0xffff  }
0x663: {  	v8 =	vld.idx.msk [tilespmem:v5+s25+$0x0], $0xffff  }
0x664: {  	v5 =	vld.idx.msk [tilespmem:v3+s25+$0x0], $0xffff  }
.Ltmp30:
0x665: {  	v3 =	vld.idx.msk [tilespmem:v0+s25+$0x0], $0xffff;
	(pc) =	sbr.rel @p1 .LBB2_62-.Ltmp30, $4  }
0x666: {  	v0 =	vld.idx.msk [tilespmem:v1+s25+$0x0], $0xffff  }
0x667: {  	s5 =	sadd.s32 $0x80, s5;
	v1 =	vld.idx.msk [tilespmem:v2+s25+$0x0], $0xffff  }
0x668: {  	v2 =	vld.idx.msk [tilespmem:v4+s25+$0x0], $0xffff;
	[tilespmem:s5+$0x30] =	vst v6  }
0x669: {  	s8 =	sadd.s32 $0x80, s8;
	v4 =	vld.idx.msk [tilespmem:v7+s25+$0x0], $0xffff;
	[tilespmem:s5+$0xFFFFFFD0] =	vst v8  }
0x66a: {  	[tilespmem:s5+$0xFFFFFFE0] =	vst v5  }
0x66b: {  	[tilespmem:s5+$0xFFFFFFF0] =	vst v3  }
0x66c: {  	[tilespmem:s5+$0x0] =	vst v0  }
0x66d: {  	[tilespmem:s5+$0x10] =	vst v1  }
0x66e: {  	[tilespmem:s5+$0x20] =	vst v2  }
0x66f: {  	[tilespmem:s5+$0xFFFFFFC0] =	vst v4  }
0x670: {  	s5 =	sld [smem:$0x7E7];
	_ =	sdelay $0x2  }
0x671: {  	[hbm4b:s5+s28] =	stream.strided.scatter [tilespmem:s0], [sflag:$0x3], $0x1000, s29, s28, $0x38;
	[tilespmem:$0x1E700] =	vst v63  }
0x672: {  	_ =	swait.ge [sflag:s3], $0x1000  }
0x673: {  	[sflag:s3] =	ssyncset.done $0x0  }
0x674: {  	s16 =	simm.s32 $0x1B770;
	[sflag:s3] =	ssyncadd.s32 $0xFFFFF000  }
0x675: {  	v0 =	vld [tilespmem:s16+$0x0]  }
0x676: {  	v1 =	vld [tilespmem:s16+$0xFFFFFFA0]  }
0x677: {  	v2 =	vld [tilespmem:s16+$0xFFFFFFB0]  }
0x678: {  	v3 =	vld [tilespmem:s16+$0xFFFFFFC0]  }
0x679: {  	v4 =	vld [tilespmem:s16+$0xFFFFFFD0]  }
0x67a: {  	v6 =	vld [tilespmem:s16+$0xFFFFFFE0]  }
0x67b: {  	v7 =	vld [tilespmem:s16+$0xFFFFFFF0]  }
0x67c: {  	v8 =	vld [tilespmem:s16+$0xFFFFFF90]  }
0x67d: {  	v9 =	vld.idx.msk [tilespmem:v0+s25+$0x0], $0xffff  }
0x67e: {  	v10 =	vld.idx.msk [tilespmem:v1+s25+$0x0], $0xffff  }
0x67f: {  	v5 =	vld.idx.msk [tilespmem:v2+s25+$0x0], $0xffff  }
0x680: {  	v3 =	vld.idx.msk [tilespmem:v3+s25+$0x0], $0xffff  }
0x681: {  	v0 =	vld.idx.msk [tilespmem:v4+s25+$0x0], $0xffff  }
0x682: {  	s5 =	simm.s32 $0x1D740;
	v1 =	vld.idx.msk [tilespmem:v6+s25+$0x0], $0xffff  }
0x683: {  	v2 =	vld.idx.msk [tilespmem:v7+s25+$0x0], $0xffff;
	[tilespmem:s5+$0x30] =	vst v9  }
0x684: {  	s7 =	simm.s32 $0x0;
	s8 =	simm.s32 $0x1B7F0;
	v4 =	vld.idx.msk [tilespmem:v8+s25+$0x0], $0xffff;
	[tilespmem:s5+$0xFFFFFFD0] =	vst v10  }
.LBB2_64:
0x685: {  	v6 =	vld [tilespmem:s8+$0x0];
	s7 =	sadd.s32 $0x8, s7;
	[tilespmem:s5+$0xFFFFFFE0] =	vst v5  }
0x686: {  	v5 =	vld [tilespmem:s8+$0xFFFFFFA0];
	p1 =	slt.u32 s7, $0xF8;
	[tilespmem:s5+$0xFFFFFFF0] =	vst v3  }
0x687: {  	v3 =	vld [tilespmem:s8+$0xFFFFFFB0];
	[tilespmem:s5+$0x0] =	vst v0  }
0x688: {  	v0 =	vld [tilespmem:s8+$0xFFFFFFC0];
	[tilespmem:s5+$0x10] =	vst v1  }
0x689: {  	v1 =	vld [tilespmem:s8+$0xFFFFFFD0];
	[tilespmem:s5+$0x20] =	vst v2  }
0x68a: {  	v2 =	vld [tilespmem:s8+$0xFFFFFFE0];
	[tilespmem:s5+$0xFFFFFFC0] =	vst v4  }
0x68b: {  	v4 =	vld [tilespmem:s8+$0xFFFFFFF0]  }
0x68c: {  	v7 =	vld [tilespmem:s8+$0xFFFFFF90]  }
0x68d: {  	v6 =	vld.idx.msk [tilespmem:v6+s25+$0x0], $0xffff  }
0x68e: {  	v8 =	vld.idx.msk [tilespmem:v5+s25+$0x0], $0xffff  }
0x68f: {  	v5 =	vld.idx.msk [tilespmem:v3+s25+$0x0], $0xffff  }
.Ltmp31:
0x690: {  	v3 =	vld.idx.msk [tilespmem:v0+s25+$0x0], $0xffff;
	(pc) =	sbr.rel @p1 .LBB2_64-.Ltmp31, $4  }
0x691: {  	v0 =	vld.idx.msk [tilespmem:v1+s25+$0x0], $0xffff  }
0x692: {  	s5 =	sadd.s32 $0x80, s5;
	v1 =	vld.idx.msk [tilespmem:v2+s25+$0x0], $0xffff  }
0x693: {  	v2 =	vld.idx.msk [tilespmem:v4+s25+$0x0], $0xffff;
	[tilespmem:s5+$0x30] =	vst v6  }
0x694: {  	s8 =	sadd.s32 $0x80, s8;
	v4 =	vld.idx.msk [tilespmem:v7+s25+$0x0], $0xffff;
	[tilespmem:s5+$0xFFFFFFD0] =	vst v8  }
0x695: {  	[tilespmem:s5+$0xFFFFFFE0] =	vst v5  }
0x696: {  	[tilespmem:s5+$0xFFFFFFF0] =	vst v3  }
0x697: {  	[tilespmem:s5+$0x0] =	vst v0  }
0x698: {  	[tilespmem:s5+$0x10] =	vst v1  }
0x699: {  	[tilespmem:s5+$0x20] =	vst v2  }
0x69a: {  	[tilespmem:s5+$0xFFFFFFC0] =	vst v4  }
0x69b: {  	s5 =	sld [smem:$0x7E8];
	_ =	sdelay $0x2  }
0x69c: {  	[hbm4b:s5+s28] =	stream.strided.scatter [tilespmem:s1], [sflag:$0x4], $0x1000, s29, s28, $0x38;
	[tilespmem:$0x1E700] =	vst v63  }
0x69d: {  	s7 =	simm.s32 @!p2 $0x400;
	s15 =	rddreg [dreg:$0x16]  }
0x69e: {  	[tilespmem:s25], [sflag:$0x1] =	stream.strided.gather [hbm4b:s15+s28], $0x18700, s29, s28, $0x38;
	[tilespmem:$0x1E700] =	vst v63  }
0x69f: {  	s8 =	simm.s32 @!p2 $0x18700;
	s5 =	simm.s32 @!p2 $0x80;
	s15 =	rddreg [dreg:$0xa]  }
0x6a0: {  	[tilespmem:s8], [sflag:$0x2] =	stream.strided.gather @!p2 [hbm4b:s15+s5], $0x4000, s7, s5, $0x38;
	[tilespmem:$0x1E700] =	vst v63  }
0x6a1: {  	s5 =	simm.s32 @!p2 $0x2  }
0x6a2: {  	_ =	swait.ge @!p2 [sflag:s5], $0x4000  }
0x6a3: {  	[sflag:s5] =	ssyncset.done @!p2 $0x0  }
0x6a4: {  	[sflag:s5] =	ssyncadd.s32 @!p2 $0xFFFFC000  }
0x6a5: {  	_ =	swait.ge [sflag:s31], $0x18700  }
0x6a6: {  	[sflag:s31] =	ssyncset.done $0x0  }
0x6a7: {  	[sflag:s31] =	ssyncadd.s32 $0xFFFE7900  }
0x6a8: {  	_ =	swait.ge [sflag:s2], $0x1000  }
0x6a9: {  	[sflag:s2] =	ssyncset.done $0x0  }
0x6aa: {  	s16 =	simm.s32 $0x18740;
	[sflag:s2] =	ssyncadd.s32 $0xFFFFF000  }
0x6ab: {  	v0 =	vld [tilespmem:s16+$0x30]  }
0x6ac: {  	v1 =	vld [tilespmem:s16+$0xFFFFFFD0]  }
0x6ad: {  	v2 =	vld [tilespmem:s16+$0xFFFFFFE0]  }
0x6ae: {  	v3 =	vld [tilespmem:s16+$0xFFFFFFF0]  }
0x6af: {  	v4 =	vld [tilespmem:s16+$0x0]  }
0x6b0: {  	v6 =	vld [tilespmem:s16+$0x10]  }
0x6b1: {  	v7 =	vld [tilespmem:s16+$0x20]  }
0x6b2: {  	v8 =	vld [tilespmem:s16+$0xFFFFFFC0]  }
0x6b3: {  	v9 =	vld.idx.msk [tilespmem:v0+s25+$0x0], $0xffff  }
0x6b4: {  	v10 =	vld.idx.msk [tilespmem:v1+s25+$0x0], $0xffff  }
0x6b5: {  	v5 =	vld.idx.msk [tilespmem:v2+s25+$0x0], $0xffff  }
0x6b6: {  	v3 =	vld.idx.msk [tilespmem:v3+s25+$0x0], $0xffff  }
0x6b7: {  	v0 =	vld.idx.msk [tilespmem:v4+s25+$0x0], $0xffff  }
0x6b8: {  	s5 =	simm.s32 $0x1C740;
	v1 =	vld.idx.msk [tilespmem:v6+s25+$0x0], $0xffff  }
0x6b9: {  	v2 =	vld.idx.msk [tilespmem:v7+s25+$0x0], $0xffff;
	[tilespmem:s5+$0x30] =	vst v9  }
0x6ba: {  	s7 =	simm.s32 $0x0;
	s8 =	simm.s32 $0x187C0;
	v4 =	vld.idx.msk [tilespmem:v8+s25+$0x0], $0xffff;
	[tilespmem:s5+$0xFFFFFFD0] =	vst v10  }
.LBB2_66:
0x6bb: {  	v6 =	vld [tilespmem:s8+$0x30];
	s7 =	sadd.s32 $0x8, s7;
	[tilespmem:s5+$0xFFFFFFE0] =	vst v5  }
0x6bc: {  	v5 =	vld [tilespmem:s8+$0xFFFFFFD0];
	p1 =	slt.u32 s7, $0xF8;
	[tilespmem:s5+$0xFFFFFFF0] =	vst v3  }
0x6bd: {  	v3 =	vld [tilespmem:s8+$0xFFFFFFE0];
	[tilespmem:s5+$0x0] =	vst v0  }
0x6be: {  	v0 =	vld [tilespmem:s8+$0xFFFFFFF0];
	[tilespmem:s5+$0x10] =	vst v1  }
0x6bf: {  	v1 =	vld [tilespmem:s8+$0x0];
	[tilespmem:s5+$0x20] =	vst v2  }
0x6c0: {  	v2 =	vld [tilespmem:s8+$0x10];
	[tilespmem:s5+$0xFFFFFFC0] =	vst v4  }
0x6c1: {  	v4 =	vld [tilespmem:s8+$0x20]  }
0x6c2: {  	v7 =	vld [tilespmem:s8+$0xFFFFFFC0]  }
0x6c3: {  	v6 =	vld.idx.msk [tilespmem:v6+s25+$0x0], $0xffff  }
0x6c4: {  	v8 =	vld.idx.msk [tilespmem:v5+s25+$0x0], $0xffff  }
0x6c5: {  	v5 =	vld.idx.msk [tilespmem:v3+s25+$0x0], $0xffff  }
.Ltmp32:
0x6c6: {  	v3 =	vld.idx.msk [tilespmem:v0+s25+$0x0], $0xffff;
	(pc) =	sbr.rel @p1 .LBB2_66-.Ltmp32, $4  }
0x6c7: {  	v0 =	vld.idx.msk [tilespmem:v1+s25+$0x0], $0xffff  }
0x6c8: {  	s5 =	sadd.s32 $0x80, s5;
	v1 =	vld.idx.msk [tilespmem:v2+s25+$0x0], $0xffff  }
0x6c9: {  	v2 =	vld.idx.msk [tilespmem:v4+s25+$0x0], $0xffff;
	[tilespmem:s5+$0x30] =	vst v6  }
0x6ca: {  	s8 =	sadd.s32 $0x80, s8;
	v4 =	vld.idx.msk [tilespmem:v7+s25+$0x0], $0xffff;
	[tilespmem:s5+$0xFFFFFFD0] =	vst v8  }
0x6cb: {  	[tilespmem:s5+$0xFFFFFFE0] =	vst v5  }
0x6cc: {  	[tilespmem:s5+$0xFFFFFFF0] =	vst v3  }
0x6cd: {  	[tilespmem:s5+$0x0] =	vst v0  }
0x6ce: {  	[tilespmem:s5+$0x10] =	vst v1  }
0x6cf: {  	[tilespmem:s5+$0x20] =	vst v2  }
0x6d0: {  	[tilespmem:s5+$0xFFFFFFC0] =	vst v4  }
0x6d1: {  	s5 =	sld [smem:$0x7E9];
	_ =	sdelay $0x2  }
0x6d2: {  	[hbm4b:s5+s28] =	stream.strided.scatter [tilespmem:s0], [sflag:$0x3], $0x1000, s29, s28, $0x38;
	[tilespmem:$0x1E700] =	vst v63  }
0x6d3: {  	_ =	swait.ge [sflag:s3], $0x1000  }
0x6d4: {  	[sflag:s3] =	ssyncset.done $0x0  }
0x6d5: {  	s16 =	simm.s32 $0x19770;
	[sflag:s3] =	ssyncadd.s32 $0xFFFFF000  }
0x6d6: {  	v0 =	vld [tilespmem:s16+$0x0]  }
0x6d7: {  	v1 =	vld [tilespmem:s16+$0xFFFFFFA0]  }
0x6d8: {  	v2 =	vld [tilespmem:s16+$0xFFFFFFB0]  }
0x6d9: {  	v3 =	vld [tilespmem:s16+$0xFFFFFFC0]  }
0x6da: {  	v4 =	vld [tilespmem:s16+$0xFFFFFFD0]  }
0x6db: {  	v6 =	vld [tilespmem:s16+$0xFFFFFFE0]  }
0x6dc: {  	v7 =	vld [tilespmem:s16+$0xFFFFFFF0]  }
0x6dd: {  	v8 =	vld [tilespmem:s16+$0xFFFFFF90]  }
0x6de: {  	v9 =	vld.idx.msk [tilespmem:v0+s25+$0x0], $0xffff  }
0x6df: {  	v10 =	vld.idx.msk [tilespmem:v1+s25+$0x0], $0xffff  }
0x6e0: {  	v5 =	vld.idx.msk [tilespmem:v2+s25+$0x0], $0xffff  }
0x6e1: {  	v3 =	vld.idx.msk [tilespmem:v3+s25+$0x0], $0xffff  }
0x6e2: {  	v0 =	vld.idx.msk [tilespmem:v4+s25+$0x0], $0xffff  }
0x6e3: {  	s5 =	simm.s32 $0x1D740;
	v1 =	vld.idx.msk [tilespmem:v6+s25+$0x0], $0xffff  }
0x6e4: {  	v2 =	vld.idx.msk [tilespmem:v7+s25+$0x0], $0xffff;
	[tilespmem:s5+$0x30] =	vst v9  }
0x6e5: {  	s7 =	simm.s32 $0x0;
	s8 =	simm.s32 $0x197F0;
	v4 =	vld.idx.msk [tilespmem:v8+s25+$0x0], $0xffff;
	[tilespmem:s5+$0xFFFFFFD0] =	vst v10  }
.LBB2_68:
0x6e6: {  	v6 =	vld [tilespmem:s8+$0x0];
	s7 =	sadd.s32 $0x8, s7;
	[tilespmem:s5+$0xFFFFFFE0] =	vst v5  }
0x6e7: {  	v5 =	vld [tilespmem:s8+$0xFFFFFFA0];
	p1 =	slt.u32 s7, $0xF8;
	[tilespmem:s5+$0xFFFFFFF0] =	vst v3  }
0x6e8: {  	v3 =	vld [tilespmem:s8+$0xFFFFFFB0];
	[tilespmem:s5+$0x0] =	vst v0  }
0x6e9: {  	v0 =	vld [tilespmem:s8+$0xFFFFFFC0];
	[tilespmem:s5+$0x10] =	vst v1  }
0x6ea: {  	v1 =	vld [tilespmem:s8+$0xFFFFFFD0];
	[tilespmem:s5+$0x20] =	vst v2  }
0x6eb: {  	v2 =	vld [tilespmem:s8+$0xFFFFFFE0];
	[tilespmem:s5+$0xFFFFFFC0] =	vst v4  }
0x6ec: {  	v4 =	vld [tilespmem:s8+$0xFFFFFFF0]  }
0x6ed: {  	v7 =	vld [tilespmem:s8+$0xFFFFFF90]  }
0x6ee: {  	v6 =	vld.idx.msk [tilespmem:v6+s25+$0x0], $0xffff  }
0x6ef: {  	v8 =	vld.idx.msk [tilespmem:v5+s25+$0x0], $0xffff  }
0x6f0: {  	v5 =	vld.idx.msk [tilespmem:v3+s25+$0x0], $0xffff  }
.Ltmp33:
0x6f1: {  	v3 =	vld.idx.msk [tilespmem:v0+s25+$0x0], $0xffff;
	(pc) =	sbr.rel @p1 .LBB2_68-.Ltmp33, $4  }
0x6f2: {  	v0 =	vld.idx.msk [tilespmem:v1+s25+$0x0], $0xffff  }
0x6f3: {  	s5 =	sadd.s32 $0x80, s5;
	v1 =	vld.idx.msk [tilespmem:v2+s25+$0x0], $0xffff  }
0x6f4: {  	v2 =	vld.idx.msk [tilespmem:v4+s25+$0x0], $0xffff;
	[tilespmem:s5+$0x30] =	vst v6  }
0x6f5: {  	s8 =	sadd.s32 $0x80, s8;
	v4 =	vld.idx.msk [tilespmem:v7+s25+$0x0], $0xffff;
	[tilespmem:s5+$0xFFFFFFD0] =	vst v8  }
0x6f6: {  	[tilespmem:s5+$0xFFFFFFE0] =	vst v5  }
0x6f7: {  	[tilespmem:s5+$0xFFFFFFF0] =	vst v3  }
0x6f8: {  	[tilespmem:s5+$0x0] =	vst v0  }
0x6f9: {  	[tilespmem:s5+$0x10] =	vst v1  }
0x6fa: {  	[tilespmem:s5+$0x20] =	vst v2  }
0x6fb: {  	[tilespmem:s5+$0xFFFFFFC0] =	vst v4  }
0x6fc: {  	s5 =	sld [smem:$0x7EA];
	_ =	sdelay $0x2  }
0x6fd: {  	[hbm4b:s5+s28] =	stream.strided.scatter [tilespmem:s1], [sflag:$0x4], $0x1000, s29, s28, $0x38;
	[tilespmem:$0x1E700] =	vst v63  }
0x6fe: {  	_ =	swait.ge [sflag:s2], $0x1000  }
0x6ff: {  	[sflag:s2] =	ssyncset.done $0x0  }
0x700: {  	s16 =	simm.s32 $0x1A770;
	[sflag:s2] =	ssyncadd.s32 $0xFFFFF000  }
0x701: {  	v0 =	vld [tilespmem:s16+$0x0]  }
0x702: {  	v1 =	vld [tilespmem:s16+$0xFFFFFFA0]  }
0x703: {  	v2 =	vld [tilespmem:s16+$0xFFFFFFB0]  }
0x704: {  	v3 =	vld [tilespmem:s16+$0xFFFFFFC0]  }
0x705: {  	v4 =	vld [tilespmem:s16+$0xFFFFFFD0]  }
0x706: {  	v6 =	vld [tilespmem:s16+$0xFFFFFFE0]  }
0x707: {  	v7 =	vld [tilespmem:s16+$0xFFFFFFF0]  }
0x708: {  	v8 =	vld [tilespmem:s16+$0xFFFFFF90]  }
0x709: {  	v9 =	vld.idx.msk [tilespmem:v0+s25+$0x0], $0xffff  }
0x70a: {  	v10 =	vld.idx.msk [tilespmem:v1+s25+$0x0], $0xffff  }
0x70b: {  	v5 =	vld.idx.msk [tilespmem:v2+s25+$0x0], $0xffff  }
0x70c: {  	v3 =	vld.idx.msk [tilespmem:v3+s25+$0x0], $0xffff  }
0x70d: {  	v0 =	vld.idx.msk [tilespmem:v4+s25+$0x0], $0xffff  }
0x70e: {  	s5 =	simm.s32 $0x1C740;
	v1 =	vld.idx.msk [tilespmem:v6+s25+$0x0], $0xffff  }
0x70f: {  	v2 =	vld.idx.msk [tilespmem:v7+s25+$0x0], $0xffff;
	[tilespmem:s5+$0x30] =	vst v9  }
0x710: {  	s7 =	simm.s32 $0x0;
	s8 =	simm.s32 $0x1A7F0;
	v4 =	vld.idx.msk [tilespmem:v8+s25+$0x0], $0xffff;
	[tilespmem:s5+$0xFFFFFFD0] =	vst v10  }
.LBB2_70:
0x711: {  	v6 =	vld [tilespmem:s8+$0x0];
	s7 =	sadd.s32 $0x8, s7;
	[tilespmem:s5+$0xFFFFFFE0] =	vst v5  }
0x712: {  	v5 =	vld [tilespmem:s8+$0xFFFFFFA0];
	p1 =	slt.u32 s7, $0xF8;
	[tilespmem:s5+$0xFFFFFFF0] =	vst v3  }
0x713: {  	v3 =	vld [tilespmem:s8+$0xFFFFFFB0];
	[tilespmem:s5+$0x0] =	vst v0  }
0x714: {  	v0 =	vld [tilespmem:s8+$0xFFFFFFC0];
	[tilespmem:s5+$0x10] =	vst v1  }
0x715: {  	v1 =	vld [tilespmem:s8+$0xFFFFFFD0];
	[tilespmem:s5+$0x20] =	vst v2  }
0x716: {  	v2 =	vld [tilespmem:s8+$0xFFFFFFE0];
	[tilespmem:s5+$0xFFFFFFC0] =	vst v4  }
0x717: {  	v4 =	vld [tilespmem:s8+$0xFFFFFFF0]  }
0x718: {  	v7 =	vld [tilespmem:s8+$0xFFFFFF90]  }
0x719: {  	v6 =	vld.idx.msk [tilespmem:v6+s25+$0x0], $0xffff  }
0x71a: {  	v8 =	vld.idx.msk [tilespmem:v5+s25+$0x0], $0xffff  }
0x71b: {  	v5 =	vld.idx.msk [tilespmem:v3+s25+$0x0], $0xffff  }
.Ltmp34:
0x71c: {  	v3 =	vld.idx.msk [tilespmem:v0+s25+$0x0], $0xffff;
	(pc) =	sbr.rel @p1 .LBB2_70-.Ltmp34, $4  }
0x71d: {  	v0 =	vld.idx.msk [tilespmem:v1+s25+$0x0], $0xffff  }
0x71e: {  	s5 =	sadd.s32 $0x80, s5;
	v1 =	vld.idx.msk [tilespmem:v2+s25+$0x0], $0xffff  }
0x71f: {  	v2 =	vld.idx.msk [tilespmem:v4+s25+$0x0], $0xffff;
	[tilespmem:s5+$0x30] =	vst v6  }
0x720: {  	s8 =	sadd.s32 $0x80, s8;
	v4 =	vld.idx.msk [tilespmem:v7+s25+$0x0], $0xffff;
	[tilespmem:s5+$0xFFFFFFD0] =	vst v8  }
0x721: {  	[tilespmem:s5+$0xFFFFFFE0] =	vst v5  }
0x722: {  	[tilespmem:s5+$0xFFFFFFF0] =	vst v3  }
0x723: {  	[tilespmem:s5+$0x0] =	vst v0  }
0x724: {  	[tilespmem:s5+$0x10] =	vst v1  }
0x725: {  	[tilespmem:s5+$0x20] =	vst v2  }
0x726: {  	[tilespmem:s5+$0xFFFFFFC0] =	vst v4  }
0x727: {  	s5 =	sld [smem:$0x7EB];
	_ =	sdelay $0x2  }
0x728: {  	[hbm4b:s5+s28] =	stream.strided.scatter [tilespmem:s0], [sflag:$0x3], $0x1000, s29, s28, $0x38;
	[tilespmem:$0x1E700] =	vst v63  }
0x729: {  	_ =	swait.ge [sflag:s3], $0x1000  }
0x72a: {  	[sflag:s3] =	ssyncset.done $0x0  }
0x72b: {  	s16 =	simm.s32 $0x1B770;
	[sflag:s3] =	ssyncadd.s32 $0xFFFFF000  }
0x72c: {  	v0 =	vld [tilespmem:s16+$0x0]  }
0x72d: {  	v1 =	vld [tilespmem:s16+$0xFFFFFFA0]  }
0x72e: {  	v2 =	vld [tilespmem:s16+$0xFFFFFFB0]  }
0x72f: {  	v3 =	vld [tilespmem:s16+$0xFFFFFFC0]  }
0x730: {  	v4 =	vld [tilespmem:s16+$0xFFFFFFD0]  }
0x731: {  	v6 =	vld [tilespmem:s16+$0xFFFFFFE0]  }
0x732: {  	v7 =	vld [tilespmem:s16+$0xFFFFFFF0]  }
0x733: {  	v8 =	vld [tilespmem:s16+$0xFFFFFF90]  }
0x734: {  	v9 =	vld.idx.msk [tilespmem:v0+s25+$0x0], $0xffff  }
0x735: {  	v10 =	vld.idx.msk [tilespmem:v1+s25+$0x0], $0xffff  }
0x736: {  	v5 =	vld.idx.msk [tilespmem:v2+s25+$0x0], $0xffff  }
0x737: {  	v3 =	vld.idx.msk [tilespmem:v3+s25+$0x0], $0xffff  }
0x738: {  	v0 =	vld.idx.msk [tilespmem:v4+s25+$0x0], $0xffff  }
0x739: {  	s5 =	simm.s32 $0x1D740;
	v1 =	vld.idx.msk [tilespmem:v6+s25+$0x0], $0xffff  }
0x73a: {  	v2 =	vld.idx.msk [tilespmem:v7+s25+$0x0], $0xffff;
	[tilespmem:s5+$0x30] =	vst v9  }
0x73b: {  	s7 =	simm.s32 $0x0;
	s8 =	simm.s32 $0x1B7F0;
	v4 =	vld.idx.msk [tilespmem:v8+s25+$0x0], $0xffff;
	[tilespmem:s5+$0xFFFFFFD0] =	vst v10  }
.LBB2_72:
0x73c: {  	v6 =	vld [tilespmem:s8+$0x0];
	s7 =	sadd.s32 $0x8, s7;
	[tilespmem:s5+$0xFFFFFFE0] =	vst v5  }
0x73d: {  	v5 =	vld [tilespmem:s8+$0xFFFFFFA0];
	p1 =	slt.u32 s7, $0xF8;
	[tilespmem:s5+$0xFFFFFFF0] =	vst v3  }
0x73e: {  	v3 =	vld [tilespmem:s8+$0xFFFFFFB0];
	[tilespmem:s5+$0x0] =	vst v0  }
0x73f: {  	v0 =	vld [tilespmem:s8+$0xFFFFFFC0];
	[tilespmem:s5+$0x10] =	vst v1  }
0x740: {  	v1 =	vld [tilespmem:s8+$0xFFFFFFD0];
	[tilespmem:s5+$0x20] =	vst v2  }
0x741: {  	v2 =	vld [tilespmem:s8+$0xFFFFFFE0];
	[tilespmem:s5+$0xFFFFFFC0] =	vst v4  }
0x742: {  	v4 =	vld [tilespmem:s8+$0xFFFFFFF0]  }
0x743: {  	v7 =	vld [tilespmem:s8+$0xFFFFFF90]  }
0x744: {  	v6 =	vld.idx.msk [tilespmem:v6+s25+$0x0], $0xffff  }
0x745: {  	v8 =	vld.idx.msk [tilespmem:v5+s25+$0x0], $0xffff  }
0x746: {  	v5 =	vld.idx.msk [tilespmem:v3+s25+$0x0], $0xffff  }
.Ltmp35:
0x747: {  	v3 =	vld.idx.msk [tilespmem:v0+s25+$0x0], $0xffff;
	(pc) =	sbr.rel @p1 .LBB2_72-.Ltmp35, $4  }
0x748: {  	v0 =	vld.idx.msk [tilespmem:v1+s25+$0x0], $0xffff  }
0x749: {  	s5 =	sadd.s32 $0x80, s5;
	v1 =	vld.idx.msk [tilespmem:v2+s25+$0x0], $0xffff  }
0x74a: {  	v2 =	vld.idx.msk [tilespmem:v4+s25+$0x0], $0xffff;
	[tilespmem:s5+$0x30] =	vst v6  }
0x74b: {  	s8 =	sadd.s32 $0x80, s8;
	v4 =	vld.idx.msk [tilespmem:v7+s25+$0x0], $0xffff;
	[tilespmem:s5+$0xFFFFFFD0] =	vst v8  }
0x74c: {  	[tilespmem:s5+$0xFFFFFFE0] =	vst v5  }
0x74d: {  	[tilespmem:s5+$0xFFFFFFF0] =	vst v3  }
0x74e: {  	[tilespmem:s5+$0x0] =	vst v0  }
0x74f: {  	[tilespmem:s5+$0x10] =	vst v1  }
0x750: {  	[tilespmem:s5+$0x20] =	vst v2  }
0x751: {  	[tilespmem:s5+$0xFFFFFFC0] =	vst v4  }
0x752: {  	s5 =	sld [smem:$0x7EC];
	_ =	sdelay $0x2  }
0x753: {  	[hbm4b:s5+s28] =	stream.strided.scatter [tilespmem:s1], [sflag:$0x4], $0x1000, s29, s28, $0x38;
	[tilespmem:$0x1E700] =	vst v63  }
0x754: {  	s7 =	simm.s32 @!p3 $0x400;
	s15 =	rddreg [dreg:$0x17]  }
0x755: {  	[tilespmem:s25], [sflag:$0x1] =	stream.strided.gather [hbm4b:s15+s28], $0x18700, s29, s28, $0x38;
	[tilespmem:$0x1E700] =	vst v63  }
0x756: {  	s8 =	simm.s32 @!p3 $0x18700;
	s5 =	simm.s32 @!p3 $0x80;
	s15 =	rddreg [dreg:$0xb]  }
0x757: {  	[tilespmem:s8], [sflag:$0x2] =	stream.strided.gather @!p3 [hbm4b:s15+s5], $0x4000, s7, s5, $0x38;
	[tilespmem:$0x1E700] =	vst v63  }
0x758: {  	s5 =	simm.s32 @!p3 $0x2  }
0x759: {  	_ =	swait.ge @!p3 [sflag:s5], $0x4000  }
0x75a: {  	[sflag:s5] =	ssyncset.done @!p3 $0x0  }
0x75b: {  	[sflag:s5] =	ssyncadd.s32 @!p3 $0xFFFFC000  }
0x75c: {  	_ =	swait.ge [sflag:s31], $0x18700  }
0x75d: {  	[sflag:s31] =	ssyncset.done $0x0  }
0x75e: {  	[sflag:s31] =	ssyncadd.s32 $0xFFFE7900  }
0x75f: {  	_ =	swait.ge [sflag:s2], $0x1000  }
0x760: {  	[sflag:s2] =	ssyncset.done $0x0  }
0x761: {  	s16 =	simm.s32 $0x18740;
	[sflag:s2] =	ssyncadd.s32 $0xFFFFF000  }
0x762: {  	v0 =	vld [tilespmem:s16+$0x30]  }
0x763: {  	v1 =	vld [tilespmem:s16+$0xFFFFFFD0]  }
0x764: {  	v2 =	vld [tilespmem:s16+$0xFFFFFFE0]  }
0x765: {  	v3 =	vld [tilespmem:s16+$0xFFFFFFF0]  }
0x766: {  	v4 =	vld [tilespmem:s16+$0x0]  }
0x767: {  	v6 =	vld [tilespmem:s16+$0x10]  }
0x768: {  	v7 =	vld [tilespmem:s16+$0x20]  }
0x769: {  	v8 =	vld [tilespmem:s16+$0xFFFFFFC0]  }
0x76a: {  	v9 =	vld.idx.msk [tilespmem:v0+s25+$0x0], $0xffff  }
0x76b: {  	v10 =	vld.idx.msk [tilespmem:v1+s25+$0x0], $0xffff  }
0x76c: {  	v5 =	vld.idx.msk [tilespmem:v2+s25+$0x0], $0xffff  }
0x76d: {  	v3 =	vld.idx.msk [tilespmem:v3+s25+$0x0], $0xffff  }
0x76e: {  	v0 =	vld.idx.msk [tilespmem:v4+s25+$0x0], $0xffff  }
0x76f: {  	s5 =	simm.s32 $0x1C740;
	v1 =	vld.idx.msk [tilespmem:v6+s25+$0x0], $0xffff  }
0x770: {  	v2 =	vld.idx.msk [tilespmem:v7+s25+$0x0], $0xffff;
	[tilespmem:s5+$0x30] =	vst v9  }
0x771: {  	s7 =	simm.s32 $0x0;
	s8 =	simm.s32 $0x187C0;
	v4 =	vld.idx.msk [tilespmem:v8+s25+$0x0], $0xffff;
	[tilespmem:s5+$0xFFFFFFD0] =	vst v10  }
.LBB2_74:
0x772: {  	v6 =	vld [tilespmem:s8+$0x30];
	s7 =	sadd.s32 $0x8, s7;
	[tilespmem:s5+$0xFFFFFFE0] =	vst v5  }
0x773: {  	v5 =	vld [tilespmem:s8+$0xFFFFFFD0];
	p1 =	slt.u32 s7, $0xF8;
	[tilespmem:s5+$0xFFFFFFF0] =	vst v3  }
0x774: {  	v3 =	vld [tilespmem:s8+$0xFFFFFFE0];
	[tilespmem:s5+$0x0] =	vst v0  }
0x775: {  	v0 =	vld [tilespmem:s8+$0xFFFFFFF0];
	[tilespmem:s5+$0x10] =	vst v1  }
0x776: {  	v1 =	vld [tilespmem:s8+$0x0];
	[tilespmem:s5+$0x20] =	vst v2  }
0x777: {  	v2 =	vld [tilespmem:s8+$0x10];
	[tilespmem:s5+$0xFFFFFFC0] =	vst v4  }
0x778: {  	v4 =	vld [tilespmem:s8+$0x20]  }
0x779: {  	v7 =	vld [tilespmem:s8+$0xFFFFFFC0]  }
0x77a: {  	v6 =	vld.idx.msk [tilespmem:v6+s25+$0x0], $0xffff  }
0x77b: {  	v8 =	vld.idx.msk [tilespmem:v5+s25+$0x0], $0xffff  }
0x77c: {  	v5 =	vld.idx.msk [tilespmem:v3+s25+$0x0], $0xffff  }
.Ltmp36:
0x77d: {  	v3 =	vld.idx.msk [tilespmem:v0+s25+$0x0], $0xffff;
	(pc) =	sbr.rel @p1 .LBB2_74-.Ltmp36, $4  }
0x77e: {  	v0 =	vld.idx.msk [tilespmem:v1+s25+$0x0], $0xffff  }
0x77f: {  	s5 =	sadd.s32 $0x80, s5;
	v1 =	vld.idx.msk [tilespmem:v2+s25+$0x0], $0xffff  }
0x780: {  	v2 =	vld.idx.msk [tilespmem:v4+s25+$0x0], $0xffff;
	[tilespmem:s5+$0x30] =	vst v6  }
0x781: {  	s8 =	sadd.s32 $0x80, s8;
	v4 =	vld.idx.msk [tilespmem:v7+s25+$0x0], $0xffff;
	[tilespmem:s5+$0xFFFFFFD0] =	vst v8  }
0x782: {  	[tilespmem:s5+$0xFFFFFFE0] =	vst v5  }
0x783: {  	[tilespmem:s5+$0xFFFFFFF0] =	vst v3  }
0x784: {  	[tilespmem:s5+$0x0] =	vst v0  }
0x785: {  	[tilespmem:s5+$0x10] =	vst v1  }
0x786: {  	[tilespmem:s5+$0x20] =	vst v2  }
0x787: {  	[tilespmem:s5+$0xFFFFFFC0] =	vst v4  }
0x788: {  	s5 =	sld [smem:$0x7ED];
	_ =	sdelay $0x2  }
0x789: {  	[hbm4b:s5+s28] =	stream.strided.scatter [tilespmem:s0], [sflag:$0x3], $0x1000, s29, s28, $0x38;
	[tilespmem:$0x1E700] =	vst v63  }
0x78a: {  	_ =	swait.ge [sflag:s3], $0x1000  }
0x78b: {  	[sflag:s3] =	ssyncset.done $0x0  }
0x78c: {  	s16 =	simm.s32 $0x19770;
	[sflag:s3] =	ssyncadd.s32 $0xFFFFF000  }
0x78d: {  	v0 =	vld [tilespmem:s16+$0x0]  }
0x78e: {  	v1 =	vld [tilespmem:s16+$0xFFFFFFA0]  }
0x78f: {  	v2 =	vld [tilespmem:s16+$0xFFFFFFB0]  }
0x790: {  	v3 =	vld [tilespmem:s16+$0xFFFFFFC0]  }
0x791: {  	v4 =	vld [tilespmem:s16+$0xFFFFFFD0]  }
0x792: {  	v6 =	vld [tilespmem:s16+$0xFFFFFFE0]  }
0x793: {  	v7 =	vld [tilespmem:s16+$0xFFFFFFF0]  }
0x794: {  	v8 =	vld [tilespmem:s16+$0xFFFFFF90]  }
0x795: {  	v9 =	vld.idx.msk [tilespmem:v0+s25+$0x0], $0xffff  }
0x796: {  	v10 =	vld.idx.msk [tilespmem:v1+s25+$0x0], $0xffff  }
0x797: {  	v5 =	vld.idx.msk [tilespmem:v2+s25+$0x0], $0xffff  }
0x798: {  	v3 =	vld.idx.msk [tilespmem:v3+s25+$0x0], $0xffff  }
0x799: {  	v0 =	vld.idx.msk [tilespmem:v4+s25+$0x0], $0xffff  }
0x79a: {  	s5 =	simm.s32 $0x1D740;
	v1 =	vld.idx.msk [tilespmem:v6+s25+$0x0], $0xffff  }
0x79b: {  	v2 =	vld.idx.msk [tilespmem:v7+s25+$0x0], $0xffff;
	[tilespmem:s5+$0x30] =	vst v9  }
0x79c: {  	s7 =	simm.s32 $0x0;
	s8 =	simm.s32 $0x197F0;
	v4 =	vld.idx.msk [tilespmem:v8+s25+$0x0], $0xffff;
	[tilespmem:s5+$0xFFFFFFD0] =	vst v10  }
.LBB2_76:
0x79d: {  	v6 =	vld [tilespmem:s8+$0x0];
	s7 =	sadd.s32 $0x8, s7;
	[tilespmem:s5+$0xFFFFFFE0] =	vst v5  }
0x79e: {  	v5 =	vld [tilespmem:s8+$0xFFFFFFA0];
	p1 =	slt.u32 s7, $0xF8;
	[tilespmem:s5+$0xFFFFFFF0] =	vst v3  }
0x79f: {  	v3 =	vld [tilespmem:s8+$0xFFFFFFB0];
	[tilespmem:s5+$0x0] =	vst v0  }
0x7a0: {  	v0 =	vld [tilespmem:s8+$0xFFFFFFC0];
	[tilespmem:s5+$0x10] =	vst v1  }
0x7a1: {  	v1 =	vld [tilespmem:s8+$0xFFFFFFD0];
	[tilespmem:s5+$0x20] =	vst v2  }
0x7a2: {  	v2 =	vld [tilespmem:s8+$0xFFFFFFE0];
	[tilespmem:s5+$0xFFFFFFC0] =	vst v4  }
0x7a3: {  	v4 =	vld [tilespmem:s8+$0xFFFFFFF0]  }
0x7a4: {  	v7 =	vld [tilespmem:s8+$0xFFFFFF90]  }
0x7a5: {  	v6 =	vld.idx.msk [tilespmem:v6+s25+$0x0], $0xffff  }
0x7a6: {  	v8 =	vld.idx.msk [tilespmem:v5+s25+$0x0], $0xffff  }
0x7a7: {  	v5 =	vld.idx.msk [tilespmem:v3+s25+$0x0], $0xffff  }
.Ltmp37:
0x7a8: {  	v3 =	vld.idx.msk [tilespmem:v0+s25+$0x0], $0xffff;
	(pc) =	sbr.rel @p1 .LBB2_76-.Ltmp37, $4  }
0x7a9: {  	v0 =	vld.idx.msk [tilespmem:v1+s25+$0x0], $0xffff  }
0x7aa: {  	s5 =	sadd.s32 $0x80, s5;
	v1 =	vld.idx.msk [tilespmem:v2+s25+$0x0], $0xffff  }
0x7ab: {  	v2 =	vld.idx.msk [tilespmem:v4+s25+$0x0], $0xffff;
	[tilespmem:s5+$0x30] =	vst v6  }
0x7ac: {  	s8 =	sadd.s32 $0x80, s8;
	v4 =	vld.idx.msk [tilespmem:v7+s25+$0x0], $0xffff;
	[tilespmem:s5+$0xFFFFFFD0] =	vst v8  }
0x7ad: {  	[tilespmem:s5+$0xFFFFFFE0] =	vst v5  }
0x7ae: {  	[tilespmem:s5+$0xFFFFFFF0] =	vst v3  }
0x7af: {  	[tilespmem:s5+$0x0] =	vst v0  }
0x7b0: {  	[tilespmem:s5+$0x10] =	vst v1  }
0x7b1: {  	[tilespmem:s5+$0x20] =	vst v2  }
0x7b2: {  	[tilespmem:s5+$0xFFFFFFC0] =	vst v4  }
0x7b3: {  	s5 =	sld [smem:$0x7EE];
	_ =	sdelay $0x2  }
0x7b4: {  	[hbm4b:s5+s28] =	stream.strided.scatter [tilespmem:s1], [sflag:$0x4], $0x1000, s29, s28, $0x38;
	[tilespmem:$0x1E700] =	vst v63  }
0x7b5: {  	_ =	swait.ge [sflag:s2], $0x1000  }
0x7b6: {  	[sflag:s2] =	ssyncset.done $0x0  }
0x7b7: {  	s16 =	simm.s32 $0x1A770;
	[sflag:s2] =	ssyncadd.s32 $0xFFFFF000  }
0x7b8: {  	v0 =	vld [tilespmem:s16+$0x0]  }
0x7b9: {  	v1 =	vld [tilespmem:s16+$0xFFFFFFA0]  }
0x7ba: {  	v2 =	vld [tilespmem:s16+$0xFFFFFFB0]  }
0x7bb: {  	v3 =	vld [tilespmem:s16+$0xFFFFFFC0]  }
0x7bc: {  	v4 =	vld [tilespmem:s16+$0xFFFFFFD0]  }
0x7bd: {  	v6 =	vld [tilespmem:s16+$0xFFFFFFE0]  }
0x7be: {  	v7 =	vld [tilespmem:s16+$0xFFFFFFF0]  }
0x7bf: {  	v8 =	vld [tilespmem:s16+$0xFFFFFF90]  }
0x7c0: {  	v9 =	vld.idx.msk [tilespmem:v0+s25+$0x0], $0xffff  }
0x7c1: {  	v10 =	vld.idx.msk [tilespmem:v1+s25+$0x0], $0xffff  }
0x7c2: {  	v5 =	vld.idx.msk [tilespmem:v2+s25+$0x0], $0xffff  }
0x7c3: {  	v3 =	vld.idx.msk [tilespmem:v3+s25+$0x0], $0xffff  }
0x7c4: {  	v0 =	vld.idx.msk [tilespmem:v4+s25+$0x0], $0xffff  }
0x7c5: {  	s5 =	simm.s32 $0x1C740;
	v1 =	vld.idx.msk [tilespmem:v6+s25+$0x0], $0xffff  }
0x7c6: {  	v2 =	vld.idx.msk [tilespmem:v7+s25+$0x0], $0xffff;
	[tilespmem:s5+$0x30] =	vst v9  }
0x7c7: {  	s7 =	simm.s32 $0x0;
	s8 =	simm.s32 $0x1A7F0;
	v4 =	vld.idx.msk [tilespmem:v8+s25+$0x0], $0xffff;
	[tilespmem:s5+$0xFFFFFFD0] =	vst v10  }
.LBB2_78:
0x7c8: {  	v6 =	vld [tilespmem:s8+$0x0];
	s7 =	sadd.s32 $0x8, s7;
	[tilespmem:s5+$0xFFFFFFE0] =	vst v5  }
0x7c9: {  	v5 =	vld [tilespmem:s8+$0xFFFFFFA0];
	p1 =	slt.u32 s7, $0xF8;
	[tilespmem:s5+$0xFFFFFFF0] =	vst v3  }
0x7ca: {  	v3 =	vld [tilespmem:s8+$0xFFFFFFB0];
	[tilespmem:s5+$0x0] =	vst v0  }
0x7cb: {  	v0 =	vld [tilespmem:s8+$0xFFFFFFC0];
	[tilespmem:s5+$0x10] =	vst v1  }
0x7cc: {  	v1 =	vld [tilespmem:s8+$0xFFFFFFD0];
	[tilespmem:s5+$0x20] =	vst v2  }
0x7cd: {  	v2 =	vld [tilespmem:s8+$0xFFFFFFE0];
	[tilespmem:s5+$0xFFFFFFC0] =	vst v4  }
0x7ce: {  	v4 =	vld [tilespmem:s8+$0xFFFFFFF0]  }
0x7cf: {  	v7 =	vld [tilespmem:s8+$0xFFFFFF90]  }
0x7d0: {  	v6 =	vld.idx.msk [tilespmem:v6+s25+$0x0], $0xffff  }
0x7d1: {  	v8 =	vld.idx.msk [tilespmem:v5+s25+$0x0], $0xffff  }
0x7d2: {  	v5 =	vld.idx.msk [tilespmem:v3+s25+$0x0], $0xffff  }
.Ltmp38:
0x7d3: {  	v3 =	vld.idx.msk [tilespmem:v0+s25+$0x0], $0xffff;
	(pc) =	sbr.rel @p1 .LBB2_78-.Ltmp38, $4  }
0x7d4: {  	v0 =	vld.idx.msk [tilespmem:v1+s25+$0x0], $0xffff  }
0x7d5: {  	s5 =	sadd.s32 $0x80, s5;
	v1 =	vld.idx.msk [tilespmem:v2+s25+$0x0], $0xffff  }
0x7d6: {  	v2 =	vld.idx.msk [tilespmem:v4+s25+$0x0], $0xffff;
	[tilespmem:s5+$0x30] =	vst v6  }
0x7d7: {  	s8 =	sadd.s32 $0x80, s8;
	v4 =	vld.idx.msk [tilespmem:v7+s25+$0x0], $0xffff;
	[tilespmem:s5+$0xFFFFFFD0] =	vst v8  }
0x7d8: {  	[tilespmem:s5+$0xFFFFFFE0] =	vst v5  }
0x7d9: {  	[tilespmem:s5+$0xFFFFFFF0] =	vst v3  }
0x7da: {  	[tilespmem:s5+$0x0] =	vst v0  }
0x7db: {  	[tilespmem:s5+$0x10] =	vst v1  }
0x7dc: {  	[tilespmem:s5+$0x20] =	vst v2  }
0x7dd: {  	[tilespmem:s5+$0xFFFFFFC0] =	vst v4  }
0x7de: {  	s5 =	sld [smem:$0x7EF];
	_ =	sdelay $0x2  }
0x7df: {  	[hbm4b:s5+s28] =	stream.strided.scatter [tilespmem:s0], [sflag:$0x3], $0x1000, s29, s28, $0x38;
	[tilespmem:$0x1E700] =	vst v63  }
0x7e0: {  	_ =	swait.ge [sflag:s3], $0x1000  }
0x7e1: {  	[sflag:s3] =	ssyncset.done $0x0  }
0x7e2: {  	s16 =	simm.s32 $0x1B770;
	[sflag:s3] =	ssyncadd.s32 $0xFFFFF000  }
0x7e3: {  	v0 =	vld [tilespmem:s16+$0x0]  }
0x7e4: {  	v1 =	vld [tilespmem:s16+$0xFFFFFFA0]  }
0x7e5: {  	v2 =	vld [tilespmem:s16+$0xFFFFFFB0]  }
0x7e6: {  	v3 =	vld [tilespmem:s16+$0xFFFFFFC0]  }
0x7e7: {  	v4 =	vld [tilespmem:s16+$0xFFFFFFD0]  }
0x7e8: {  	v6 =	vld [tilespmem:s16+$0xFFFFFFE0]  }
0x7e9: {  	v7 =	vld [tilespmem:s16+$0xFFFFFFF0]  }
0x7ea: {  	v8 =	vld [tilespmem:s16+$0xFFFFFF90]  }
0x7eb: {  	v9 =	vld.idx.msk [tilespmem:v0+s25+$0x0], $0xffff  }
0x7ec: {  	v10 =	vld.idx.msk [tilespmem:v1+s25+$0x0], $0xffff  }
0x7ed: {  	v5 =	vld.idx.msk [tilespmem:v2+s25+$0x0], $0xffff  }
0x7ee: {  	v3 =	vld.idx.msk [tilespmem:v3+s25+$0x0], $0xffff  }
0x7ef: {  	v0 =	vld.idx.msk [tilespmem:v4+s25+$0x0], $0xffff  }
0x7f0: {  	s5 =	simm.s32 $0x1D740;
	v1 =	vld.idx.msk [tilespmem:v6+s25+$0x0], $0xffff  }
0x7f1: {  	v2 =	vld.idx.msk [tilespmem:v7+s25+$0x0], $0xffff;
	[tilespmem:s5+$0x30] =	vst v9  }
0x7f2: {  	s7 =	simm.s32 $0x0;
	s8 =	simm.s32 $0x1B7F0;
	v4 =	vld.idx.msk [tilespmem:v8+s25+$0x0], $0xffff;
	[tilespmem:s5+$0xFFFFFFD0] =	vst v10  }
.LBB2_80:
0x7f3: {  	v6 =	vld [tilespmem:s8+$0x0];
	s7 =	sadd.s32 $0x8, s7;
	[tilespmem:s5+$0xFFFFFFE0] =	vst v5  }
0x7f4: {  	v5 =	vld [tilespmem:s8+$0xFFFFFFA0];
	p1 =	slt.u32 s7, $0xF8;
	[tilespmem:s5+$0xFFFFFFF0] =	vst v3  }
0x7f5: {  	v3 =	vld [tilespmem:s8+$0xFFFFFFB0];
	[tilespmem:s5+$0x0] =	vst v0  }
0x7f6: {  	v0 =	vld [tilespmem:s8+$0xFFFFFFC0];
	[tilespmem:s5+$0x10] =	vst v1  }
0x7f7: {  	v1 =	vld [tilespmem:s8+$0xFFFFFFD0];
	[tilespmem:s5+$0x20] =	vst v2  }
0x7f8: {  	v2 =	vld [tilespmem:s8+$0xFFFFFFE0];
	[tilespmem:s5+$0xFFFFFFC0] =	vst v4  }
0x7f9: {  	v4 =	vld [tilespmem:s8+$0xFFFFFFF0]  }
0x7fa: {  	v7 =	vld [tilespmem:s8+$0xFFFFFF90]  }
0x7fb: {  	v6 =	vld.idx.msk [tilespmem:v6+s25+$0x0], $0xffff  }
0x7fc: {  	v8 =	vld.idx.msk [tilespmem:v5+s25+$0x0], $0xffff  }
0x7fd: {  	v5 =	vld.idx.msk [tilespmem:v3+s25+$0x0], $0xffff  }
.Ltmp39:
0x7fe: {  	v3 =	vld.idx.msk [tilespmem:v0+s25+$0x0], $0xffff;
	(pc) =	sbr.rel @p1 .LBB2_80-.Ltmp39, $4  }
0x7ff: {  	v0 =	vld.idx.msk [tilespmem:v1+s25+$0x0], $0xffff  }
0x800: {  	s5 =	sadd.s32 $0x80, s5;
	v1 =	vld.idx.msk [tilespmem:v2+s25+$0x0], $0xffff  }
0x801: {  	v2 =	vld.idx.msk [tilespmem:v4+s25+$0x0], $0xffff;
	[tilespmem:s5+$0x30] =	vst v6  }
0x802: {  	s8 =	sadd.s32 $0x80, s8;
	v4 =	vld.idx.msk [tilespmem:v7+s25+$0x0], $0xffff;
	[tilespmem:s5+$0xFFFFFFD0] =	vst v8  }
0x803: {  	[tilespmem:s5+$0xFFFFFFE0] =	vst v5  }
0x804: {  	[tilespmem:s5+$0xFFFFFFF0] =	vst v3  }
0x805: {  	[tilespmem:s5+$0x0] =	vst v0  }
0x806: {  	[tilespmem:s5+$0x10] =	vst v1  }
0x807: {  	[tilespmem:s5+$0x20] =	vst v2  }
0x808: {  	[tilespmem:s5+$0xFFFFFFC0] =	vst v4  }
0x809: {  	[hbm4b:s11+s28] =	stream.strided.scatter [tilespmem:s1], [sflag:$0x4], $0x1000, s29, s28, $0x38;
	[tilespmem:$0x1E700] =	vst v63  }
0x80a: {  	s7 =	simm.s32 @!p4 $0x400;
	s5 =	rddreg [dreg:$0x18]  }
0x80b: {  	[tilespmem:s25], [sflag:$0x1] =	stream.strided.gather [hbm4b:s5+s28], $0x18700, s29, s28, $0x38;
	[tilespmem:$0x1E700] =	vst v63  }
0x80c: {  	s8 =	simm.s32 @!p4 $0x18700;
	s15 =	rddreg [dreg:$0xc];
	s5 =	simm.s32 @!p4 $0x80  }
0x80d: {  	[tilespmem:s8], [sflag:$0x2] =	stream.strided.gather @!p4 [hbm4b:s15+s5], $0x4000, s7, s5, $0x38;
	[tilespmem:$0x1E700] =	vst v63  }
0x80e: {  	s5 =	simm.s32 @!p4 $0x2  }
0x80f: {  	_ =	swait.ge @!p4 [sflag:s5], $0x4000  }
0x810: {  	[sflag:s5] =	ssyncset.done @!p4 $0x0  }
0x811: {  	[sflag:s5] =	ssyncadd.s32 @!p4 $0xFFFFC000  }
0x812: {  	_ =	swait.ge [sflag:s31], $0x18700  }
0x813: {  	[sflag:s31] =	ssyncset.done $0x0  }
0x814: {  	[sflag:s31] =	ssyncadd.s32 $0xFFFE7900  }
0x815: {  	_ =	swait.ge [sflag:s2], $0x1000  }
0x816: {  	[sflag:s2] =	ssyncset.done $0x0  }
0x817: {  	s16 =	simm.s32 $0x18740;
	[sflag:s2] =	ssyncadd.s32 $0xFFFFF000  }
0x818: {  	v0 =	vld [tilespmem:s16+$0x30]  }
0x819: {  	v1 =	vld [tilespmem:s16+$0xFFFFFFD0]  }
0x81a: {  	v2 =	vld [tilespmem:s16+$0xFFFFFFE0]  }
0x81b: {  	v3 =	vld [tilespmem:s16+$0xFFFFFFF0]  }
0x81c: {  	v4 =	vld [tilespmem:s16+$0x0]  }
0x81d: {  	v6 =	vld [tilespmem:s16+$0x10]  }
0x81e: {  	v7 =	vld [tilespmem:s16+$0x20]  }
0x81f: {  	v8 =	vld [tilespmem:s16+$0xFFFFFFC0]  }
0x820: {  	v9 =	vld.idx.msk [tilespmem:v0+s25+$0x0], $0xffff  }
0x821: {  	v10 =	vld.idx.msk [tilespmem:v1+s25+$0x0], $0xffff  }
0x822: {  	v5 =	vld.idx.msk [tilespmem:v2+s25+$0x0], $0xffff  }
0x823: {  	v3 =	vld.idx.msk [tilespmem:v3+s25+$0x0], $0xffff  }
0x824: {  	v0 =	vld.idx.msk [tilespmem:v4+s25+$0x0], $0xffff  }
0x825: {  	s5 =	simm.s32 $0x1C740;
	v1 =	vld.idx.msk [tilespmem:v6+s25+$0x0], $0xffff  }
0x826: {  	v2 =	vld.idx.msk [tilespmem:v7+s25+$0x0], $0xffff;
	[tilespmem:s5+$0x30] =	vst v9  }
0x827: {  	s7 =	simm.s32 $0x0;
	s8 =	simm.s32 $0x187C0;
	v4 =	vld.idx.msk [tilespmem:v8+s25+$0x0], $0xffff;
	[tilespmem:s5+$0xFFFFFFD0] =	vst v10  }
.LBB2_82:
0x828: {  	v6 =	vld [tilespmem:s8+$0x30];
	s7 =	sadd.s32 $0x8, s7;
	[tilespmem:s5+$0xFFFFFFE0] =	vst v5  }
0x829: {  	v5 =	vld [tilespmem:s8+$0xFFFFFFD0];
	p1 =	slt.u32 s7, $0xF8;
	[tilespmem:s5+$0xFFFFFFF0] =	vst v3  }
0x82a: {  	v3 =	vld [tilespmem:s8+$0xFFFFFFE0];
	[tilespmem:s5+$0x0] =	vst v0  }
0x82b: {  	v0 =	vld [tilespmem:s8+$0xFFFFFFF0];
	[tilespmem:s5+$0x10] =	vst v1  }
0x82c: {  	v1 =	vld [tilespmem:s8+$0x0];
	[tilespmem:s5+$0x20] =	vst v2  }
0x82d: {  	v2 =	vld [tilespmem:s8+$0x10];
	[tilespmem:s5+$0xFFFFFFC0] =	vst v4  }
0x82e: {  	v4 =	vld [tilespmem:s8+$0x20]  }
0x82f: {  	v7 =	vld [tilespmem:s8+$0xFFFFFFC0]  }
0x830: {  	v6 =	vld.idx.msk [tilespmem:v6+s25+$0x0], $0xffff  }
0x831: {  	v8 =	vld.idx.msk [tilespmem:v5+s25+$0x0], $0xffff  }
0x832: {  	v5 =	vld.idx.msk [tilespmem:v3+s25+$0x0], $0xffff  }
.Ltmp40:
0x833: {  	v3 =	vld.idx.msk [tilespmem:v0+s25+$0x0], $0xffff;
	(pc) =	sbr.rel @p1 .LBB2_82-.Ltmp40, $4  }
0x834: {  	v0 =	vld.idx.msk [tilespmem:v1+s25+$0x0], $0xffff  }
0x835: {  	s5 =	sadd.s32 $0x80, s5;
	v1 =	vld.idx.msk [tilespmem:v2+s25+$0x0], $0xffff  }
0x836: {  	v2 =	vld.idx.msk [tilespmem:v4+s25+$0x0], $0xffff;
	[tilespmem:s5+$0x30] =	vst v6  }
0x837: {  	s8 =	sadd.s32 $0x80, s8;
	v4 =	vld.idx.msk [tilespmem:v7+s25+$0x0], $0xffff;
	[tilespmem:s5+$0xFFFFFFD0] =	vst v8  }
0x838: {  	[tilespmem:s5+$0xFFFFFFE0] =	vst v5  }
0x839: {  	[tilespmem:s5+$0xFFFFFFF0] =	vst v3  }
0x83a: {  	[tilespmem:s5+$0x0] =	vst v0  }
0x83b: {  	[tilespmem:s5+$0x10] =	vst v1  }
0x83c: {  	[tilespmem:s5+$0x20] =	vst v2  }
0x83d: {  	[tilespmem:s5+$0xFFFFFFC0] =	vst v4  }
0x83e: {  	[hbm4b:s13+s28] =	stream.strided.scatter [tilespmem:s0], [sflag:$0x3], $0x1000, s29, s28, $0x38;
	[tilespmem:$0x1E700] =	vst v63  }
0x83f: {  	_ =	swait.ge [sflag:s3], $0x1000  }
0x840: {  	[sflag:s3] =	ssyncset.done $0x0  }
0x841: {  	s16 =	simm.s32 $0x19770;
	[sflag:s3] =	ssyncadd.s32 $0xFFFFF000  }
0x842: {  	v0 =	vld [tilespmem:s16+$0x0]  }
0x843: {  	v1 =	vld [tilespmem:s16+$0xFFFFFFA0]  }
0x844: {  	v2 =	vld [tilespmem:s16+$0xFFFFFFB0]  }
0x845: {  	v3 =	vld [tilespmem:s16+$0xFFFFFFC0]  }
0x846: {  	v4 =	vld [tilespmem:s16+$0xFFFFFFD0]  }
0x847: {  	v6 =	vld [tilespmem:s16+$0xFFFFFFE0]  }
0x848: {  	v7 =	vld [tilespmem:s16+$0xFFFFFFF0]  }
0x849: {  	v8 =	vld [tilespmem:s16+$0xFFFFFF90]  }
0x84a: {  	v9 =	vld.idx.msk [tilespmem:v0+s25+$0x0], $0xffff  }
0x84b: {  	v10 =	vld.idx.msk [tilespmem:v1+s25+$0x0], $0xffff  }
0x84c: {  	v5 =	vld.idx.msk [tilespmem:v2+s25+$0x0], $0xffff  }
0x84d: {  	v3 =	vld.idx.msk [tilespmem:v3+s25+$0x0], $0xffff  }
0x84e: {  	v0 =	vld.idx.msk [tilespmem:v4+s25+$0x0], $0xffff  }
0x84f: {  	s5 =	simm.s32 $0x1D740;
	v1 =	vld.idx.msk [tilespmem:v6+s25+$0x0], $0xffff  }
0x850: {  	v2 =	vld.idx.msk [tilespmem:v7+s25+$0x0], $0xffff;
	[tilespmem:s5+$0x30] =	vst v9  }
0x851: {  	s7 =	simm.s32 $0x0;
	s8 =	simm.s32 $0x197F0;
	v4 =	vld.idx.msk [tilespmem:v8+s25+$0x0], $0xffff;
	[tilespmem:s5+$0xFFFFFFD0] =	vst v10  }
.LBB2_84:
0x852: {  	v6 =	vld [tilespmem:s8+$0x0];
	s7 =	sadd.s32 $0x8, s7;
	[tilespmem:s5+$0xFFFFFFE0] =	vst v5  }
0x853: {  	v5 =	vld [tilespmem:s8+$0xFFFFFFA0];
	p1 =	slt.u32 s7, $0xF8;
	[tilespmem:s5+$0xFFFFFFF0] =	vst v3  }
0x854: {  	v3 =	vld [tilespmem:s8+$0xFFFFFFB0];
	[tilespmem:s5+$0x0] =	vst v0  }
0x855: {  	v0 =	vld [tilespmem:s8+$0xFFFFFFC0];
	[tilespmem:s5+$0x10] =	vst v1  }
0x856: {  	v1 =	vld [tilespmem:s8+$0xFFFFFFD0];
	[tilespmem:s5+$0x20] =	vst v2  }
0x857: {  	v2 =	vld [tilespmem:s8+$0xFFFFFFE0];
	[tilespmem:s5+$0xFFFFFFC0] =	vst v4  }
0x858: {  	v4 =	vld [tilespmem:s8+$0xFFFFFFF0]  }
0x859: {  	v7 =	vld [tilespmem:s8+$0xFFFFFF90]  }
0x85a: {  	v6 =	vld.idx.msk [tilespmem:v6+s25+$0x0], $0xffff  }
0x85b: {  	v8 =	vld.idx.msk [tilespmem:v5+s25+$0x0], $0xffff  }
0x85c: {  	v5 =	vld.idx.msk [tilespmem:v3+s25+$0x0], $0xffff  }
.Ltmp41:
0x85d: {  	v3 =	vld.idx.msk [tilespmem:v0+s25+$0x0], $0xffff;
	(pc) =	sbr.rel @p1 .LBB2_84-.Ltmp41, $4  }
0x85e: {  	v0 =	vld.idx.msk [tilespmem:v1+s25+$0x0], $0xffff  }
0x85f: {  	s5 =	sadd.s32 $0x80, s5;
	v1 =	vld.idx.msk [tilespmem:v2+s25+$0x0], $0xffff  }
0x860: {  	v2 =	vld.idx.msk [tilespmem:v4+s25+$0x0], $0xffff;
	[tilespmem:s5+$0x30] =	vst v6  }
0x861: {  	s8 =	sadd.s32 $0x80, s8;
	v4 =	vld.idx.msk [tilespmem:v7+s25+$0x0], $0xffff;
	[tilespmem:s5+$0xFFFFFFD0] =	vst v8  }
0x862: {  	[tilespmem:s5+$0xFFFFFFE0] =	vst v5  }
0x863: {  	[tilespmem:s5+$0xFFFFFFF0] =	vst v3  }
0x864: {  	[tilespmem:s5+$0x0] =	vst v0  }
0x865: {  	[tilespmem:s5+$0x10] =	vst v1  }
0x866: {  	[tilespmem:s5+$0x20] =	vst v2  }
0x867: {  	[tilespmem:s5+$0xFFFFFFC0] =	vst v4  }
0x868: {  	[hbm4b:s12+s28] =	stream.strided.scatter [tilespmem:s1], [sflag:$0x4], $0x1000, s29, s28, $0x38;
	[tilespmem:$0x1E700] =	vst v63  }
0x869: {  	_ =	swait.ge [sflag:s2], $0x1000  }
0x86a: {  	[sflag:s2] =	ssyncset.done $0x0  }
0x86b: {  	s16 =	simm.s32 $0x1A770;
	[sflag:s2] =	ssyncadd.s32 $0xFFFFF000  }
0x86c: {  	v0 =	vld [tilespmem:s16+$0x0]  }
0x86d: {  	v1 =	vld [tilespmem:s16+$0xFFFFFFA0]  }
0x86e: {  	v2 =	vld [tilespmem:s16+$0xFFFFFFB0]  }
0x86f: {  	v3 =	vld [tilespmem:s16+$0xFFFFFFC0]  }
0x870: {  	v4 =	vld [tilespmem:s16+$0xFFFFFFD0]  }
0x871: {  	v6 =	vld [tilespmem:s16+$0xFFFFFFE0]  }
0x872: {  	v7 =	vld [tilespmem:s16+$0xFFFFFFF0]  }
0x873: {  	v8 =	vld [tilespmem:s16+$0xFFFFFF90]  }
0x874: {  	v9 =	vld.idx.msk [tilespmem:v0+s25+$0x0], $0xffff  }
0x875: {  	v10 =	vld.idx.msk [tilespmem:v1+s25+$0x0], $0xffff  }
0x876: {  	v5 =	vld.idx.msk [tilespmem:v2+s25+$0x0], $0xffff  }
0x877: {  	v3 =	vld.idx.msk [tilespmem:v3+s25+$0x0], $0xffff  }
0x878: {  	v0 =	vld.idx.msk [tilespmem:v4+s25+$0x0], $0xffff  }
0x879: {  	s5 =	simm.s32 $0x1C740;
	v1 =	vld.idx.msk [tilespmem:v6+s25+$0x0], $0xffff  }
0x87a: {  	v2 =	vld.idx.msk [tilespmem:v7+s25+$0x0], $0xffff;
	[tilespmem:s5+$0x30] =	vst v9  }
0x87b: {  	s7 =	simm.s32 $0x0;
	s8 =	simm.s32 $0x1A7F0;
	v4 =	vld.idx.msk [tilespmem:v8+s25+$0x0], $0xffff;
	[tilespmem:s5+$0xFFFFFFD0] =	vst v10  }
.LBB2_86:
0x87c: {  	v6 =	vld [tilespmem:s8+$0x0];
	s7 =	sadd.s32 $0x8, s7;
	[tilespmem:s5+$0xFFFFFFE0] =	vst v5  }
0x87d: {  	v5 =	vld [tilespmem:s8+$0xFFFFFFA0];
	p1 =	slt.u32 s7, $0xF8;
	[tilespmem:s5+$0xFFFFFFF0] =	vst v3  }
0x87e: {  	v3 =	vld [tilespmem:s8+$0xFFFFFFB0];
	[tilespmem:s5+$0x0] =	vst v0  }
0x87f: {  	v0 =	vld [tilespmem:s8+$0xFFFFFFC0];
	[tilespmem:s5+$0x10] =	vst v1  }
0x880: {  	v1 =	vld [tilespmem:s8+$0xFFFFFFD0];
	[tilespmem:s5+$0x20] =	vst v2  }
0x881: {  	v2 =	vld [tilespmem:s8+$0xFFFFFFE0];
	[tilespmem:s5+$0xFFFFFFC0] =	vst v4  }
0x882: {  	v4 =	vld [tilespmem:s8+$0xFFFFFFF0]  }
0x883: {  	v7 =	vld [tilespmem:s8+$0xFFFFFF90]  }
0x884: {  	v6 =	vld.idx.msk [tilespmem:v6+s25+$0x0], $0xffff  }
0x885: {  	v8 =	vld.idx.msk [tilespmem:v5+s25+$0x0], $0xffff  }
0x886: {  	v5 =	vld.idx.msk [tilespmem:v3+s25+$0x0], $0xffff  }
.Ltmp42:
0x887: {  	v3 =	vld.idx.msk [tilespmem:v0+s25+$0x0], $0xffff;
	(pc) =	sbr.rel @p1 .LBB2_86-.Ltmp42, $4  }
0x888: {  	v0 =	vld.idx.msk [tilespmem:v1+s25+$0x0], $0xffff  }
0x889: {  	s5 =	sadd.s32 $0x80, s5;
	v1 =	vld.idx.msk [tilespmem:v2+s25+$0x0], $0xffff  }
0x88a: {  	v2 =	vld.idx.msk [tilespmem:v4+s25+$0x0], $0xffff;
	[tilespmem:s5+$0x30] =	vst v6  }
0x88b: {  	s8 =	sadd.s32 $0x80, s8;
	v4 =	vld.idx.msk [tilespmem:v7+s25+$0x0], $0xffff;
	[tilespmem:s5+$0xFFFFFFD0] =	vst v8  }
0x88c: {  	[tilespmem:s5+$0xFFFFFFE0] =	vst v5  }
0x88d: {  	[tilespmem:s5+$0xFFFFFFF0] =	vst v3  }
0x88e: {  	[tilespmem:s5+$0x0] =	vst v0  }
0x88f: {  	[tilespmem:s5+$0x10] =	vst v1  }
0x890: {  	[tilespmem:s5+$0x20] =	vst v2  }
0x891: {  	[tilespmem:s5+$0xFFFFFFC0] =	vst v4  }
0x892: {  	[hbm4b:s14+s28] =	stream.strided.scatter [tilespmem:s0], [sflag:$0x3], $0x1000, s29, s28, $0x38;
	[tilespmem:$0x1E700] =	vst v63  }
0x893: {  	_ =	swait.ge [sflag:s3], $0x1000  }
0x894: {  	[sflag:s3] =	ssyncset.done $0x0  }
0x895: {  	s16 =	simm.s32 $0x1B770;
	[sflag:s3] =	ssyncadd.s32 $0xFFFFF000  }
0x896: {  	v0 =	vld [tilespmem:s16+$0x0]  }
0x897: {  	v1 =	vld [tilespmem:s16+$0xFFFFFFA0]  }
0x898: {  	v2 =	vld [tilespmem:s16+$0xFFFFFFB0]  }
0x899: {  	v3 =	vld [tilespmem:s16+$0xFFFFFFC0]  }
0x89a: {  	v4 =	vld [tilespmem:s16+$0xFFFFFFD0]  }
0x89b: {  	v6 =	vld [tilespmem:s16+$0xFFFFFFE0]  }
0x89c: {  	v7 =	vld [tilespmem:s16+$0xFFFFFFF0]  }
0x89d: {  	v8 =	vld [tilespmem:s16+$0xFFFFFF90]  }
0x89e: {  	v9 =	vld.idx.msk [tilespmem:v0+s25+$0x0], $0xffff  }
0x89f: {  	v10 =	vld.idx.msk [tilespmem:v1+s25+$0x0], $0xffff  }
0x8a0: {  	v5 =	vld.idx.msk [tilespmem:v2+s25+$0x0], $0xffff  }
0x8a1: {  	v3 =	vld.idx.msk [tilespmem:v3+s25+$0x0], $0xffff  }
0x8a2: {  	v0 =	vld.idx.msk [tilespmem:v4+s25+$0x0], $0xffff  }
0x8a3: {  	s5 =	simm.s32 $0x1D740;
	v1 =	vld.idx.msk [tilespmem:v6+s25+$0x0], $0xffff  }
0x8a4: {  	v2 =	vld.idx.msk [tilespmem:v7+s25+$0x0], $0xffff;
	[tilespmem:s5+$0x30] =	vst v9  }
0x8a5: {  	s7 =	simm.s32 $0x0;
	s8 =	simm.s32 $0x1B7F0;
	v4 =	vld.idx.msk [tilespmem:v8+s25+$0x0], $0xffff;
	[tilespmem:s5+$0xFFFFFFD0] =	vst v10  }
.LBB2_88:
0x8a6: {  	v6 =	vld [tilespmem:s8+$0x0];
	s7 =	sadd.s32 $0x8, s7;
	[tilespmem:s5+$0xFFFFFFE0] =	vst v5  }
0x8a7: {  	v5 =	vld [tilespmem:s8+$0xFFFFFFA0];
	p1 =	slt.u32 s7, $0xF8;
	[tilespmem:s5+$0xFFFFFFF0] =	vst v3  }
0x8a8: {  	v3 =	vld [tilespmem:s8+$0xFFFFFFB0];
	[tilespmem:s5+$0x0] =	vst v0  }
0x8a9: {  	v0 =	vld [tilespmem:s8+$0xFFFFFFC0];
	[tilespmem:s5+$0x10] =	vst v1  }
0x8aa: {  	v1 =	vld [tilespmem:s8+$0xFFFFFFD0];
	[tilespmem:s5+$0x20] =	vst v2  }
0x8ab: {  	v2 =	vld [tilespmem:s8+$0xFFFFFFE0];
	[tilespmem:s5+$0xFFFFFFC0] =	vst v4  }
0x8ac: {  	v4 =	vld [tilespmem:s8+$0xFFFFFFF0]  }
0x8ad: {  	v7 =	vld [tilespmem:s8+$0xFFFFFF90]  }
0x8ae: {  	v6 =	vld.idx.msk [tilespmem:v6+s25+$0x0], $0xffff  }
0x8af: {  	v8 =	vld.idx.msk [tilespmem:v5+s25+$0x0], $0xffff  }
0x8b0: {  	v5 =	vld.idx.msk [tilespmem:v3+s25+$0x0], $0xffff  }
.Ltmp43:
0x8b1: {  	v3 =	vld.idx.msk [tilespmem:v0+s25+$0x0], $0xffff;
	(pc) =	sbr.rel @p1 .LBB2_88-.Ltmp43, $4  }
0x8b2: {  	v0 =	vld.idx.msk [tilespmem:v1+s25+$0x0], $0xffff  }
0x8b3: {  	s5 =	sadd.s32 $0x80, s5;
	v1 =	vld.idx.msk [tilespmem:v2+s25+$0x0], $0xffff  }
0x8b4: {  	v2 =	vld.idx.msk [tilespmem:v4+s25+$0x0], $0xffff;
	[tilespmem:s5+$0x30] =	vst v6  }
0x8b5: {  	s8 =	sadd.s32 $0x80, s8;
	v4 =	vld.idx.msk [tilespmem:v7+s25+$0x0], $0xffff;
	[tilespmem:s5+$0xFFFFFFD0] =	vst v8  }
0x8b6: {  	[tilespmem:s5+$0xFFFFFFE0] =	vst v5  }
0x8b7: {  	[tilespmem:s5+$0xFFFFFFF0] =	vst v3  }
0x8b8: {  	[tilespmem:s5+$0x0] =	vst v0  }
0x8b9: {  	[tilespmem:s5+$0x10] =	vst v1  }
0x8ba: {  	[tilespmem:s5+$0x20] =	vst v2  }
0x8bb: {  	[tilespmem:s5+$0xFFFFFFC0] =	vst v4  }
0x8bc: {  	[hbm4b:s9+s28] =	stream.strided.scatter [tilespmem:s1], [sflag:$0x4], $0x1000, s29, s28, $0x38;
	[tilespmem:$0x1E700] =	vst v63  }
0x8bd: {  	s7 =	simm.s32 @!p5 $0x400;
	s5 =	rddreg [dreg:$0x19]  }
0x8be: {  	[tilespmem:s25], [sflag:$0x1] =	stream.strided.gather [hbm4b:s5+s28], $0x18700, s29, s28, $0x38;
	[tilespmem:$0x1E700] =	vst v63  }
0x8bf: {  	s8 =	simm.s32 @!p5 $0x18700;
	s15 =	rddreg [dreg:$0xd];
	s5 =	simm.s32 @!p5 $0x80  }
0x8c0: {  	[tilespmem:s8], [sflag:$0x2] =	stream.strided.gather @!p5 [hbm4b:s15+s5], $0x4000, s7, s5, $0x38;
	[tilespmem:$0x1E700] =	vst v63  }
0x8c1: {  	s5 =	simm.s32 @!p5 $0x2  }
0x8c2: {  	_ =	swait.ge @!p5 [sflag:s5], $0x4000  }
0x8c3: {  	[sflag:s5] =	ssyncset.done @!p5 $0x0  }
0x8c4: {  	[sflag:s5] =	ssyncadd.s32 @!p5 $0xFFFFC000  }
0x8c5: {  	_ =	swait.ge [sflag:s31], $0x18700  }
0x8c6: {  	[sflag:s31] =	ssyncset.done $0x0  }
0x8c7: {  	[sflag:s31] =	ssyncadd.s32 $0xFFFE7900  }
0x8c8: {  	_ =	swait.ge [sflag:s2], $0x1000  }
0x8c9: {  	[sflag:s2] =	ssyncset.done $0x0  }
0x8ca: {  	s16 =	simm.s32 $0x18740;
	[sflag:s2] =	ssyncadd.s32 $0xFFFFF000  }
0x8cb: {  	v0 =	vld [tilespmem:s16+$0x30]  }
0x8cc: {  	v1 =	vld [tilespmem:s16+$0xFFFFFFD0]  }
0x8cd: {  	v2 =	vld [tilespmem:s16+$0xFFFFFFE0]  }
0x8ce: {  	v3 =	vld [tilespmem:s16+$0xFFFFFFF0]  }
0x8cf: {  	v4 =	vld [tilespmem:s16+$0x0]  }
0x8d0: {  	v6 =	vld [tilespmem:s16+$0x10]  }
0x8d1: {  	v7 =	vld [tilespmem:s16+$0x20]  }
0x8d2: {  	v8 =	vld [tilespmem:s16+$0xFFFFFFC0]  }
0x8d3: {  	v9 =	vld.idx.msk [tilespmem:v0+s25+$0x0], $0xffff  }
0x8d4: {  	v10 =	vld.idx.msk [tilespmem:v1+s25+$0x0], $0xffff  }
0x8d5: {  	v5 =	vld.idx.msk [tilespmem:v2+s25+$0x0], $0xffff  }
0x8d6: {  	v3 =	vld.idx.msk [tilespmem:v3+s25+$0x0], $0xffff  }
0x8d7: {  	v0 =	vld.idx.msk [tilespmem:v4+s25+$0x0], $0xffff  }
0x8d8: {  	s5 =	simm.s32 $0x1C740;
	v1 =	vld.idx.msk [tilespmem:v6+s25+$0x0], $0xffff  }
0x8d9: {  	v2 =	vld.idx.msk [tilespmem:v7+s25+$0x0], $0xffff;
	[tilespmem:s5+$0x30] =	vst v9  }
0x8da: {  	s7 =	simm.s32 $0x0;
	s8 =	simm.s32 $0x187C0;
	v4 =	vld.idx.msk [tilespmem:v8+s25+$0x0], $0xffff;
	[tilespmem:s5+$0xFFFFFFD0] =	vst v10  }
.LBB2_90:
0x8db: {  	v6 =	vld [tilespmem:s8+$0x30];
	s7 =	sadd.s32 $0x8, s7;
	[tilespmem:s5+$0xFFFFFFE0] =	vst v5  }
0x8dc: {  	v5 =	vld [tilespmem:s8+$0xFFFFFFD0];
	p1 =	slt.u32 s7, $0xF8;
	[tilespmem:s5+$0xFFFFFFF0] =	vst v3  }
0x8dd: {  	v3 =	vld [tilespmem:s8+$0xFFFFFFE0];
	[tilespmem:s5+$0x0] =	vst v0  }
0x8de: {  	v0 =	vld [tilespmem:s8+$0xFFFFFFF0];
	[tilespmem:s5+$0x10] =	vst v1  }
0x8df: {  	v1 =	vld [tilespmem:s8+$0x0];
	[tilespmem:s5+$0x20] =	vst v2  }
0x8e0: {  	v2 =	vld [tilespmem:s8+$0x10];
	[tilespmem:s5+$0xFFFFFFC0] =	vst v4  }
0x8e1: {  	v4 =	vld [tilespmem:s8+$0x20]  }
0x8e2: {  	v7 =	vld [tilespmem:s8+$0xFFFFFFC0]  }
0x8e3: {  	v6 =	vld.idx.msk [tilespmem:v6+s25+$0x0], $0xffff  }
0x8e4: {  	v8 =	vld.idx.msk [tilespmem:v5+s25+$0x0], $0xffff  }
0x8e5: {  	v5 =	vld.idx.msk [tilespmem:v3+s25+$0x0], $0xffff  }
.Ltmp44:
0x8e6: {  	v3 =	vld.idx.msk [tilespmem:v0+s25+$0x0], $0xffff;
	(pc) =	sbr.rel @p1 .LBB2_90-.Ltmp44, $4  }
0x8e7: {  	v0 =	vld.idx.msk [tilespmem:v1+s25+$0x0], $0xffff  }
0x8e8: {  	s5 =	sadd.s32 $0x80, s5;
	v1 =	vld.idx.msk [tilespmem:v2+s25+$0x0], $0xffff  }
0x8e9: {  	v2 =	vld.idx.msk [tilespmem:v4+s25+$0x0], $0xffff;
	[tilespmem:s5+$0x30] =	vst v6  }
0x8ea: {  	s8 =	sadd.s32 $0x80, s8;
	v4 =	vld.idx.msk [tilespmem:v7+s25+$0x0], $0xffff;
	[tilespmem:s5+$0xFFFFFFD0] =	vst v8  }
0x8eb: {  	[tilespmem:s5+$0xFFFFFFE0] =	vst v5  }
0x8ec: {  	[tilespmem:s5+$0xFFFFFFF0] =	vst v3  }
0x8ed: {  	[tilespmem:s5+$0x0] =	vst v0  }
0x8ee: {  	[tilespmem:s5+$0x10] =	vst v1  }
0x8ef: {  	[tilespmem:s5+$0x20] =	vst v2  }
0x8f0: {  	[tilespmem:s5+$0xFFFFFFC0] =	vst v4  }
0x8f1: {  	[hbm4b:s6+s28] =	stream.strided.scatter [tilespmem:s0], [sflag:$0x3], $0x1000, s29, s28, $0x38;
	[tilespmem:$0x1E700] =	vst v63  }
0x8f2: {  	_ =	swait.ge [sflag:s3], $0x1000  }
0x8f3: {  	[sflag:s3] =	ssyncset.done $0x0  }
0x8f4: {  	s16 =	simm.s32 $0x19770;
	[sflag:s3] =	ssyncadd.s32 $0xFFFFF000  }
0x8f5: {  	v0 =	vld [tilespmem:s16+$0x0]  }
0x8f6: {  	v1 =	vld [tilespmem:s16+$0xFFFFFFA0]  }
0x8f7: {  	v2 =	vld [tilespmem:s16+$0xFFFFFFB0]  }
0x8f8: {  	v3 =	vld [tilespmem:s16+$0xFFFFFFC0]  }
0x8f9: {  	v4 =	vld [tilespmem:s16+$0xFFFFFFD0]  }
0x8fa: {  	v6 =	vld [tilespmem:s16+$0xFFFFFFE0]  }
0x8fb: {  	v7 =	vld [tilespmem:s16+$0xFFFFFFF0]  }
0x8fc: {  	v8 =	vld [tilespmem:s16+$0xFFFFFF90]  }
0x8fd: {  	v9 =	vld.idx.msk [tilespmem:v0+s25+$0x0], $0xffff  }
0x8fe: {  	v10 =	vld.idx.msk [tilespmem:v1+s25+$0x0], $0xffff  }
0x8ff: {  	v5 =	vld.idx.msk [tilespmem:v2+s25+$0x0], $0xffff  }
0x900: {  	v3 =	vld.idx.msk [tilespmem:v3+s25+$0x0], $0xffff  }
0x901: {  	v0 =	vld.idx.msk [tilespmem:v4+s25+$0x0], $0xffff  }
0x902: {  	s5 =	simm.s32 $0x1D740;
	v1 =	vld.idx.msk [tilespmem:v6+s25+$0x0], $0xffff  }
0x903: {  	v2 =	vld.idx.msk [tilespmem:v7+s25+$0x0], $0xffff;
	[tilespmem:s5+$0x30] =	vst v9  }
0x904: {  	s7 =	simm.s32 $0x0;
	s8 =	simm.s32 $0x197F0;
	v4 =	vld.idx.msk [tilespmem:v8+s25+$0x0], $0xffff;
	[tilespmem:s5+$0xFFFFFFD0] =	vst v10  }
.LBB2_92:
0x905: {  	v6 =	vld [tilespmem:s8+$0x0];
	s7 =	sadd.s32 $0x8, s7;
	[tilespmem:s5+$0xFFFFFFE0] =	vst v5  }
0x906: {  	v5 =	vld [tilespmem:s8+$0xFFFFFFA0];
	p1 =	slt.u32 s7, $0xF8;
	[tilespmem:s5+$0xFFFFFFF0] =	vst v3  }
0x907: {  	v3 =	vld [tilespmem:s8+$0xFFFFFFB0];
	[tilespmem:s5+$0x0] =	vst v0  }
0x908: {  	v0 =	vld [tilespmem:s8+$0xFFFFFFC0];
	[tilespmem:s5+$0x10] =	vst v1  }
0x909: {  	v1 =	vld [tilespmem:s8+$0xFFFFFFD0];
	[tilespmem:s5+$0x20] =	vst v2  }
0x90a: {  	v2 =	vld [tilespmem:s8+$0xFFFFFFE0];
	[tilespmem:s5+$0xFFFFFFC0] =	vst v4  }
0x90b: {  	v4 =	vld [tilespmem:s8+$0xFFFFFFF0]  }
0x90c: {  	v7 =	vld [tilespmem:s8+$0xFFFFFF90]  }
0x90d: {  	v6 =	vld.idx.msk [tilespmem:v6+s25+$0x0], $0xffff  }
0x90e: {  	v8 =	vld.idx.msk [tilespmem:v5+s25+$0x0], $0xffff  }
0x90f: {  	v5 =	vld.idx.msk [tilespmem:v3+s25+$0x0], $0xffff  }
.Ltmp45:
0x910: {  	v3 =	vld.idx.msk [tilespmem:v0+s25+$0x0], $0xffff;
	(pc) =	sbr.rel @p1 .LBB2_92-.Ltmp45, $4  }
0x911: {  	v0 =	vld.idx.msk [tilespmem:v1+s25+$0x0], $0xffff  }
0x912: {  	s5 =	sadd.s32 $0x80, s5;
	v1 =	vld.idx.msk [tilespmem:v2+s25+$0x0], $0xffff  }
0x913: {  	v2 =	vld.idx.msk [tilespmem:v4+s25+$0x0], $0xffff;
	[tilespmem:s5+$0x30] =	vst v6  }
0x914: {  	s8 =	sadd.s32 $0x80, s8;
	v4 =	vld.idx.msk [tilespmem:v7+s25+$0x0], $0xffff;
	[tilespmem:s5+$0xFFFFFFD0] =	vst v8  }
0x915: {  	[tilespmem:s5+$0xFFFFFFE0] =	vst v5  }
0x916: {  	[tilespmem:s5+$0xFFFFFFF0] =	vst v3  }
0x917: {  	[tilespmem:s5+$0x0] =	vst v0  }
0x918: {  	[tilespmem:s5+$0x10] =	vst v1  }
0x919: {  	[tilespmem:s5+$0x20] =	vst v2  }
0x91a: {  	[tilespmem:s5+$0xFFFFFFC0] =	vst v4  }
0x91b: {  	[hbm4b:s18+s28] =	stream.strided.scatter [tilespmem:s1], [sflag:$0x4], $0x1000, s29, s28, $0x38;
	[tilespmem:$0x1E700] =	vst v63  }
0x91c: {  	_ =	swait.ge [sflag:s2], $0x1000  }
0x91d: {  	[sflag:s2] =	ssyncset.done $0x0  }
0x91e: {  	s16 =	simm.s32 $0x1A770;
	[sflag:s2] =	ssyncadd.s32 $0xFFFFF000  }
0x91f: {  	v0 =	vld [tilespmem:s16+$0x0]  }
0x920: {  	v1 =	vld [tilespmem:s16+$0xFFFFFFA0]  }
0x921: {  	v2 =	vld [tilespmem:s16+$0xFFFFFFB0]  }
0x922: {  	v3 =	vld [tilespmem:s16+$0xFFFFFFC0]  }
0x923: {  	v4 =	vld [tilespmem:s16+$0xFFFFFFD0]  }
0x924: {  	v6 =	vld [tilespmem:s16+$0xFFFFFFE0]  }
0x925: {  	v7 =	vld [tilespmem:s16+$0xFFFFFFF0]  }
0x926: {  	v8 =	vld [tilespmem:s16+$0xFFFFFF90]  }
0x927: {  	v9 =	vld.idx.msk [tilespmem:v0+s25+$0x0], $0xffff  }
0x928: {  	v10 =	vld.idx.msk [tilespmem:v1+s25+$0x0], $0xffff  }
0x929: {  	v5 =	vld.idx.msk [tilespmem:v2+s25+$0x0], $0xffff  }
0x92a: {  	v3 =	vld.idx.msk [tilespmem:v3+s25+$0x0], $0xffff  }
0x92b: {  	v0 =	vld.idx.msk [tilespmem:v4+s25+$0x0], $0xffff  }
0x92c: {  	s5 =	simm.s32 $0x1C740;
	v1 =	vld.idx.msk [tilespmem:v6+s25+$0x0], $0xffff  }
0x92d: {  	v2 =	vld.idx.msk [tilespmem:v7+s25+$0x0], $0xffff;
	[tilespmem:s5+$0x30] =	vst v9  }
0x92e: {  	s7 =	simm.s32 $0x0;
	s8 =	simm.s32 $0x1A7F0;
	v4 =	vld.idx.msk [tilespmem:v8+s25+$0x0], $0xffff;
	[tilespmem:s5+$0xFFFFFFD0] =	vst v10  }
.LBB2_94:
0x92f: {  	v6 =	vld [tilespmem:s8+$0x0];
	s7 =	sadd.s32 $0x8, s7;
	[tilespmem:s5+$0xFFFFFFE0] =	vst v5  }
0x930: {  	v5 =	vld [tilespmem:s8+$0xFFFFFFA0];
	p1 =	slt.u32 s7, $0xF8;
	[tilespmem:s5+$0xFFFFFFF0] =	vst v3  }
0x931: {  	v3 =	vld [tilespmem:s8+$0xFFFFFFB0];
	[tilespmem:s5+$0x0] =	vst v0  }
0x932: {  	v0 =	vld [tilespmem:s8+$0xFFFFFFC0];
	[tilespmem:s5+$0x10] =	vst v1  }
0x933: {  	v1 =	vld [tilespmem:s8+$0xFFFFFFD0];
	[tilespmem:s5+$0x20] =	vst v2  }
0x934: {  	v2 =	vld [tilespmem:s8+$0xFFFFFFE0];
	[tilespmem:s5+$0xFFFFFFC0] =	vst v4  }
0x935: {  	v4 =	vld [tilespmem:s8+$0xFFFFFFF0]  }
0x936: {  	v7 =	vld [tilespmem:s8+$0xFFFFFF90]  }
0x937: {  	v6 =	vld.idx.msk [tilespmem:v6+s25+$0x0], $0xffff  }
0x938: {  	v8 =	vld.idx.msk [tilespmem:v5+s25+$0x0], $0xffff  }
0x939: {  	v5 =	vld.idx.msk [tilespmem:v3+s25+$0x0], $0xffff  }
.Ltmp46:
0x93a: {  	v3 =	vld.idx.msk [tilespmem:v0+s25+$0x0], $0xffff;
	(pc) =	sbr.rel @p1 .LBB2_94-.Ltmp46, $4  }
0x93b: {  	v0 =	vld.idx.msk [tilespmem:v1+s25+$0x0], $0xffff  }
0x93c: {  	s5 =	sadd.s32 $0x80, s5;
	v1 =	vld.idx.msk [tilespmem:v2+s25+$0x0], $0xffff  }
0x93d: {  	v2 =	vld.idx.msk [tilespmem:v4+s25+$0x0], $0xffff;
	[tilespmem:s5+$0x30] =	vst v6  }
0x93e: {  	s8 =	sadd.s32 $0x80, s8;
	v4 =	vld.idx.msk [tilespmem:v7+s25+$0x0], $0xffff;
	[tilespmem:s5+$0xFFFFFFD0] =	vst v8  }
0x93f: {  	[tilespmem:s5+$0xFFFFFFE0] =	vst v5  }
0x940: {  	[tilespmem:s5+$0xFFFFFFF0] =	vst v3  }
0x941: {  	[tilespmem:s5+$0x0] =	vst v0  }
0x942: {  	[tilespmem:s5+$0x10] =	vst v1  }
0x943: {  	[tilespmem:s5+$0x20] =	vst v2  }
0x944: {  	[tilespmem:s5+$0xFFFFFFC0] =	vst v4  }
0x945: {  	[hbm4b:s10+s28] =	stream.strided.scatter [tilespmem:s0], [sflag:$0x3], $0x1000, s29, s28, $0x38;
	[tilespmem:$0x1E700] =	vst v63  }
0x946: {  	_ =	swait.ge [sflag:s3], $0x1000  }
0x947: {  	[sflag:s3] =	ssyncset.done $0x0  }
0x948: {  	s16 =	simm.s32 $0x1B770;
	[sflag:s3] =	ssyncadd.s32 $0xFFFFF000  }
0x949: {  	v0 =	vld [tilespmem:s16+$0x0]  }
0x94a: {  	v1 =	vld [tilespmem:s16+$0xFFFFFFA0]  }
0x94b: {  	v2 =	vld [tilespmem:s16+$0xFFFFFFB0]  }
0x94c: {  	v3 =	vld [tilespmem:s16+$0xFFFFFFC0]  }
0x94d: {  	v4 =	vld [tilespmem:s16+$0xFFFFFFD0]  }
0x94e: {  	v6 =	vld [tilespmem:s16+$0xFFFFFFE0]  }
0x94f: {  	v7 =	vld [tilespmem:s16+$0xFFFFFFF0]  }
0x950: {  	v8 =	vld [tilespmem:s16+$0xFFFFFF90]  }
0x951: {  	v9 =	vld.idx.msk [tilespmem:v0+s25+$0x0], $0xffff  }
0x952: {  	v10 =	vld.idx.msk [tilespmem:v1+s25+$0x0], $0xffff  }
0x953: {  	v5 =	vld.idx.msk [tilespmem:v2+s25+$0x0], $0xffff  }
0x954: {  	v3 =	vld.idx.msk [tilespmem:v3+s25+$0x0], $0xffff  }
0x955: {  	v0 =	vld.idx.msk [tilespmem:v4+s25+$0x0], $0xffff  }
0x956: {  	s5 =	simm.s32 $0x1D740;
	v1 =	vld.idx.msk [tilespmem:v6+s25+$0x0], $0xffff  }
0x957: {  	v2 =	vld.idx.msk [tilespmem:v7+s25+$0x0], $0xffff;
	[tilespmem:s5+$0x30] =	vst v9  }
0x958: {  	s7 =	simm.s32 $0x0;
	s8 =	simm.s32 $0x1B7F0;
	v4 =	vld.idx.msk [tilespmem:v8+s25+$0x0], $0xffff;
	[tilespmem:s5+$0xFFFFFFD0] =	vst v10  }
.LBB2_96:
0x959: {  	v6 =	vld [tilespmem:s8+$0x0];
	s7 =	sadd.s32 $0x8, s7;
	[tilespmem:s5+$0xFFFFFFE0] =	vst v5  }
0x95a: {  	v5 =	vld [tilespmem:s8+$0xFFFFFFA0];
	p1 =	slt.u32 s7, $0xF8;
	[tilespmem:s5+$0xFFFFFFF0] =	vst v3  }
0x95b: {  	v3 =	vld [tilespmem:s8+$0xFFFFFFB0];
	[tilespmem:s5+$0x0] =	vst v0  }
0x95c: {  	v0 =	vld [tilespmem:s8+$0xFFFFFFC0];
	[tilespmem:s5+$0x10] =	vst v1  }
0x95d: {  	v1 =	vld [tilespmem:s8+$0xFFFFFFD0];
	[tilespmem:s5+$0x20] =	vst v2  }
0x95e: {  	v2 =	vld [tilespmem:s8+$0xFFFFFFE0];
	[tilespmem:s5+$0xFFFFFFC0] =	vst v4  }
0x95f: {  	v4 =	vld [tilespmem:s8+$0xFFFFFFF0]  }
0x960: {  	v7 =	vld [tilespmem:s8+$0xFFFFFF90]  }
0x961: {  	v6 =	vld.idx.msk [tilespmem:v6+s25+$0x0], $0xffff  }
0x962: {  	v8 =	vld.idx.msk [tilespmem:v5+s25+$0x0], $0xffff  }
0x963: {  	v5 =	vld.idx.msk [tilespmem:v3+s25+$0x0], $0xffff  }
.Ltmp47:
0x964: {  	v3 =	vld.idx.msk [tilespmem:v0+s25+$0x0], $0xffff;
	(pc) =	sbr.rel @p1 .LBB2_96-.Ltmp47, $4  }
0x965: {  	v0 =	vld.idx.msk [tilespmem:v1+s25+$0x0], $0xffff  }
0x966: {  	s5 =	sadd.s32 $0x80, s5;
	v1 =	vld.idx.msk [tilespmem:v2+s25+$0x0], $0xffff  }
0x967: {  	v2 =	vld.idx.msk [tilespmem:v4+s25+$0x0], $0xffff;
	[tilespmem:s5+$0x30] =	vst v6  }
0x968: {  	s8 =	sadd.s32 $0x80, s8;
	v4 =	vld.idx.msk [tilespmem:v7+s25+$0x0], $0xffff;
	[tilespmem:s5+$0xFFFFFFD0] =	vst v8  }
0x969: {  	[tilespmem:s5+$0xFFFFFFE0] =	vst v5  }
0x96a: {  	[tilespmem:s5+$0xFFFFFFF0] =	vst v3  }
0x96b: {  	[tilespmem:s5+$0x0] =	vst v0  }
0x96c: {  	[tilespmem:s5+$0x10] =	vst v1  }
0x96d: {  	[tilespmem:s5+$0x20] =	vst v2  }
0x96e: {  	[tilespmem:s5+$0xFFFFFFC0] =	vst v4  }
0x96f: {  	[hbm4b:s20+s28] =	stream.strided.scatter [tilespmem:s1], [sflag:$0x4], $0x1000, s29, s28, $0x38;
	[tilespmem:$0x1E700] =	vst v63  }
0x970: {  	s7 =	simm.s32 @!p6 $0x400;
	s5 =	rddreg [dreg:$0x1a]  }
0x971: {  	[tilespmem:s25], [sflag:$0x1] =	stream.strided.gather [hbm4b:s5+s28], $0x18700, s29, s28, $0x38;
	[tilespmem:$0x1E700] =	vst v63  }
0x972: {  	s8 =	simm.s32 @!p6 $0x18700;
	s15 =	rddreg [dreg:$0x1b];
	s5 =	simm.s32 @!p6 $0x80  }
0x973: {  	[tilespmem:s8], [sflag:$0x2] =	stream.strided.gather @!p6 [hbm4b:s15+s5], $0x4000, s7, s5, $0x38;
	[tilespmem:$0x1E700] =	vst v63  }
0x974: {  	s5 =	simm.s32 @!p6 $0x2  }
0x975: {  	_ =	swait.ge @!p6 [sflag:s5], $0x4000  }
0x976: {  	[sflag:s5] =	ssyncset.done @!p6 $0x0  }
0x977: {  	[sflag:s5] =	ssyncadd.s32 @!p6 $0xFFFFC000  }
0x978: {  	_ =	swait.ge [sflag:s31], $0x18700  }
0x979: {  	[sflag:s31] =	ssyncset.done $0x0  }
0x97a: {  	[sflag:s31] =	ssyncadd.s32 $0xFFFE7900  }
0x97b: {  	_ =	swait.ge [sflag:s2], $0x1000  }
0x97c: {  	[sflag:s2] =	ssyncset.done $0x0  }
0x97d: {  	s16 =	simm.s32 $0x18740;
	[sflag:s2] =	ssyncadd.s32 $0xFFFFF000  }
0x97e: {  	v0 =	vld [tilespmem:s16+$0x30]  }
0x97f: {  	v1 =	vld [tilespmem:s16+$0xFFFFFFD0]  }
0x980: {  	v2 =	vld [tilespmem:s16+$0xFFFFFFE0]  }
0x981: {  	v3 =	vld [tilespmem:s16+$0xFFFFFFF0]  }
0x982: {  	v4 =	vld [tilespmem:s16+$0x0]  }
0x983: {  	v6 =	vld [tilespmem:s16+$0x10]  }
0x984: {  	v7 =	vld [tilespmem:s16+$0x20]  }
0x985: {  	v8 =	vld [tilespmem:s16+$0xFFFFFFC0]  }
0x986: {  	v9 =	vld.idx.msk [tilespmem:v0+s25+$0x0], $0xffff  }
0x987: {  	v10 =	vld.idx.msk [tilespmem:v1+s25+$0x0], $0xffff  }
0x988: {  	v5 =	vld.idx.msk [tilespmem:v2+s25+$0x0], $0xffff  }
0x989: {  	v3 =	vld.idx.msk [tilespmem:v3+s25+$0x0], $0xffff  }
0x98a: {  	v0 =	vld.idx.msk [tilespmem:v4+s25+$0x0], $0xffff  }
0x98b: {  	s5 =	simm.s32 $0x1C740;
	v1 =	vld.idx.msk [tilespmem:v6+s25+$0x0], $0xffff  }
0x98c: {  	v2 =	vld.idx.msk [tilespmem:v7+s25+$0x0], $0xffff;
	[tilespmem:s5+$0x30] =	vst v9  }
0x98d: {  	s7 =	simm.s32 $0x0;
	s8 =	simm.s32 $0x187C0;
	v4 =	vld.idx.msk [tilespmem:v8+s25+$0x0], $0xffff;
	[tilespmem:s5+$0xFFFFFFD0] =	vst v10  }
.LBB2_98:
0x98e: {  	v6 =	vld [tilespmem:s8+$0x30];
	s7 =	sadd.s32 $0x8, s7;
	[tilespmem:s5+$0xFFFFFFE0] =	vst v5  }
0x98f: {  	v5 =	vld [tilespmem:s8+$0xFFFFFFD0];
	p1 =	slt.u32 s7, $0xF8;
	[tilespmem:s5+$0xFFFFFFF0] =	vst v3  }
0x990: {  	v3 =	vld [tilespmem:s8+$0xFFFFFFE0];
	[tilespmem:s5+$0x0] =	vst v0  }
0x991: {  	v0 =	vld [tilespmem:s8+$0xFFFFFFF0];
	[tilespmem:s5+$0x10] =	vst v1  }
0x992: {  	v1 =	vld [tilespmem:s8+$0x0];
	[tilespmem:s5+$0x20] =	vst v2  }
0x993: {  	v2 =	vld [tilespmem:s8+$0x10];
	[tilespmem:s5+$0xFFFFFFC0] =	vst v4  }
0x994: {  	v4 =	vld [tilespmem:s8+$0x20]  }
0x995: {  	v7 =	vld [tilespmem:s8+$0xFFFFFFC0]  }
0x996: {  	v6 =	vld.idx.msk [tilespmem:v6+s25+$0x0], $0xffff  }
0x997: {  	v8 =	vld.idx.msk [tilespmem:v5+s25+$0x0], $0xffff  }
0x998: {  	v5 =	vld.idx.msk [tilespmem:v3+s25+$0x0], $0xffff  }
.Ltmp48:
0x999: {  	v3 =	vld.idx.msk [tilespmem:v0+s25+$0x0], $0xffff;
	(pc) =	sbr.rel @p1 .LBB2_98-.Ltmp48, $4  }
0x99a: {  	v0 =	vld.idx.msk [tilespmem:v1+s25+$0x0], $0xffff  }
0x99b: {  	s5 =	sadd.s32 $0x80, s5;
	v1 =	vld.idx.msk [tilespmem:v2+s25+$0x0], $0xffff  }
0x99c: {  	v2 =	vld.idx.msk [tilespmem:v4+s25+$0x0], $0xffff;
	[tilespmem:s5+$0x30] =	vst v6  }
0x99d: {  	s8 =	sadd.s32 $0x80, s8;
	v4 =	vld.idx.msk [tilespmem:v7+s25+$0x0], $0xffff;
	[tilespmem:s5+$0xFFFFFFD0] =	vst v8  }
0x99e: {  	[tilespmem:s5+$0xFFFFFFE0] =	vst v5  }
0x99f: {  	[tilespmem:s5+$0xFFFFFFF0] =	vst v3  }
0x9a0: {  	[tilespmem:s5+$0x0] =	vst v0  }
0x9a1: {  	[tilespmem:s5+$0x10] =	vst v1  }
0x9a2: {  	[tilespmem:s5+$0x20] =	vst v2  }
0x9a3: {  	[tilespmem:s5+$0xFFFFFFC0] =	vst v4  }
0x9a4: {  	[hbm4b:s21+s28] =	stream.strided.scatter [tilespmem:s0], [sflag:$0x3], $0x1000, s29, s28, $0x38;
	[tilespmem:$0x1E700] =	vst v63  }
0x9a5: {  	_ =	swait.ge [sflag:s3], $0x1000  }
0x9a6: {  	[sflag:s3] =	ssyncset.done $0x0  }
0x9a7: {  	s16 =	simm.s32 $0x19770;
	[sflag:s3] =	ssyncadd.s32 $0xFFFFF000  }
0x9a8: {  	v0 =	vld [tilespmem:s16+$0x0]  }
0x9a9: {  	v1 =	vld [tilespmem:s16+$0xFFFFFFA0]  }
0x9aa: {  	v2 =	vld [tilespmem:s16+$0xFFFFFFB0]  }
0x9ab: {  	v3 =	vld [tilespmem:s16+$0xFFFFFFC0]  }
0x9ac: {  	v4 =	vld [tilespmem:s16+$0xFFFFFFD0]  }
0x9ad: {  	v6 =	vld [tilespmem:s16+$0xFFFFFFE0]  }
0x9ae: {  	v7 =	vld [tilespmem:s16+$0xFFFFFFF0]  }
0x9af: {  	v8 =	vld [tilespmem:s16+$0xFFFFFF90]  }
0x9b0: {  	v9 =	vld.idx.msk [tilespmem:v0+s25+$0x0], $0xffff  }
0x9b1: {  	v10 =	vld.idx.msk [tilespmem:v1+s25+$0x0], $0xffff  }
0x9b2: {  	v5 =	vld.idx.msk [tilespmem:v2+s25+$0x0], $0xffff  }
0x9b3: {  	v3 =	vld.idx.msk [tilespmem:v3+s25+$0x0], $0xffff  }
0x9b4: {  	v0 =	vld.idx.msk [tilespmem:v4+s25+$0x0], $0xffff  }
0x9b5: {  	s5 =	simm.s32 $0x1D740;
	v1 =	vld.idx.msk [tilespmem:v6+s25+$0x0], $0xffff  }
0x9b6: {  	v2 =	vld.idx.msk [tilespmem:v7+s25+$0x0], $0xffff;
	[tilespmem:s5+$0x30] =	vst v9  }
0x9b7: {  	s7 =	simm.s32 $0x0;
	s8 =	simm.s32 $0x197F0;
	v4 =	vld.idx.msk [tilespmem:v8+s25+$0x0], $0xffff;
	[tilespmem:s5+$0xFFFFFFD0] =	vst v10  }
.LBB2_100:
0x9b8: {  	v6 =	vld [tilespmem:s8+$0x0];
	s7 =	sadd.s32 $0x8, s7;
	[tilespmem:s5+$0xFFFFFFE0] =	vst v5  }
0x9b9: {  	v5 =	vld [tilespmem:s8+$0xFFFFFFA0];
	p1 =	slt.u32 s7, $0xF8;
	[tilespmem:s5+$0xFFFFFFF0] =	vst v3  }
0x9ba: {  	v3 =	vld [tilespmem:s8+$0xFFFFFFB0];
	[tilespmem:s5+$0x0] =	vst v0  }
0x9bb: {  	v0 =	vld [tilespmem:s8+$0xFFFFFFC0];
	[tilespmem:s5+$0x10] =	vst v1  }
0x9bc: {  	v1 =	vld [tilespmem:s8+$0xFFFFFFD0];
	[tilespmem:s5+$0x20] =	vst v2  }
0x9bd: {  	v2 =	vld [tilespmem:s8+$0xFFFFFFE0];
	[tilespmem:s5+$0xFFFFFFC0] =	vst v4  }
0x9be: {  	v4 =	vld [tilespmem:s8+$0xFFFFFFF0]  }
0x9bf: {  	v7 =	vld [tilespmem:s8+$0xFFFFFF90]  }
0x9c0: {  	v6 =	vld.idx.msk [tilespmem:v6+s25+$0x0], $0xffff  }
0x9c1: {  	v8 =	vld.idx.msk [tilespmem:v5+s25+$0x0], $0xffff  }
0x9c2: {  	v5 =	vld.idx.msk [tilespmem:v3+s25+$0x0], $0xffff  }
.Ltmp49:
0x9c3: {  	v3 =	vld.idx.msk [tilespmem:v0+s25+$0x0], $0xffff;
	(pc) =	sbr.rel @p1 .LBB2_100-.Ltmp49, $4  }
0x9c4: {  	v0 =	vld.idx.msk [tilespmem:v1+s25+$0x0], $0xffff  }
0x9c5: {  	s5 =	sadd.s32 $0x80, s5;
	v1 =	vld.idx.msk [tilespmem:v2+s25+$0x0], $0xffff  }
0x9c6: {  	v2 =	vld.idx.msk [tilespmem:v4+s25+$0x0], $0xffff;
	[tilespmem:s5+$0x30] =	vst v6  }
0x9c7: {  	s8 =	sadd.s32 $0x80, s8;
	v4 =	vld.idx.msk [tilespmem:v7+s25+$0x0], $0xffff;
	[tilespmem:s5+$0xFFFFFFD0] =	vst v8  }
0x9c8: {  	[tilespmem:s5+$0xFFFFFFE0] =	vst v5  }
0x9c9: {  	[tilespmem:s5+$0xFFFFFFF0] =	vst v3  }
0x9ca: {  	[tilespmem:s5+$0x0] =	vst v0  }
0x9cb: {  	[tilespmem:s5+$0x10] =	vst v1  }
0x9cc: {  	[tilespmem:s5+$0x20] =	vst v2  }
0x9cd: {  	[tilespmem:s5+$0xFFFFFFC0] =	vst v4  }
0x9ce: {  	[hbm4b:s22+s28] =	stream.strided.scatter [tilespmem:s1], [sflag:$0x4], $0x1000, s29, s28, $0x38;
	[tilespmem:$0x1E700] =	vst v63  }
0x9cf: {  	_ =	swait.ge [sflag:s2], $0x1000  }
0x9d0: {  	[sflag:s2] =	ssyncset.done $0x0  }
0x9d1: {  	s16 =	simm.s32 $0x1A770;
	[sflag:s2] =	ssyncadd.s32 $0xFFFFF000  }
0x9d2: {  	v0 =	vld [tilespmem:s16+$0x0]  }
0x9d3: {  	v1 =	vld [tilespmem:s16+$0xFFFFFFA0]  }
0x9d4: {  	v2 =	vld [tilespmem:s16+$0xFFFFFFB0]  }
0x9d5: {  	v3 =	vld [tilespmem:s16+$0xFFFFFFC0]  }
0x9d6: {  	v4 =	vld [tilespmem:s16+$0xFFFFFFD0]  }
0x9d7: {  	v6 =	vld [tilespmem:s16+$0xFFFFFFE0]  }
0x9d8: {  	v7 =	vld [tilespmem:s16+$0xFFFFFFF0]  }
0x9d9: {  	v8 =	vld [tilespmem:s16+$0xFFFFFF90]  }
0x9da: {  	v9 =	vld.idx.msk [tilespmem:v0+s25+$0x0], $0xffff  }
0x9db: {  	v10 =	vld.idx.msk [tilespmem:v1+s25+$0x0], $0xffff  }
0x9dc: {  	v5 =	vld.idx.msk [tilespmem:v2+s25+$0x0], $0xffff  }
0x9dd: {  	v3 =	vld.idx.msk [tilespmem:v3+s25+$0x0], $0xffff  }
0x9de: {  	v0 =	vld.idx.msk [tilespmem:v4+s25+$0x0], $0xffff  }
0x9df: {  	s5 =	simm.s32 $0x1C740;
	v1 =	vld.idx.msk [tilespmem:v6+s25+$0x0], $0xffff  }
0x9e0: {  	v2 =	vld.idx.msk [tilespmem:v7+s25+$0x0], $0xffff;
	[tilespmem:s5+$0x30] =	vst v9  }
0x9e1: {  	s7 =	simm.s32 $0x0;
	s8 =	simm.s32 $0x1A7F0;
	v4 =	vld.idx.msk [tilespmem:v8+s25+$0x0], $0xffff;
	[tilespmem:s5+$0xFFFFFFD0] =	vst v10  }
.LBB2_102:
0x9e2: {  	v6 =	vld [tilespmem:s8+$0x0];
	s7 =	sadd.s32 $0x8, s7;
	[tilespmem:s5+$0xFFFFFFE0] =	vst v5  }
0x9e3: {  	v5 =	vld [tilespmem:s8+$0xFFFFFFA0];
	p1 =	slt.u32 s7, $0xF8;
	[tilespmem:s5+$0xFFFFFFF0] =	vst v3  }
0x9e4: {  	v3 =	vld [tilespmem:s8+$0xFFFFFFB0];
	[tilespmem:s5+$0x0] =	vst v0  }
0x9e5: {  	v0 =	vld [tilespmem:s8+$0xFFFFFFC0];
	[tilespmem:s5+$0x10] =	vst v1  }
0x9e6: {  	v1 =	vld [tilespmem:s8+$0xFFFFFFD0];
	[tilespmem:s5+$0x20] =	vst v2  }
0x9e7: {  	v2 =	vld [tilespmem:s8+$0xFFFFFFE0];
	[tilespmem:s5+$0xFFFFFFC0] =	vst v4  }
0x9e8: {  	v4 =	vld [tilespmem:s8+$0xFFFFFFF0]  }
0x9e9: {  	v7 =	vld [tilespmem:s8+$0xFFFFFF90]  }
0x9ea: {  	v6 =	vld.idx.msk [tilespmem:v6+s25+$0x0], $0xffff  }
0x9eb: {  	v8 =	vld.idx.msk [tilespmem:v5+s25+$0x0], $0xffff  }
0x9ec: {  	v5 =	vld.idx.msk [tilespmem:v3+s25+$0x0], $0xffff  }
.Ltmp50:
0x9ed: {  	v3 =	vld.idx.msk [tilespmem:v0+s25+$0x0], $0xffff;
	(pc) =	sbr.rel @p1 .LBB2_102-.Ltmp50, $4  }
0x9ee: {  	v0 =	vld.idx.msk [tilespmem:v1+s25+$0x0], $0xffff  }
0x9ef: {  	s5 =	sadd.s32 $0x80, s5;
	v1 =	vld.idx.msk [tilespmem:v2+s25+$0x0], $0xffff  }
0x9f0: {  	v2 =	vld.idx.msk [tilespmem:v4+s25+$0x0], $0xffff;
	[tilespmem:s5+$0x30] =	vst v6  }
0x9f1: {  	s8 =	sadd.s32 $0x80, s8;
	v4 =	vld.idx.msk [tilespmem:v7+s25+$0x0], $0xffff;
	[tilespmem:s5+$0xFFFFFFD0] =	vst v8  }
0x9f2: {  	[tilespmem:s5+$0xFFFFFFE0] =	vst v5  }
0x9f3: {  	[tilespmem:s5+$0xFFFFFFF0] =	vst v3  }
0x9f4: {  	[tilespmem:s5+$0x0] =	vst v0  }
0x9f5: {  	[tilespmem:s5+$0x10] =	vst v1  }
0x9f6: {  	[tilespmem:s5+$0x20] =	vst v2  }
0x9f7: {  	[tilespmem:s5+$0xFFFFFFC0] =	vst v4  }
0x9f8: {  	[hbm4b:s23+s28] =	stream.strided.scatter [tilespmem:s0], [sflag:$0x3], $0x1000, s29, s28, $0x38;
	[tilespmem:$0x1E700] =	vst v63  }
0x9f9: {  	_ =	swait.ge [sflag:s3], $0x1000  }
0x9fa: {  	[sflag:s3] =	ssyncset.done $0x0  }
0x9fb: {  	s16 =	simm.s32 $0x1B770;
	[sflag:s3] =	ssyncadd.s32 $0xFFFFF000  }
0x9fc: {  	v0 =	vld [tilespmem:s16+$0x0]  }
0x9fd: {  	v1 =	vld [tilespmem:s16+$0xFFFFFFA0]  }
0x9fe: {  	v2 =	vld [tilespmem:s16+$0xFFFFFFB0]  }
0x9ff: {  	v3 =	vld [tilespmem:s16+$0xFFFFFFC0]  }
0xa00: {  	v4 =	vld [tilespmem:s16+$0xFFFFFFD0]  }
0xa01: {  	v6 =	vld [tilespmem:s16+$0xFFFFFFE0]  }
0xa02: {  	v7 =	vld [tilespmem:s16+$0xFFFFFFF0]  }
0xa03: {  	v8 =	vld [tilespmem:s16+$0xFFFFFF90]  }
0xa04: {  	v9 =	vld.idx.msk [tilespmem:v0+s25+$0x0], $0xffff  }
0xa05: {  	v10 =	vld.idx.msk [tilespmem:v1+s25+$0x0], $0xffff  }
0xa06: {  	v5 =	vld.idx.msk [tilespmem:v2+s25+$0x0], $0xffff  }
0xa07: {  	v3 =	vld.idx.msk [tilespmem:v3+s25+$0x0], $0xffff  }
0xa08: {  	v0 =	vld.idx.msk [tilespmem:v4+s25+$0x0], $0xffff  }
0xa09: {  	s5 =	simm.s32 $0x1D740;
	v1 =	vld.idx.msk [tilespmem:v6+s25+$0x0], $0xffff  }
0xa0a: {  	v2 =	vld.idx.msk [tilespmem:v7+s25+$0x0], $0xffff;
	[tilespmem:s5+$0x30] =	vst v9  }
0xa0b: {  	s7 =	simm.s32 $0x0;
	s8 =	simm.s32 $0x1B7F0;
	v4 =	vld.idx.msk [tilespmem:v8+s25+$0x0], $0xffff;
	[tilespmem:s5+$0xFFFFFFD0] =	vst v10  }
.LBB2_104:
0xa0c: {  	v6 =	vld [tilespmem:s8+$0x0];
	s7 =	sadd.s32 $0x8, s7;
	[tilespmem:s5+$0xFFFFFFE0] =	vst v5  }
0xa0d: {  	v5 =	vld [tilespmem:s8+$0xFFFFFFA0];
	p1 =	slt.u32 s7, $0xF8;
	[tilespmem:s5+$0xFFFFFFF0] =	vst v3  }
0xa0e: {  	v3 =	vld [tilespmem:s8+$0xFFFFFFB0];
	[tilespmem:s5+$0x0] =	vst v0  }
0xa0f: {  	v0 =	vld [tilespmem:s8+$0xFFFFFFC0];
	[tilespmem:s5+$0x10] =	vst v1  }
0xa10: {  	v1 =	vld [tilespmem:s8+$0xFFFFFFD0];
	[tilespmem:s5+$0x20] =	vst v2  }
0xa11: {  	v2 =	vld [tilespmem:s8+$0xFFFFFFE0];
	[tilespmem:s5+$0xFFFFFFC0] =	vst v4  }
0xa12: {  	v4 =	vld [tilespmem:s8+$0xFFFFFFF0]  }
0xa13: {  	v7 =	vld [tilespmem:s8+$0xFFFFFF90]  }
0xa14: {  	v6 =	vld.idx.msk [tilespmem:v6+s25+$0x0], $0xffff  }
0xa15: {  	v8 =	vld.idx.msk [tilespmem:v5+s25+$0x0], $0xffff  }
0xa16: {  	v5 =	vld.idx.msk [tilespmem:v3+s25+$0x0], $0xffff  }
.Ltmp51:
0xa17: {  	v3 =	vld.idx.msk [tilespmem:v0+s25+$0x0], $0xffff;
	(pc) =	sbr.rel @p1 .LBB2_104-.Ltmp51, $4  }
0xa18: {  	v0 =	vld.idx.msk [tilespmem:v1+s25+$0x0], $0xffff  }
0xa19: {  	s5 =	sadd.s32 $0x80, s5;
	v1 =	vld.idx.msk [tilespmem:v2+s25+$0x0], $0xffff  }
0xa1a: {  	v2 =	vld.idx.msk [tilespmem:v4+s25+$0x0], $0xffff;
	[tilespmem:s5+$0x30] =	vst v6  }
0xa1b: {  	s8 =	sadd.s32 $0x80, s8;
	v4 =	vld.idx.msk [tilespmem:v7+s25+$0x0], $0xffff;
	[tilespmem:s5+$0xFFFFFFD0] =	vst v8  }
0xa1c: {  	[tilespmem:s5+$0xFFFFFFE0] =	vst v5  }
0xa1d: {  	[tilespmem:s5+$0xFFFFFFF0] =	vst v3  }
0xa1e: {  	[tilespmem:s5+$0x0] =	vst v0  }
0xa1f: {  	[tilespmem:s5+$0x10] =	vst v1  }
0xa20: {  	[tilespmem:s5+$0x20] =	vst v2  }
0xa21: {  	s4 =	sadd.s32 $0x1, s4;
	[tilespmem:s5+$0xFFFFFFC0] =	vst v4  }
0xa22: {  	[hbm4b:s24+s28] =	stream.strided.scatter [tilespmem:s1], [sflag:$0x4], $0x1000, s29, s28, $0x38;
	[tilespmem:$0x1E700] =	vst v63  }
0xa23: {  	p1 =	sne.s32 s4, s26;
	_ =	swait.ge [sflag:s2], $0x1000  }
.Ltmp52:
0xa24: {  	[sflag:s2] =	ssyncset.done $0x0;
	(pc) =	sbr.rel @p1 .LBB2_1-.Ltmp52, $4  }
0xa25: {  	[sflag:s2] =	ssyncadd.s32 $0xFFFFF000  }
0xa26: {  	_ =	swait.ge [sflag:s3], $0x1000  }
0xa27: {  	[sflag:s3] =	ssyncset.done $0x0  }
0xa28: {  	[sflag:s3] =	ssyncadd.s32 $0xFFFFF000  }
0xa29: {  	_ =	sfence.sel $0x180000  }
0xa2a: {  	[bflag:$0x0] =	sbarrier.arrive $0xFFFF  }
0xa2b: {  	_ =	strace $0x90000047  }
0xa2c: {  	s0 =	stileid.u32;
	[bflag:$0x2] =	sbarrier.arrive $0xFFFF  }
0xa2d: {  	p0 =	sne.s32 s0, $0x0;
	s0 =	rddreg [dreg:$0x4]  }
0xa2e: {  	s0 =	sadd.s32 @!p0 $0x100000, s0  }
0xa2f: {  	[sflag:s0] =	ssyncadd.tile.s32 @!p0 $0x1;
	_ =	shalt  }
.Lfunc_end2:
_tile_overlayer_lowered:
.L_overlay_start_2:
0xa30: {  	(tag) =	ssettag $0x2  }
0xa31: {  	s0 =	rddreg [dreg:$0x0];
	s2 =	stileid.u32  }
0xa32: {  	s1 =	rddreg [dreg:$0x1];
	p0 =	sne.s32 s2, $0x0  }
0xa33: {  	s3 =	rddreg [dreg:$0x2];
	[bflag:$0x3] =	sbarrier.arrive $0xFFFF;
	s2 =	simm.s32 @!p0 $0x1C05  }
0xa34: {  	[timem:s3], [sflag:s2] =	dma.local @!p0 [hbm:s0], s1  }
0xa35: {  	s0 =	simm.s32 @!p0 $0x5  }
0xa36: {  	_ =	swait.ge @!p0 [sflag:s0], s1  }
0xa37: {  	s1 =	ssub.s32 @!p0 $0x0, s1;
	[sflag:s0] =	ssyncset.done @!p0 $0x0  }
0xa38: {  	[sflag:s0] =	ssyncadd.s32 @!p0 s1  }
0xa39: {  	[bflag:$0x3] =	sbarrier.arrive $0xFFFF  }
0xa3a: {  	_ =	shalt  }

</sc_bundles>
